<compile_context>
chip_gen: v7x
topology: tpu7x:2x2x1
jax: 0.10.2.dev20260603
libtpu: 0.0.44.dev20260713+nightly
codegen_flags: <defaults>
</compile_context>

<pallas_src>
import functools

import jax
import jax.numpy as jnp
from jax import lax
from jax.experimental import pallas as pl
from jax.experimental.pallas import tpu as pltpu
from jax.experimental.pallas import tpu_sc as plsc

B, T = 16384, 200
V, D = 32, 8
M = B * T
NC, NS, L = 2, 16, 16
NW = NC * NS
GSZ = 4096
NG = M // GSZ
GPW = NG // NW
GPT = B // GSZ

IDX_HBM_SHAPE = (25 * (B // 128), 8, 128)


def _vperm(src, idx):
    return lax.gather(
        src,
        idx[:, None],
        dimension_numbers=lax.GatherDimensionNumbers(
            offset_dims=(), collapsed_slice_dims=(0,), start_index_map=(0,)
        ),
        slice_sizes=(1,),
        mode=lax.GatherScatterMode.PROMISE_IN_BOUNDS,
    )


@functools.partial(
    pl.kernel,
    mesh=plsc.VectorSubcoreMesh(core_axis_name="c", subcore_axis_name="s"),
    out_type=jax.ShapeDtypeStruct((M * D,), jnp.float32),
    compiler_params=pltpu.CompilerParams(needs_layout_passes=False),
    scratch_types=[
        pltpu.VMEM((V * D,), jnp.float32),
        pltpu.VMEM((GSZ // 128, 128), jnp.int32),
        pltpu.VMEM((GSZ // 128, 128), jnp.int32),
        pltpu.VMEM((GSZ * D,), jnp.float32),
        pltpu.VMEM((GSZ * D,), jnp.float32),
        pltpu.SemaphoreType.DMA,
        pltpu.SemaphoreType.DMA,
        pltpu.SemaphoreType.DMA,
        pltpu.SemaphoreType.DMA,
    ],
)
def _gather_kernel(idx_hbm, wt_hbm, out_hbm, tabt_v, idx_v0, idx_v1,
                   out_v0, out_v1, isem0, isem1, osem0, osem1):
    wid = lax.axis_index("s") * NC + lax.axis_index("c")
    g0 = wid * GPW
    pltpu.sync_copy(wt_hbm, tabt_v)

    idx_bufs = (idx_v0, idx_v1)
    out_bufs = (out_v0, out_v1)
    isems = (isem0, isem1)
    osems = (osem0, osem1)

    def in_copy(gi, sel):
        t = gi // GPT
        btg = gi % GPT
        row0 = (t // 8) * (B // 128) + btg * (GSZ // 128)
        src = idx_hbm.at[pl.ds(row0, GSZ // 128), t % 8, :]
        return pltpu.make_async_copy(src, idx_bufs[sel], isems[sel])

    def out_copy(gi, sel):
        t = gi // GPT
        btg = gi % GPT
        dst = out_hbm.at[pl.ds(t * (B * D) + btg * (GSZ * D), GSZ * D)]
        return pltpu.make_async_copy(out_bufs[sel], dst, osems[sel])

    def compute(sel):
        idx_v = idx_bufs[sel]
        out_v = out_bufs[sel]
        tjs = [
            (tabt_v[pl.ds(j * V, L)], tabt_v[pl.ds(j * V + L, L)])
            for j in range(D)
        ]

        @plsc.parallel_loop(0, GSZ // 128, 1, unroll=1)
        def blk(k8):
            base2 = k8 << 10
            for kk in range(8):
                iv = idx_v[k8, pl.ds(kk * L, L)]
                m = iv < L
                ivlo = jnp.bitwise_and(iv, L - 1)
                for j in range(D):
                    lo, hi = tjs[j]
                    val = jnp.where(m, _vperm(lo, ivlo), _vperm(hi, ivlo))
                    out_v[pl.ds(base2 + (j * 128 + kk * L), L)] = val

    in_copy(g0, 0).start()

    def pair_body(p, carry):
        i0 = g0 + 2 * p
        i1 = i0 + 1
        in_copy(i1, 1).start()
        in_copy(i0, 0).wait()

        @pl.when(p > 0)
        def _():
            out_copy(i0 - 2, 0).wait()

        compute(0)
        out_copy(i0, 0).start()

        @pl.when(p < (GPW - 1) // 2)
        def _():
            in_copy(i0 + 2, 0).start()

        in_copy(i1, 1).wait()

        @pl.when(p > 0)
        def _():
            out_copy(i1 - 2, 1).wait()

        compute(1)
        out_copy(i1, 1).start()
        return carry

    lax.fori_loop(0, GPW // 2, pair_body, 0)
    if GPW % 2:
        gl = g0 + GPW - 1
        in_copy(gl, 0).wait()
        out_copy(gl - 2, 0).wait()
        compute(0)
        out_copy(gl, 0).start()
        out_copy(gl - 1, 1).wait()
        out_copy(gl, 0).wait()
    else:
        out_copy(g0 + GPW - 2, 0).wait()
        out_copy(g0 + GPW - 1, 1).wait()


def kernel(input, W):
    idx_t = (
        input.T.reshape(25, 8, B // 128, 128)
        .transpose(0, 2, 1, 3)
        .reshape(IDX_HBM_SHAPE)
    )
    out_flat = _gather_kernel(idx_t, W.T.reshape(-1))
    return (
        out_flat.reshape(T, B // 128, D, 128)
        .transpose(1, 3, 0, 2)
        .reshape(B, T, D)
    )

# --- scband reference (transcript-rebuilt; emitter-appended) ---
"""Pipeline reference for scband-feature-map-24696061952364 (READ-ONLY COPY).

The authoritative reference and input builder live on the scoring server;
editing this copy changes nothing except your own understanding.
"""

import jax, jax.numpy as jnp
import numpy as np


def setup_inputs(seed: int = 0) -> dict:
    key = jax.random.key(seed)
    # forward arg: indices into the fixed feature map table
    inp = jax.random.randint(key, (16384, 200), 0, 32).astype(jnp.int32)
    # learned (frozen) parameter: weight built exactly like the torch ctor
    # feature_map[i] = [i, i+1, ..., i+7]  -> weight[i, j] = i + j
    W = (jnp.arange(32, dtype=jnp.float32)[:, None]
         + jnp.arange(8, dtype=jnp.float32)[None, :])
    return {"input": inp, "W": W}


def reference(input, W):
    # F.embedding(input, weight) == row gather from the table
    return jnp.take(W, input, axis=0)

if __name__ == "__main__":
    import jax
    _d = setup_inputs()
    print(jax.jit(kernel)(*tuple(_d.values())))

</pallas_src>

<mosaic_0001>
#map = affine_map<(d0, d1) -> (0, 0, 0)>
#map1 = affine_map<(d0, d1) -> (0)>
module attributes {stable_mosaic.version = 14 : i64} {
  func.func @_gather_kernel(%arg0: i32, %arg1: i32, %arg2: memref<3200x8x128xi32, #tpu.memory_space<hbm>>, %arg3: memref<256xf32, #tpu.memory_space<hbm>>, %arg4: memref<26214400xf32, #tpu.memory_space<hbm>>, %arg5: memref<256xf32, #tpu.memory_space<vmem>>, %arg6: memref<32x128xi32, #tpu.memory_space<vmem>>, %arg7: memref<32x128xi32, #tpu.memory_space<vmem>>, %arg8: memref<32768xf32, #tpu.memory_space<vmem>>, %arg9: memref<32768xf32, #tpu.memory_space<vmem>>, %arg10: memref<!tpu.dma_semaphore, #tpu.memory_space<semaphore_mem>>, %arg11: memref<!tpu.dma_semaphore, #tpu.memory_space<semaphore_mem>>, %arg12: memref<!tpu.dma_semaphore, #tpu.memory_space<semaphore_mem>>, %arg13: memref<!tpu.dma_semaphore, #tpu.memory_space<semaphore_mem>>) attributes {dimension_semantics = [#tpu.dimension_semantics<core_parallel>, #tpu.dimension_semantics<subcore_parallel>], iteration_bounds = array<i64: 2, 16>, scalar_prefetch = 0 : i64, scratch_operands = 9 : i64, tpu.core_type = #tpu.core_type<sc_vector_subcore>, window_params = [{transform_indices = #map}, {transform_indices = #map1}, {transform_indices = #map1}]} {
    %mul3A = arith.constant 2 : i32
    %mul3A_0 = arith.muli %arg1, %mul3A : i32
    %add3A = arith.addi %mul3A_0, %arg0 : i32
    %mul3A_1 = arith.constant 25 : i32
    %mul3A_2 = arith.muli %add3A, %mul3A_1 : i32
    "tpu.region"() ({
      %run_scoped3A = tpu.sem_alloc : memref<!tpu.dma_semaphore, #tpu.memory_space<semaphore_mem>>
      tpu.enqueue_dma source(%arg3 : memref<256xf32, #tpu.memory_space<hbm>>) target(%arg5 : memref<256xf32, #tpu.memory_space<vmem>>) target_semaphore(%run_scoped3A : memref<!tpu.dma_semaphore, #tpu.memory_space<semaphore_mem>>)
      tpu.wait_dma2 semaphore(%run_scoped3A : memref<!tpu.dma_semaphore, #tpu.memory_space<semaphore_mem>>) src(%arg3 : memref<256xf32, #tpu.memory_space<hbm>>) dst(%arg5 : memref<256xf32, #tpu.memory_space<vmem>>)
      tpu.yield
    }) : () -> ()
    %jit3A = arith.constant 4 : i32
    %div3A = arith.divsi %mul3A_2, %jit3A : i32
    %sign3A = arith.constant 0 : i32
    %sign3A_3 = arith.cmpi sgt, %mul3A_2, %sign3A : i32
    %sign3A_4 = arith.extui %sign3A_3 : i1 to i32
    %sign3A_5 = arith.constant 0 : i32
    %sign3A_6 = arith.cmpi slt, %mul3A_2, %sign3A_5 : i32
    %sign3A_7 = arith.extui %sign3A_6 : i1 to i32
    %sign3A_8 = arith.subi %sign3A_4, %sign3A_7 : i32
    %sign3A_9 = arith.constant 0 : i32
    %sign3A_10 = arith.cmpi sgt, %jit3A, %sign3A_9 : i32
    %sign3A_11 = arith.extui %sign3A_10 : i1 to i32
    %sign3A_12 = arith.constant 0 : i32
    %sign3A_13 = arith.cmpi slt, %jit3A, %sign3A_12 : i32
    %sign3A_14 = arith.extui %sign3A_13 : i1 to i32
    %sign3A_15 = arith.subi %sign3A_11, %sign3A_14 : i32
    %ne3A = arith.cmpi ne, %sign3A_8, %sign3A_15 : i32
    %rem3A = arith.remsi %mul3A_2, %jit3A : i32
    %ne3A_16 = arith.constant 0 : i32
    %ne3A_17 = arith.cmpi ne, %rem3A, %ne3A_16 : i32
    %and3A = arith.andi %ne3A, %ne3A_17 : i1
    %sub3A = arith.constant 1 : i32
    %sub3A_18 = arith.subi %div3A, %sub3A : i32
    %select_n3A = arith.select %and3A, %sub3A_18, %div3A : i32
    %jit3A_19 = arith.constant 4 : i32
    %eq3A = arith.constant 0 : i32
    %eq3A_20 = arith.cmpi eq, %jit3A_19, %eq3A : i32
    %jit3A_21 = arith.constant 1 : i32
    %select_n3A_22 = arith.select %eq3A_20, %jit3A_21, %jit3A_19 : i32
    %rem3A_23 = arith.remsi %mul3A_2, %select_n3A_22 : i32
    %ne3A_24 = arith.constant 0 : i32
    %ne3A_25 = arith.cmpi ne, %rem3A_23, %ne3A_24 : i32
    %lt3A = arith.constant 0 : i32
    %lt3A_26 = arith.cmpi slt, %rem3A_23, %lt3A : i32
    %lt3A_27 = arith.constant 0 : i32
    %lt3A_28 = arith.cmpi slt, %select_n3A_22, %lt3A_27 : i32
    %ne3A_29 = arith.xori %lt3A_26, %lt3A_28 : i1
    %and3A_30 = arith.andi %ne3A_29, %ne3A_25 : i1
    %add3A_31 = arith.addi %rem3A_23, %select_n3A_22 : i32
    %select_n3A_32 = arith.select %and3A_30, %add3A_31, %rem3A_23 : i32
    %jit3A_33 = arith.constant 8 : i32
    %div3A_34 = arith.divsi %select_n3A, %jit3A_33 : i32
    %sign3A_35 = arith.constant 0 : i32
    %sign3A_36 = arith.cmpi sgt, %select_n3A, %sign3A_35 : i32
    %sign3A_37 = arith.extui %sign3A_36 : i1 to i32
    %sign3A_38 = arith.constant 0 : i32
    %sign3A_39 = arith.cmpi slt, %select_n3A, %sign3A_38 : i32
    %sign3A_40 = arith.extui %sign3A_39 : i1 to i32
    %sign3A_41 = arith.subi %sign3A_37, %sign3A_40 : i32
    %sign3A_42 = arith.constant 0 : i32
    %sign3A_43 = arith.cmpi sgt, %jit3A_33, %sign3A_42 : i32
    %sign3A_44 = arith.extui %sign3A_43 : i1 to i32
    %sign3A_45 = arith.constant 0 : i32
    %sign3A_46 = arith.cmpi slt, %jit3A_33, %sign3A_45 : i32
    %sign3A_47 = arith.extui %sign3A_46 : i1 to i32
    %sign3A_48 = arith.subi %sign3A_44, %sign3A_47 : i32
    %ne3A_49 = arith.cmpi ne, %sign3A_41, %sign3A_48 : i32
    %rem3A_50 = arith.remsi %select_n3A, %jit3A_33 : i32
    %ne3A_51 = arith.constant 0 : i32
    %ne3A_52 = arith.cmpi ne, %rem3A_50, %ne3A_51 : i32
    %and3A_53 = arith.andi %ne3A_49, %ne3A_52 : i1
    %sub3A_54 = arith.constant 1 : i32
    %sub3A_55 = arith.subi %div3A_34, %sub3A_54 : i32
    %select_n3A_56 = arith.select %and3A_53, %sub3A_55, %div3A_34 : i32
    %mul3A_57 = arith.constant 128 : i32
    %mul3A_58 = arith.muli %select_n3A_56, %mul3A_57 : i32
    %mul3A_59 = arith.constant 32 : i32
    %mul3A_60 = arith.muli %select_n3A_32, %mul3A_59 : i32
    %add3A_61 = arith.addi %mul3A_58, %mul3A_60 : i32
    %jit3A_62 = arith.constant 8 : i32
    %eq3A_63 = arith.constant 0 : i32
    %eq3A_64 = arith.cmpi eq, %jit3A_62, %eq3A_63 : i32
    %jit3A_65 = arith.constant 1 : i32
    %select_n3A_66 = arith.select %eq3A_64, %jit3A_65, %jit3A_62 : i32
    %rem3A_67 = arith.remsi %select_n3A, %select_n3A_66 : i32
    %ne3A_68 = arith.constant 0 : i32
    %ne3A_69 = arith.cmpi ne, %rem3A_67, %ne3A_68 : i32
    %lt3A_70 = arith.constant 0 : i32
    %lt3A_71 = arith.cmpi slt, %rem3A_67, %lt3A_70 : i32
    %lt3A_72 = arith.constant 0 : i32
    %lt3A_73 = arith.cmpi slt, %select_n3A_66, %lt3A_72 : i32
    %ne3A_74 = arith.xori %lt3A_71, %lt3A_73 : i1
    %and3A_75 = arith.andi %ne3A_74, %ne3A_69 : i1
    %add3A_76 = arith.addi %rem3A_67, %select_n3A_66 : i32
    %select_n3A_77 = arith.select %and3A_75, %add3A_76, %rem3A_67 : i32
    %dma_start3A = arith.constant 0 : i32
    %dma_start3A_78 = tpu.memref_slice %arg2[%add3A_61, %select_n3A_77, %dma_start3A] : memref<3200x8x128xi32, #tpu.memory_space<hbm>> -> memref<32x1x128xi32, #tpu.memory_space<hbm>>
    %dma_start3A_79 = tpu.memref_squeeze %dma_start3A_78 : memref<32x1x128xi32, #tpu.memory_space<hbm>> -> memref<32x128xi32, #tpu.memory_space<hbm>>
    %dma_start3A_80 = arith.constant 0 : i32
    %dma_start3A_81 = tpu.memref_slice %arg2[%add3A_61, %select_n3A_77, %dma_start3A_80] : memref<3200x8x128xi32, #tpu.memory_space<hbm>> -> memref<32x1x128xi32, #tpu.memory_space<hbm>>
    %dma_start3A_82 = tpu.memref_squeeze %dma_start3A_81 : memref<32x1x128xi32, #tpu.memory_space<hbm>> -> memref<32x128xi32, #tpu.memory_space<hbm>>
    tpu.enqueue_dma source(%dma_start3A_82 : memref<32x128xi32, #tpu.memory_space<hbm>>) target(%arg6 : memref<32x128xi32, #tpu.memory_space<vmem>>) target_semaphore(%arg10 : memref<!tpu.dma_semaphore, #tpu.memory_space<semaphore_mem>>)
    %scan3A = arith.constant 0 : i32
    %scan3A_83 = arith.constant 0 : i32
    %scan3A_84 = arith.constant 12 : i32
    %scan3A_85 = arith.addi %scan3A_83, %scan3A_84 : i32
    %scan3A_86 = arith.constant 1 : i32
    scf.for %scan3A_407 = %scan3A_83 to %scan3A_85 step %scan3A_86  : i32 {
      %mul3A_408 = arith.constant 2 : i32
      %mul3A_409 = arith.muli %mul3A_408, %scan3A_407 : i32
      %add3A_410 = arith.addi %mul3A_2, %mul3A_409 : i32
      %add3A_411 = arith.constant 1 : i32
      %add3A_412 = arith.addi %add3A_410, %add3A_411 : i32
      %jit3A_413 = arith.constant 4 : i32
      %div3A_414 = arith.divsi %add3A_412, %jit3A_413 : i32
      %sign3A_415 = arith.constant 0 : i32
      %sign3A_416 = arith.cmpi sgt, %add3A_412, %sign3A_415 : i32
      %sign3A_417 = arith.extui %sign3A_416 : i1 to i32
      %sign3A_418 = arith.constant 0 : i32
      %sign3A_419 = arith.cmpi slt, %add3A_412, %sign3A_418 : i32
      %sign3A_420 = arith.extui %sign3A_419 : i1 to i32
      %sign3A_421 = arith.subi %sign3A_417, %sign3A_420 : i32
      %sign3A_422 = arith.constant 0 : i32
      %sign3A_423 = arith.cmpi sgt, %jit3A_413, %sign3A_422 : i32
      %sign3A_424 = arith.extui %sign3A_423 : i1 to i32
      %sign3A_425 = arith.constant 0 : i32
      %sign3A_426 = arith.cmpi slt, %jit3A_413, %sign3A_425 : i32
      %sign3A_427 = arith.extui %sign3A_426 : i1 to i32
      %sign3A_428 = arith.subi %sign3A_424, %sign3A_427 : i32
      %ne3A_429 = arith.cmpi ne, %sign3A_421, %sign3A_428 : i32
      %rem3A_430 = arith.remsi %add3A_412, %jit3A_413 : i32
      %ne3A_431 = arith.constant 0 : i32
      %ne3A_432 = arith.cmpi ne, %rem3A_430, %ne3A_431 : i32
      %and3A_433 = arith.andi %ne3A_429, %ne3A_432 : i1
      %sub3A_434 = arith.constant 1 : i32
      %sub3A_435 = arith.subi %div3A_414, %sub3A_434 : i32
      %select_n3A_436 = arith.select %and3A_433, %sub3A_435, %div3A_414 : i32
      %jit3A_437 = arith.constant 4 : i32
      %eq3A_438 = arith.constant 0 : i32
      %eq3A_439 = arith.cmpi eq, %jit3A_437, %eq3A_438 : i32
      %jit3A_440 = arith.constant 1 : i32
      %select_n3A_441 = arith.select %eq3A_439, %jit3A_440, %jit3A_437 : i32
      %rem3A_442 = arith.remsi %add3A_412, %select_n3A_441 : i32
      %ne3A_443 = arith.constant 0 : i32
      %ne3A_444 = arith.cmpi ne, %rem3A_442, %ne3A_443 : i32
      %lt3A_445 = arith.constant 0 : i32
      %lt3A_446 = arith.cmpi slt, %rem3A_442, %lt3A_445 : i32
      %lt3A_447 = arith.constant 0 : i32
      %lt3A_448 = arith.cmpi slt, %select_n3A_441, %lt3A_447 : i32
      %ne3A_449 = arith.xori %lt3A_446, %lt3A_448 : i1
      %and3A_450 = arith.andi %ne3A_449, %ne3A_444 : i1
      %add3A_451 = arith.addi %rem3A_442, %select_n3A_441 : i32
      %select_n3A_452 = arith.select %and3A_450, %add3A_451, %rem3A_442 : i32
      %jit3A_453 = arith.constant 8 : i32
      %div3A_454 = arith.divsi %select_n3A_436, %jit3A_453 : i32
      %sign3A_455 = arith.constant 0 : i32
      %sign3A_456 = arith.cmpi sgt, %select_n3A_436, %sign3A_455 : i32
      %sign3A_457 = arith.extui %sign3A_456 : i1 to i32
      %sign3A_458 = arith.constant 0 : i32
      %sign3A_459 = arith.cmpi slt, %select_n3A_436, %sign3A_458 : i32
      %sign3A_460 = arith.extui %sign3A_459 : i1 to i32
      %sign3A_461 = arith.subi %sign3A_457, %sign3A_460 : i32
      %sign3A_462 = arith.constant 0 : i32
      %sign3A_463 = arith.cmpi sgt, %jit3A_453, %sign3A_462 : i32
      %sign3A_464 = arith.extui %sign3A_463 : i1 to i32
      %sign3A_465 = arith.constant 0 : i32
      %sign3A_466 = arith.cmpi slt, %jit3A_453, %sign3A_465 : i32
      %sign3A_467 = arith.extui %sign3A_466 : i1 to i32
      %sign3A_468 = arith.subi %sign3A_464, %sign3A_467 : i32
      %ne3A_469 = arith.cmpi ne, %sign3A_461, %sign3A_468 : i32
      %rem3A_470 = arith.remsi %select_n3A_436, %jit3A_453 : i32
      %ne3A_471 = arith.constant 0 : i32
      %ne3A_472 = arith.cmpi ne, %rem3A_470, %ne3A_471 : i32
      %and3A_473 = arith.andi %ne3A_469, %ne3A_472 : i1
      %sub3A_474 = arith.constant 1 : i32
      %sub3A_475 = arith.subi %div3A_454, %sub3A_474 : i32
      %select_n3A_476 = arith.select %and3A_473, %sub3A_475, %div3A_454 : i32
      %mul3A_477 = arith.constant 128 : i32
      %mul3A_478 = arith.muli %select_n3A_476, %mul3A_477 : i32
      %mul3A_479 = arith.constant 32 : i32
      %mul3A_480 = arith.muli %select_n3A_452, %mul3A_479 : i32
      %add3A_481 = arith.addi %mul3A_478, %mul3A_480 : i32
      %jit3A_482 = arith.constant 8 : i32
      %eq3A_483 = arith.constant 0 : i32
      %eq3A_484 = arith.cmpi eq, %jit3A_482, %eq3A_483 : i32
      %jit3A_485 = arith.constant 1 : i32
      %select_n3A_486 = arith.select %eq3A_484, %jit3A_485, %jit3A_482 : i32
      %rem3A_487 = arith.remsi %select_n3A_436, %select_n3A_486 : i32
      %ne3A_488 = arith.constant 0 : i32
      %ne3A_489 = arith.cmpi ne, %rem3A_487, %ne3A_488 : i32
      %lt3A_490 = arith.constant 0 : i32
      %lt3A_491 = arith.cmpi slt, %rem3A_487, %lt3A_490 : i32
      %lt3A_492 = arith.constant 0 : i32
      %lt3A_493 = arith.cmpi slt, %select_n3A_486, %lt3A_492 : i32
      %ne3A_494 = arith.xori %lt3A_491, %lt3A_493 : i1
      %and3A_495 = arith.andi %ne3A_494, %ne3A_489 : i1
      %add3A_496 = arith.addi %rem3A_487, %select_n3A_486 : i32
      %select_n3A_497 = arith.select %and3A_495, %add3A_496, %rem3A_487 : i32
      %dma_start3A_498 = arith.constant 0 : i32
      %dma_start3A_499 = tpu.memref_slice %arg2[%add3A_481, %select_n3A_497, %dma_start3A_498] : memref<3200x8x128xi32, #tpu.memory_space<hbm>> -> memref<32x1x128xi32, #tpu.memory_space<hbm>>
      %dma_start3A_500 = tpu.memref_squeeze %dma_start3A_499 : memref<32x1x128xi32, #tpu.memory_space<hbm>> -> memref<32x128xi32, #tpu.memory_space<hbm>>
      %dma_start3A_501 = arith.constant 0 : i32
      %dma_start3A_502 = tpu.memref_slice %arg2[%add3A_481, %select_n3A_497, %dma_start3A_501] : memref<3200x8x128xi32, #tpu.memory_space<hbm>> -> memref<32x1x128xi32, #tpu.memory_space<hbm>>
      %dma_start3A_503 = tpu.memref_squeeze %dma_start3A_502 : memref<32x1x128xi32, #tpu.memory_space<hbm>> -> memref<32x128xi32, #tpu.memory_space<hbm>>
      tpu.enqueue_dma source(%dma_start3A_503 : memref<32x128xi32, #tpu.memory_space<hbm>>) target(%arg7 : memref<32x128xi32, #tpu.memory_space<vmem>>) target_semaphore(%arg11 : memref<!tpu.dma_semaphore, #tpu.memory_space<semaphore_mem>>)
      %jit3A_504 = arith.constant 4 : i32
      %div3A_505 = arith.divsi %add3A_410, %jit3A_504 : i32
      %sign3A_506 = arith.constant 0 : i32
      %sign3A_507 = arith.cmpi sgt, %add3A_410, %sign3A_506 : i32
      %sign3A_508 = arith.extui %sign3A_507 : i1 to i32
      %sign3A_509 = arith.constant 0 : i32
      %sign3A_510 = arith.cmpi slt, %add3A_410, %sign3A_509 : i32
      %sign3A_511 = arith.extui %sign3A_510 : i1 to i32
      %sign3A_512 = arith.subi %sign3A_508, %sign3A_511 : i32
      %sign3A_513 = arith.constant 0 : i32
      %sign3A_514 = arith.cmpi sgt, %jit3A_504, %sign3A_513 : i32
      %sign3A_515 = arith.extui %sign3A_514 : i1 to i32
      %sign3A_516 = arith.constant 0 : i32
      %sign3A_517 = arith.cmpi slt, %jit3A_504, %sign3A_516 : i32
      %sign3A_518 = arith.extui %sign3A_517 : i1 to i32
      %sign3A_519 = arith.subi %sign3A_515, %sign3A_518 : i32
      %ne3A_520 = arith.cmpi ne, %sign3A_512, %sign3A_519 : i32
      %rem3A_521 = arith.remsi %add3A_410, %jit3A_504 : i32
      %ne3A_522 = arith.constant 0 : i32
      %ne3A_523 = arith.cmpi ne, %rem3A_521, %ne3A_522 : i32
      %and3A_524 = arith.andi %ne3A_520, %ne3A_523 : i1
      %sub3A_525 = arith.constant 1 : i32
      %sub3A_526 = arith.subi %div3A_505, %sub3A_525 : i32
      %select_n3A_527 = arith.select %and3A_524, %sub3A_526, %div3A_505 : i32
      %jit3A_528 = arith.constant 4 : i32
      %eq3A_529 = arith.constant 0 : i32
      %eq3A_530 = arith.cmpi eq, %jit3A_528, %eq3A_529 : i32
      %jit3A_531 = arith.constant 1 : i32
      %select_n3A_532 = arith.select %eq3A_530, %jit3A_531, %jit3A_528 : i32
      %rem3A_533 = arith.remsi %add3A_410, %select_n3A_532 : i32
      %ne3A_534 = arith.constant 0 : i32
      %ne3A_535 = arith.cmpi ne, %rem3A_533, %ne3A_534 : i32
      %lt3A_536 = arith.constant 0 : i32
      %lt3A_537 = arith.cmpi slt, %rem3A_533, %lt3A_536 : i32
      %lt3A_538 = arith.constant 0 : i32
      %lt3A_539 = arith.cmpi slt, %select_n3A_532, %lt3A_538 : i32
      %ne3A_540 = arith.xori %lt3A_537, %lt3A_539 : i1
      %and3A_541 = arith.andi %ne3A_540, %ne3A_535 : i1
      %add3A_542 = arith.addi %rem3A_533, %select_n3A_532 : i32
      %select_n3A_543 = arith.select %and3A_541, %add3A_542, %rem3A_533 : i32
      %jit3A_544 = arith.constant 8 : i32
      %div3A_545 = arith.divsi %select_n3A_527, %jit3A_544 : i32
      %sign3A_546 = arith.constant 0 : i32
      %sign3A_547 = arith.cmpi sgt, %select_n3A_527, %sign3A_546 : i32
      %sign3A_548 = arith.extui %sign3A_547 : i1 to i32
      %sign3A_549 = arith.constant 0 : i32
      %sign3A_550 = arith.cmpi slt, %select_n3A_527, %sign3A_549 : i32
      %sign3A_551 = arith.extui %sign3A_550 : i1 to i32
      %sign3A_552 = arith.subi %sign3A_548, %sign3A_551 : i32
      %sign3A_553 = arith.constant 0 : i32
      %sign3A_554 = arith.cmpi sgt, %jit3A_544, %sign3A_553 : i32
      %sign3A_555 = arith.extui %sign3A_554 : i1 to i32
      %sign3A_556 = arith.constant 0 : i32
      %sign3A_557 = arith.cmpi slt, %jit3A_544, %sign3A_556 : i32
      %sign3A_558 = arith.extui %sign3A_557 : i1 to i32
      %sign3A_559 = arith.subi %sign3A_555, %sign3A_558 : i32
      %ne3A_560 = arith.cmpi ne, %sign3A_552, %sign3A_559 : i32
      %rem3A_561 = arith.remsi %select_n3A_527, %jit3A_544 : i32
      %ne3A_562 = arith.constant 0 : i32
      %ne3A_563 = arith.cmpi ne, %rem3A_561, %ne3A_562 : i32
      %and3A_564 = arith.andi %ne3A_560, %ne3A_563 : i1
      %sub3A_565 = arith.constant 1 : i32
      %sub3A_566 = arith.subi %div3A_545, %sub3A_565 : i32
      %select_n3A_567 = arith.select %and3A_564, %sub3A_566, %div3A_545 : i32
      %mul3A_568 = arith.constant 128 : i32
      %mul3A_569 = arith.muli %select_n3A_567, %mul3A_568 : i32
      %mul3A_570 = arith.constant 32 : i32
      %mul3A_571 = arith.muli %select_n3A_543, %mul3A_570 : i32
      %add3A_572 = arith.addi %mul3A_569, %mul3A_571 : i32
      %jit3A_573 = arith.constant 8 : i32
      %eq3A_574 = arith.constant 0 : i32
      %eq3A_575 = arith.cmpi eq, %jit3A_573, %eq3A_574 : i32
      %jit3A_576 = arith.constant 1 : i32
      %select_n3A_577 = arith.select %eq3A_575, %jit3A_576, %jit3A_573 : i32
      %rem3A_578 = arith.remsi %select_n3A_527, %select_n3A_577 : i32
      %ne3A_579 = arith.constant 0 : i32
      %ne3A_580 = arith.cmpi ne, %rem3A_578, %ne3A_579 : i32
      %lt3A_581 = arith.constant 0 : i32
      %lt3A_582 = arith.cmpi slt, %rem3A_578, %lt3A_581 : i32
      %lt3A_583 = arith.constant 0 : i32
      %lt3A_584 = arith.cmpi slt, %select_n3A_577, %lt3A_583 : i32
      %ne3A_585 = arith.xori %lt3A_582, %lt3A_584 : i1
      %and3A_586 = arith.andi %ne3A_585, %ne3A_580 : i1
      %add3A_587 = arith.addi %rem3A_578, %select_n3A_577 : i32
      %select_n3A_588 = arith.select %and3A_586, %add3A_587, %rem3A_578 : i32
      %dma_wait3A_589 = arith.constant 0 : i32
      %dma_wait3A_590 = tpu.memref_slice %arg2[%add3A_572, %select_n3A_588, %dma_wait3A_589] : memref<3200x8x128xi32, #tpu.memory_space<hbm>> -> memref<32x1x128xi32, #tpu.memory_space<hbm>>
      %dma_wait3A_591 = tpu.memref_squeeze %dma_wait3A_590 : memref<32x1x128xi32, #tpu.memory_space<hbm>> -> memref<32x128xi32, #tpu.memory_space<hbm>>
      %dma_wait3A_592 = arith.constant 0 : i32
      %dma_wait3A_593 = tpu.memref_slice %arg2[%add3A_572, %select_n3A_588, %dma_wait3A_592] : memref<3200x8x128xi32, #tpu.memory_space<hbm>> -> memref<32x1x128xi32, #tpu.memory_space<hbm>>
      %dma_wait3A_594 = tpu.memref_squeeze %dma_wait3A_593 : memref<32x1x128xi32, #tpu.memory_space<hbm>> -> memref<32x128xi32, #tpu.memory_space<hbm>>
      tpu.wait_dma2 semaphore(%arg10 : memref<!tpu.dma_semaphore, #tpu.memory_space<semaphore_mem>>) src(%dma_wait3A_594 : memref<32x128xi32, #tpu.memory_space<hbm>>) dst(%arg6 : memref<32x128xi32, #tpu.memory_space<vmem>>)
      %gt3A = arith.constant 0 : i32
      %gt3A_595 = arith.cmpi sgt, %scan3A_407, %gt3A : i32
      %convert_element_type3A = arith.extui %gt3A_595 : i1 to i32
      %cond3A = arith.constant 0 : i32
      %cond3A_596 = arith.cmpi ne, %convert_element_type3A, %cond3A : i32
      scf.if %cond3A_596 {
        %sub3A_862 = arith.constant 2 : i32
        %sub3A_863 = arith.subi %add3A_410, %sub3A_862 : i32
        %jit3A_864 = arith.constant 4 : i32
        %div3A_865 = arith.divsi %sub3A_863, %jit3A_864 : i32
        %sign3A_866 = arith.constant 0 : i32
        %sign3A_867 = arith.cmpi sgt, %sub3A_863, %sign3A_866 : i32
        %sign3A_868 = arith.extui %sign3A_867 : i1 to i32
        %sign3A_869 = arith.constant 0 : i32
        %sign3A_870 = arith.cmpi slt, %sub3A_863, %sign3A_869 : i32
        %sign3A_871 = arith.extui %sign3A_870 : i1 to i32
        %sign3A_872 = arith.subi %sign3A_868, %sign3A_871 : i32
        %sign3A_873 = arith.constant 0 : i32
        %sign3A_874 = arith.cmpi sgt, %jit3A_864, %sign3A_873 : i32
        %sign3A_875 = arith.extui %sign3A_874 : i1 to i32
        %sign3A_876 = arith.constant 0 : i32
        %sign3A_877 = arith.cmpi slt, %jit3A_864, %sign3A_876 : i32
        %sign3A_878 = arith.extui %sign3A_877 : i1 to i32
        %sign3A_879 = arith.subi %sign3A_875, %sign3A_878 : i32
        %ne3A_880 = arith.cmpi ne, %sign3A_872, %sign3A_879 : i32
        %rem3A_881 = arith.remsi %sub3A_863, %jit3A_864 : i32
        %ne3A_882 = arith.constant 0 : i32
        %ne3A_883 = arith.cmpi ne, %rem3A_881, %ne3A_882 : i32
        %and3A_884 = arith.andi %ne3A_880, %ne3A_883 : i1
        %sub3A_885 = arith.constant 1 : i32
        %sub3A_886 = arith.subi %div3A_865, %sub3A_885 : i32
        %select_n3A_887 = arith.select %and3A_884, %sub3A_886, %div3A_865 : i32
        %jit3A_888 = arith.constant 4 : i32
        %eq3A_889 = arith.constant 0 : i32
        %eq3A_890 = arith.cmpi eq, %jit3A_888, %eq3A_889 : i32
        %jit3A_891 = arith.constant 1 : i32
        %select_n3A_892 = arith.select %eq3A_890, %jit3A_891, %jit3A_888 : i32
        %rem3A_893 = arith.remsi %sub3A_863, %select_n3A_892 : i32
        %ne3A_894 = arith.constant 0 : i32
        %ne3A_895 = arith.cmpi ne, %rem3A_893, %ne3A_894 : i32
        %lt3A_896 = arith.constant 0 : i32
        %lt3A_897 = arith.cmpi slt, %rem3A_893, %lt3A_896 : i32
        %lt3A_898 = arith.constant 0 : i32
        %lt3A_899 = arith.cmpi slt, %select_n3A_892, %lt3A_898 : i32
        %ne3A_900 = arith.xori %lt3A_897, %lt3A_899 : i1
        %and3A_901 = arith.andi %ne3A_900, %ne3A_895 : i1
        %add3A_902 = arith.addi %rem3A_893, %select_n3A_892 : i32
        %select_n3A_903 = arith.select %and3A_901, %add3A_902, %rem3A_893 : i32
        %mul3A_904 = arith.constant 131072 : i32
        %mul3A_905 = arith.muli %select_n3A_887, %mul3A_904 : i32
        %mul3A_906 = arith.constant 32768 : i32
        %mul3A_907 = arith.muli %select_n3A_903, %mul3A_906 : i32
        %add3A_908 = arith.addi %mul3A_905, %mul3A_907 : i32
        %dma_wait3A_909 = tpu.memref_slice %arg4[%add3A_908] : memref<26214400xf32, #tpu.memory_space<hbm>> -> memref<32768xf32, #tpu.memory_space<hbm>>
        %dma_wait3A_910 = tpu.memref_slice %arg4[%add3A_908] : memref<26214400xf32, #tpu.memory_space<hbm>> -> memref<32768xf32, #tpu.memory_space<hbm>>
        tpu.wait_dma2 semaphore(%arg12 : memref<!tpu.dma_semaphore, #tpu.memory_space<semaphore_mem>>) src(%arg8 : memref<32768xf32, #tpu.memory_space<vmem>>) dst(%dma_wait3A_910 : memref<32768xf32, #tpu.memory_space<hbm>>)
      } else {
      }
      %get3A_597 = arith.constant 0 : index
      %get3A_598 = tpu.vector_load %arg5[%get3A_597] {strides = array<i32>} : memref<256xf32, #tpu.memory_space<vmem>>, vector<16xf32>,
      %get3A_599 = arith.constant 16 : index
      %get3A_600 = tpu.vector_load %arg5[%get3A_599] {strides = array<i32>} : memref<256xf32, #tpu.memory_space<vmem>>, vector<16xf32>,
      %get3A_601 = arith.constant 32 : index
      %get3A_602 = tpu.vector_load %arg5[%get3A_601] {strides = array<i32>} : memref<256xf32, #tpu.memory_space<vmem>>, vector<16xf32>,
      %get3A_603 = arith.constant 48 : index
      %get3A_604 = tpu.vector_load %arg5[%get3A_603] {strides = array<i32>} : memref<256xf32, #tpu.memory_space<vmem>>, vector<16xf32>,
      %get3A_605 = arith.constant 64 : index
      %get3A_606 = tpu.vector_load %arg5[%get3A_605] {strides = array<i32>} : memref<256xf32, #tpu.memory_space<vmem>>, vector<16xf32>,
      %get3A_607 = arith.constant 80 : index
      %get3A_608 = tpu.vector_load %arg5[%get3A_607] {strides = array<i32>} : memref<256xf32, #tpu.memory_space<vmem>>, vector<16xf32>,
      %get3A_609 = arith.constant 96 : index
      %get3A_610 = tpu.vector_load %arg5[%get3A_609] {strides = array<i32>} : memref<256xf32, #tpu.memory_space<vmem>>, vector<16xf32>,
      %get3A_611 = arith.constant 112 : index
      %get3A_612 = tpu.vector_load %arg5[%get3A_611] {strides = array<i32>} : memref<256xf32, #tpu.memory_space<vmem>>, vector<16xf32>,
      %get3A_613 = arith.constant 128 : index
      %get3A_614 = tpu.vector_load %arg5[%get3A_613] {strides = array<i32>} : memref<256xf32, #tpu.memory_space<vmem>>, vector<16xf32>,
      %get3A_615 = arith.constant 144 : index
      %get3A_616 = tpu.vector_load %arg5[%get3A_615] {strides = array<i32>} : memref<256xf32, #tpu.memory_space<vmem>>, vector<16xf32>,
      %get3A_617 = arith.constant 160 : index
      %get3A_618 = tpu.vector_load %arg5[%get3A_617] {strides = array<i32>} : memref<256xf32, #tpu.memory_space<vmem>>, vector<16xf32>,
      %get3A_619 = arith.constant 176 : index
      %get3A_620 = tpu.vector_load %arg5[%get3A_619] {strides = array<i32>} : memref<256xf32, #tpu.memory_space<vmem>>, vector<16xf32>,
      %get3A_621 = arith.constant 192 : index
      %get3A_622 = tpu.vector_load %arg5[%get3A_621] {strides = array<i32>} : memref<256xf32, #tpu.memory_space<vmem>>, vector<16xf32>,
      %get3A_623 = arith.constant 208 : index
      %get3A_624 = tpu.vector_load %arg5[%get3A_623] {strides = array<i32>} : memref<256xf32, #tpu.memory_space<vmem>>, vector<16xf32>,
      %get3A_625 = arith.constant 224 : index
      %get3A_626 = tpu.vector_load %arg5[%get3A_625] {strides = array<i32>} : memref<256xf32, #tpu.memory_space<vmem>>, vector<16xf32>,
      %get3A_627 = arith.constant 240 : index
      %get3A_628 = tpu.vector_load %arg5[%get3A_627] {strides = array<i32>} : memref<256xf32, #tpu.memory_space<vmem>>, vector<16xf32>,
      %parallel_loop3A_629 = arith.constant 0 : i32
      %parallel_loop3A_630 = arith.constant 32 : i32
      %parallel_loop3A_631 = arith.constant 1 : i32
      scf.for %parallel_loop3A_862 = %parallel_loop3A_629 to %parallel_loop3A_630 step %parallel_loop3A_631  : i32 {
        %parallel_loop3A_863 = arith.constant 10 : i32
        %parallel_loop3A_864 = arith.shli %parallel_loop3A_862, %parallel_loop3A_863 : i32
        %parallel_loop3A_865 = arith.index_cast %parallel_loop3A_862 : i32 to index
        %parallel_loop3A_866 = arith.constant 0 : index
        %parallel_loop3A_867 = tpu.vector_load %arg6[%parallel_loop3A_865, %parallel_loop3A_866] {strides = array<i32>} : memref<32x128xi32, #tpu.memory_space<vmem>>, vector<16xi32>,
        %parallel_loop3A_868 = arith.constant 16 : i32
        %parallel_loop3A_869 = vector.broadcast %parallel_loop3A_868 : i32 to vector<16xi32>
        %parallel_loop3A_870 = arith.cmpi slt, %parallel_loop3A_867, %parallel_loop3A_869 : vector<16xi32>
        %parallel_loop3A_871 = arith.constant 15 : i32
        %parallel_loop3A_872 = vector.broadcast %parallel_loop3A_871 : i32 to vector<16xi32>
        %parallel_loop3A_873 = arith.andi %parallel_loop3A_867, %parallel_loop3A_872 : vector<16xi32>
        %parallel_loop3A_874 = vector.shape_cast %parallel_loop3A_873 : vector<16xi32> to vector<16x1xi32>
        %parallel_loop3A_875 = vector.shape_cast %parallel_loop3A_874 : vector<16x1xi32> to vector<16xi32>
        %parallel_loop3A_876 = tpu.dynamic_gather %get3A_598[%parallel_loop3A_875] in [0] : vector<16xf32>, vector<16xi32> -> vector<16xf32>
        %parallel_loop3A_877 = vector.shape_cast %parallel_loop3A_873 : vector<16xi32> to vector<16x1xi32>
        %parallel_loop3A_878 = vector.shape_cast %parallel_loop3A_877 : vector<16x1xi32> to vector<16xi32>
        %parallel_loop3A_879 = tpu.dynamic_gather %get3A_600[%parallel_loop3A_878] in [0] : vector<16xf32>, vector<16xi32> -> vector<16xf32>
        %parallel_loop3A_880 = arith.select %parallel_loop3A_870, %parallel_loop3A_876, %parallel_loop3A_879 : vector<16xi1>, vector<16xf32>
        %parallel_loop3A_881 = arith.constant 0 : i32
        %parallel_loop3A_882 = arith.addi %parallel_loop3A_864, %parallel_loop3A_881 : i32
        %parallel_loop3A_883 = arith.index_cast %parallel_loop3A_882 : i32 to index
        %parallel_loop3A_884 = tpu.vector_load %arg8[%parallel_loop3A_883] {strides = array<i32>} : memref<32768xf32, #tpu.memory_space<vmem>>, vector<16xf32>,
        tpu.vector_store %arg8[%parallel_loop3A_883], %parallel_loop3A_880 {strides = array<i32>} : memref<32768xf32, #tpu.memory_space<vmem>>, vector<16xf32>,
        %parallel_loop3A_885 = vector.shape_cast %parallel_loop3A_873 : vector<16xi32> to vector<16x1xi32>
        %parallel_loop3A_886 = vector.shape_cast %parallel_loop3A_885 : vector<16x1xi32> to vector<16xi32>
        %parallel_loop3A_887 = tpu.dynamic_gather %get3A_602[%parallel_loop3A_886] in [0] : vector<16xf32>, vector<16xi32> -> vector<16xf32>
        %parallel_loop3A_888 = vector.shape_cast %parallel_loop3A_873 : vector<16xi32> to vector<16x1xi32>
        %parallel_loop3A_889 = vector.shape_cast %parallel_loop3A_888 : vector<16x1xi32> to vector<16xi32>
        %parallel_loop3A_890 = tpu.dynamic_gather %get3A_604[%parallel_loop3A_889] in [0] : vector<16xf32>, vector<16xi32> -> vector<16xf32>
        %parallel_loop3A_891 = arith.select %parallel_loop3A_870, %parallel_loop3A_887, %parallel_loop3A_890 : vector<16xi1>, vector<16xf32>
        %parallel_loop3A_892 = arith.constant 128 : i32
        %parallel_loop3A_893 = arith.addi %parallel_loop3A_864, %parallel_loop3A_892 : i32
        %parallel_loop3A_894 = arith.index_cast %parallel_loop3A_893 : i32 to index
        %parallel_loop3A_895 = tpu.vector_load %arg8[%parallel_loop3A_894] {strides = array<i32>} : memref<32768xf32, #tpu.memory_space<vmem>>, vector<16xf32>,
        tpu.vector_store %arg8[%parallel_loop3A_894], %parallel_loop3A_891 {strides = array<i32>} : memref<32768xf32, #tpu.memory_space<vmem>>, vector<16xf32>,
        %parallel_loop3A_896 = vector.shape_cast %parallel_loop3A_873 : vector<16xi32> to vector<16x1xi32>
        %parallel_loop3A_897 = vector.shape_cast %parallel_loop3A_896 : vector<16x1xi32> to vector<16xi32>
        %parallel_loop3A_898 = tpu.dynamic_gather %get3A_606[%parallel_loop3A_897] in [0] : vector<16xf32>, vector<16xi32> -> vector<16xf32>
        %parallel_loop3A_899 = vector.shape_cast %parallel_loop3A_873 : vector<16xi32> to vector<16x1xi32>
        %parallel_loop3A_900 = vector.shape_cast %parallel_loop3A_899 : vector<16x1xi32> to vector<16xi32>
        %parallel_loop3A_901 = tpu.dynamic_gather %get3A_608[%parallel_loop3A_900] in [0] : vector<16xf32>, vector<16xi32> -> vector<16xf32>
        %parallel_loop3A_902 = arith.select %parallel_loop3A_870, %parallel_loop3A_898, %parallel_loop3A_901 : vector<16xi1>, vector<16xf32>
        %parallel_loop3A_903 = arith.constant 256 : i32
        %parallel_loop3A_904 = arith.addi %parallel_loop3A_864, %parallel_loop3A_903 : i32
        %parallel_loop3A_905 = arith.index_cast %parallel_loop3A_904 : i32 to index
        %parallel_loop3A_906 = tpu.vector_load %arg8[%parallel_loop3A_905] {strides = array<i32>} : memref<32768xf32, #tpu.memory_space<vmem>>, vector<16xf32>,
        tpu.vector_store %arg8[%parallel_loop3A_905], %parallel_loop3A_902 {strides = array<i32>} : memref<32768xf32, #tpu.memory_space<vmem>>, vector<16xf32>,
        %parallel_loop3A_907 = vector.shape_cast %parallel_loop3A_873 : vector<16xi32> to vector<16x1xi32>
        %parallel_loop3A_908 = vector.shape_cast %parallel_loop3A_907 : vector<16x1xi32> to vector<16xi32>
        %parallel_loop3A_909 = tpu.dynamic_gather %get3A_610[%parallel_loop3A_908] in [0] : vector<16xf32>, vector<16xi32> -> vector<16xf32>
        %parallel_loop3A_910 = vector.shape_cast %parallel_loop3A_873 : vector<16xi32> to vector<16x1xi32>
        %parallel_loop3A_911 = vector.shape_cast %parallel_loop3A_910 : vector<16x1xi32> to vector<16xi32>
        %parallel_loop3A_912 = tpu.dynamic_gather %get3A_612[%parallel_loop3A_911] in [0] : vector<16xf32>, vector<16xi32> -> vector<16xf32>
        %parallel_loop3A_913 = arith.select %parallel_loop3A_870, %parallel_loop3A_909, %parallel_loop3A_912 : vector<16xi1>, vector<16xf32>
        %parallel_loop3A_914 = arith.constant 384 : i32
        %parallel_loop3A_915 = arith.addi %parallel_loop3A_864, %parallel_loop3A_914 : i32
        %parallel_loop3A_916 = arith.index_cast %parallel_loop3A_915 : i32 to index
        %parallel_loop3A_917 = tpu.vector_load %arg8[%parallel_loop3A_916] {strides = array<i32>} : memref<32768xf32, #tpu.memory_space<vmem>>, vector<16xf32>,
        tpu.vector_store %arg8[%parallel_loop3A_916], %parallel_loop3A_913 {strides = array<i32>} : memref<32768xf32, #tpu.memory_space<vmem>>, vector<16xf32>,
        %parallel_loop3A_918 = vector.shape_cast %parallel_loop3A_873 : vector<16xi32> to vector<16x1xi32>
        %parallel_loop3A_919 = vector.shape_cast %parallel_loop3A_918 : vector<16x1xi32> to vector<16xi32>
        %parallel_loop3A_920 = tpu.dynamic_gather %get3A_614[%parallel_loop3A_919] in [0] : vector<16xf32>, vector<16xi32> -> vector<16xf32>
        %parallel_loop3A_921 = vector.shape_cast %parallel_loop3A_873 : vector<16xi32> to vector<16x1xi32>
        %parallel_loop3A_922 = vector.shape_cast %parallel_loop3A_921 : vector<16x1xi32> to vector<16xi32>
        %parallel_loop3A_923 = tpu.dynamic_gather %get3A_616[%parallel_loop3A_922] in [0] : vector<16xf32>, vector<16xi32> -> vector<16xf32>
        %parallel_loop3A_924 = arith.select %parallel_loop3A_870, %parallel_loop3A_920, %parallel_loop3A_923 : vector<16xi1>, vector<16xf32>
        %parallel_loop3A_925 = arith.constant 512 : i32
        %parallel_loop3A_926 = arith.addi %parallel_loop3A_864, %parallel_loop3A_925 : i32
        %parallel_loop3A_927 = arith.index_cast %parallel_loop3A_926 : i32 to index
        %parallel_loop3A_928 = tpu.vector_load %arg8[%parallel_loop3A_927] {strides = array<i32>} : memref<32768xf32, #tpu.memory_space<vmem>>, vector<16xf32>,
        tpu.vector_store %arg8[%parallel_loop3A_927], %parallel_loop3A_924 {strides = array<i32>} : memref<32768xf32, #tpu.memory_space<vmem>>, vector<16xf32>,
        %parallel_loop3A_929 = vector.shape_cast %parallel_loop3A_873 : vector<16xi32> to vector<16x1xi32>
        %parallel_loop3A_930 = vector.shape_cast %parallel_loop3A_929 : vector<16x1xi32> to vector<16xi32>
        %parallel_loop3A_931 = tpu.dynamic_gather %get3A_618[%parallel_loop3A_930] in [0] : vector<16xf32>, vector<16xi32> -> vector<16xf32>
        %parallel_loop3A_932 = vector.shape_cast %parallel_loop3A_873 : vector<16xi32> to vector<16x1xi32>
        %parallel_loop3A_933 = vector.shape_cast %parallel_loop3A_932 : vector<16x1xi32> to vector<16xi32>
        %parallel_loop3A_934 = tpu.dynamic_gather %get3A_620[%parallel_loop3A_933] in [0] : vector<16xf32>, vector<16xi32> -> vector<16xf32>
        %parallel_loop3A_935 = arith.select %parallel_loop3A_870, %parallel_loop3A_931, %parallel_loop3A_934 : vector<16xi1>, vector<16xf32>
        %parallel_loop3A_936 = arith.constant 640 : i32
        %parallel_loop3A_937 = arith.addi %parallel_loop3A_864, %parallel_loop3A_936 : i32
        %parallel_loop3A_938 = arith.index_cast %parallel_loop3A_937 : i32 to index
        %parallel_loop3A_939 = tpu.vector_load %arg8[%parallel_loop3A_938] {strides = array<i32>} : memref<32768xf32, #tpu.memory_space<vmem>>, vector<16xf32>,
        tpu.vector_store %arg8[%parallel_loop3A_938], %parallel_loop3A_935 {strides = array<i32>} : memref<32768xf32, #tpu.memory_space<vmem>>, vector<16xf32>,
        %parallel_loop3A_940 = vector.shape_cast %parallel_loop3A_873 : vector<16xi32> to vector<16x1xi32>
        %parallel_loop3A_941 = vector.shape_cast %parallel_loop3A_940 : vector<16x1xi32> to vector<16xi32>
        %parallel_loop3A_942 = tpu.dynamic_gather %get3A_622[%parallel_loop3A_941] in [0] : vector<16xf32>, vector<16xi32> -> vector<16xf32>
        %parallel_loop3A_943 = vector.shape_cast %parallel_loop3A_873 : vector<16xi32> to vector<16x1xi32>
        %parallel_loop3A_944 = vector.shape_cast %parallel_loop3A_943 : vector<16x1xi32> to vector<16xi32>
        %parallel_loop3A_945 = tpu.dynamic_gather %get3A_624[%parallel_loop3A_944] in [0] : vector<16xf32>, vector<16xi32> -> vector<16xf32>
        %parallel_loop3A_946 = arith.select %parallel_loop3A_870, %parallel_loop3A_942, %parallel_loop3A_945 : vector<16xi1>, vector<16xf32>
        %parallel_loop3A_947 = arith.constant 768 : i32
        %parallel_loop3A_948 = arith.addi %parallel_loop3A_864, %parallel_loop3A_947 : i32
        %parallel_loop3A_949 = arith.index_cast %parallel_loop3A_948 : i32 to index
        %parallel_loop3A_950 = tpu.vector_load %arg8[%parallel_loop3A_949] {strides = array<i32>} : memref<32768xf32, #tpu.memory_space<vmem>>, vector<16xf32>,
        tpu.vector_store %arg8[%parallel_loop3A_949], %parallel_loop3A_946 {strides = array<i32>} : memref<32768xf32, #tpu.memory_space<vmem>>, vector<16xf32>,
        %parallel_loop3A_951 = vector.shape_cast %parallel_loop3A_873 : vector<16xi32> to vector<16x1xi32>
        %parallel_loop3A_952 = vector.shape_cast %parallel_loop3A_951 : vector<16x1xi32> to vector<16xi32>
        %parallel_loop3A_953 = tpu.dynamic_gather %get3A_626[%parallel_loop3A_952] in [0] : vector<16xf32>, vector<16xi32> -> vector<16xf32>
        %parallel_loop3A_954 = vector.shape_cast %parallel_loop3A_873 : vector<16xi32> to vector<16x1xi32>
        %parallel_loop3A_955 = vector.shape_cast %parallel_loop3A_954 : vector<16x1xi32> to vector<16xi32>
        %parallel_loop3A_956 = tpu.dynamic_gather %get3A_628[%parallel_loop3A_955] in [0] : vector<16xf32>, vector<16xi32> -> vector<16xf32>
        %parallel_loop3A_957 = arith.select %parallel_loop3A_870, %parallel_loop3A_953, %parallel_loop3A_956 : vector<16xi1>, vector<16xf32>
        %parallel_loop3A_958 = arith.constant 896 : i32
        %parallel_loop3A_959 = arith.addi %parallel_loop3A_864, %parallel_loop3A_958 : i32
        %parallel_loop3A_960 = arith.index_cast %parallel_loop3A_959 : i32 to index
        %parallel_loop3A_961 = tpu.vector_load %arg8[%parallel_loop3A_960] {strides = array<i32>} : memref<32768xf32, #tpu.memory_space<vmem>>, vector<16xf32>,
        tpu.vector_store %arg8[%parallel_loop3A_960], %parallel_loop3A_957 {strides = array<i32>} : memref<32768xf32, #tpu.memory_space<vmem>>, vector<16xf32>,
        %parallel_loop3A_962 = arith.index_cast %parallel_loop3A_862 : i32 to index
        %parallel_loop3A_963 = arith.constant 16 : index
        %parallel_loop3A_964 = tpu.vector_load %arg6[%parallel_loop3A_962, %parallel_loop3A_963] {strides = array<i32>} : memref<32x128xi32, #tpu.memory_space<vmem>>, vector<16xi32>,
        %parallel_loop3A_965 = arith.constant 16 : i32
        %parallel_loop3A_966 = vector.broadcast %parallel_loop3A_965 : i32 to vector<16xi32>
        %parallel_loop3A_967 = arith.cmpi slt, %parallel_loop3A_964, %parallel_loop3A_966 : vector<16xi32>
        %parallel_loop3A_968 = arith.constant 15 : i32
        %parallel_loop3A_969 = vector.broadcast %parallel_loop3A_968 : i32 to vector<16xi32>
        %parallel_loop3A_970 = arith.andi %parallel_loop3A_964, %parallel_loop3A_969 : vector<16xi32>
        %parallel_loop3A_971 = vector.shape_cast %parallel_loop3A_970 : vector<16xi32> to vector<16x1xi32>
        %parallel_loop3A_972 = vector.shape_cast %parallel_loop3A_971 : vector<16x1xi32> to vector<16xi32>
        %parallel_loop3A_973 = tpu.dynamic_gather %get3A_598[%parallel_loop3A_972] in [0] : vector<16xf32>, vector<16xi32> -> vector<16xf32>
        %parallel_loop3A_974 = vector.shape_cast %parallel_loop3A_970 : vector<16xi32> to vector<16x1xi32>
        %parallel_loop3A_975 = vector.shape_cast %parallel_loop3A_974 : vector<16x1xi32> to vector<16xi32>
        %parallel_loop3A_976 = tpu.dynamic_gather %get3A_600[%parallel_loop3A_975] in [0] : vector<16xf32>, vector<16xi32> -> vector<16xf32>
        %parallel_loop3A_977 = arith.select %parallel_loop3A_967, %parallel_loop3A_973, %parallel_loop3A_976 : vector<16xi1>, vector<16xf32>
        %parallel_loop3A_978 = arith.constant 16 : i32
        %parallel_loop3A_979 = arith.addi %parallel_loop3A_864, %parallel_loop3A_978 : i32
        %parallel_loop3A_980 = arith.index_cast %parallel_loop3A_979 : i32 to index
        %parallel_loop3A_981 = tpu.vector_load %arg8[%parallel_loop3A_980] {strides = array<i32>} : memref<32768xf32, #tpu.memory_space<vmem>>, vector<16xf32>,
        tpu.vector_store %arg8[%parallel_loop3A_980], %parallel_loop3A_977 {strides = array<i32>} : memref<32768xf32, #tpu.memory_space<vmem>>, vector<16xf32>,
        %parallel_loop3A_982 = vector.shape_cast %parallel_loop3A_970 : vector<16xi32> to vector<16x1xi32>
        %parallel_loop3A_983 = vector.shape_cast %parallel_loop3A_982 : vector<16x1xi32> to vector<16xi32>
        %parallel_loop3A_984 = tpu.dynamic_gather %get3A_602[%parallel_loop3A_983] in [0] : vector<16xf32>, vector<16xi32> -> vector<16xf32>
        %parallel_loop3A_985 = vector.shape_cast %parallel_loop3A_970 : vector<16xi32> to vector<16x1xi32>
        %parallel_loop3A_986 = vector.shape_cast %parallel_loop3A_985 : vector<16x1xi32> to vector<16xi32>
        %parallel_loop3A_987 = tpu.dynamic_gather %get3A_604[%parallel_loop3A_986] in [0] : vector<16xf32>, vector<16xi32> -> vector<16xf32>
        %parallel_loop3A_988 = arith.select %parallel_loop3A_967, %parallel_loop3A_984, %parallel_loop3A_987 : vector<16xi1>, vector<16xf32>
        %parallel_loop3A_989 = arith.constant 144 : i32
        %parallel_loop3A_990 = arith.addi %parallel_loop3A_864, %parallel_loop3A_989 : i32
        %parallel_loop3A_991 = arith.index_cast %parallel_loop3A_990 : i32 to index
        %parallel_loop3A_992 = tpu.vector_load %arg8[%parallel_loop3A_991] {strides = array<i32>} : memref<32768xf32, #tpu.memory_space<vmem>>, vector<16xf32>,
        tpu.vector_store %arg8[%parallel_loop3A_991], %parallel_loop3A_988 {strides = array<i32>} : memref<32768xf32, #tpu.memory_space<vmem>>, vector<16xf32>,
        %parallel_loop3A_993 = vector.shape_cast %parallel_loop3A_970 : vector<16xi32> to vector<16x1xi32>
        %parallel_loop3A_994 = vector.shape_cast %parallel_loop3A_993 : vector<16x1xi32> to vector<16xi32>
        %parallel_loop3A_995 = tpu.dynamic_gather %get3A_606[%parallel_loop3A_994] in [0] : vector<16xf32>, vector<16xi32> -> vector<16xf32>
        %parallel_loop3A_996 = vector.shape_cast %parallel_loop3A_970 : vector<16xi32> to vector<16x1xi32>
        %parallel_loop3A_997 = vector.shape_cast %parallel_loop3A_996 : vector<16x1xi32> to vector<16xi32>
        %parallel_loop3A_998 = tpu.dynamic_gather %get3A_608[%parallel_loop3A_997] in [0] : vector<16xf32>, vector<16xi32> -> vector<16xf32>
        %parallel_loop3A_999 = arith.select %parallel_loop3A_967, %parallel_loop3A_995, %parallel_loop3A_998 : vector<16xi1>, vector<16xf32>
        %parallel_loop3A_1000 = arith.constant 272 : i32
        %parallel_loop3A_1001 = arith.addi %parallel_loop3A_864, %parallel_loop3A_1000 : i32
        %parallel_loop3A_1002 = arith.index_cast %parallel_loop3A_1001 : i32 to index
        %parallel_loop3A_1003 = tpu.vector_load %arg8[%parallel_loop3A_1002] {strides = array<i32>} : memref<32768xf32, #tpu.memory_space<vmem>>, vector<16xf32>,
        tpu.vector_store %arg8[%parallel_loop3A_1002], %parallel_loop3A_999 {strides = array<i32>} : memref<32768xf32, #tpu.memory_space<vmem>>, vector<16xf32>,
        %parallel_loop3A_1004 = vector.shape_cast %parallel_loop3A_970 : vector<16xi32> to vector<16x1xi32>
        %parallel_loop3A_1005 = vector.shape_cast %parallel_loop3A_1004 : vector<16x1xi32> to vector<16xi32>
        %parallel_loop3A_1006 = tpu.dynamic_gather %get3A_610[%parallel_loop3A_1005] in [0] : vector<16xf32>, vector<16xi32> -> vector<16xf32>
        %parallel_loop3A_1007 = vector.shape_cast %parallel_loop3A_970 : vector<16xi32> to vector<16x1xi32>
        %parallel_loop3A_1008 = vector.shape_cast %parallel_loop3A_1007 : vector<16x1xi32> to vector<16xi32>
        %parallel_loop3A_1009 = tpu.dynamic_gather %get3A_612[%parallel_loop3A_1008] in [0] : vector<16xf32>, vector<16xi32> -> vector<16xf32>
        %parallel_loop3A_1010 = arith.select %parallel_loop3A_967, %parallel_loop3A_1006, %parallel_loop3A_1009 : vector<16xi1>, vector<16xf32>
        %parallel_loop3A_1011 = arith.constant 400 : i32
        %parallel_loop3A_1012 = arith.addi %parallel_loop3A_864, %parallel_loop3A_1011 : i32
        %parallel_loop3A_1013 = arith.index_cast %parallel_loop3A_1012 : i32 to index
        %parallel_loop3A_1014 = tpu.vector_load %arg8[%parallel_loop3A_1013] {strides = array<i32>} : memref<32768xf32, #tpu.memory_space<vmem>>, vector<16xf32>,
        tpu.vector_store %arg8[%parallel_loop3A_1013], %parallel_loop3A_1010 {strides = array<i32>} : memref<32768xf32, #tpu.memory_space<vmem>>, vector<16xf32>,
        %parallel_loop3A_1015 = vector.shape_cast %parallel_loop3A_970 : vector<16xi32> to vector<16x1xi32>
        %parallel_loop3A_1016 = vector.shape_cast %parallel_loop3A_1015 : vector<16x1xi32> to vector<16xi32>
        %parallel_loop3A_1017 = tpu.dynamic_gather %get3A_614[%parallel_loop3A_1016] in [0] : vector<16xf32>, vector<16xi32> -> vector<16xf32>
        %parallel_loop3A_1018 = vector.shape_cast %parallel_loop3A_970 : vector<16xi32> to vector<16x1xi32>
        %parallel_loop3A_1019 = vector.shape_cast %parallel_loop3A_1018 : vector<16x1xi32> to vector<16xi32>
        %parallel_loop3A_1020 = tpu.dynamic_gather %get3A_616[%parallel_loop3A_1019] in [0] : vector<16xf32>, vector<16xi32> -> vector<16xf32>
        %parallel_loop3A_1021 = arith.select %parallel_loop3A_967, %parallel_loop3A_1017, %parallel_loop3A_1020 : vector<16xi1>, vector<16xf32>
        %parallel_loop3A_1022 = arith.constant 528 : i32
        %parallel_loop3A_1023 = arith.addi %parallel_loop3A_864, %parallel_loop3A_1022 : i32
        %parallel_loop3A_1024 = arith.index_cast %parallel_loop3A_1023 : i32 to index
        %parallel_loop3A_1025 = tpu.vector_load %arg8[%parallel_loop3A_1024] {strides = array<i32>} : memref<32768xf32, #tpu.memory_space<vmem>>, vector<16xf32>,
        tpu.vector_store %arg8[%parallel_loop3A_1024], %parallel_loop3A_1021 {strides = array<i32>} : memref<32768xf32, #tpu.memory_space<vmem>>, vector<16xf32>,
        %parallel_loop3A_1026 = vector.shape_cast %parallel_loop3A_970 : vector<16xi32> to vector<16x1xi32>
        %parallel_loop3A_1027 = vector.shape_cast %parallel_loop3A_1026 : vector<16x1xi32> to vector<16xi32>
        %parallel_loop3A_1028 = tpu.dynamic_gather %get3A_618[%parallel_loop3A_1027] in [0] : vector<16xf32>, vector<16xi32> -> vector<16xf32>
        %parallel_loop3A_1029 = vector.shape_cast %parallel_loop3A_970 : vector<16xi32> to vector<16x1xi32>
        %parallel_loop3A_1030 = vector.shape_cast %parallel_loop3A_1029 : vector<16x1xi32> to vector<16xi32>
        %parallel_loop3A_1031 = tpu.dynamic_gather %get3A_620[%parallel_loop3A_1030] in [0] : vector<16xf32>, vector<16xi32> -> vector<16xf32>
        %parallel_loop3A_1032 = arith.select %parallel_loop3A_967, %parallel_loop3A_1028, %parallel_loop3A_1031 : vector<16xi1>, vector<16xf32>
        %parallel_loop3A_1033 = arith.constant 656 : i32
        %parallel_loop3A_1034 = arith.addi %parallel_loop3A_864, %parallel_loop3A_1033 : i32
        %parallel_loop3A_1035 = arith.index_cast %parallel_loop3A_1034 : i32 to index
        %parallel_loop3A_1036 = tpu.vector_load %arg8[%parallel_loop3A_1035] {strides = array<i32>} : memref<32768xf32, #tpu.memory_space<vmem>>, vector<16xf32>,
        tpu.vector_store %arg8[%parallel_loop3A_1035], %parallel_loop3A_1032 {strides = array<i32>} : memref<32768xf32, #tpu.memory_space<vmem>>, vector<16xf32>,
        %parallel_loop3A_1037 = vector.shape_cast %parallel_loop3A_970 : vector<16xi32> to vector<16x1xi32>
        %parallel_loop3A_1038 = vector.shape_cast %parallel_loop3A_1037 : vector<16x1xi32> to vector<16xi32>
        %parallel_loop3A_1039 = tpu.dynamic_gather %get3A_622[%parallel_loop3A_1038] in [0] : vector<16xf32>, vector<16xi32> -> vector<16xf32>
        %parallel_loop3A_1040 = vector.shape_cast %parallel_loop3A_970 : vector<16xi32> to vector<16x1xi32>
        %parallel_loop3A_1041 = vector.shape_cast %parallel_loop3A_1040 : vector<16x1xi32> to vector<16xi32>
        %parallel_loop3A_1042 = tpu.dynamic_gather %get3A_624[%parallel_loop3A_1041] in [0] : vector<16xf32>, vector<16xi32> -> vector<16xf32>
        %parallel_loop3A_1043 = arith.select %parallel_loop3A_967, %parallel_loop3A_1039, %parallel_loop3A_1042 : vector<16xi1>, vector<16xf32>
        %parallel_loop3A_1044 = arith.constant 784 : i32
        %parallel_loop3A_1045 = arith.addi %parallel_loop3A_864, %parallel_loop3A_1044 : i32
        %parallel_loop3A_1046 = arith.index_cast %parallel_loop3A_1045 : i32 to index
        %parallel_loop3A_1047 = tpu.vector_load %arg8[%parallel_loop3A_1046] {strides = array<i32>} : memref<32768xf32, #tpu.memory_space<vmem>>, vector<16xf32>,
        tpu.vector_store %arg8[%parallel_loop3A_1046], %parallel_loop3A_1043 {strides = array<i32>} : memref<32768xf32, #tpu.memory_space<vmem>>, vector<16xf32>,
        %parallel_loop3A_1048 = vector.shape_cast %parallel_loop3A_970 : vector<16xi32> to vector<16x1xi32>
        %parallel_loop3A_1049 = vector.shape_cast %parallel_loop3A_1048 : vector<16x1xi32> to vector<16xi32>
        %parallel_loop3A_1050 = tpu.dynamic_gather %get3A_626[%parallel_loop3A_1049] in [0] : vector<16xf32>, vector<16xi32> -> vector<16xf32>
        %parallel_loop3A_1051 = vector.shape_cast %parallel_loop3A_970 : vector<16xi32> to vector<16x1xi32>
        %parallel_loop3A_1052 = vector.shape_cast %parallel_loop3A_1051 : vector<16x1xi32> to vector<16xi32>
        %parallel_loop3A_1053 = tpu.dynamic_gather %get3A_628[%parallel_loop3A_1052] in [0] : vector<16xf32>, vector<16xi32> -> vector<16xf32>
        %parallel_loop3A_1054 = arith.select %parallel_loop3A_967, %parallel_loop3A_1050, %parallel_loop3A_1053 : vector<16xi1>, vector<16xf32>
        %parallel_loop3A_1055 = arith.constant 912 : i32
        %parallel_loop3A_1056 = arith.addi %parallel_loop3A_864, %parallel_loop3A_1055 : i32
        %parallel_loop3A_1057 = arith.index_cast %parallel_loop3A_1056 : i32 to index
        %parallel_loop3A_1058 = tpu.vector_load %arg8[%parallel_loop3A_1057] {strides = array<i32>} : memref<32768xf32, #tpu.memory_space<vmem>>, vector<16xf32>,
        tpu.vector_store %arg8[%parallel_loop3A_1057], %parallel_loop3A_1054 {strides = array<i32>} : memref<32768xf32, #tpu.memory_space<vmem>>, vector<16xf32>,
        %parallel_loop3A_1059 = arith.index_cast %parallel_loop3A_862 : i32 to index
        %parallel_loop3A_1060 = arith.constant 32 : index
        %parallel_loop3A_1061 = tpu.vector_load %arg6[%parallel_loop3A_1059, %parallel_loop3A_1060] {strides = array<i32>} : memref<32x128xi32, #tpu.memory_space<vmem>>, vector<16xi32>,
        %parallel_loop3A_1062 = arith.constant 16 : i32
        %parallel_loop3A_1063 = vector.broadcast %parallel_loop3A_1062 : i32 to vector<16xi32>
        %parallel_loop3A_1064 = arith.cmpi slt, %parallel_loop3A_1061, %parallel_loop3A_1063 : vector<16xi32>
        %parallel_loop3A_1065 = arith.constant 15 : i32
        %parallel_loop3A_1066 = vector.broadcast %parallel_loop3A_1065 : i32 to vector<16xi32>
        %parallel_loop3A_1067 = arith.andi %parallel_loop3A_1061, %parallel_loop3A_1066 : vector<16xi32>
        %parallel_loop3A_1068 = vector.shape_cast %parallel_loop3A_1067 : vector<16xi32> to vector<16x1xi32>
        %parallel_loop3A_1069 = vector.shape_cast %parallel_loop3A_1068 : vector<16x1xi32> to vector<16xi32>
        %parallel_loop3A_1070 = tpu.dynamic_gather %get3A_598[%parallel_loop3A_1069] in [0] : vector<16xf32>, vector<16xi32> -> vector<16xf32>
        %parallel_loop3A_1071 = vector.shape_cast %parallel_loop3A_1067 : vector<16xi32> to vector<16x1xi32>
        %parallel_loop3A_1072 = vector.shape_cast %parallel_loop3A_1071 : vector<16x1xi32> to vector<16xi32>
        %parallel_loop3A_1073 = tpu.dynamic_gather %get3A_600[%parallel_loop3A_1072] in [0] : vector<16xf32>, vector<16xi32> -> vector<16xf32>
        %parallel_loop3A_1074 = arith.select %parallel_loop3A_1064, %parallel_loop3A_1070, %parallel_loop3A_1073 : vector<16xi1>, vector<16xf32>
        %parallel_loop3A_1075 = arith.constant 32 : i32
        %parallel_loop3A_1076 = arith.addi %parallel_loop3A_864, %parallel_loop3A_1075 : i32
        %parallel_loop3A_1077 = arith.index_cast %parallel_loop3A_1076 : i32 to index
        %parallel_loop3A_1078 = tpu.vector_load %arg8[%parallel_loop3A_1077] {strides = array<i32>} : memref<32768xf32, #tpu.memory_space<vmem>>, vector<16xf32>,
        tpu.vector_store %arg8[%parallel_loop3A_1077], %parallel_loop3A_1074 {strides = array<i32>} : memref<32768xf32, #tpu.memory_space<vmem>>, vector<16xf32>,
        %parallel_loop3A_1079 = vector.shape_cast %parallel_loop3A_1067 : vector<16xi32> to vector<16x1xi32>
        %parallel_loop3A_1080 = vector.shape_cast %parallel_loop3A_1079 : vector<16x1xi32> to vector<16xi32>
        %parallel_loop3A_1081 = tpu.dynamic_gather %get3A_602[%parallel_loop3A_1080] in [0] : vector<16xf32>, vector<16xi32> -> vector<16xf32>
        %parallel_loop3A_1082 = vector.shape_cast %parallel_loop3A_1067 : vector<16xi32> to vector<16x1xi32>
        %parallel_loop3A_1083 = vector.shape_cast %parallel_loop3A_1082 : vector<16x1xi32> to vector<16xi32>
        %parallel_loop3A_1084 = tpu.dynamic_gather %get3A_604[%parallel_loop3A_1083] in [0] : vector<16xf32>, vector<16xi32> -> vector<16xf32>
        %parallel_loop3A_1085 = arith.select %parallel_loop3A_1064, %parallel_loop3A_1081, %parallel_loop3A_1084 : vector<16xi1>, vector<16xf32>
        %parallel_loop3A_1086 = arith.constant 160 : i32
        %parallel_loop3A_1087 = arith.addi %parallel_loop3A_864, %parallel_loop3A_1086 : i32
        %parallel_loop3A_1088 = arith.index_cast %parallel_loop3A_1087 : i32 to index
        %parallel_loop3A_1089 = tpu.vector_load %arg8[%parallel_loop3A_1088] {strides = array<i32>} : memref<32768xf32, #tpu.memory_space<vmem>>, vector<16xf32>,
        tpu.vector_store %arg8[%parallel_loop3A_1088], %parallel_loop3A_1085 {strides = array<i32>} : memref<32768xf32, #tpu.memory_space<vmem>>, vector<16xf32>,
        %parallel_loop3A_1090 = vector.shape_cast %parallel_loop3A_1067 : vector<16xi32> to vector<16x1xi32>
        %parallel_loop3A_1091 = vector.shape_cast %parallel_loop3A_1090 : vector<16x1xi32> to vector<16xi32>
        %parallel_loop3A_1092 = tpu.dynamic_gather %get3A_606[%parallel_loop3A_1091] in [0] : vector<16xf32>, vector<16xi32> -> vector<16xf32>
        %parallel_loop3A_1093 = vector.shape_cast %parallel_loop3A_1067 : vector<16xi32> to vector<16x1xi32>
        %parallel_loop3A_1094 = vector.shape_cast %parallel_loop3A_1093 : vector<16x1xi32> to vector<16xi32>
        %parallel_loop3A_1095 = tpu.dynamic_gather %get3A_608[%parallel_loop3A_1094] in [0] : vector<16xf32>, vector<16xi32> -> vector<16xf32>
        %parallel_loop3A_1096 = arith.select %parallel_loop3A_1064, %parallel_loop3A_1092, %parallel_loop3A_1095 : vector<16xi1>, vector<16xf32>
        %parallel_loop3A_1097 = arith.constant 288 : i32
        %parallel_loop3A_1098 = arith.addi %parallel_loop3A_864, %parallel_loop3A_1097 : i32
        %parallel_loop3A_1099 = arith.index_cast %parallel_loop3A_1098 : i32 to index
        %parallel_loop3A_1100 = tpu.vector_load %arg8[%parallel_loop3A_1099] {strides = array<i32>} : memref<32768xf32, #tpu.memory_space<vmem>>, vector<16xf32>,
        tpu.vector_store %arg8[%parallel_loop3A_1099], %parallel_loop3A_1096 {strides = array<i32>} : memref<32768xf32, #tpu.memory_space<vmem>>, vector<16xf32>,
        %parallel_loop3A_1101 = vector.shape_cast %parallel_loop3A_1067 : vector<16xi32> to vector<16x1xi32>
        %parallel_loop3A_1102 = vector.shape_cast %parallel_loop3A_1101 : vector<16x1xi32> to vector<16xi32>
        %parallel_loop3A_1103 = tpu.dynamic_gather %get3A_610[%parallel_loop3A_1102] in [0] : vector<16xf32>, vector<16xi32> -> vector<16xf32>
        %parallel_loop3A_1104 = vector.shape_cast %parallel_loop3A_1067 : vector<16xi32> to vector<16x1xi32>
        %parallel_loop3A_1105 = vector.shape_cast %parallel_loop3A_1104 : vector<16x1xi32> to vector<16xi32>
        %parallel_loop3A_1106 = tpu.dynamic_gather %get3A_612[%parallel_loop3A_1105] in [0] : vector<16xf32>, vector<16xi32> -> vector<16xf32>
        %parallel_loop3A_1107 = arith.select %parallel_loop3A_1064, %parallel_loop3A_1103, %parallel_loop3A_1106 : vector<16xi1>, vector<16xf32>
        %parallel_loop3A_1108 = arith.constant 416 : i32
        %parallel_loop3A_1109 = arith.addi %parallel_loop3A_864, %parallel_loop3A_1108 : i32
        %parallel_loop3A_1110 = arith.index_cast %parallel_loop3A_1109 : i32 to index
        %parallel_loop3A_1111 = tpu.vector_load %arg8[%parallel_loop3A_1110] {strides = array<i32>} : memref<32768xf32, #tpu.memory_space<vmem>>, vector<16xf32>,
        tpu.vector_store %arg8[%parallel_loop3A_1110], %parallel_loop3A_1107 {strides = array<i32>} : memref<32768xf32, #tpu.memory_space<vmem>>, vector<16xf32>,
        %parallel_loop3A_1112 = vector.shape_cast %parallel_loop3A_1067 : vector<16xi32> to vector<16x1xi32>
        %parallel_loop3A_1113 = vector.shape_cast %parallel_loop3A_1112 : vector<16x1xi32> to vector<16xi32>
        %parallel_loop3A_1114 = tpu.dynamic_gather %get3A_614[%parallel_loop3A_1113] in [0] : vector<16xf32>, vector<16xi32> -> vector<16xf32>
        %parallel_loop3A_1115 = vector.shape_cast %parallel_loop3A_1067 : vector<16xi32> to vector<16x1xi32>
        %parallel_loop3A_1116 = vector.shape_cast %parallel_loop3A_1115 : vector<16x1xi32> to vector<16xi32>
        %parallel_loop3A_1117 = tpu.dynamic_gather %get3A_616[%parallel_loop3A_1116] in [0] : vector<16xf32>, vector<16xi32> -> vector<16xf32>
        %parallel_loop3A_1118 = arith.select %parallel_loop3A_1064, %parallel_loop3A_1114, %parallel_loop3A_1117 : vector<16xi1>, vector<16xf32>
        %parallel_loop3A_1119 = arith.constant 544 : i32
        %parallel_loop3A_1120 = arith.addi %parallel_loop3A_864, %parallel_loop3A_1119 : i32
        %parallel_loop3A_1121 = arith.index_cast %parallel_loop3A_1120 : i32 to index
        %parallel_loop3A_1122 = tpu.vector_load %arg8[%parallel_loop3A_1121] {strides = array<i32>} : memref<32768xf32, #tpu.memory_space<vmem>>, vector<16xf32>,
        tpu.vector_store %arg8[%parallel_loop3A_1121], %parallel_loop3A_1118 {strides = array<i32>} : memref<32768xf32, #tpu.memory_space<vmem>>, vector<16xf32>,
        %parallel_loop3A_1123 = vector.shape_cast %parallel_loop3A_1067 : vector<16xi32> to vector<16x1xi32>
        %parallel_loop3A_1124 = vector.shape_cast %parallel_loop3A_1123 : vector<16x1xi32> to vector<16xi32>
        %parallel_loop3A_1125 = tpu.dynamic_gather %get3A_618[%parallel_loop3A_1124] in [0] : vector<16xf32>, vector<16xi32> -> vector<16xf32>
        %parallel_loop3A_1126 = vector.shape_cast %parallel_loop3A_1067 : vector<16xi32> to vector<16x1xi32>
        %parallel_loop3A_1127 = vector.shape_cast %parallel_loop3A_1126 : vector<16x1xi32> to vector<16xi32>
        %parallel_loop3A_1128 = tpu.dynamic_gather %get3A_620[%parallel_loop3A_1127] in [0] : vector<16xf32>, vector<16xi32> -> vector<16xf32>
        %parallel_loop3A_1129 = arith.select %parallel_loop3A_1064, %parallel_loop3A_1125, %parallel_loop3A_1128 : vector<16xi1>, vector<16xf32>
        %parallel_loop3A_1130 = arith.constant 672 : i32
        %parallel_loop3A_1131 = arith.addi %parallel_loop3A_864, %parallel_loop3A_1130 : i32
        %parallel_loop3A_1132 = arith.index_cast %parallel_loop3A_1131 : i32 to index
        %parallel_loop3A_1133 = tpu.vector_load %arg8[%parallel_loop3A_1132] {strides = array<i32>} : memref<32768xf32, #tpu.memory_space<vmem>>, vector<16xf32>,
        tpu.vector_store %arg8[%parallel_loop3A_1132], %parallel_loop3A_1129 {strides = array<i32>} : memref<32768xf32, #tpu.memory_space<vmem>>, vector<16xf32>,
        %parallel_loop3A_1134 = vector.shape_cast %parallel_loop3A_1067 : vector<16xi32> to vector<16x1xi32>
        %parallel_loop3A_1135 = vector.shape_cast %parallel_loop3A_1134 : vector<16x1xi32> to vector<16xi32>
        %parallel_loop3A_1136 = tpu.dynamic_gather %get3A_622[%parallel_loop3A_1135] in [0] : vector<16xf32>, vector<16xi32> -> vector<16xf32>
        %parallel_loop3A_1137 = vector.shape_cast %parallel_loop3A_1067 : vector<16xi32> to vector<16x1xi32>
        %parallel_loop3A_1138 = vector.shape_cast %parallel_loop3A_1137 : vector<16x1xi32> to vector<16xi32>
        %parallel_loop3A_1139 = tpu.dynamic_gather %get3A_624[%parallel_loop3A_1138] in [0] : vector<16xf32>, vector<16xi32> -> vector<16xf32>
        %parallel_loop3A_1140 = arith.select %parallel_loop3A_1064, %parallel_loop3A_1136, %parallel_loop3A_1139 : vector<16xi1>, vector<16xf32>
        %parallel_loop3A_1141 = arith.constant 800 : i32
        %parallel_loop3A_1142 = arith.addi %parallel_loop3A_864, %parallel_loop3A_1141 : i32
        %parallel_loop3A_1143 = arith.index_cast %parallel_loop3A_1142 : i32 to index
        %parallel_loop3A_1144 = tpu.vector_load %arg8[%parallel_loop3A_1143] {strides = array<i32>} : memref<32768xf32, #tpu.memory_space<vmem>>, vector<16xf32>,
        tpu.vector_store %arg8[%parallel_loop3A_1143], %parallel_loop3A_1140 {strides = array<i32>} : memref<32768xf32, #tpu.memory_space<vmem>>, vector<16xf32>,
        %parallel_loop3A_1145 = vector.shape_cast %parallel_loop3A_1067 : vector<16xi32> to vector<16x1xi32>
        %parallel_loop3A_1146 = vector.shape_cast %parallel_loop3A_1145 : vector<16x1xi32> to vector<16xi32>
        %parallel_loop3A_1147 = tpu.dynamic_gather %get3A_626[%parallel_loop3A_1146] in [0] : vector<16xf32>, vector<16xi32> -> vector<16xf32>
        %parallel_loop3A_1148 = vector.shape_cast %parallel_loop3A_1067 : vector<16xi32> to vector<16x1xi32>
        %parallel_loop3A_1149 = vector.shape_cast %parallel_loop3A_1148 : vector<16x1xi32> to vector<16xi32>
        %parallel_loop3A_1150 = tpu.dynamic_gather %get3A_628[%parallel_loop3A_1149] in [0] : vector<16xf32>, vector<16xi32> -> vector<16xf32>
        %parallel_loop3A_1151 = arith.select %parallel_loop3A_1064, %parallel_loop3A_1147, %parallel_loop3A_1150 : vector<16xi1>, vector<16xf32>
        %parallel_loop3A_1152 = arith.constant 928 : i32
        %parallel_loop3A_1153 = arith.addi %parallel_loop3A_864, %parallel_loop3A_1152 : i32
        %parallel_loop3A_1154 = arith.index_cast %parallel_loop3A_1153 : i32 to index
        %parallel_loop3A_1155 = tpu.vector_load %arg8[%parallel_loop3A_1154] {strides = array<i32>} : memref<32768xf32, #tpu.memory_space<vmem>>, vector<16xf32>,
        tpu.vector_store %arg8[%parallel_loop3A_1154], %parallel_loop3A_1151 {strides = array<i32>} : memref<32768xf32, #tpu.memory_space<vmem>>, vector<16xf32>,
        %parallel_loop3A_1156 = arith.index_cast %parallel_loop3A_862 : i32 to index
        %parallel_loop3A_1157 = arith.constant 48 : index
        %parallel_loop3A_1158 = tpu.vector_load %arg6[%parallel_loop3A_1156, %parallel_loop3A_1157] {strides = array<i32>} : memref<32x128xi32, #tpu.memory_space<vmem>>, vector<16xi32>,
        %parallel_loop3A_1159 = arith.constant 16 : i32
        %parallel_loop3A_1160 = vector.broadcast %parallel_loop3A_1159 : i32 to vector<16xi32>
        %parallel_loop3A_1161 = arith.cmpi slt, %parallel_loop3A_1158, %parallel_loop3A_1160 : vector<16xi32>
        %parallel_loop3A_1162 = arith.constant 15 : i32
        %parallel_loop3A_1163 = vector.broadcast %parallel_loop3A_1162 : i32 to vector<16xi32>
        %parallel_loop3A_1164 = arith.andi %parallel_loop3A_1158, %parallel_loop3A_1163 : vector<16xi32>
        %parallel_loop3A_1165 = vector.shape_cast %parallel_loop3A_1164 : vector<16xi32> to vector<16x1xi32>
        %parallel_loop3A_1166 = vector.shape_cast %parallel_loop3A_1165 : vector<16x1xi32> to vector<16xi32>
        %parallel_loop3A_1167 = tpu.dynamic_gather %get3A_598[%parallel_loop3A_1166] in [0] : vector<16xf32>, vector<16xi32> -> vector<16xf32>
        %parallel_loop3A_1168 = vector.shape_cast %parallel_loop3A_1164 : vector<16xi32> to vector<16x1xi32>
        %parallel_loop3A_1169 = vector.shape_cast %parallel_loop3A_1168 : vector<16x1xi32> to vector<16xi32>
        %parallel_loop3A_1170 = tpu.dynamic_gather %get3A_600[%parallel_loop3A_1169] in [0] : vector<16xf32>, vector<16xi32> -> vector<16xf32>
        %parallel_loop3A_1171 = arith.select %parallel_loop3A_1161, %parallel_loop3A_1167, %parallel_loop3A_1170 : vector<16xi1>, vector<16xf32>
        %parallel_loop3A_1172 = arith.constant 48 : i32
        %parallel_loop3A_1173 = arith.addi %parallel_loop3A_864, %parallel_loop3A_1172 : i32
        %parallel_loop3A_1174 = arith.index_cast %parallel_loop3A_1173 : i32 to index
        %parallel_loop3A_1175 = tpu.vector_load %arg8[%parallel_loop3A_1174] {strides = array<i32>} : memref<32768xf32, #tpu.memory_space<vmem>>, vector<16xf32>,
        tpu.vector_store %arg8[%parallel_loop3A_1174], %parallel_loop3A_1171 {strides = array<i32>} : memref<32768xf32, #tpu.memory_space<vmem>>, vector<16xf32>,
        %parallel_loop3A_1176 = vector.shape_cast %parallel_loop3A_1164 : vector<16xi32> to vector<16x1xi32>
        %parallel_loop3A_1177 = vector.shape_cast %parallel_loop3A_1176 : vector<16x1xi32> to vector<16xi32>
        %parallel_loop3A_1178 = tpu.dynamic_gather %get3A_602[%parallel_loop3A_1177] in [0] : vector<16xf32>, vector<16xi32> -> vector<16xf32>
        %parallel_loop3A_1179 = vector.shape_cast %parallel_loop3A_1164 : vector<16xi32> to vector<16x1xi32>
        %parallel_loop3A_1180 = vector.shape_cast %parallel_loop3A_1179 : vector<16x1xi32> to vector<16xi32>
        %parallel_loop3A_1181 = tpu.dynamic_gather %get3A_604[%parallel_loop3A_1180] in [0] : vector<16xf32>, vector<16xi32> -> vector<16xf32>
        %parallel_loop3A_1182 = arith.select %parallel_loop3A_1161, %parallel_loop3A_1178, %parallel_loop3A_1181 : vector<16xi1>, vector<16xf32>
        %parallel_loop3A_1183 = arith.constant 176 : i32
        %parallel_loop3A_1184 = arith.addi %parallel_loop3A_864, %parallel_loop3A_1183 : i32
        %parallel_loop3A_1185 = arith.index_cast %parallel_loop3A_1184 : i32 to index
        %parallel_loop3A_1186 = tpu.vector_load %arg8[%parallel_loop3A_1185] {strides = array<i32>} : memref<32768xf32, #tpu.memory_space<vmem>>, vector<16xf32>,
        tpu.vector_store %arg8[%parallel_loop3A_1185], %parallel_loop3A_1182 {strides = array<i32>} : memref<32768xf32, #tpu.memory_space<vmem>>, vector<16xf32>,
        %parallel_loop3A_1187 = vector.shape_cast %parallel_loop3A_1164 : vector<16xi32> to vector<16x1xi32>
        %parallel_loop3A_1188 = vector.shape_cast %parallel_loop3A_1187 : vector<16x1xi32> to vector<16xi32>
        %parallel_loop3A_1189 = tpu.dynamic_gather %get3A_606[%parallel_loop3A_1188] in [0] : vector<16xf32>, vector<16xi32> -> vector<16xf32>
        %parallel_loop3A_1190 = vector.shape_cast %parallel_loop3A_1164 : vector<16xi32> to vector<16x1xi32>
        %parallel_loop3A_1191 = vector.shape_cast %parallel_loop3A_1190 : vector<16x1xi32> to vector<16xi32>
        %parallel_loop3A_1192 = tpu.dynamic_gather %get3A_608[%parallel_loop3A_1191] in [0] : vector<16xf32>, vector<16xi32> -> vector<16xf32>
        %parallel_loop3A_1193 = arith.select %parallel_loop3A_1161, %parallel_loop3A_1189, %parallel_loop3A_1192 : vector<16xi1>, vector<16xf32>
        %parallel_loop3A_1194 = arith.constant 304 : i32
        %parallel_loop3A_1195 = arith.addi %parallel_loop3A_864, %parallel_loop3A_1194 : i32
        %parallel_loop3A_1196 = arith.index_cast %parallel_loop3A_1195 : i32 to index
        %parallel_loop3A_1197 = tpu.vector_load %arg8[%parallel_loop3A_1196] {strides = array<i32>} : memref<32768xf32, #tpu.memory_space<vmem>>, vector<16xf32>,
        tpu.vector_store %arg8[%parallel_loop3A_1196], %parallel_loop3A_1193 {strides = array<i32>} : memref<32768xf32, #tpu.memory_space<vmem>>, vector<16xf32>,
        %parallel_loop3A_1198 = vector.shape_cast %parallel_loop3A_1164 : vector<16xi32> to vector<16x1xi32>
        %parallel_loop3A_1199 = vector.shape_cast %parallel_loop3A_1198 : vector<16x1xi32> to vector<16xi32>
        %parallel_loop3A_1200 = tpu.dynamic_gather %get3A_610[%parallel_loop3A_1199] in [0] : vector<16xf32>, vector<16xi32> -> vector<16xf32>
        %parallel_loop3A_1201 = vector.shape_cast %parallel_loop3A_1164 : vector<16xi32> to vector<16x1xi32>
        %parallel_loop3A_1202 = vector.shape_cast %parallel_loop3A_1201 : vector<16x1xi32> to vector<16xi32>
        %parallel_loop3A_1203 = tpu.dynamic_gather %get3A_612[%parallel_loop3A_1202] in [0] : vector<16xf32>, vector<16xi32> -> vector<16xf32>
        %parallel_loop3A_1204 = arith.select %parallel_loop3A_1161, %parallel_loop3A_1200, %parallel_loop3A_1203 : vector<16xi1>, vector<16xf32>
        %parallel_loop3A_1205 = arith.constant 432 : i32
        %parallel_loop3A_1206 = arith.addi %parallel_loop3A_864, %parallel_loop3A_1205 : i32
        %parallel_loop3A_1207 = arith.index_cast %parallel_loop3A_1206 : i32 to index
        %parallel_loop3A_1208 = tpu.vector_load %arg8[%parallel_loop3A_1207] {strides = array<i32>} : memref<32768xf32, #tpu.memory_space<vmem>>, vector<16xf32>,
        tpu.vector_store %arg8[%parallel_loop3A_1207], %parallel_loop3A_1204 {strides = array<i32>} : memref<32768xf32, #tpu.memory_space<vmem>>, vector<16xf32>,
        %parallel_loop3A_1209 = vector.shape_cast %parallel_loop3A_1164 : vector<16xi32> to vector<16x1xi32>
        %parallel_loop3A_1210 = vector.shape_cast %parallel_loop3A_1209 : vector<16x1xi32> to vector<16xi32>
        %parallel_loop3A_1211 = tpu.dynamic_gather %get3A_614[%parallel_loop3A_1210] in [0] : vector<16xf32>, vector<16xi32> -> vector<16xf32>
        %parallel_loop3A_1212 = vector.shape_cast %parallel_loop3A_1164 : vector<16xi32> to vector<16x1xi32>
        %parallel_loop3A_1213 = vector.shape_cast %parallel_loop3A_1212 : vector<16x1xi32> to vector<16xi32>
        %parallel_loop3A_1214 = tpu.dynamic_gather %get3A_616[%parallel_loop3A_1213] in [0] : vector<16xf32>, vector<16xi32> -> vector<16xf32>
        %parallel_loop3A_1215 = arith.select %parallel_loop3A_1161, %parallel_loop3A_1211, %parallel_loop3A_1214 : vector<16xi1>, vector<16xf32>
        %parallel_loop3A_1216 = arith.constant 560 : i32
        %parallel_loop3A_1217 = arith.addi %parallel_loop3A_864, %parallel_loop3A_1216 : i32
        %parallel_loop3A_1218 = arith.index_cast %parallel_loop3A_1217 : i32 to index
        %parallel_loop3A_1219 = tpu.vector_load %arg8[%parallel_loop3A_1218] {strides = array<i32>} : memref<32768xf32, #tpu.memory_space<vmem>>, vector<16xf32>,
        tpu.vector_store %arg8[%parallel_loop3A_1218], %parallel_loop3A_1215 {strides = array<i32>} : memref<32768xf32, #tpu.memory_space<vmem>>, vector<16xf32>,
        %parallel_loop3A_1220 = vector.shape_cast %parallel_loop3A_1164 : vector<16xi32> to vector<16x1xi32>
        %parallel_loop3A_1221 = vector.shape_cast %parallel_loop3A_1220 : vector<16x1xi32> to vector<16xi32>
        %parallel_loop3A_1222 = tpu.dynamic_gather %get3A_618[%parallel_loop3A_1221] in [0] : vector<16xf32>, vector<16xi32> -> vector<16xf32>
        %parallel_loop3A_1223 = vector.shape_cast %parallel_loop3A_1164 : vector<16xi32> to vector<16x1xi32>
        %parallel_loop3A_1224 = vector.shape_cast %parallel_loop3A_1223 : vector<16x1xi32> to vector<16xi32>
        %parallel_loop3A_1225 = tpu.dynamic_gather %get3A_620[%parallel_loop3A_1224] in [0] : vector<16xf32>, vector<16xi32> -> vector<16xf32>
        %parallel_loop3A_1226 = arith.select %parallel_loop3A_1161, %parallel_loop3A_1222, %parallel_loop3A_1225 : vector<16xi1>, vector<16xf32>
        %parallel_loop3A_1227 = arith.constant 688 : i32
        %parallel_loop3A_1228 = arith.addi %parallel_loop3A_864, %parallel_loop3A_1227 : i32
        %parallel_loop3A_1229 = arith.index_cast %parallel_loop3A_1228 : i32 to index
        %parallel_loop3A_1230 = tpu.vector_load %arg8[%parallel_loop3A_1229] {strides = array<i32>} : memref<32768xf32, #tpu.memory_space<vmem>>, vector<16xf32>,
        tpu.vector_store %arg8[%parallel_loop3A_1229], %parallel_loop3A_1226 {strides = array<i32>} : memref<32768xf32, #tpu.memory_space<vmem>>, vector<16xf32>,
        %parallel_loop3A_1231 = vector.shape_cast %parallel_loop3A_1164 : vector<16xi32> to vector<16x1xi32>
        %parallel_loop3A_1232 = vector.shape_cast %parallel_loop3A_1231 : vector<16x1xi32> to vector<16xi32>
        %parallel_loop3A_1233 = tpu.dynamic_gather %get3A_622[%parallel_loop3A_1232] in [0] : vector<16xf32>, vector<16xi32> -> vector<16xf32>
        %parallel_loop3A_1234 = vector.shape_cast %parallel_loop3A_1164 : vector<16xi32> to vector<16x1xi32>
        %parallel_loop3A_1235 = vector.shape_cast %parallel_loop3A_1234 : vector<16x1xi32> to vector<16xi32>
        %parallel_loop3A_1236 = tpu.dynamic_gather %get3A_624[%parallel_loop3A_1235] in [0] : vector<16xf32>, vector<16xi32> -> vector<16xf32>
        %parallel_loop3A_1237 = arith.select %parallel_loop3A_1161, %parallel_loop3A_1233, %parallel_loop3A_1236 : vector<16xi1>, vector<16xf32>
        %parallel_loop3A_1238 = arith.constant 816 : i32
        %parallel_loop3A_1239 = arith.addi %parallel_loop3A_864, %parallel_loop3A_1238 : i32
        %parallel_loop3A_1240 = arith.index_cast %parallel_loop3A_1239 : i32 to index
        %parallel_loop3A_1241 = tpu.vector_load %arg8[%parallel_loop3A_1240] {strides = array<i32>} : memref<32768xf32, #tpu.memory_space<vmem>>, vector<16xf32>,
        tpu.vector_store %arg8[%parallel_loop3A_1240], %parallel_loop3A_1237 {strides = array<i32>} : memref<32768xf32, #tpu.memory_space<vmem>>, vector<16xf32>,
        %parallel_loop3A_1242 = vector.shape_cast %parallel_loop3A_1164 : vector<16xi32> to vector<16x1xi32>
        %parallel_loop3A_1243 = vector.shape_cast %parallel_loop3A_1242 : vector<16x1xi32> to vector<16xi32>
        %parallel_loop3A_1244 = tpu.dynamic_gather %get3A_626[%parallel_loop3A_1243] in [0] : vector<16xf32>, vector<16xi32> -> vector<16xf32>
        %parallel_loop3A_1245 = vector.shape_cast %parallel_loop3A_1164 : vector<16xi32> to vector<16x1xi32>
        %parallel_loop3A_1246 = vector.shape_cast %parallel_loop3A_1245 : vector<16x1xi32> to vector<16xi32>
        %parallel_loop3A_1247 = tpu.dynamic_gather %get3A_628[%parallel_loop3A_1246] in [0] : vector<16xf32>, vector<16xi32> -> vector<16xf32>
        %parallel_loop3A_1248 = arith.select %parallel_loop3A_1161, %parallel_loop3A_1244, %parallel_loop3A_1247 : vector<16xi1>, vector<16xf32>
        %parallel_loop3A_1249 = arith.constant 944 : i32
        %parallel_loop3A_1250 = arith.addi %parallel_loop3A_864, %parallel_loop3A_1249 : i32
        %parallel_loop3A_1251 = arith.index_cast %parallel_loop3A_1250 : i32 to index
        %parallel_loop3A_1252 = tpu.vector_load %arg8[%parallel_loop3A_1251] {strides = array<i32>} : memref<32768xf32, #tpu.memory_space<vmem>>, vector<16xf32>,
        tpu.vector_store %arg8[%parallel_loop3A_1251], %parallel_loop3A_1248 {strides = array<i32>} : memref<32768xf32, #tpu.memory_space<vmem>>, vector<16xf32>,
        %parallel_loop3A_1253 = arith.index_cast %parallel_loop3A_862 : i32 to index
        %parallel_loop3A_1254 = arith.constant 64 : index
        %parallel_loop3A_1255 = tpu.vector_load %arg6[%parallel_loop3A_1253, %parallel_loop3A_1254] {strides = array<i32>} : memref<32x128xi32, #tpu.memory_space<vmem>>, vector<16xi32>,
        %parallel_loop3A_1256 = arith.constant 16 : i32
        %parallel_loop3A_1257 = vector.broadcast %parallel_loop3A_1256 : i32 to vector<16xi32>
        %parallel_loop3A_1258 = arith.cmpi slt, %parallel_loop3A_1255, %parallel_loop3A_1257 : vector<16xi32>
        %parallel_loop3A_1259 = arith.constant 15 : i32
        %parallel_loop3A_1260 = vector.broadcast %parallel_loop3A_1259 : i32 to vector<16xi32>
        %parallel_loop3A_1261 = arith.andi %parallel_loop3A_1255, %parallel_loop3A_1260 : vector<16xi32>
        %parallel_loop3A_1262 = vector.shape_cast %parallel_loop3A_1261 : vector<16xi32> to vector<16x1xi32>
        %parallel_loop3A_1263 = vector.shape_cast %parallel_loop3A_1262 : vector<16x1xi32> to vector<16xi32>
        %parallel_loop3A_1264 = tpu.dynamic_gather %get3A_598[%parallel_loop3A_1263] in [0] : vector<16xf32>, vector<16xi32> -> vector<16xf32>
        %parallel_loop3A_1265 = vector.shape_cast %parallel_loop3A_1261 : vector<16xi32> to vector<16x1xi32>
        %parallel_loop3A_1266 = vector.shape_cast %parallel_loop3A_1265 : vector<16x1xi32> to vector<16xi32>
        %parallel_loop3A_1267 = tpu.dynamic_gather %get3A_600[%parallel_loop3A_1266] in [0] : vector<16xf32>, vector<16xi32> -> vector<16xf32>
        %parallel_loop3A_1268 = arith.select %parallel_loop3A_1258, %parallel_loop3A_1264, %parallel_loop3A_1267 : vector<16xi1>, vector<16xf32>
        %parallel_loop3A_1269 = arith.constant 64 : i32
        %parallel_loop3A_1270 = arith.addi %parallel_loop3A_864, %parallel_loop3A_1269 : i32
        %parallel_loop3A_1271 = arith.index_cast %parallel_loop3A_1270 : i32 to index
        %parallel_loop3A_1272 = tpu.vector_load %arg8[%parallel_loop3A_1271] {strides = array<i32>} : memref<32768xf32, #tpu.memory_space<vmem>>, vector<16xf32>,
        tpu.vector_store %arg8[%parallel_loop3A_1271], %parallel_loop3A_1268 {strides = array<i32>} : memref<32768xf32, #tpu.memory_space<vmem>>, vector<16xf32>,
        %parallel_loop3A_1273 = vector.shape_cast %parallel_loop3A_1261 : vector<16xi32> to vector<16x1xi32>
        %parallel_loop3A_1274 = vector.shape_cast %parallel_loop3A_1273 : vector<16x1xi32> to vector<16xi32>
        %parallel_loop3A_1275 = tpu.dynamic_gather %get3A_602[%parallel_loop3A_1274] in [0] : vector<16xf32>, vector<16xi32> -> vector<16xf32>
        %parallel_loop3A_1276 = vector.shape_cast %parallel_loop3A_1261 : vector<16xi32> to vector<16x1xi32>
        %parallel_loop3A_1277 = vector.shape_cast %parallel_loop3A_1276 : vector<16x1xi32> to vector<16xi32>
        %parallel_loop3A_1278 = tpu.dynamic_gather %get3A_604[%parallel_loop3A_1277] in [0] : vector<16xf32>, vector<16xi32> -> vector<16xf32>
        %parallel_loop3A_1279 = arith.select %parallel_loop3A_1258, %parallel_loop3A_1275, %parallel_loop3A_1278 : vector<16xi1>, vector<16xf32>
        %parallel_loop3A_1280 = arith.constant 192 : i32
        %parallel_loop3A_1281 = arith.addi %parallel_loop3A_864, %parallel_loop3A_1280 : i32
        %parallel_loop3A_1282 = arith.index_cast %parallel_loop3A_1281 : i32 to index
        %parallel_loop3A_1283 = tpu.vector_load %arg8[%parallel_loop3A_1282] {strides = array<i32>} : memref<32768xf32, #tpu.memory_space<vmem>>, vector<16xf32>,
        tpu.vector_store %arg8[%parallel_loop3A_1282], %parallel_loop3A_1279 {strides = array<i32>} : memref<32768xf32, #tpu.memory_space<vmem>>, vector<16xf32>,
        %parallel_loop3A_1284 = vector.shape_cast %parallel_loop3A_1261 : vector<16xi32> to vector<16x1xi32>
        %parallel_loop3A_1285 = vector.shape_cast %parallel_loop3A_1284 : vector<16x1xi32> to vector<16xi32>
        %parallel_loop3A_1286 = tpu.dynamic_gather %get3A_606[%parallel_loop3A_1285] in [0] : vector<16xf32>, vector<16xi32> -> vector<16xf32>
        %parallel_loop3A_1287 = vector.shape_cast %parallel_loop3A_1261 : vector<16xi32> to vector<16x1xi32>
        %parallel_loop3A_1288 = vector.shape_cast %parallel_loop3A_1287 : vector<16x1xi32> to vector<16xi32>
        %parallel_loop3A_1289 = tpu.dynamic_gather %get3A_608[%parallel_loop3A_1288] in [0] : vector<16xf32>, vector<16xi32> -> vector<16xf32>
        %parallel_loop3A_1290 = arith.select %parallel_loop3A_1258, %parallel_loop3A_1286, %parallel_loop3A_1289 : vector<16xi1>, vector<16xf32>
        %parallel_loop3A_1291 = arith.constant 320 : i32
        %parallel_loop3A_1292 = arith.addi %parallel_loop3A_864, %parallel_loop3A_1291 : i32
        %parallel_loop3A_1293 = arith.index_cast %parallel_loop3A_1292 : i32 to index
        %parallel_loop3A_1294 = tpu.vector_load %arg8[%parallel_loop3A_1293] {strides = array<i32>} : memref<32768xf32, #tpu.memory_space<vmem>>, vector<16xf32>,
        tpu.vector_store %arg8[%parallel_loop3A_1293], %parallel_loop3A_1290 {strides = array<i32>} : memref<32768xf32, #tpu.memory_space<vmem>>, vector<16xf32>,
        %parallel_loop3A_1295 = vector.shape_cast %parallel_loop3A_1261 : vector<16xi32> to vector<16x1xi32>
        %parallel_loop3A_1296 = vector.shape_cast %parallel_loop3A_1295 : vector<16x1xi32> to vector<16xi32>
        %parallel_loop3A_1297 = tpu.dynamic_gather %get3A_610[%parallel_loop3A_1296] in [0] : vector<16xf32>, vector<16xi32> -> vector<16xf32>
        %parallel_loop3A_1298 = vector.shape_cast %parallel_loop3A_1261 : vector<16xi32> to vector<16x1xi32>
        %parallel_loop3A_1299 = vector.shape_cast %parallel_loop3A_1298 : vector<16x1xi32> to vector<16xi32>
        %parallel_loop3A_1300 = tpu.dynamic_gather %get3A_612[%parallel_loop3A_1299] in [0] : vector<16xf32>, vector<16xi32> -> vector<16xf32>
        %parallel_loop3A_1301 = arith.select %parallel_loop3A_1258, %parallel_loop3A_1297, %parallel_loop3A_1300 : vector<16xi1>, vector<16xf32>
        %parallel_loop3A_1302 = arith.constant 448 : i32
        %parallel_loop3A_1303 = arith.addi %parallel_loop3A_864, %parallel_loop3A_1302 : i32
        %parallel_loop3A_1304 = arith.index_cast %parallel_loop3A_1303 : i32 to index
        %parallel_loop3A_1305 = tpu.vector_load %arg8[%parallel_loop3A_1304] {strides = array<i32>} : memref<32768xf32, #tpu.memory_space<vmem>>, vector<16xf32>,
        tpu.vector_store %arg8[%parallel_loop3A_1304], %parallel_loop3A_1301 {strides = array<i32>} : memref<32768xf32, #tpu.memory_space<vmem>>, vector<16xf32>,
        %parallel_loop3A_1306 = vector.shape_cast %parallel_loop3A_1261 : vector<16xi32> to vector<16x1xi32>
        %parallel_loop3A_1307 = vector.shape_cast %parallel_loop3A_1306 : vector<16x1xi32> to vector<16xi32>
        %parallel_loop3A_1308 = tpu.dynamic_gather %get3A_614[%parallel_loop3A_1307] in [0] : vector<16xf32>, vector<16xi32> -> vector<16xf32>
        %parallel_loop3A_1309 = vector.shape_cast %parallel_loop3A_1261 : vector<16xi32> to vector<16x1xi32>
        %parallel_loop3A_1310 = vector.shape_cast %parallel_loop3A_1309 : vector<16x1xi32> to vector<16xi32>
        %parallel_loop3A_1311 = tpu.dynamic_gather %get3A_616[%parallel_loop3A_1310] in [0] : vector<16xf32>, vector<16xi32> -> vector<16xf32>
        %parallel_loop3A_1312 = arith.select %parallel_loop3A_1258, %parallel_loop3A_1308, %parallel_loop3A_1311 : vector<16xi1>, vector<16xf32>
        %parallel_loop3A_1313 = arith.constant 576 : i32
        %parallel_loop3A_1314 = arith.addi %parallel_loop3A_864, %parallel_loop3A_1313 : i32
        %parallel_loop3A_1315 = arith.index_cast %parallel_loop3A_1314 : i32 to index
        %parallel_loop3A_1316 = tpu.vector_load %arg8[%parallel_loop3A_1315] {strides = array<i32>} : memref<32768xf32, #tpu.memory_space<vmem>>, vector<16xf32>,
        tpu.vector_store %arg8[%parallel_loop3A_1315], %parallel_loop3A_1312 {strides = array<i32>} : memref<32768xf32, #tpu.memory_space<vmem>>, vector<16xf32>,
        %parallel_loop3A_1317 = vector.shape_cast %parallel_loop3A_1261 : vector<16xi32> to vector<16x1xi32>
        %parallel_loop3A_1318 = vector.shape_cast %parallel_loop3A_1317 : vector<16x1xi32> to vector<16xi32>
        %parallel_loop3A_1319 = tpu.dynamic_gather %get3A_618[%parallel_loop3A_1318] in [0] : vector<16xf32>, vector<16xi32> -> vector<16xf32>
        %parallel_loop3A_1320 = vector.shape_cast %parallel_loop3A_1261 : vector<16xi32> to vector<16x1xi32>
        %parallel_loop3A_1321 = vector.shape_cast %parallel_loop3A_1320 : vector<16x1xi32> to vector<16xi32>
        %parallel_loop3A_1322 = tpu.dynamic_gather %get3A_620[%parallel_loop3A_1321] in [0] : vector<16xf32>, vector<16xi32> -> vector<16xf32>
        %parallel_loop3A_1323 = arith.select %parallel_loop3A_1258, %parallel_loop3A_1319, %parallel_loop3A_1322 : vector<16xi1>, vector<16xf32>
        %parallel_loop3A_1324 = arith.constant 704 : i32
        %parallel_loop3A_1325 = arith.addi %parallel_loop3A_864, %parallel_loop3A_1324 : i32
        %parallel_loop3A_1326 = arith.index_cast %parallel_loop3A_1325 : i32 to index
        %parallel_loop3A_1327 = tpu.vector_load %arg8[%parallel_loop3A_1326] {strides = array<i32>} : memref<32768xf32, #tpu.memory_space<vmem>>, vector<16xf32>,
        tpu.vector_store %arg8[%parallel_loop3A_1326], %parallel_loop3A_1323 {strides = array<i32>} : memref<32768xf32, #tpu.memory_space<vmem>>, vector<16xf32>,
        %parallel_loop3A_1328 = vector.shape_cast %parallel_loop3A_1261 : vector<16xi32> to vector<16x1xi32>
        %parallel_loop3A_1329 = vector.shape_cast %parallel_loop3A_1328 : vector<16x1xi32> to vector<16xi32>
        %parallel_loop3A_1330 = tpu.dynamic_gather %get3A_622[%parallel_loop3A_1329] in [0] : vector<16xf32>, vector<16xi32> -> vector<16xf32>
        %parallel_loop3A_1331 = vector.shape_cast %parallel_loop3A_1261 : vector<16xi32> to vector<16x1xi32>
        %parallel_loop3A_1332 = vector.shape_cast %parallel_loop3A_1331 : vector<16x1xi32> to vector<16xi32>
        %parallel_loop3A_1333 = tpu.dynamic_gather %get3A_624[%parallel_loop3A_1332] in [0] : vector<16xf32>, vector<16xi32> -> vector<16xf32>
        %parallel_loop3A_1334 = arith.select %parallel_loop3A_1258, %parallel_loop3A_1330, %parallel_loop3A_1333 : vector<16xi1>, vector<16xf32>
        %parallel_loop3A_1335 = arith.constant 832 : i32
        %parallel_loop3A_1336 = arith.addi %parallel_loop3A_864, %parallel_loop3A_1335 : i32
        %parallel_loop3A_1337 = arith.index_cast %parallel_loop3A_1336 : i32 to index
        %parallel_loop3A_1338 = tpu.vector_load %arg8[%parallel_loop3A_1337] {strides = array<i32>} : memref<32768xf32, #tpu.memory_space<vmem>>, vector<16xf32>,
        tpu.vector_store %arg8[%parallel_loop3A_1337], %parallel_loop3A_1334 {strides = array<i32>} : memref<32768xf32, #tpu.memory_space<vmem>>, vector<16xf32>,
        %parallel_loop3A_1339 = vector.shape_cast %parallel_loop3A_1261 : vector<16xi32> to vector<16x1xi32>
        %parallel_loop3A_1340 = vector.shape_cast %parallel_loop3A_1339 : vector<16x1xi32> to vector<16xi32>
        %parallel_loop3A_1341 = tpu.dynamic_gather %get3A_626[%parallel_loop3A_1340] in [0] : vector<16xf32>, vector<16xi32> -> vector<16xf32>
        %parallel_loop3A_1342 = vector.shape_cast %parallel_loop3A_1261 : vector<16xi32> to vector<16x1xi32>
        %parallel_loop3A_1343 = vector.shape_cast %parallel_loop3A_1342 : vector<16x1xi32> to vector<16xi32>
        %parallel_loop3A_1344 = tpu.dynamic_gather %get3A_628[%parallel_loop3A_1343] in [0] : vector<16xf32>, vector<16xi32> -> vector<16xf32>
        %parallel_loop3A_1345 = arith.select %parallel_loop3A_1258, %parallel_loop3A_1341, %parallel_loop3A_1344 : vector<16xi1>, vector<16xf32>
        %parallel_loop3A_1346 = arith.constant 960 : i32
        %parallel_loop3A_1347 = arith.addi %parallel_loop3A_864, %parallel_loop3A_1346 : i32
        %parallel_loop3A_1348 = arith.index_cast %parallel_loop3A_1347 : i32 to index
        %parallel_loop3A_1349 = tpu.vector_load %arg8[%parallel_loop3A_1348] {strides = array<i32>} : memref<32768xf32, #tpu.memory_space<vmem>>, vector<16xf32>,
        tpu.vector_store %arg8[%parallel_loop3A_1348], %parallel_loop3A_1345 {strides = array<i32>} : memref<32768xf32, #tpu.memory_space<vmem>>, vector<16xf32>,
        %parallel_loop3A_1350 = arith.index_cast %parallel_loop3A_862 : i32 to index
        %parallel_loop3A_1351 = arith.constant 80 : index
        %parallel_loop3A_1352 = tpu.vector_load %arg6[%parallel_loop3A_1350, %parallel_loop3A_1351] {strides = array<i32>} : memref<32x128xi32, #tpu.memory_space<vmem>>, vector<16xi32>,
        %parallel_loop3A_1353 = arith.constant 16 : i32
        %parallel_loop3A_1354 = vector.broadcast %parallel_loop3A_1353 : i32 to vector<16xi32>
        %parallel_loop3A_1355 = arith.cmpi slt, %parallel_loop3A_1352, %parallel_loop3A_1354 : vector<16xi32>
        %parallel_loop3A_1356 = arith.constant 15 : i32
        %parallel_loop3A_1357 = vector.broadcast %parallel_loop3A_1356 : i32 to vector<16xi32>
        %parallel_loop3A_1358 = arith.andi %parallel_loop3A_1352, %parallel_loop3A_1357 : vector<16xi32>
        %parallel_loop3A_1359 = vector.shape_cast %parallel_loop3A_1358 : vector<16xi32> to vector<16x1xi32>
        %parallel_loop3A_1360 = vector.shape_cast %parallel_loop3A_1359 : vector<16x1xi32> to vector<16xi32>
        %parallel_loop3A_1361 = tpu.dynamic_gather %get3A_598[%parallel_loop3A_1360] in [0] : vector<16xf32>, vector<16xi32> -> vector<16xf32>
        %parallel_loop3A_1362 = vector.shape_cast %parallel_loop3A_1358 : vector<16xi32> to vector<16x1xi32>
        %parallel_loop3A_1363 = vector.shape_cast %parallel_loop3A_1362 : vector<16x1xi32> to vector<16xi32>
        %parallel_loop3A_1364 = tpu.dynamic_gather %get3A_600[%parallel_loop3A_1363] in [0] : vector<16xf32>, vector<16xi32> -> vector<16xf32>
        %parallel_loop3A_1365 = arith.select %parallel_loop3A_1355, %parallel_loop3A_1361, %parallel_loop3A_1364 : vector<16xi1>, vector<16xf32>
        %parallel_loop3A_1366 = arith.constant 80 : i32
        %parallel_loop3A_1367 = arith.addi %parallel_loop3A_864, %parallel_loop3A_1366 : i32
        %parallel_loop3A_1368 = arith.index_cast %parallel_loop3A_1367 : i32 to index
        %parallel_loop3A_1369 = tpu.vector_load %arg8[%parallel_loop3A_1368] {strides = array<i32>} : memref<32768xf32, #tpu.memory_space<vmem>>, vector<16xf32>,
        tpu.vector_store %arg8[%parallel_loop3A_1368], %parallel_loop3A_1365 {strides = array<i32>} : memref<32768xf32, #tpu.memory_space<vmem>>, vector<16xf32>,
        %parallel_loop3A_1370 = vector.shape_cast %parallel_loop3A_1358 : vector<16xi32> to vector<16x1xi32>
        %parallel_loop3A_1371 = vector.shape_cast %parallel_loop3A_1370 : vector<16x1xi32> to vector<16xi32>
        %parallel_loop3A_1372 = tpu.dynamic_gather %get3A_602[%parallel_loop3A_1371] in [0] : vector<16xf32>, vector<16xi32> -> vector<16xf32>
        %parallel_loop3A_1373 = vector.shape_cast %parallel_loop3A_1358 : vector<16xi32> to vector<16x1xi32>
        %parallel_loop3A_1374 = vector.shape_cast %parallel_loop3A_1373 : vector<16x1xi32> to vector<16xi32>
        %parallel_loop3A_1375 = tpu.dynamic_gather %get3A_604[%parallel_loop3A_1374] in [0] : vector<16xf32>, vector<16xi32> -> vector<16xf32>
        %parallel_loop3A_1376 = arith.select %parallel_loop3A_1355, %parallel_loop3A_1372, %parallel_loop3A_1375 : vector<16xi1>, vector<16xf32>
        %parallel_loop3A_1377 = arith.constant 208 : i32
        %parallel_loop3A_1378 = arith.addi %parallel_loop3A_864, %parallel_loop3A_1377 : i32
        %parallel_loop3A_1379 = arith.index_cast %parallel_loop3A_1378 : i32 to index
        %parallel_loop3A_1380 = tpu.vector_load %arg8[%parallel_loop3A_1379] {strides = array<i32>} : memref<32768xf32, #tpu.memory_space<vmem>>, vector<16xf32>,
        tpu.vector_store %arg8[%parallel_loop3A_1379], %parallel_loop3A_1376 {strides = array<i32>} : memref<32768xf32, #tpu.memory_space<vmem>>, vector<16xf32>,
        %parallel_loop3A_1381 = vector.shape_cast %parallel_loop3A_1358 : vector<16xi32> to vector<16x1xi32>
        %parallel_loop3A_1382 = vector.shape_cast %parallel_loop3A_1381 : vector<16x1xi32> to vector<16xi32>
        %parallel_loop3A_1383 = tpu.dynamic_gather %get3A_606[%parallel_loop3A_1382] in [0] : vector<16xf32>, vector<16xi32> -> vector<16xf32>
        %parallel_loop3A_1384 = vector.shape_cast %parallel_loop3A_1358 : vector<16xi32> to vector<16x1xi32>
        %parallel_loop3A_1385 = vector.shape_cast %parallel_loop3A_1384 : vector<16x1xi32> to vector<16xi32>
        %parallel_loop3A_1386 = tpu.dynamic_gather %get3A_608[%parallel_loop3A_1385] in [0] : vector<16xf32>, vector<16xi32> -> vector<16xf32>
        %parallel_loop3A_1387 = arith.select %parallel_loop3A_1355, %parallel_loop3A_1383, %parallel_loop3A_1386 : vector<16xi1>, vector<16xf32>
        %parallel_loop3A_1388 = arith.constant 336 : i32
        %parallel_loop3A_1389 = arith.addi %parallel_loop3A_864, %parallel_loop3A_1388 : i32
        %parallel_loop3A_1390 = arith.index_cast %parallel_loop3A_1389 : i32 to index
        %parallel_loop3A_1391 = tpu.vector_load %arg8[%parallel_loop3A_1390] {strides = array<i32>} : memref<32768xf32, #tpu.memory_space<vmem>>, vector<16xf32>,
        tpu.vector_store %arg8[%parallel_loop3A_1390], %parallel_loop3A_1387 {strides = array<i32>} : memref<32768xf32, #tpu.memory_space<vmem>>, vector<16xf32>,
        %parallel_loop3A_1392 = vector.shape_cast %parallel_loop3A_1358 : vector<16xi32> to vector<16x1xi32>
        %parallel_loop3A_1393 = vector.shape_cast %parallel_loop3A_1392 : vector<16x1xi32> to vector<16xi32>
        %parallel_loop3A_1394 = tpu.dynamic_gather %get3A_610[%parallel_loop3A_1393] in [0] : vector<16xf32>, vector<16xi32> -> vector<16xf32>
        %parallel_loop3A_1395 = vector.shape_cast %parallel_loop3A_1358 : vector<16xi32> to vector<16x1xi32>
        %parallel_loop3A_1396 = vector.shape_cast %parallel_loop3A_1395 : vector<16x1xi32> to vector<16xi32>
        %parallel_loop3A_1397 = tpu.dynamic_gather %get3A_612[%parallel_loop3A_1396] in [0] : vector<16xf32>, vector<16xi32> -> vector<16xf32>
        %parallel_loop3A_1398 = arith.select %parallel_loop3A_1355, %parallel_loop3A_1394, %parallel_loop3A_1397 : vector<16xi1>, vector<16xf32>
        %parallel_loop3A_1399 = arith.constant 464 : i32
        %parallel_loop3A_1400 = arith.addi %parallel_loop3A_864, %parallel_loop3A_1399 : i32
        %parallel_loop3A_1401 = arith.index_cast %parallel_loop3A_1400 : i32 to index
        %parallel_loop3A_1402 = tpu.vector_load %arg8[%parallel_loop3A_1401] {strides = array<i32>} : memref<32768xf32, #tpu.memory_space<vmem>>, vector<16xf32>,
        tpu.vector_store %arg8[%parallel_loop3A_1401], %parallel_loop3A_1398 {strides = array<i32>} : memref<32768xf32, #tpu.memory_space<vmem>>, vector<16xf32>,
        %parallel_loop3A_1403 = vector.shape_cast %parallel_loop3A_1358 : vector<16xi32> to vector<16x1xi32>
        %parallel_loop3A_1404 = vector.shape_cast %parallel_loop3A_1403 : vector<16x1xi32> to vector<16xi32>
        %parallel_loop3A_1405 = tpu.dynamic_gather %get3A_614[%parallel_loop3A_1404] in [0] : vector<16xf32>, vector<16xi32> -> vector<16xf32>
        %parallel_loop3A_1406 = vector.shape_cast %parallel_loop3A_1358 : vector<16xi32> to vector<16x1xi32>
        %parallel_loop3A_1407 = vector.shape_cast %parallel_loop3A_1406 : vector<16x1xi32> to vector<16xi32>
        %parallel_loop3A_1408 = tpu.dynamic_gather %get3A_616[%parallel_loop3A_1407] in [0] : vector<16xf32>, vector<16xi32> -> vector<16xf32>
        %parallel_loop3A_1409 = arith.select %parallel_loop3A_1355, %parallel_loop3A_1405, %parallel_loop3A_1408 : vector<16xi1>, vector<16xf32>
        %parallel_loop3A_1410 = arith.constant 592 : i32
        %parallel_loop3A_1411 = arith.addi %parallel_loop3A_864, %parallel_loop3A_1410 : i32
        %parallel_loop3A_1412 = arith.index_cast %parallel_loop3A_1411 : i32 to index
        %parallel_loop3A_1413 = tpu.vector_load %arg8[%parallel_loop3A_1412] {strides = array<i32>} : memref<32768xf32, #tpu.memory_space<vmem>>, vector<16xf32>,
        tpu.vector_store %arg8[%parallel_loop3A_1412], %parallel_loop3A_1409 {strides = array<i32>} : memref<32768xf32, #tpu.memory_space<vmem>>, vector<16xf32>,
        %parallel_loop3A_1414 = vector.shape_cast %parallel_loop3A_1358 : vector<16xi32> to vector<16x1xi32>
        %parallel_loop3A_1415 = vector.shape_cast %parallel_loop3A_1414 : vector<16x1xi32> to vector<16xi32>
        %parallel_loop3A_1416 = tpu.dynamic_gather %get3A_618[%parallel_loop3A_1415] in [0] : vector<16xf32>, vector<16xi32> -> vector<16xf32>
        %parallel_loop3A_1417 = vector.shape_cast %parallel_loop3A_1358 : vector<16xi32> to vector<16x1xi32>
        %parallel_loop3A_1418 = vector.shape_cast %parallel_loop3A_1417 : vector<16x1xi32> to vector<16xi32>
        %parallel_loop3A_1419 = tpu.dynamic_gather %get3A_620[%parallel_loop3A_1418] in [0] : vector<16xf32>, vector<16xi32> -> vector<16xf32>
        %parallel_loop3A_1420 = arith.select %parallel_loop3A_1355, %parallel_loop3A_1416, %parallel_loop3A_1419 : vector<16xi1>, vector<16xf32>
        %parallel_loop3A_1421 = arith.constant 720 : i32
        %parallel_loop3A_1422 = arith.addi %parallel_loop3A_864, %parallel_loop3A_1421 : i32
        %parallel_loop3A_1423 = arith.index_cast %parallel_loop3A_1422 : i32 to index
        %parallel_loop3A_1424 = tpu.vector_load %arg8[%parallel_loop3A_1423] {strides = array<i32>} : memref<32768xf32, #tpu.memory_space<vmem>>, vector<16xf32>,
        tpu.vector_store %arg8[%parallel_loop3A_1423], %parallel_loop3A_1420 {strides = array<i32>} : memref<32768xf32, #tpu.memory_space<vmem>>, vector<16xf32>,
        %parallel_loop3A_1425 = vector.shape_cast %parallel_loop3A_1358 : vector<16xi32> to vector<16x1xi32>
        %parallel_loop3A_1426 = vector.shape_cast %parallel_loop3A_1425 : vector<16x1xi32> to vector<16xi32>
        %parallel_loop3A_1427 = tpu.dynamic_gather %get3A_622[%parallel_loop3A_1426] in [0] : vector<16xf32>, vector<16xi32> -> vector<16xf32>
        %parallel_loop3A_1428 = vector.shape_cast %parallel_loop3A_1358 : vector<16xi32> to vector<16x1xi32>
        %parallel_loop3A_1429 = vector.shape_cast %parallel_loop3A_1428 : vector<16x1xi32> to vector<16xi32>
        %parallel_loop3A_1430 = tpu.dynamic_gather %get3A_624[%parallel_loop3A_1429] in [0] : vector<16xf32>, vector<16xi32> -> vector<16xf32>
        %parallel_loop3A_1431 = arith.select %parallel_loop3A_1355, %parallel_loop3A_1427, %parallel_loop3A_1430 : vector<16xi1>, vector<16xf32>
        %parallel_loop3A_1432 = arith.constant 848 : i32
        %parallel_loop3A_1433 = arith.addi %parallel_loop3A_864, %parallel_loop3A_1432 : i32
        %parallel_loop3A_1434 = arith.index_cast %parallel_loop3A_1433 : i32 to index
        %parallel_loop3A_1435 = tpu.vector_load %arg8[%parallel_loop3A_1434] {strides = array<i32>} : memref<32768xf32, #tpu.memory_space<vmem>>, vector<16xf32>,
        tpu.vector_store %arg8[%parallel_loop3A_1434], %parallel_loop3A_1431 {strides = array<i32>} : memref<32768xf32, #tpu.memory_space<vmem>>, vector<16xf32>,
        %parallel_loop3A_1436 = vector.shape_cast %parallel_loop3A_1358 : vector<16xi32> to vector<16x1xi32>
        %parallel_loop3A_1437 = vector.shape_cast %parallel_loop3A_1436 : vector<16x1xi32> to vector<16xi32>
        %parallel_loop3A_1438 = tpu.dynamic_gather %get3A_626[%parallel_loop3A_1437] in [0] : vector<16xf32>, vector<16xi32> -> vector<16xf32>
        %parallel_loop3A_1439 = vector.shape_cast %parallel_loop3A_1358 : vector<16xi32> to vector<16x1xi32>
        %parallel_loop3A_1440 = vector.shape_cast %parallel_loop3A_1439 : vector<16x1xi32> to vector<16xi32>
        %parallel_loop3A_1441 = tpu.dynamic_gather %get3A_628[%parallel_loop3A_1440] in [0] : vector<16xf32>, vector<16xi32> -> vector<16xf32>
        %parallel_loop3A_1442 = arith.select %parallel_loop3A_1355, %parallel_loop3A_1438, %parallel_loop3A_1441 : vector<16xi1>, vector<16xf32>
        %parallel_loop3A_1443 = arith.constant 976 : i32
        %parallel_loop3A_1444 = arith.addi %parallel_loop3A_864, %parallel_loop3A_1443 : i32
        %parallel_loop3A_1445 = arith.index_cast %parallel_loop3A_1444 : i32 to index
        %parallel_loop3A_1446 = tpu.vector_load %arg8[%parallel_loop3A_1445] {strides = array<i32>} : memref<32768xf32, #tpu.memory_space<vmem>>, vector<16xf32>,
        tpu.vector_store %arg8[%parallel_loop3A_1445], %parallel_loop3A_1442 {strides = array<i32>} : memref<32768xf32, #tpu.memory_space<vmem>>, vector<16xf32>,
        %parallel_loop3A_1447 = arith.index_cast %parallel_loop3A_862 : i32 to index
        %parallel_loop3A_1448 = arith.constant 96 : index
        %parallel_loop3A_1449 = tpu.vector_load %arg6[%parallel_loop3A_1447, %parallel_loop3A_1448] {strides = array<i32>} : memref<32x128xi32, #tpu.memory_space<vmem>>, vector<16xi32>,
        %parallel_loop3A_1450 = arith.constant 16 : i32
        %parallel_loop3A_1451 = vector.broadcast %parallel_loop3A_1450 : i32 to vector<16xi32>
        %parallel_loop3A_1452 = arith.cmpi slt, %parallel_loop3A_1449, %parallel_loop3A_1451 : vector<16xi32>
        %parallel_loop3A_1453 = arith.constant 15 : i32
        %parallel_loop3A_1454 = vector.broadcast %parallel_loop3A_1453 : i32 to vector<16xi32>
        %parallel_loop3A_1455 = arith.andi %parallel_loop3A_1449, %parallel_loop3A_1454 : vector<16xi32>
        %parallel_loop3A_1456 = vector.shape_cast %parallel_loop3A_1455 : vector<16xi32> to vector<16x1xi32>
        %parallel_loop3A_1457 = vector.shape_cast %parallel_loop3A_1456 : vector<16x1xi32> to vector<16xi32>
        %parallel_loop3A_1458 = tpu.dynamic_gather %get3A_598[%parallel_loop3A_1457] in [0] : vector<16xf32>, vector<16xi32> -> vector<16xf32>
        %parallel_loop3A_1459 = vector.shape_cast %parallel_loop3A_1455 : vector<16xi32> to vector<16x1xi32>
        %parallel_loop3A_1460 = vector.shape_cast %parallel_loop3A_1459 : vector<16x1xi32> to vector<16xi32>
        %parallel_loop3A_1461 = tpu.dynamic_gather %get3A_600[%parallel_loop3A_1460] in [0] : vector<16xf32>, vector<16xi32> -> vector<16xf32>
        %parallel_loop3A_1462 = arith.select %parallel_loop3A_1452, %parallel_loop3A_1458, %parallel_loop3A_1461 : vector<16xi1>, vector<16xf32>
        %parallel_loop3A_1463 = arith.constant 96 : i32
        %parallel_loop3A_1464 = arith.addi %parallel_loop3A_864, %parallel_loop3A_1463 : i32
        %parallel_loop3A_1465 = arith.index_cast %parallel_loop3A_1464 : i32 to index
        %parallel_loop3A_1466 = tpu.vector_load %arg8[%parallel_loop3A_1465] {strides = array<i32>} : memref<32768xf32, #tpu.memory_space<vmem>>, vector<16xf32>,
        tpu.vector_store %arg8[%parallel_loop3A_1465], %parallel_loop3A_1462 {strides = array<i32>} : memref<32768xf32, #tpu.memory_space<vmem>>, vector<16xf32>,
        %parallel_loop3A_1467 = vector.shape_cast %parallel_loop3A_1455 : vector<16xi32> to vector<16x1xi32>
        %parallel_loop3A_1468 = vector.shape_cast %parallel_loop3A_1467 : vector<16x1xi32> to vector<16xi32>
        %parallel_loop3A_1469 = tpu.dynamic_gather %get3A_602[%parallel_loop3A_1468] in [0] : vector<16xf32>, vector<16xi32> -> vector<16xf32>
        %parallel_loop3A_1470 = vector.shape_cast %parallel_loop3A_1455 : vector<16xi32> to vector<16x1xi32>
        %parallel_loop3A_1471 = vector.shape_cast %parallel_loop3A_1470 : vector<16x1xi32> to vector<16xi32>
        %parallel_loop3A_1472 = tpu.dynamic_gather %get3A_604[%parallel_loop3A_1471] in [0] : vector<16xf32>, vector<16xi32> -> vector<16xf32>
        %parallel_loop3A_1473 = arith.select %parallel_loop3A_1452, %parallel_loop3A_1469, %parallel_loop3A_1472 : vector<16xi1>, vector<16xf32>
        %parallel_loop3A_1474 = arith.constant 224 : i32
        %parallel_loop3A_1475 = arith.addi %parallel_loop3A_864, %parallel_loop3A_1474 : i32
        %parallel_loop3A_1476 = arith.index_cast %parallel_loop3A_1475 : i32 to index
        %parallel_loop3A_1477 = tpu.vector_load %arg8[%parallel_loop3A_1476] {strides = array<i32>} : memref<32768xf32, #tpu.memory_space<vmem>>, vector<16xf32>,
        tpu.vector_store %arg8[%parallel_loop3A_1476], %parallel_loop3A_1473 {strides = array<i32>} : memref<32768xf32, #tpu.memory_space<vmem>>, vector<16xf32>,
        %parallel_loop3A_1478 = vector.shape_cast %parallel_loop3A_1455 : vector<16xi32> to vector<16x1xi32>
        %parallel_loop3A_1479 = vector.shape_cast %parallel_loop3A_1478 : vector<16x1xi32> to vector<16xi32>
        %parallel_loop3A_1480 = tpu.dynamic_gather %get3A_606[%parallel_loop3A_1479] in [0] : vector<16xf32>, vector<16xi32> -> vector<16xf32>
        %parallel_loop3A_1481 = vector.shape_cast %parallel_loop3A_1455 : vector<16xi32> to vector<16x1xi32>
        %parallel_loop3A_1482 = vector.shape_cast %parallel_loop3A_1481 : vector<16x1xi32> to vector<16xi32>
        %parallel_loop3A_1483 = tpu.dynamic_gather %get3A_608[%parallel_loop3A_1482] in [0] : vector<16xf32>, vector<16xi32> -> vector<16xf32>
        %parallel_loop3A_1484 = arith.select %parallel_loop3A_1452, %parallel_loop3A_1480, %parallel_loop3A_1483 : vector<16xi1>, vector<16xf32>
        %parallel_loop3A_1485 = arith.constant 352 : i32
        %parallel_loop3A_1486 = arith.addi %parallel_loop3A_864, %parallel_loop3A_1485 : i32
        %parallel_loop3A_1487 = arith.index_cast %parallel_loop3A_1486 : i32 to index
        %parallel_loop3A_1488 = tpu.vector_load %arg8[%parallel_loop3A_1487] {strides = array<i32>} : memref<32768xf32, #tpu.memory_space<vmem>>, vector<16xf32>,
        tpu.vector_store %arg8[%parallel_loop3A_1487], %parallel_loop3A_1484 {strides = array<i32>} : memref<32768xf32, #tpu.memory_space<vmem>>, vector<16xf32>,
        %parallel_loop3A_1489 = vector.shape_cast %parallel_loop3A_1455 : vector<16xi32> to vector<16x1xi32>
        %parallel_loop3A_1490 = vector.shape_cast %parallel_loop3A_1489 : vector<16x1xi32> to vector<16xi32>
        %parallel_loop3A_1491 = tpu.dynamic_gather %get3A_610[%parallel_loop3A_1490] in [0] : vector<16xf32>, vector<16xi32> -> vector<16xf32>
        %parallel_loop3A_1492 = vector.shape_cast %parallel_loop3A_1455 : vector<16xi32> to vector<16x1xi32>
        %parallel_loop3A_1493 = vector.shape_cast %parallel_loop3A_1492 : vector<16x1xi32> to vector<16xi32>
        %parallel_loop3A_1494 = tpu.dynamic_gather %get3A_612[%parallel_loop3A_1493] in [0] : vector<16xf32>, vector<16xi32> -> vector<16xf32>
        %parallel_loop3A_1495 = arith.select %parallel_loop3A_1452, %parallel_loop3A_1491, %parallel_loop3A_1494 : vector<16xi1>, vector<16xf32>
        %parallel_loop3A_1496 = arith.constant 480 : i32
        %parallel_loop3A_1497 = arith.addi %parallel_loop3A_864, %parallel_loop3A_1496 : i32
        %parallel_loop3A_1498 = arith.index_cast %parallel_loop3A_1497 : i32 to index
        %parallel_loop3A_1499 = tpu.vector_load %arg8[%parallel_loop3A_1498] {strides = array<i32>} : memref<32768xf32, #tpu.memory_space<vmem>>, vector<16xf32>,
        tpu.vector_store %arg8[%parallel_loop3A_1498], %parallel_loop3A_1495 {strides = array<i32>} : memref<32768xf32, #tpu.memory_space<vmem>>, vector<16xf32>,
        %parallel_loop3A_1500 = vector.shape_cast %parallel_loop3A_1455 : vector<16xi32> to vector<16x1xi32>
        %parallel_loop3A_1501 = vector.shape_cast %parallel_loop3A_1500 : vector<16x1xi32> to vector<16xi32>
        %parallel_loop3A_1502 = tpu.dynamic_gather %get3A_614[%parallel_loop3A_1501] in [0] : vector<16xf32>, vector<16xi32> -> vector<16xf32>
        %parallel_loop3A_1503 = vector.shape_cast %parallel_loop3A_1455 : vector<16xi32> to vector<16x1xi32>
        %parallel_loop3A_1504 = vector.shape_cast %parallel_loop3A_1503 : vector<16x1xi32> to vector<16xi32>
        %parallel_loop3A_1505 = tpu.dynamic_gather %get3A_616[%parallel_loop3A_1504] in [0] : vector<16xf32>, vector<16xi32> -> vector<16xf32>
        %parallel_loop3A_1506 = arith.select %parallel_loop3A_1452, %parallel_loop3A_1502, %parallel_loop3A_1505 : vector<16xi1>, vector<16xf32>
        %parallel_loop3A_1507 = arith.constant 608 : i32
        %parallel_loop3A_1508 = arith.addi %parallel_loop3A_864, %parallel_loop3A_1507 : i32
        %parallel_loop3A_1509 = arith.index_cast %parallel_loop3A_1508 : i32 to index
        %parallel_loop3A_1510 = tpu.vector_load %arg8[%parallel_loop3A_1509] {strides = array<i32>} : memref<32768xf32, #tpu.memory_space<vmem>>, vector<16xf32>,
        tpu.vector_store %arg8[%parallel_loop3A_1509], %parallel_loop3A_1506 {strides = array<i32>} : memref<32768xf32, #tpu.memory_space<vmem>>, vector<16xf32>,
        %parallel_loop3A_1511 = vector.shape_cast %parallel_loop3A_1455 : vector<16xi32> to vector<16x1xi32>
        %parallel_loop3A_1512 = vector.shape_cast %parallel_loop3A_1511 : vector<16x1xi32> to vector<16xi32>
        %parallel_loop3A_1513 = tpu.dynamic_gather %get3A_618[%parallel_loop3A_1512] in [0] : vector<16xf32>, vector<16xi32> -> vector<16xf32>
        %parallel_loop3A_1514 = vector.shape_cast %parallel_loop3A_1455 : vector<16xi32> to vector<16x1xi32>
        %parallel_loop3A_1515 = vector.shape_cast %parallel_loop3A_1514 : vector<16x1xi32> to vector<16xi32>
        %parallel_loop3A_1516 = tpu.dynamic_gather %get3A_620[%parallel_loop3A_1515] in [0] : vector<16xf32>, vector<16xi32> -> vector<16xf32>
        %parallel_loop3A_1517 = arith.select %parallel_loop3A_1452, %parallel_loop3A_1513, %parallel_loop3A_1516 : vector<16xi1>, vector<16xf32>
        %parallel_loop3A_1518 = arith.constant 736 : i32
        %parallel_loop3A_1519 = arith.addi %parallel_loop3A_864, %parallel_loop3A_1518 : i32
        %parallel_loop3A_1520 = arith.index_cast %parallel_loop3A_1519 : i32 to index
        %parallel_loop3A_1521 = tpu.vector_load %arg8[%parallel_loop3A_1520] {strides = array<i32>} : memref<32768xf32, #tpu.memory_space<vmem>>, vector<16xf32>,
        tpu.vector_store %arg8[%parallel_loop3A_1520], %parallel_loop3A_1517 {strides = array<i32>} : memref<32768xf32, #tpu.memory_space<vmem>>, vector<16xf32>,
        %parallel_loop3A_1522 = vector.shape_cast %parallel_loop3A_1455 : vector<16xi32> to vector<16x1xi32>
        %parallel_loop3A_1523 = vector.shape_cast %parallel_loop3A_1522 : vector<16x1xi32> to vector<16xi32>
        %parallel_loop3A_1524 = tpu.dynamic_gather %get3A_622[%parallel_loop3A_1523] in [0] : vector<16xf32>, vector<16xi32> -> vector<16xf32>
        %parallel_loop3A_1525 = vector.shape_cast %parallel_loop3A_1455 : vector<16xi32> to vector<16x1xi32>
        %parallel_loop3A_1526 = vector.shape_cast %parallel_loop3A_1525 : vector<16x1xi32> to vector<16xi32>
        %parallel_loop3A_1527 = tpu.dynamic_gather %get3A_624[%parallel_loop3A_1526] in [0] : vector<16xf32>, vector<16xi32> -> vector<16xf32>
        %parallel_loop3A_1528 = arith.select %parallel_loop3A_1452, %parallel_loop3A_1524, %parallel_loop3A_1527 : vector<16xi1>, vector<16xf32>
        %parallel_loop3A_1529 = arith.constant 864 : i32
        %parallel_loop3A_1530 = arith.addi %parallel_loop3A_864, %parallel_loop3A_1529 : i32
        %parallel_loop3A_1531 = arith.index_cast %parallel_loop3A_1530 : i32 to index
        %parallel_loop3A_1532 = tpu.vector_load %arg8[%parallel_loop3A_1531] {strides = array<i32>} : memref<32768xf32, #tpu.memory_space<vmem>>, vector<16xf32>,
        tpu.vector_store %arg8[%parallel_loop3A_1531], %parallel_loop3A_1528 {strides = array<i32>} : memref<32768xf32, #tpu.memory_space<vmem>>, vector<16xf32>,
        %parallel_loop3A_1533 = vector.shape_cast %parallel_loop3A_1455 : vector<16xi32> to vector<16x1xi32>
        %parallel_loop3A_1534 = vector.shape_cast %parallel_loop3A_1533 : vector<16x1xi32> to vector<16xi32>
        %parallel_loop3A_1535 = tpu.dynamic_gather %get3A_626[%parallel_loop3A_1534] in [0] : vector<16xf32>, vector<16xi32> -> vector<16xf32>
        %parallel_loop3A_1536 = vector.shape_cast %parallel_loop3A_1455 : vector<16xi32> to vector<16x1xi32>
        %parallel_loop3A_1537 = vector.shape_cast %parallel_loop3A_1536 : vector<16x1xi32> to vector<16xi32>
        %parallel_loop3A_1538 = tpu.dynamic_gather %get3A_628[%parallel_loop3A_1537] in [0] : vector<16xf32>, vector<16xi32> -> vector<16xf32>
        %parallel_loop3A_1539 = arith.select %parallel_loop3A_1452, %parallel_loop3A_1535, %parallel_loop3A_1538 : vector<16xi1>, vector<16xf32>
        %parallel_loop3A_1540 = arith.constant 992 : i32
        %parallel_loop3A_1541 = arith.addi %parallel_loop3A_864, %parallel_loop3A_1540 : i32
        %parallel_loop3A_1542 = arith.index_cast %parallel_loop3A_1541 : i32 to index
        %parallel_loop3A_1543 = tpu.vector_load %arg8[%parallel_loop3A_1542] {strides = array<i32>} : memref<32768xf32, #tpu.memory_space<vmem>>, vector<16xf32>,
        tpu.vector_store %arg8[%parallel_loop3A_1542], %parallel_loop3A_1539 {strides = array<i32>} : memref<32768xf32, #tpu.memory_space<vmem>>, vector<16xf32>,
        %parallel_loop3A_1544 = arith.index_cast %parallel_loop3A_862 : i32 to index
        %parallel_loop3A_1545 = arith.constant 112 : index
        %parallel_loop3A_1546 = tpu.vector_load %arg6[%parallel_loop3A_1544, %parallel_loop3A_1545] {strides = array<i32>} : memref<32x128xi32, #tpu.memory_space<vmem>>, vector<16xi32>,
        %parallel_loop3A_1547 = arith.constant 16 : i32
        %parallel_loop3A_1548 = vector.broadcast %parallel_loop3A_1547 : i32 to vector<16xi32>
        %parallel_loop3A_1549 = arith.cmpi slt, %parallel_loop3A_1546, %parallel_loop3A_1548 : vector<16xi32>
        %parallel_loop3A_1550 = arith.constant 15 : i32
        %parallel_loop3A_1551 = vector.broadcast %parallel_loop3A_1550 : i32 to vector<16xi32>
        %parallel_loop3A_1552 = arith.andi %parallel_loop3A_1546, %parallel_loop3A_1551 : vector<16xi32>
        %parallel_loop3A_1553 = vector.shape_cast %parallel_loop3A_1552 : vector<16xi32> to vector<16x1xi32>
        %parallel_loop3A_1554 = vector.shape_cast %parallel_loop3A_1553 : vector<16x1xi32> to vector<16xi32>
        %parallel_loop3A_1555 = tpu.dynamic_gather %get3A_598[%parallel_loop3A_1554] in [0] : vector<16xf32>, vector<16xi32> -> vector<16xf32>
        %parallel_loop3A_1556 = vector.shape_cast %parallel_loop3A_1552 : vector<16xi32> to vector<16x1xi32>
        %parallel_loop3A_1557 = vector.shape_cast %parallel_loop3A_1556 : vector<16x1xi32> to vector<16xi32>
        %parallel_loop3A_1558 = tpu.dynamic_gather %get3A_600[%parallel_loop3A_1557] in [0] : vector<16xf32>, vector<16xi32> -> vector<16xf32>
        %parallel_loop3A_1559 = arith.select %parallel_loop3A_1549, %parallel_loop3A_1555, %parallel_loop3A_1558 : vector<16xi1>, vector<16xf32>
        %parallel_loop3A_1560 = arith.constant 112 : i32
        %parallel_loop3A_1561 = arith.addi %parallel_loop3A_864, %parallel_loop3A_1560 : i32
        %parallel_loop3A_1562 = arith.index_cast %parallel_loop3A_1561 : i32 to index
        %parallel_loop3A_1563 = tpu.vector_load %arg8[%parallel_loop3A_1562] {strides = array<i32>} : memref<32768xf32, #tpu.memory_space<vmem>>, vector<16xf32>,
        tpu.vector_store %arg8[%parallel_loop3A_1562], %parallel_loop3A_1559 {strides = array<i32>} : memref<32768xf32, #tpu.memory_space<vmem>>, vector<16xf32>,
        %parallel_loop3A_1564 = vector.shape_cast %parallel_loop3A_1552 : vector<16xi32> to vector<16x1xi32>
        %parallel_loop3A_1565 = vector.shape_cast %parallel_loop3A_1564 : vector<16x1xi32> to vector<16xi32>
        %parallel_loop3A_1566 = tpu.dynamic_gather %get3A_602[%parallel_loop3A_1565] in [0] : vector<16xf32>, vector<16xi32> -> vector<16xf32>
        %parallel_loop3A_1567 = vector.shape_cast %parallel_loop3A_1552 : vector<16xi32> to vector<16x1xi32>
        %parallel_loop3A_1568 = vector.shape_cast %parallel_loop3A_1567 : vector<16x1xi32> to vector<16xi32>
        %parallel_loop3A_1569 = tpu.dynamic_gather %get3A_604[%parallel_loop3A_1568] in [0] : vector<16xf32>, vector<16xi32> -> vector<16xf32>
        %parallel_loop3A_1570 = arith.select %parallel_loop3A_1549, %parallel_loop3A_1566, %parallel_loop3A_1569 : vector<16xi1>, vector<16xf32>
        %parallel_loop3A_1571 = arith.constant 240 : i32
        %parallel_loop3A_1572 = arith.addi %parallel_loop3A_864, %parallel_loop3A_1571 : i32
        %parallel_loop3A_1573 = arith.index_cast %parallel_loop3A_1572 : i32 to index
        %parallel_loop3A_1574 = tpu.vector_load %arg8[%parallel_loop3A_1573] {strides = array<i32>} : memref<32768xf32, #tpu.memory_space<vmem>>, vector<16xf32>,
        tpu.vector_store %arg8[%parallel_loop3A_1573], %parallel_loop3A_1570 {strides = array<i32>} : memref<32768xf32, #tpu.memory_space<vmem>>, vector<16xf32>,
        %parallel_loop3A_1575 = vector.shape_cast %parallel_loop3A_1552 : vector<16xi32> to vector<16x1xi32>
        %parallel_loop3A_1576 = vector.shape_cast %parallel_loop3A_1575 : vector<16x1xi32> to vector<16xi32>
        %parallel_loop3A_1577 = tpu.dynamic_gather %get3A_606[%parallel_loop3A_1576] in [0] : vector<16xf32>, vector<16xi32> -> vector<16xf32>
        %parallel_loop3A_1578 = vector.shape_cast %parallel_loop3A_1552 : vector<16xi32> to vector<16x1xi32>
        %parallel_loop3A_1579 = vector.shape_cast %parallel_loop3A_1578 : vector<16x1xi32> to vector<16xi32>
        %parallel_loop3A_1580 = tpu.dynamic_gather %get3A_608[%parallel_loop3A_1579] in [0] : vector<16xf32>, vector<16xi32> -> vector<16xf32>
        %parallel_loop3A_1581 = arith.select %parallel_loop3A_1549, %parallel_loop3A_1577, %parallel_loop3A_1580 : vector<16xi1>, vector<16xf32>
        %parallel_loop3A_1582 = arith.constant 368 : i32
        %parallel_loop3A_1583 = arith.addi %parallel_loop3A_864, %parallel_loop3A_1582 : i32
        %parallel_loop3A_1584 = arith.index_cast %parallel_loop3A_1583 : i32 to index
        %parallel_loop3A_1585 = tpu.vector_load %arg8[%parallel_loop3A_1584] {strides = array<i32>} : memref<32768xf32, #tpu.memory_space<vmem>>, vector<16xf32>,
        tpu.vector_store %arg8[%parallel_loop3A_1584], %parallel_loop3A_1581 {strides = array<i32>} : memref<32768xf32, #tpu.memory_space<vmem>>, vector<16xf32>,
        %parallel_loop3A_1586 = vector.shape_cast %parallel_loop3A_1552 : vector<16xi32> to vector<16x1xi32>
        %parallel_loop3A_1587 = vector.shape_cast %parallel_loop3A_1586 : vector<16x1xi32> to vector<16xi32>
        %parallel_loop3A_1588 = tpu.dynamic_gather %get3A_610[%parallel_loop3A_1587] in [0] : vector<16xf32>, vector<16xi32> -> vector<16xf32>
        %parallel_loop3A_1589 = vector.shape_cast %parallel_loop3A_1552 : vector<16xi32> to vector<16x1xi32>
        %parallel_loop3A_1590 = vector.shape_cast %parallel_loop3A_1589 : vector<16x1xi32> to vector<16xi32>
        %parallel_loop3A_1591 = tpu.dynamic_gather %get3A_612[%parallel_loop3A_1590] in [0] : vector<16xf32>, vector<16xi32> -> vector<16xf32>
        %parallel_loop3A_1592 = arith.select %parallel_loop3A_1549, %parallel_loop3A_1588, %parallel_loop3A_1591 : vector<16xi1>, vector<16xf32>
        %parallel_loop3A_1593 = arith.constant 496 : i32
        %parallel_loop3A_1594 = arith.addi %parallel_loop3A_864, %parallel_loop3A_1593 : i32
        %parallel_loop3A_1595 = arith.index_cast %parallel_loop3A_1594 : i32 to index
        %parallel_loop3A_1596 = tpu.vector_load %arg8[%parallel_loop3A_1595] {strides = array<i32>} : memref<32768xf32, #tpu.memory_space<vmem>>, vector<16xf32>,
        tpu.vector_store %arg8[%parallel_loop3A_1595], %parallel_loop3A_1592 {strides = array<i32>} : memref<32768xf32, #tpu.memory_space<vmem>>, vector<16xf32>,
        %parallel_loop3A_1597 = vector.shape_cast %parallel_loop3A_1552 : vector<16xi32> to vector<16x1xi32>
        %parallel_loop3A_1598 = vector.shape_cast %parallel_loop3A_1597 : vector<16x1xi32> to vector<16xi32>
        %parallel_loop3A_1599 = tpu.dynamic_gather %get3A_614[%parallel_loop3A_1598] in [0] : vector<16xf32>, vector<16xi32> -> vector<16xf32>
        %parallel_loop3A_1600 = vector.shape_cast %parallel_loop3A_1552 : vector<16xi32> to vector<16x1xi32>
        %parallel_loop3A_1601 = vector.shape_cast %parallel_loop3A_1600 : vector<16x1xi32> to vector<16xi32>
        %parallel_loop3A_1602 = tpu.dynamic_gather %get3A_616[%parallel_loop3A_1601] in [0] : vector<16xf32>, vector<16xi32> -> vector<16xf32>
        %parallel_loop3A_1603 = arith.select %parallel_loop3A_1549, %parallel_loop3A_1599, %parallel_loop3A_1602 : vector<16xi1>, vector<16xf32>
        %parallel_loop3A_1604 = arith.constant 624 : i32
        %parallel_loop3A_1605 = arith.addi %parallel_loop3A_864, %parallel_loop3A_1604 : i32
        %parallel_loop3A_1606 = arith.index_cast %parallel_loop3A_1605 : i32 to index
        %parallel_loop3A_1607 = tpu.vector_load %arg8[%parallel_loop3A_1606] {strides = array<i32>} : memref<32768xf32, #tpu.memory_space<vmem>>, vector<16xf32>,
        tpu.vector_store %arg8[%parallel_loop3A_1606], %parallel_loop3A_1603 {strides = array<i32>} : memref<32768xf32, #tpu.memory_space<vmem>>, vector<16xf32>,
        %parallel_loop3A_1608 = vector.shape_cast %parallel_loop3A_1552 : vector<16xi32> to vector<16x1xi32>
        %parallel_loop3A_1609 = vector.shape_cast %parallel_loop3A_1608 : vector<16x1xi32> to vector<16xi32>
        %parallel_loop3A_1610 = tpu.dynamic_gather %get3A_618[%parallel_loop3A_1609] in [0] : vector<16xf32>, vector<16xi32> -> vector<16xf32>
        %parallel_loop3A_1611 = vector.shape_cast %parallel_loop3A_1552 : vector<16xi32> to vector<16x1xi32>
        %parallel_loop3A_1612 = vector.shape_cast %parallel_loop3A_1611 : vector<16x1xi32> to vector<16xi32>
        %parallel_loop3A_1613 = tpu.dynamic_gather %get3A_620[%parallel_loop3A_1612] in [0] : vector<16xf32>, vector<16xi32> -> vector<16xf32>
        %parallel_loop3A_1614 = arith.select %parallel_loop3A_1549, %parallel_loop3A_1610, %parallel_loop3A_1613 : vector<16xi1>, vector<16xf32>
        %parallel_loop3A_1615 = arith.constant 752 : i32
        %parallel_loop3A_1616 = arith.addi %parallel_loop3A_864, %parallel_loop3A_1615 : i32
        %parallel_loop3A_1617 = arith.index_cast %parallel_loop3A_1616 : i32 to index
        %parallel_loop3A_1618 = tpu.vector_load %arg8[%parallel_loop3A_1617] {strides = array<i32>} : memref<32768xf32, #tpu.memory_space<vmem>>, vector<16xf32>,
        tpu.vector_store %arg8[%parallel_loop3A_1617], %parallel_loop3A_1614 {strides = array<i32>} : memref<32768xf32, #tpu.memory_space<vmem>>, vector<16xf32>,
        %parallel_loop3A_1619 = vector.shape_cast %parallel_loop3A_1552 : vector<16xi32> to vector<16x1xi32>
        %parallel_loop3A_1620 = vector.shape_cast %parallel_loop3A_1619 : vector<16x1xi32> to vector<16xi32>
        %parallel_loop3A_1621 = tpu.dynamic_gather %get3A_622[%parallel_loop3A_1620] in [0] : vector<16xf32>, vector<16xi32> -> vector<16xf32>
        %parallel_loop3A_1622 = vector.shape_cast %parallel_loop3A_1552 : vector<16xi32> to vector<16x1xi32>
        %parallel_loop3A_1623 = vector.shape_cast %parallel_loop3A_1622 : vector<16x1xi32> to vector<16xi32>
        %parallel_loop3A_1624 = tpu.dynamic_gather %get3A_624[%parallel_loop3A_1623] in [0] : vector<16xf32>, vector<16xi32> -> vector<16xf32>
        %parallel_loop3A_1625 = arith.select %parallel_loop3A_1549, %parallel_loop3A_1621, %parallel_loop3A_1624 : vector<16xi1>, vector<16xf32>
        %parallel_loop3A_1626 = arith.constant 880 : i32
        %parallel_loop3A_1627 = arith.addi %parallel_loop3A_864, %parallel_loop3A_1626 : i32
        %parallel_loop3A_1628 = arith.index_cast %parallel_loop3A_1627 : i32 to index
        %parallel_loop3A_1629 = tpu.vector_load %arg8[%parallel_loop3A_1628] {strides = array<i32>} : memref<32768xf32, #tpu.memory_space<vmem>>, vector<16xf32>,
        tpu.vector_store %arg8[%parallel_loop3A_1628], %parallel_loop3A_1625 {strides = array<i32>} : memref<32768xf32, #tpu.memory_space<vmem>>, vector<16xf32>,
        %parallel_loop3A_1630 = vector.shape_cast %parallel_loop3A_1552 : vector<16xi32> to vector<16x1xi32>
        %parallel_loop3A_1631 = vector.shape_cast %parallel_loop3A_1630 : vector<16x1xi32> to vector<16xi32>
        %parallel_loop3A_1632 = tpu.dynamic_gather %get3A_626[%parallel_loop3A_1631] in [0] : vector<16xf32>, vector<16xi32> -> vector<16xf32>
        %parallel_loop3A_1633 = vector.shape_cast %parallel_loop3A_1552 : vector<16xi32> to vector<16x1xi32>
        %parallel_loop3A_1634 = vector.shape_cast %parallel_loop3A_1633 : vector<16x1xi32> to vector<16xi32>
        %parallel_loop3A_1635 = tpu.dynamic_gather %get3A_628[%parallel_loop3A_1634] in [0] : vector<16xf32>, vector<16xi32> -> vector<16xf32>
        %parallel_loop3A_1636 = arith.select %parallel_loop3A_1549, %parallel_loop3A_1632, %parallel_loop3A_1635 : vector<16xi1>, vector<16xf32>
        %parallel_loop3A_1637 = arith.constant 1008 : i32
        %parallel_loop3A_1638 = arith.addi %parallel_loop3A_864, %parallel_loop3A_1637 : i32
        %parallel_loop3A_1639 = arith.index_cast %parallel_loop3A_1638 : i32 to index
        %parallel_loop3A_1640 = tpu.vector_load %arg8[%parallel_loop3A_1639] {strides = array<i32>} : memref<32768xf32, #tpu.memory_space<vmem>>, vector<16xf32>,
        tpu.vector_store %arg8[%parallel_loop3A_1639], %parallel_loop3A_1636 {strides = array<i32>} : memref<32768xf32, #tpu.memory_space<vmem>>, vector<16xf32>,
      } {sc.loop_unroll_factor = 1 : i64, sc.parallel_access}
      %jit3A_632 = arith.constant 4 : i32
      %div3A_633 = arith.divsi %add3A_410, %jit3A_632 : i32
      %sign3A_634 = arith.constant 0 : i32
      %sign3A_635 = arith.cmpi sgt, %add3A_410, %sign3A_634 : i32
      %sign3A_636 = arith.extui %sign3A_635 : i1 to i32
      %sign3A_637 = arith.constant 0 : i32
      %sign3A_638 = arith.cmpi slt, %add3A_410, %sign3A_637 : i32
      %sign3A_639 = arith.extui %sign3A_638 : i1 to i32
      %sign3A_640 = arith.subi %sign3A_636, %sign3A_639 : i32
      %sign3A_641 = arith.constant 0 : i32
      %sign3A_642 = arith.cmpi sgt, %jit3A_632, %sign3A_641 : i32
      %sign3A_643 = arith.extui %sign3A_642 : i1 to i32
      %sign3A_644 = arith.constant 0 : i32
      %sign3A_645 = arith.cmpi slt, %jit3A_632, %sign3A_644 : i32
      %sign3A_646 = arith.extui %sign3A_645 : i1 to i32
      %sign3A_647 = arith.subi %sign3A_643, %sign3A_646 : i32
      %ne3A_648 = arith.cmpi ne, %sign3A_640, %sign3A_647 : i32
      %rem3A_649 = arith.remsi %add3A_410, %jit3A_632 : i32
      %ne3A_650 = arith.constant 0 : i32
      %ne3A_651 = arith.cmpi ne, %rem3A_649, %ne3A_650 : i32
      %and3A_652 = arith.andi %ne3A_648, %ne3A_651 : i1
      %sub3A_653 = arith.constant 1 : i32
      %sub3A_654 = arith.subi %div3A_633, %sub3A_653 : i32
      %select_n3A_655 = arith.select %and3A_652, %sub3A_654, %div3A_633 : i32
      %jit3A_656 = arith.constant 4 : i32
      %eq3A_657 = arith.constant 0 : i32
      %eq3A_658 = arith.cmpi eq, %jit3A_656, %eq3A_657 : i32
      %jit3A_659 = arith.constant 1 : i32
      %select_n3A_660 = arith.select %eq3A_658, %jit3A_659, %jit3A_656 : i32
      %rem3A_661 = arith.remsi %add3A_410, %select_n3A_660 : i32
      %ne3A_662 = arith.constant 0 : i32
      %ne3A_663 = arith.cmpi ne, %rem3A_661, %ne3A_662 : i32
      %lt3A_664 = arith.constant 0 : i32
      %lt3A_665 = arith.cmpi slt, %rem3A_661, %lt3A_664 : i32
      %lt3A_666 = arith.constant 0 : i32
      %lt3A_667 = arith.cmpi slt, %select_n3A_660, %lt3A_666 : i32
      %ne3A_668 = arith.xori %lt3A_665, %lt3A_667 : i1
      %and3A_669 = arith.andi %ne3A_668, %ne3A_663 : i1
      %add3A_670 = arith.addi %rem3A_661, %select_n3A_660 : i32
      %select_n3A_671 = arith.select %and3A_669, %add3A_670, %rem3A_661 : i32
      %mul3A_672 = arith.constant 131072 : i32
      %mul3A_673 = arith.muli %select_n3A_655, %mul3A_672 : i32
      %mul3A_674 = arith.constant 32768 : i32
      %mul3A_675 = arith.muli %select_n3A_671, %mul3A_674 : i32
      %add3A_676 = arith.addi %mul3A_673, %mul3A_675 : i32
      %dma_start3A_677 = tpu.memref_slice %arg4[%add3A_676] : memref<26214400xf32, #tpu.memory_space<hbm>> -> memref<32768xf32, #tpu.memory_space<hbm>>
      %dma_start3A_678 = tpu.memref_slice %arg4[%add3A_676] : memref<26214400xf32, #tpu.memory_space<hbm>> -> memref<32768xf32, #tpu.memory_space<hbm>>
      tpu.enqueue_dma source(%arg8 : memref<32768xf32, #tpu.memory_space<vmem>>) target(%dma_start3A_678 : memref<32768xf32, #tpu.memory_space<hbm>>) target_semaphore(%arg12 : memref<!tpu.dma_semaphore, #tpu.memory_space<semaphore_mem>>)
      %lt3A_679 = arith.constant 12 : i32
      %lt3A_680 = arith.cmpi slt, %scan3A_407, %lt3A_679 : i32
      %convert_element_type3A_681 = arith.extui %lt3A_680 : i1 to i32
      %cond3A_682 = arith.constant 0 : i32
      %cond3A_683 = arith.cmpi ne, %convert_element_type3A_681, %cond3A_682 : i32
      scf.if %cond3A_683 {
        %add3A_862 = arith.constant 2 : i32
        %add3A_863 = arith.addi %add3A_410, %add3A_862 : i32
        %jit3A_864 = arith.constant 4 : i32
        %div3A_865 = arith.divsi %add3A_863, %jit3A_864 : i32
        %sign3A_866 = arith.constant 0 : i32
        %sign3A_867 = arith.cmpi sgt, %add3A_863, %sign3A_866 : i32
        %sign3A_868 = arith.extui %sign3A_867 : i1 to i32
        %sign3A_869 = arith.constant 0 : i32
        %sign3A_870 = arith.cmpi slt, %add3A_863, %sign3A_869 : i32
        %sign3A_871 = arith.extui %sign3A_870 : i1 to i32
        %sign3A_872 = arith.subi %sign3A_868, %sign3A_871 : i32
        %sign3A_873 = arith.constant 0 : i32
        %sign3A_874 = arith.cmpi sgt, %jit3A_864, %sign3A_873 : i32
        %sign3A_875 = arith.extui %sign3A_874 : i1 to i32
        %sign3A_876 = arith.constant 0 : i32
        %sign3A_877 = arith.cmpi slt, %jit3A_864, %sign3A_876 : i32
        %sign3A_878 = arith.extui %sign3A_877 : i1 to i32
        %sign3A_879 = arith.subi %sign3A_875, %sign3A_878 : i32
        %ne3A_880 = arith.cmpi ne, %sign3A_872, %sign3A_879 : i32
        %rem3A_881 = arith.remsi %add3A_863, %jit3A_864 : i32
        %ne3A_882 = arith.constant 0 : i32
        %ne3A_883 = arith.cmpi ne, %rem3A_881, %ne3A_882 : i32
        %and3A_884 = arith.andi %ne3A_880, %ne3A_883 : i1
        %sub3A_885 = arith.constant 1 : i32
        %sub3A_886 = arith.subi %div3A_865, %sub3A_885 : i32
        %select_n3A_887 = arith.select %and3A_884, %sub3A_886, %div3A_865 : i32
        %jit3A_888 = arith.constant 4 : i32
        %eq3A_889 = arith.constant 0 : i32
        %eq3A_890 = arith.cmpi eq, %jit3A_888, %eq3A_889 : i32
        %jit3A_891 = arith.constant 1 : i32
        %select_n3A_892 = arith.select %eq3A_890, %jit3A_891, %jit3A_888 : i32
        %rem3A_893 = arith.remsi %add3A_863, %select_n3A_892 : i32
        %ne3A_894 = arith.constant 0 : i32
        %ne3A_895 = arith.cmpi ne, %rem3A_893, %ne3A_894 : i32
        %lt3A_896 = arith.constant 0 : i32
        %lt3A_897 = arith.cmpi slt, %rem3A_893, %lt3A_896 : i32
        %lt3A_898 = arith.constant 0 : i32
        %lt3A_899 = arith.cmpi slt, %select_n3A_892, %lt3A_898 : i32
        %ne3A_900 = arith.xori %lt3A_897, %lt3A_899 : i1
        %and3A_901 = arith.andi %ne3A_900, %ne3A_895 : i1
        %add3A_902 = arith.addi %rem3A_893, %select_n3A_892 : i32
        %select_n3A_903 = arith.select %and3A_901, %add3A_902, %rem3A_893 : i32
        %jit3A_904 = arith.constant 8 : i32
        %div3A_905 = arith.divsi %select_n3A_887, %jit3A_904 : i32
        %sign3A_906 = arith.constant 0 : i32
        %sign3A_907 = arith.cmpi sgt, %select_n3A_887, %sign3A_906 : i32
        %sign3A_908 = arith.extui %sign3A_907 : i1 to i32
        %sign3A_909 = arith.constant 0 : i32
        %sign3A_910 = arith.cmpi slt, %select_n3A_887, %sign3A_909 : i32
        %sign3A_911 = arith.extui %sign3A_910 : i1 to i32
        %sign3A_912 = arith.subi %sign3A_908, %sign3A_911 : i32
        %sign3A_913 = arith.constant 0 : i32
        %sign3A_914 = arith.cmpi sgt, %jit3A_904, %sign3A_913 : i32
        %sign3A_915 = arith.extui %sign3A_914 : i1 to i32
        %sign3A_916 = arith.constant 0 : i32
        %sign3A_917 = arith.cmpi slt, %jit3A_904, %sign3A_916 : i32
        %sign3A_918 = arith.extui %sign3A_917 : i1 to i32
        %sign3A_919 = arith.subi %sign3A_915, %sign3A_918 : i32
        %ne3A_920 = arith.cmpi ne, %sign3A_912, %sign3A_919 : i32
        %rem3A_921 = arith.remsi %select_n3A_887, %jit3A_904 : i32
        %ne3A_922 = arith.constant 0 : i32
        %ne3A_923 = arith.cmpi ne, %rem3A_921, %ne3A_922 : i32
        %and3A_924 = arith.andi %ne3A_920, %ne3A_923 : i1
        %sub3A_925 = arith.constant 1 : i32
        %sub3A_926 = arith.subi %div3A_905, %sub3A_925 : i32
        %select_n3A_927 = arith.select %and3A_924, %sub3A_926, %div3A_905 : i32
        %mul3A_928 = arith.constant 128 : i32
        %mul3A_929 = arith.muli %select_n3A_927, %mul3A_928 : i32
        %mul3A_930 = arith.constant 32 : i32
        %mul3A_931 = arith.muli %select_n3A_903, %mul3A_930 : i32
        %add3A_932 = arith.addi %mul3A_929, %mul3A_931 : i32
        %jit3A_933 = arith.constant 8 : i32
        %eq3A_934 = arith.constant 0 : i32
        %eq3A_935 = arith.cmpi eq, %jit3A_933, %eq3A_934 : i32
        %jit3A_936 = arith.constant 1 : i32
        %select_n3A_937 = arith.select %eq3A_935, %jit3A_936, %jit3A_933 : i32
        %rem3A_938 = arith.remsi %select_n3A_887, %select_n3A_937 : i32
        %ne3A_939 = arith.constant 0 : i32
        %ne3A_940 = arith.cmpi ne, %rem3A_938, %ne3A_939 : i32
        %lt3A_941 = arith.constant 0 : i32
        %lt3A_942 = arith.cmpi slt, %rem3A_938, %lt3A_941 : i32
        %lt3A_943 = arith.constant 0 : i32
        %lt3A_944 = arith.cmpi slt, %select_n3A_937, %lt3A_943 : i32
        %ne3A_945 = arith.xori %lt3A_942, %lt3A_944 : i1
        %and3A_946 = arith.andi %ne3A_945, %ne3A_940 : i1
        %add3A_947 = arith.addi %rem3A_938, %select_n3A_937 : i32
        %select_n3A_948 = arith.select %and3A_946, %add3A_947, %rem3A_938 : i32
        %dma_start3A_949 = arith.constant 0 : i32
        %dma_start3A_950 = tpu.memref_slice %arg2[%add3A_932, %select_n3A_948, %dma_start3A_949] : memref<3200x8x128xi32, #tpu.memory_space<hbm>> -> memref<32x1x128xi32, #tpu.memory_space<hbm>>
        %dma_start3A_951 = tpu.memref_squeeze %dma_start3A_950 : memref<32x1x128xi32, #tpu.memory_space<hbm>> -> memref<32x128xi32, #tpu.memory_space<hbm>>
        %dma_start3A_952 = arith.constant 0 : i32
        %dma_start3A_953 = tpu.memref_slice %arg2[%add3A_932, %select_n3A_948, %dma_start3A_952] : memref<3200x8x128xi32, #tpu.memory_space<hbm>> -> memref<32x1x128xi32, #tpu.memory_space<hbm>>
        %dma_start3A_954 = tpu.memref_squeeze %dma_start3A_953 : memref<32x1x128xi32, #tpu.memory_space<hbm>> -> memref<32x128xi32, #tpu.memory_space<hbm>>
        tpu.enqueue_dma source(%dma_start3A_954 : memref<32x128xi32, #tpu.memory_space<hbm>>) target(%arg6 : memref<32x128xi32, #tpu.memory_space<vmem>>) target_semaphore(%arg10 : memref<!tpu.dma_semaphore, #tpu.memory_space<semaphore_mem>>)
      } else {
      }
      %jit3A_684 = arith.constant 4 : i32
      %div3A_685 = arith.divsi %add3A_412, %jit3A_684 : i32
      %sign3A_686 = arith.constant 0 : i32
      %sign3A_687 = arith.cmpi sgt, %add3A_412, %sign3A_686 : i32
      %sign3A_688 = arith.extui %sign3A_687 : i1 to i32
      %sign3A_689 = arith.constant 0 : i32
      %sign3A_690 = arith.cmpi slt, %add3A_412, %sign3A_689 : i32
      %sign3A_691 = arith.extui %sign3A_690 : i1 to i32
      %sign3A_692 = arith.subi %sign3A_688, %sign3A_691 : i32
      %sign3A_693 = arith.constant 0 : i32
      %sign3A_694 = arith.cmpi sgt, %jit3A_684, %sign3A_693 : i32
      %sign3A_695 = arith.extui %sign3A_694 : i1 to i32
      %sign3A_696 = arith.constant 0 : i32
      %sign3A_697 = arith.cmpi slt, %jit3A_684, %sign3A_696 : i32
      %sign3A_698 = arith.extui %sign3A_697 : i1 to i32
      %sign3A_699 = arith.subi %sign3A_695, %sign3A_698 : i32
      %ne3A_700 = arith.cmpi ne, %sign3A_692, %sign3A_699 : i32
      %rem3A_701 = arith.remsi %add3A_412, %jit3A_684 : i32
      %ne3A_702 = arith.constant 0 : i32
      %ne3A_703 = arith.cmpi ne, %rem3A_701, %ne3A_702 : i32
      %and3A_704 = arith.andi %ne3A_700, %ne3A_703 : i1
      %sub3A_705 = arith.constant 1 : i32
      %sub3A_706 = arith.subi %div3A_685, %sub3A_705 : i32
      %select_n3A_707 = arith.select %and3A_704, %sub3A_706, %div3A_685 : i32
      %jit3A_708 = arith.constant 4 : i32
      %eq3A_709 = arith.constant 0 : i32
      %eq3A_710 = arith.cmpi eq, %jit3A_708, %eq3A_709 : i32
      %jit3A_711 = arith.constant 1 : i32
      %select_n3A_712 = arith.select %eq3A_710, %jit3A_711, %jit3A_708 : i32
      %rem3A_713 = arith.remsi %add3A_412, %select_n3A_712 : i32
      %ne3A_714 = arith.constant 0 : i32
      %ne3A_715 = arith.cmpi ne, %rem3A_713, %ne3A_714 : i32
      %lt3A_716 = arith.constant 0 : i32
      %lt3A_717 = arith.cmpi slt, %rem3A_713, %lt3A_716 : i32
      %lt3A_718 = arith.constant 0 : i32
      %lt3A_719 = arith.cmpi slt, %select_n3A_712, %lt3A_718 : i32
      %ne3A_720 = arith.xori %lt3A_717, %lt3A_719 : i1
      %and3A_721 = arith.andi %ne3A_720, %ne3A_715 : i1
      %add3A_722 = arith.addi %rem3A_713, %select_n3A_712 : i32
      %select_n3A_723 = arith.select %and3A_721, %add3A_722, %rem3A_713 : i32
      %jit3A_724 = arith.constant 8 : i32
      %div3A_725 = arith.divsi %select_n3A_707, %jit3A_724 : i32
      %sign3A_726 = arith.constant 0 : i32
      %sign3A_727 = arith.cmpi sgt, %select_n3A_707, %sign3A_726 : i32
      %sign3A_728 = arith.extui %sign3A_727 : i1 to i32
      %sign3A_729 = arith.constant 0 : i32
      %sign3A_730 = arith.cmpi slt, %select_n3A_707, %sign3A_729 : i32
      %sign3A_731 = arith.extui %sign3A_730 : i1 to i32
      %sign3A_732 = arith.subi %sign3A_728, %sign3A_731 : i32
      %sign3A_733 = arith.constant 0 : i32
      %sign3A_734 = arith.cmpi sgt, %jit3A_724, %sign3A_733 : i32
      %sign3A_735 = arith.extui %sign3A_734 : i1 to i32
      %sign3A_736 = arith.constant 0 : i32
      %sign3A_737 = arith.cmpi slt, %jit3A_724, %sign3A_736 : i32
      %sign3A_738 = arith.extui %sign3A_737 : i1 to i32
      %sign3A_739 = arith.subi %sign3A_735, %sign3A_738 : i32
      %ne3A_740 = arith.cmpi ne, %sign3A_732, %sign3A_739 : i32
      %rem3A_741 = arith.remsi %select_n3A_707, %jit3A_724 : i32
      %ne3A_742 = arith.constant 0 : i32
      %ne3A_743 = arith.cmpi ne, %rem3A_741, %ne3A_742 : i32
      %and3A_744 = arith.andi %ne3A_740, %ne3A_743 : i1
      %sub3A_745 = arith.constant 1 : i32
      %sub3A_746 = arith.subi %div3A_725, %sub3A_745 : i32
      %select_n3A_747 = arith.select %and3A_744, %sub3A_746, %div3A_725 : i32
      %mul3A_748 = arith.constant 128 : i32
      %mul3A_749 = arith.muli %select_n3A_747, %mul3A_748 : i32
      %mul3A_750 = arith.constant 32 : i32
      %mul3A_751 = arith.muli %select_n3A_723, %mul3A_750 : i32
      %add3A_752 = arith.addi %mul3A_749, %mul3A_751 : i32
      %jit3A_753 = arith.constant 8 : i32
      %eq3A_754 = arith.constant 0 : i32
      %eq3A_755 = arith.cmpi eq, %jit3A_753, %eq3A_754 : i32
      %jit3A_756 = arith.constant 1 : i32
      %select_n3A_757 = arith.select %eq3A_755, %jit3A_756, %jit3A_753 : i32
      %rem3A_758 = arith.remsi %select_n3A_707, %select_n3A_757 : i32
      %ne3A_759 = arith.constant 0 : i32
      %ne3A_760 = arith.cmpi ne, %rem3A_758, %ne3A_759 : i32
      %lt3A_761 = arith.constant 0 : i32
      %lt3A_762 = arith.cmpi slt, %rem3A_758, %lt3A_761 : i32
      %lt3A_763 = arith.constant 0 : i32
      %lt3A_764 = arith.cmpi slt, %select_n3A_757, %lt3A_763 : i32
      %ne3A_765 = arith.xori %lt3A_762, %lt3A_764 : i1
      %and3A_766 = arith.andi %ne3A_765, %ne3A_760 : i1
      %add3A_767 = arith.addi %rem3A_758, %select_n3A_757 : i32
      %select_n3A_768 = arith.select %and3A_766, %add3A_767, %rem3A_758 : i32
      %dma_wait3A_769 = arith.constant 0 : i32
      %dma_wait3A_770 = tpu.memref_slice %arg2[%add3A_752, %select_n3A_768, %dma_wait3A_769] : memref<3200x8x128xi32, #tpu.memory_space<hbm>> -> memref<32x1x128xi32, #tpu.memory_space<hbm>>
      %dma_wait3A_771 = tpu.memref_squeeze %dma_wait3A_770 : memref<32x1x128xi32, #tpu.memory_space<hbm>> -> memref<32x128xi32, #tpu.memory_space<hbm>>
      %dma_wait3A_772 = arith.constant 0 : i32
      %dma_wait3A_773 = tpu.memref_slice %arg2[%add3A_752, %select_n3A_768, %dma_wait3A_772] : memref<3200x8x128xi32, #tpu.memory_space<hbm>> -> memref<32x1x128xi32, #tpu.memory_space<hbm>>
      %dma_wait3A_774 = tpu.memref_squeeze %dma_wait3A_773 : memref<32x1x128xi32, #tpu.memory_space<hbm>> -> memref<32x128xi32, #tpu.memory_space<hbm>>
      tpu.wait_dma2 semaphore(%arg11 : memref<!tpu.dma_semaphore, #tpu.memory_space<semaphore_mem>>) src(%dma_wait3A_774 : memref<32x128xi32, #tpu.memory_space<hbm>>) dst(%arg7 : memref<32x128xi32, #tpu.memory_space<vmem>>)
      %gt3A_775 = arith.constant 0 : i32
      %gt3A_776 = arith.cmpi sgt, %scan3A_407, %gt3A_775 : i32
      %convert_element_type3A_777 = arith.extui %gt3A_776 : i1 to i32
      %cond3A_778 = arith.constant 0 : i32
      %cond3A_779 = arith.cmpi ne, %convert_element_type3A_777, %cond3A_778 : i32
      scf.if %cond3A_779 {
        %sub3A_862 = arith.constant 2 : i32
        %sub3A_863 = arith.subi %add3A_412, %sub3A_862 : i32
        %jit3A_864 = arith.constant 4 : i32
        %div3A_865 = arith.divsi %sub3A_863, %jit3A_864 : i32
        %sign3A_866 = arith.constant 0 : i32
        %sign3A_867 = arith.cmpi sgt, %sub3A_863, %sign3A_866 : i32
        %sign3A_868 = arith.extui %sign3A_867 : i1 to i32
        %sign3A_869 = arith.constant 0 : i32
        %sign3A_870 = arith.cmpi slt, %sub3A_863, %sign3A_869 : i32
        %sign3A_871 = arith.extui %sign3A_870 : i1 to i32
        %sign3A_872 = arith.subi %sign3A_868, %sign3A_871 : i32
        %sign3A_873 = arith.constant 0 : i32
        %sign3A_874 = arith.cmpi sgt, %jit3A_864, %sign3A_873 : i32
        %sign3A_875 = arith.extui %sign3A_874 : i1 to i32
        %sign3A_876 = arith.constant 0 : i32
        %sign3A_877 = arith.cmpi slt, %jit3A_864, %sign3A_876 : i32
        %sign3A_878 = arith.extui %sign3A_877 : i1 to i32
        %sign3A_879 = arith.subi %sign3A_875, %sign3A_878 : i32
        %ne3A_880 = arith.cmpi ne, %sign3A_872, %sign3A_879 : i32
        %rem3A_881 = arith.remsi %sub3A_863, %jit3A_864 : i32
        %ne3A_882 = arith.constant 0 : i32
        %ne3A_883 = arith.cmpi ne, %rem3A_881, %ne3A_882 : i32
        %and3A_884 = arith.andi %ne3A_880, %ne3A_883 : i1
        %sub3A_885 = arith.constant 1 : i32
        %sub3A_886 = arith.subi %div3A_865, %sub3A_885 : i32
        %select_n3A_887 = arith.select %and3A_884, %sub3A_886, %div3A_865 : i32
        %jit3A_888 = arith.constant 4 : i32
        %eq3A_889 = arith.constant 0 : i32
        %eq3A_890 = arith.cmpi eq, %jit3A_888, %eq3A_889 : i32
        %jit3A_891 = arith.constant 1 : i32
        %select_n3A_892 = arith.select %eq3A_890, %jit3A_891, %jit3A_888 : i32
        %rem3A_893 = arith.remsi %sub3A_863, %select_n3A_892 : i32
        %ne3A_894 = arith.constant 0 : i32
        %ne3A_895 = arith.cmpi ne, %rem3A_893, %ne3A_894 : i32
        %lt3A_896 = arith.constant 0 : i32
        %lt3A_897 = arith.cmpi slt, %rem3A_893, %lt3A_896 : i32
        %lt3A_898 = arith.constant 0 : i32
        %lt3A_899 = arith.cmpi slt, %select_n3A_892, %lt3A_898 : i32
        %ne3A_900 = arith.xori %lt3A_897, %lt3A_899 : i1
        %and3A_901 = arith.andi %ne3A_900, %ne3A_895 : i1
        %add3A_902 = arith.addi %rem3A_893, %select_n3A_892 : i32
        %select_n3A_903 = arith.select %and3A_901, %add3A_902, %rem3A_893 : i32
        %mul3A_904 = arith.constant 131072 : i32
        %mul3A_905 = arith.muli %select_n3A_887, %mul3A_904 : i32
        %mul3A_906 = arith.constant 32768 : i32
        %mul3A_907 = arith.muli %select_n3A_903, %mul3A_906 : i32
        %add3A_908 = arith.addi %mul3A_905, %mul3A_907 : i32
        %dma_wait3A_909 = tpu.memref_slice %arg4[%add3A_908] : memref<26214400xf32, #tpu.memory_space<hbm>> -> memref<32768xf32, #tpu.memory_space<hbm>>
        %dma_wait3A_910 = tpu.memref_slice %arg4[%add3A_908] : memref<26214400xf32, #tpu.memory_space<hbm>> -> memref<32768xf32, #tpu.memory_space<hbm>>
        tpu.wait_dma2 semaphore(%arg13 : memref<!tpu.dma_semaphore, #tpu.memory_space<semaphore_mem>>) src(%arg9 : memref<32768xf32, #tpu.memory_space<vmem>>) dst(%dma_wait3A_910 : memref<32768xf32, #tpu.memory_space<hbm>>)
      } else {
      }
      %get3A_780 = arith.constant 0 : index
      %get3A_781 = tpu.vector_load %arg5[%get3A_780] {strides = array<i32>} : memref<256xf32, #tpu.memory_space<vmem>>, vector<16xf32>,
      %get3A_782 = arith.constant 16 : index
      %get3A_783 = tpu.vector_load %arg5[%get3A_782] {strides = array<i32>} : memref<256xf32, #tpu.memory_space<vmem>>, vector<16xf32>,
      %get3A_784 = arith.constant 32 : index
      %get3A_785 = tpu.vector_load %arg5[%get3A_784] {strides = array<i32>} : memref<256xf32, #tpu.memory_space<vmem>>, vector<16xf32>,
      %get3A_786 = arith.constant 48 : index
      %get3A_787 = tpu.vector_load %arg5[%get3A_786] {strides = array<i32>} : memref<256xf32, #tpu.memory_space<vmem>>, vector<16xf32>,
      %get3A_788 = arith.constant 64 : index
      %get3A_789 = tpu.vector_load %arg5[%get3A_788] {strides = array<i32>} : memref<256xf32, #tpu.memory_space<vmem>>, vector<16xf32>,
      %get3A_790 = arith.constant 80 : index
      %get3A_791 = tpu.vector_load %arg5[%get3A_790] {strides = array<i32>} : memref<256xf32, #tpu.memory_space<vmem>>, vector<16xf32>,
      %get3A_792 = arith.constant 96 : index
      %get3A_793 = tpu.vector_load %arg5[%get3A_792] {strides = array<i32>} : memref<256xf32, #tpu.memory_space<vmem>>, vector<16xf32>,
      %get3A_794 = arith.constant 112 : index
      %get3A_795 = tpu.vector_load %arg5[%get3A_794] {strides = array<i32>} : memref<256xf32, #tpu.memory_space<vmem>>, vector<16xf32>,
      %get3A_796 = arith.constant 128 : index
      %get3A_797 = tpu.vector_load %arg5[%get3A_796] {strides = array<i32>} : memref<256xf32, #tpu.memory_space<vmem>>, vector<16xf32>,
      %get3A_798 = arith.constant 144 : index
      %get3A_799 = tpu.vector_load %arg5[%get3A_798] {strides = array<i32>} : memref<256xf32, #tpu.memory_space<vmem>>, vector<16xf32>,
      %get3A_800 = arith.constant 160 : index
      %get3A_801 = tpu.vector_load %arg5[%get3A_800] {strides = array<i32>} : memref<256xf32, #tpu.memory_space<vmem>>, vector<16xf32>,
      %get3A_802 = arith.constant 176 : index
      %get3A_803 = tpu.vector_load %arg5[%get3A_802] {strides = array<i32>} : memref<256xf32, #tpu.memory_space<vmem>>, vector<16xf32>,
      %get3A_804 = arith.constant 192 : index
      %get3A_805 = tpu.vector_load %arg5[%get3A_804] {strides = array<i32>} : memref<256xf32, #tpu.memory_space<vmem>>, vector<16xf32>,
      %get3A_806 = arith.constant 208 : index
      %get3A_807 = tpu.vector_load %arg5[%get3A_806] {strides = array<i32>} : memref<256xf32, #tpu.memory_space<vmem>>, vector<16xf32>,
      %get3A_808 = arith.constant 224 : index
      %get3A_809 = tpu.vector_load %arg5[%get3A_808] {strides = array<i32>} : memref<256xf32, #tpu.memory_space<vmem>>, vector<16xf32>,
      %get3A_810 = arith.constant 240 : index
      %get3A_811 = tpu.vector_load %arg5[%get3A_810] {strides = array<i32>} : memref<256xf32, #tpu.memory_space<vmem>>, vector<16xf32>,
      %parallel_loop3A_812 = arith.constant 0 : i32
      %parallel_loop3A_813 = arith.constant 32 : i32
      %parallel_loop3A_814 = arith.constant 1 : i32
      scf.for %parallel_loop3A_862 = %parallel_loop3A_812 to %parallel_loop3A_813 step %parallel_loop3A_814  : i32 {
        %parallel_loop3A_863 = arith.constant 10 : i32
        %parallel_loop3A_864 = arith.shli %parallel_loop3A_862, %parallel_loop3A_863 : i32
        %parallel_loop3A_865 = arith.index_cast %parallel_loop3A_862 : i32 to index
        %parallel_loop3A_866 = arith.constant 0 : index
        %parallel_loop3A_867 = tpu.vector_load %arg7[%parallel_loop3A_865, %parallel_loop3A_866] {strides = array<i32>} : memref<32x128xi32, #tpu.memory_space<vmem>>, vector<16xi32>,
        %parallel_loop3A_868 = arith.constant 16 : i32
        %parallel_loop3A_869 = vector.broadcast %parallel_loop3A_868 : i32 to vector<16xi32>
        %parallel_loop3A_870 = arith.cmpi slt, %parallel_loop3A_867, %parallel_loop3A_869 : vector<16xi32>
        %parallel_loop3A_871 = arith.constant 15 : i32
        %parallel_loop3A_872 = vector.broadcast %parallel_loop3A_871 : i32 to vector<16xi32>
        %parallel_loop3A_873 = arith.andi %parallel_loop3A_867, %parallel_loop3A_872 : vector<16xi32>
        %parallel_loop3A_874 = vector.shape_cast %parallel_loop3A_873 : vector<16xi32> to vector<16x1xi32>
        %parallel_loop3A_875 = vector.shape_cast %parallel_loop3A_874 : vector<16x1xi32> to vector<16xi32>
        %parallel_loop3A_876 = tpu.dynamic_gather %get3A_781[%parallel_loop3A_875] in [0] : vector<16xf32>, vector<16xi32> -> vector<16xf32>
        %parallel_loop3A_877 = vector.shape_cast %parallel_loop3A_873 : vector<16xi32> to vector<16x1xi32>
        %parallel_loop3A_878 = vector.shape_cast %parallel_loop3A_877 : vector<16x1xi32> to vector<16xi32>
        %parallel_loop3A_879 = tpu.dynamic_gather %get3A_783[%parallel_loop3A_878] in [0] : vector<16xf32>, vector<16xi32> -> vector<16xf32>
        %parallel_loop3A_880 = arith.select %parallel_loop3A_870, %parallel_loop3A_876, %parallel_loop3A_879 : vector<16xi1>, vector<16xf32>
        %parallel_loop3A_881 = arith.constant 0 : i32
        %parallel_loop3A_882 = arith.addi %parallel_loop3A_864, %parallel_loop3A_881 : i32
        %parallel_loop3A_883 = arith.index_cast %parallel_loop3A_882 : i32 to index
        %parallel_loop3A_884 = tpu.vector_load %arg9[%parallel_loop3A_883] {strides = array<i32>} : memref<32768xf32, #tpu.memory_space<vmem>>, vector<16xf32>,
        tpu.vector_store %arg9[%parallel_loop3A_883], %parallel_loop3A_880 {strides = array<i32>} : memref<32768xf32, #tpu.memory_space<vmem>>, vector<16xf32>,
        %parallel_loop3A_885 = vector.shape_cast %parallel_loop3A_873 : vector<16xi32> to vector<16x1xi32>
        %parallel_loop3A_886 = vector.shape_cast %parallel_loop3A_885 : vector<16x1xi32> to vector<16xi32>
        %parallel_loop3A_887 = tpu.dynamic_gather %get3A_785[%parallel_loop3A_886] in [0] : vector<16xf32>, vector<16xi32> -> vector<16xf32>
        %parallel_loop3A_888 = vector.shape_cast %parallel_loop3A_873 : vector<16xi32> to vector<16x1xi32>
        %parallel_loop3A_889 = vector.shape_cast %parallel_loop3A_888 : vector<16x1xi32> to vector<16xi32>
        %parallel_loop3A_890 = tpu.dynamic_gather %get3A_787[%parallel_loop3A_889] in [0] : vector<16xf32>, vector<16xi32> -> vector<16xf32>
        %parallel_loop3A_891 = arith.select %parallel_loop3A_870, %parallel_loop3A_887, %parallel_loop3A_890 : vector<16xi1>, vector<16xf32>
        %parallel_loop3A_892 = arith.constant 128 : i32
        %parallel_loop3A_893 = arith.addi %parallel_loop3A_864, %parallel_loop3A_892 : i32
        %parallel_loop3A_894 = arith.index_cast %parallel_loop3A_893 : i32 to index
        %parallel_loop3A_895 = tpu.vector_load %arg9[%parallel_loop3A_894] {strides = array<i32>} : memref<32768xf32, #tpu.memory_space<vmem>>, vector<16xf32>,
        tpu.vector_store %arg9[%parallel_loop3A_894], %parallel_loop3A_891 {strides = array<i32>} : memref<32768xf32, #tpu.memory_space<vmem>>, vector<16xf32>,
        %parallel_loop3A_896 = vector.shape_cast %parallel_loop3A_873 : vector<16xi32> to vector<16x1xi32>
        %parallel_loop3A_897 = vector.shape_cast %parallel_loop3A_896 : vector<16x1xi32> to vector<16xi32>
        %parallel_loop3A_898 = tpu.dynamic_gather %get3A_789[%parallel_loop3A_897] in [0] : vector<16xf32>, vector<16xi32> -> vector<16xf32>
        %parallel_loop3A_899 = vector.shape_cast %parallel_loop3A_873 : vector<16xi32> to vector<16x1xi32>
        %parallel_loop3A_900 = vector.shape_cast %parallel_loop3A_899 : vector<16x1xi32> to vector<16xi32>
        %parallel_loop3A_901 = tpu.dynamic_gather %get3A_791[%parallel_loop3A_900] in [0] : vector<16xf32>, vector<16xi32> -> vector<16xf32>
        %parallel_loop3A_902 = arith.select %parallel_loop3A_870, %parallel_loop3A_898, %parallel_loop3A_901 : vector<16xi1>, vector<16xf32>
        %parallel_loop3A_903 = arith.constant 256 : i32
        %parallel_loop3A_904 = arith.addi %parallel_loop3A_864, %parallel_loop3A_903 : i32
        %parallel_loop3A_905 = arith.index_cast %parallel_loop3A_904 : i32 to index
        %parallel_loop3A_906 = tpu.vector_load %arg9[%parallel_loop3A_905] {strides = array<i32>} : memref<32768xf32, #tpu.memory_space<vmem>>, vector<16xf32>,
        tpu.vector_store %arg9[%parallel_loop3A_905], %parallel_loop3A_902 {strides = array<i32>} : memref<32768xf32, #tpu.memory_space<vmem>>, vector<16xf32>,
        %parallel_loop3A_907 = vector.shape_cast %parallel_loop3A_873 : vector<16xi32> to vector<16x1xi32>
        %parallel_loop3A_908 = vector.shape_cast %parallel_loop3A_907 : vector<16x1xi32> to vector<16xi32>
        %parallel_loop3A_909 = tpu.dynamic_gather %get3A_793[%parallel_loop3A_908] in [0] : vector<16xf32>, vector<16xi32> -> vector<16xf32>
        %parallel_loop3A_910 = vector.shape_cast %parallel_loop3A_873 : vector<16xi32> to vector<16x1xi32>
        %parallel_loop3A_911 = vector.shape_cast %parallel_loop3A_910 : vector<16x1xi32> to vector<16xi32>
        %parallel_loop3A_912 = tpu.dynamic_gather %get3A_795[%parallel_loop3A_911] in [0] : vector<16xf32>, vector<16xi32> -> vector<16xf32>
        %parallel_loop3A_913 = arith.select %parallel_loop3A_870, %parallel_loop3A_909, %parallel_loop3A_912 : vector<16xi1>, vector<16xf32>
        %parallel_loop3A_914 = arith.constant 384 : i32
        %parallel_loop3A_915 = arith.addi %parallel_loop3A_864, %parallel_loop3A_914 : i32
        %parallel_loop3A_916 = arith.index_cast %parallel_loop3A_915 : i32 to index
        %parallel_loop3A_917 = tpu.vector_load %arg9[%parallel_loop3A_916] {strides = array<i32>} : memref<32768xf32, #tpu.memory_space<vmem>>, vector<16xf32>,
        tpu.vector_store %arg9[%parallel_loop3A_916], %parallel_loop3A_913 {strides = array<i32>} : memref<32768xf32, #tpu.memory_space<vmem>>, vector<16xf32>,
        %parallel_loop3A_918 = vector.shape_cast %parallel_loop3A_873 : vector<16xi32> to vector<16x1xi32>
        %parallel_loop3A_919 = vector.shape_cast %parallel_loop3A_918 : vector<16x1xi32> to vector<16xi32>
        %parallel_loop3A_920 = tpu.dynamic_gather %get3A_797[%parallel_loop3A_919] in [0] : vector<16xf32>, vector<16xi32> -> vector<16xf32>
        %parallel_loop3A_921 = vector.shape_cast %parallel_loop3A_873 : vector<16xi32> to vector<16x1xi32>
        %parallel_loop3A_922 = vector.shape_cast %parallel_loop3A_921 : vector<16x1xi32> to vector<16xi32>
        %parallel_loop3A_923 = tpu.dynamic_gather %get3A_799[%parallel_loop3A_922] in [0] : vector<16xf32>, vector<16xi32> -> vector<16xf32>
        %parallel_loop3A_924 = arith.select %parallel_loop3A_870, %parallel_loop3A_920, %parallel_loop3A_923 : vector<16xi1>, vector<16xf32>
        %parallel_loop3A_925 = arith.constant 512 : i32
        %parallel_loop3A_926 = arith.addi %parallel_loop3A_864, %parallel_loop3A_925 : i32
        %parallel_loop3A_927 = arith.index_cast %parallel_loop3A_926 : i32 to index
        %parallel_loop3A_928 = tpu.vector_load %arg9[%parallel_loop3A_927] {strides = array<i32>} : memref<32768xf32, #tpu.memory_space<vmem>>, vector<16xf32>,
        tpu.vector_store %arg9[%parallel_loop3A_927], %parallel_loop3A_924 {strides = array<i32>} : memref<32768xf32, #tpu.memory_space<vmem>>, vector<16xf32>,
        %parallel_loop3A_929 = vector.shape_cast %parallel_loop3A_873 : vector<16xi32> to vector<16x1xi32>
        %parallel_loop3A_930 = vector.shape_cast %parallel_loop3A_929 : vector<16x1xi32> to vector<16xi32>
        %parallel_loop3A_931 = tpu.dynamic_gather %get3A_801[%parallel_loop3A_930] in [0] : vector<16xf32>, vector<16xi32> -> vector<16xf32>
        %parallel_loop3A_932 = vector.shape_cast %parallel_loop3A_873 : vector<16xi32> to vector<16x1xi32>
        %parallel_loop3A_933 = vector.shape_cast %parallel_loop3A_932 : vector<16x1xi32> to vector<16xi32>
        %parallel_loop3A_934 = tpu.dynamic_gather %get3A_803[%parallel_loop3A_933] in [0] : vector<16xf32>, vector<16xi32> -> vector<16xf32>
        %parallel_loop3A_935 = arith.select %parallel_loop3A_870, %parallel_loop3A_931, %parallel_loop3A_934 : vector<16xi1>, vector<16xf32>
        %parallel_loop3A_936 = arith.constant 640 : i32
        %parallel_loop3A_937 = arith.addi %parallel_loop3A_864, %parallel_loop3A_936 : i32
        %parallel_loop3A_938 = arith.index_cast %parallel_loop3A_937 : i32 to index
        %parallel_loop3A_939 = tpu.vector_load %arg9[%parallel_loop3A_938] {strides = array<i32>} : memref<32768xf32, #tpu.memory_space<vmem>>, vector<16xf32>,
        tpu.vector_store %arg9[%parallel_loop3A_938], %parallel_loop3A_935 {strides = array<i32>} : memref<32768xf32, #tpu.memory_space<vmem>>, vector<16xf32>,
        %parallel_loop3A_940 = vector.shape_cast %parallel_loop3A_873 : vector<16xi32> to vector<16x1xi32>
        %parallel_loop3A_941 = vector.shape_cast %parallel_loop3A_940 : vector<16x1xi32> to vector<16xi32>
        %parallel_loop3A_942 = tpu.dynamic_gather %get3A_805[%parallel_loop3A_941] in [0] : vector<16xf32>, vector<16xi32> -> vector<16xf32>
        %parallel_loop3A_943 = vector.shape_cast %parallel_loop3A_873 : vector<16xi32> to vector<16x1xi32>
        %parallel_loop3A_944 = vector.shape_cast %parallel_loop3A_943 : vector<16x1xi32> to vector<16xi32>
        %parallel_loop3A_945 = tpu.dynamic_gather %get3A_807[%parallel_loop3A_944] in [0] : vector<16xf32>, vector<16xi32> -> vector<16xf32>
        %parallel_loop3A_946 = arith.select %parallel_loop3A_870, %parallel_loop3A_942, %parallel_loop3A_945 : vector<16xi1>, vector<16xf32>
        %parallel_loop3A_947 = arith.constant 768 : i32
        %parallel_loop3A_948 = arith.addi %parallel_loop3A_864, %parallel_loop3A_947 : i32
        %parallel_loop3A_949 = arith.index_cast %parallel_loop3A_948 : i32 to index
        %parallel_loop3A_950 = tpu.vector_load %arg9[%parallel_loop3A_949] {strides = array<i32>} : memref<32768xf32, #tpu.memory_space<vmem>>, vector<16xf32>,
        tpu.vector_store %arg9[%parallel_loop3A_949], %parallel_loop3A_946 {strides = array<i32>} : memref<32768xf32, #tpu.memory_space<vmem>>, vector<16xf32>,
        %parallel_loop3A_951 = vector.shape_cast %parallel_loop3A_873 : vector<16xi32> to vector<16x1xi32>
        %parallel_loop3A_952 = vector.shape_cast %parallel_loop3A_951 : vector<16x1xi32> to vector<16xi32>
        %parallel_loop3A_953 = tpu.dynamic_gather %get3A_809[%parallel_loop3A_952] in [0] : vector<16xf32>, vector<16xi32> -> vector<16xf32>
        %parallel_loop3A_954 = vector.shape_cast %parallel_loop3A_873 : vector<16xi32> to vector<16x1xi32>
        %parallel_loop3A_955 = vector.shape_cast %parallel_loop3A_954 : vector<16x1xi32> to vector<16xi32>
        %parallel_loop3A_956 = tpu.dynamic_gather %get3A_811[%parallel_loop3A_955] in [0] : vector<16xf32>, vector<16xi32> -> vector<16xf32>
        %parallel_loop3A_957 = arith.select %parallel_loop3A_870, %parallel_loop3A_953, %parallel_loop3A_956 : vector<16xi1>, vector<16xf32>
        %parallel_loop3A_958 = arith.constant 896 : i32
        %parallel_loop3A_959 = arith.addi %parallel_loop3A_864, %parallel_loop3A_958 : i32
        %parallel_loop3A_960 = arith.index_cast %parallel_loop3A_959 : i32 to index
        %parallel_loop3A_961 = tpu.vector_load %arg9[%parallel_loop3A_960] {strides = array<i32>} : memref<32768xf32, #tpu.memory_space<vmem>>, vector<16xf32>,
        tpu.vector_store %arg9[%parallel_loop3A_960], %parallel_loop3A_957 {strides = array<i32>} : memref<32768xf32, #tpu.memory_space<vmem>>, vector<16xf32>,
        %parallel_loop3A_962 = arith.index_cast %parallel_loop3A_862 : i32 to index
        %parallel_loop3A_963 = arith.constant 16 : index
        %parallel_loop3A_964 = tpu.vector_load %arg7[%parallel_loop3A_962, %parallel_loop3A_963] {strides = array<i32>} : memref<32x128xi32, #tpu.memory_space<vmem>>, vector<16xi32>,
        %parallel_loop3A_965 = arith.constant 16 : i32
        %parallel_loop3A_966 = vector.broadcast %parallel_loop3A_965 : i32 to vector<16xi32>
        %parallel_loop3A_967 = arith.cmpi slt, %parallel_loop3A_964, %parallel_loop3A_966 : vector<16xi32>
        %parallel_loop3A_968 = arith.constant 15 : i32
        %parallel_loop3A_969 = vector.broadcast %parallel_loop3A_968 : i32 to vector<16xi32>
        %parallel_loop3A_970 = arith.andi %parallel_loop3A_964, %parallel_loop3A_969 : vector<16xi32>
        %parallel_loop3A_971 = vector.shape_cast %parallel_loop3A_970 : vector<16xi32> to vector<16x1xi32>
        %parallel_loop3A_972 = vector.shape_cast %parallel_loop3A_971 : vector<16x1xi32> to vector<16xi32>
        %parallel_loop3A_973 = tpu.dynamic_gather %get3A_781[%parallel_loop3A_972] in [0] : vector<16xf32>, vector<16xi32> -> vector<16xf32>
        %parallel_loop3A_974 = vector.shape_cast %parallel_loop3A_970 : vector<16xi32> to vector<16x1xi32>
        %parallel_loop3A_975 = vector.shape_cast %parallel_loop3A_974 : vector<16x1xi32> to vector<16xi32>
        %parallel_loop3A_976 = tpu.dynamic_gather %get3A_783[%parallel_loop3A_975] in [0] : vector<16xf32>, vector<16xi32> -> vector<16xf32>
        %parallel_loop3A_977 = arith.select %parallel_loop3A_967, %parallel_loop3A_973, %parallel_loop3A_976 : vector<16xi1>, vector<16xf32>
        %parallel_loop3A_978 = arith.constant 16 : i32
        %parallel_loop3A_979 = arith.addi %parallel_loop3A_864, %parallel_loop3A_978 : i32
        %parallel_loop3A_980 = arith.index_cast %parallel_loop3A_979 : i32 to index
        %parallel_loop3A_981 = tpu.vector_load %arg9[%parallel_loop3A_980] {strides = array<i32>} : memref<32768xf32, #tpu.memory_space<vmem>>, vector<16xf32>,
        tpu.vector_store %arg9[%parallel_loop3A_980], %parallel_loop3A_977 {strides = array<i32>} : memref<32768xf32, #tpu.memory_space<vmem>>, vector<16xf32>,
        %parallel_loop3A_982 = vector.shape_cast %parallel_loop3A_970 : vector<16xi32> to vector<16x1xi32>
        %parallel_loop3A_983 = vector.shape_cast %parallel_loop3A_982 : vector<16x1xi32> to vector<16xi32>
        %parallel_loop3A_984 = tpu.dynamic_gather %get3A_785[%parallel_loop3A_983] in [0] : vector<16xf32>, vector<16xi32> -> vector<16xf32>
        %parallel_loop3A_985 = vector.shape_cast %parallel_loop3A_970 : vector<16xi32> to vector<16x1xi32>
        %parallel_loop3A_986 = vector.shape_cast %parallel_loop3A_985 : vector<16x1xi32> to vector<16xi32>
        %parallel_loop3A_987 = tpu.dynamic_gather %get3A_787[%parallel_loop3A_986] in [0] : vector<16xf32>, vector<16xi32> -> vector<16xf32>
        %parallel_loop3A_988 = arith.select %parallel_loop3A_967, %parallel_loop3A_984, %parallel_loop3A_987 : vector<16xi1>, vector<16xf32>
        %parallel_loop3A_989 = arith.constant 144 : i32
        %parallel_loop3A_990 = arith.addi %parallel_loop3A_864, %parallel_loop3A_989 : i32
        %parallel_loop3A_991 = arith.index_cast %parallel_loop3A_990 : i32 to index
        %parallel_loop3A_992 = tpu.vector_load %arg9[%parallel_loop3A_991] {strides = array<i32>} : memref<32768xf32, #tpu.memory_space<vmem>>, vector<16xf32>,
        tpu.vector_store %arg9[%parallel_loop3A_991], %parallel_loop3A_988 {strides = array<i32>} : memref<32768xf32, #tpu.memory_space<vmem>>, vector<16xf32>,
        %parallel_loop3A_993 = vector.shape_cast %parallel_loop3A_970 : vector<16xi32> to vector<16x1xi32>
        %parallel_loop3A_994 = vector.shape_cast %parallel_loop3A_993 : vector<16x1xi32> to vector<16xi32>
        %parallel_loop3A_995 = tpu.dynamic_gather %get3A_789[%parallel_loop3A_994] in [0] : vector<16xf32>, vector<16xi32> -> vector<16xf32>
        %parallel_loop3A_996 = vector.shape_cast %parallel_loop3A_970 : vector<16xi32> to vector<16x1xi32>
        %parallel_loop3A_997 = vector.shape_cast %parallel_loop3A_996 : vector<16x1xi32> to vector<16xi32>
        %parallel_loop3A_998 = tpu.dynamic_gather %get3A_791[%parallel_loop3A_997] in [0] : vector<16xf32>, vector<16xi32> -> vector<16xf32>
        %parallel_loop3A_999 = arith.select %parallel_loop3A_967, %parallel_loop3A_995, %parallel_loop3A_998 : vector<16xi1>, vector<16xf32>
        %parallel_loop3A_1000 = arith.constant 272 : i32
        %parallel_loop3A_1001 = arith.addi %parallel_loop3A_864, %parallel_loop3A_1000 : i32
        %parallel_loop3A_1002 = arith.index_cast %parallel_loop3A_1001 : i32 to index
        %parallel_loop3A_1003 = tpu.vector_load %arg9[%parallel_loop3A_1002] {strides = array<i32>} : memref<32768xf32, #tpu.memory_space<vmem>>, vector<16xf32>,
        tpu.vector_store %arg9[%parallel_loop3A_1002], %parallel_loop3A_999 {strides = array<i32>} : memref<32768xf32, #tpu.memory_space<vmem>>, vector<16xf32>,
        %parallel_loop3A_1004 = vector.shape_cast %parallel_loop3A_970 : vector<16xi32> to vector<16x1xi32>
        %parallel_loop3A_1005 = vector.shape_cast %parallel_loop3A_1004 : vector<16x1xi32> to vector<16xi32>
        %parallel_loop3A_1006 = tpu.dynamic_gather %get3A_793[%parallel_loop3A_1005] in [0] : vector<16xf32>, vector<16xi32> -> vector<16xf32>
        %parallel_loop3A_1007 = vector.shape_cast %parallel_loop3A_970 : vector<16xi32> to vector<16x1xi32>
        %parallel_loop3A_1008 = vector.shape_cast %parallel_loop3A_1007 : vector<16x1xi32> to vector<16xi32>
        %parallel_loop3A_1009 = tpu.dynamic_gather %get3A_795[%parallel_loop3A_1008] in [0] : vector<16xf32>, vector<16xi32> -> vector<16xf32>
        %parallel_loop3A_1010 = arith.select %parallel_loop3A_967, %parallel_loop3A_1006, %parallel_loop3A_1009 : vector<16xi1>, vector<16xf32>
        %parallel_loop3A_1011 = arith.constant 400 : i32
        %parallel_loop3A_1012 = arith.addi %parallel_loop3A_864, %parallel_loop3A_1011 : i32
        %parallel_loop3A_1013 = arith.index_cast %parallel_loop3A_1012 : i32 to index
        %parallel_loop3A_1014 = tpu.vector_load %arg9[%parallel_loop3A_1013] {strides = array<i32>} : memref<32768xf32, #tpu.memory_space<vmem>>, vector<16xf32>,
        tpu.vector_store %arg9[%parallel_loop3A_1013], %parallel_loop3A_1010 {strides = array<i32>} : memref<32768xf32, #tpu.memory_space<vmem>>, vector<16xf32>,
        %parallel_loop3A_1015 = vector.shape_cast %parallel_loop3A_970 : vector<16xi32> to vector<16x1xi32>
        %parallel_loop3A_1016 = vector.shape_cast %parallel_loop3A_1015 : vector<16x1xi32> to vector<16xi32>
        %parallel_loop3A_1017 = tpu.dynamic_gather %get3A_797[%parallel_loop3A_1016] in [0] : vector<16xf32>, vector<16xi32> -> vector<16xf32>
        %parallel_loop3A_1018 = vector.shape_cast %parallel_loop3A_970 : vector<16xi32> to vector<16x1xi32>
        %parallel_loop3A_1019 = vector.shape_cast %parallel_loop3A_1018 : vector<16x1xi32> to vector<16xi32>
        %parallel_loop3A_1020 = tpu.dynamic_gather %get3A_799[%parallel_loop3A_1019] in [0] : vector<16xf32>, vector<16xi32> -> vector<16xf32>
        %parallel_loop3A_1021 = arith.select %parallel_loop3A_967, %parallel_loop3A_1017, %parallel_loop3A_1020 : vector<16xi1>, vector<16xf32>
        %parallel_loop3A_1022 = arith.constant 528 : i32
        %parallel_loop3A_1023 = arith.addi %parallel_loop3A_864, %parallel_loop3A_1022 : i32
        %parallel_loop3A_1024 = arith.index_cast %parallel_loop3A_1023 : i32 to index
        %parallel_loop3A_1025 = tpu.vector_load %arg9[%parallel_loop3A_1024] {strides = array<i32>} : memref<32768xf32, #tpu.memory_space<vmem>>, vector<16xf32>,
        tpu.vector_store %arg9[%parallel_loop3A_1024], %parallel_loop3A_1021 {strides = array<i32>} : memref<32768xf32, #tpu.memory_space<vmem>>, vector<16xf32>,
        %parallel_loop3A_1026 = vector.shape_cast %parallel_loop3A_970 : vector<16xi32> to vector<16x1xi32>
        %parallel_loop3A_1027 = vector.shape_cast %parallel_loop3A_1026 : vector<16x1xi32> to vector<16xi32>
        %parallel_loop3A_1028 = tpu.dynamic_gather %get3A_801[%parallel_loop3A_1027] in [0] : vector<16xf32>, vector<16xi32> -> vector<16xf32>
        %parallel_loop3A_1029 = vector.shape_cast %parallel_loop3A_970 : vector<16xi32> to vector<16x1xi32>
        %parallel_loop3A_1030 = vector.shape_cast %parallel_loop3A_1029 : vector<16x1xi32> to vector<16xi32>
        %parallel_loop3A_1031 = tpu.dynamic_gather %get3A_803[%parallel_loop3A_1030] in [0] : vector<16xf32>, vector<16xi32> -> vector<16xf32>
        %parallel_loop3A_1032 = arith.select %parallel_loop3A_967, %parallel_loop3A_1028, %parallel_loop3A_1031 : vector<16xi1>, vector<16xf32>
        %parallel_loop3A_1033 = arith.constant 656 : i32
        %parallel_loop3A_1034 = arith.addi %parallel_loop3A_864, %parallel_loop3A_1033 : i32
        %parallel_loop3A_1035 = arith.index_cast %parallel_loop3A_1034 : i32 to index
        %parallel_loop3A_1036 = tpu.vector_load %arg9[%parallel_loop3A_1035] {strides = array<i32>} : memref<32768xf32, #tpu.memory_space<vmem>>, vector<16xf32>,
        tpu.vector_store %arg9[%parallel_loop3A_1035], %parallel_loop3A_1032 {strides = array<i32>} : memref<32768xf32, #tpu.memory_space<vmem>>, vector<16xf32>,
        %parallel_loop3A_1037 = vector.shape_cast %parallel_loop3A_970 : vector<16xi32> to vector<16x1xi32>
        %parallel_loop3A_1038 = vector.shape_cast %parallel_loop3A_1037 : vector<16x1xi32> to vector<16xi32>
        %parallel_loop3A_1039 = tpu.dynamic_gather %get3A_805[%parallel_loop3A_1038] in [0] : vector<16xf32>, vector<16xi32> -> vector<16xf32>
        %parallel_loop3A_1040 = vector.shape_cast %parallel_loop3A_970 : vector<16xi32> to vector<16x1xi32>
        %parallel_loop3A_1041 = vector.shape_cast %parallel_loop3A_1040 : vector<16x1xi32> to vector<16xi32>
        %parallel_loop3A_1042 = tpu.dynamic_gather %get3A_807[%parallel_loop3A_1041] in [0] : vector<16xf32>, vector<16xi32> -> vector<16xf32>
        %parallel_loop3A_1043 = arith.select %parallel_loop3A_967, %parallel_loop3A_1039, %parallel_loop3A_1042 : vector<16xi1>, vector<16xf32>
        %parallel_loop3A_1044 = arith.constant 784 : i32
        %parallel_loop3A_1045 = arith.addi %parallel_loop3A_864, %parallel_loop3A_1044 : i32
        %parallel_loop3A_1046 = arith.index_cast %parallel_loop3A_1045 : i32 to index
        %parallel_loop3A_1047 = tpu.vector_load %arg9[%parallel_loop3A_1046] {strides = array<i32>} : memref<32768xf32, #tpu.memory_space<vmem>>, vector<16xf32>,
        tpu.vector_store %arg9[%parallel_loop3A_1046], %parallel_loop3A_1043 {strides = array<i32>} : memref<32768xf32, #tpu.memory_space<vmem>>, vector<16xf32>,
        %parallel_loop3A_1048 = vector.shape_cast %parallel_loop3A_970 : vector<16xi32> to vector<16x1xi32>
        %parallel_loop3A_1049 = vector.shape_cast %parallel_loop3A_1048 : vector<16x1xi32> to vector<16xi32>
        %parallel_loop3A_1050 = tpu.dynamic_gather %get3A_809[%parallel_loop3A_1049] in [0] : vector<16xf32>, vector<16xi32> -> vector<16xf32>
        %parallel_loop3A_1051 = vector.shape_cast %parallel_loop3A_970 : vector<16xi32> to vector<16x1xi32>
        %parallel_loop3A_1052 = vector.shape_cast %parallel_loop3A_1051 : vector<16x1xi32> to vector<16xi32>
        %parallel_loop3A_1053 = tpu.dynamic_gather %get3A_811[%parallel_loop3A_1052] in [0] : vector<16xf32>, vector<16xi32> -> vector<16xf32>
        %parallel_loop3A_1054 = arith.select %parallel_loop3A_967, %parallel_loop3A_1050, %parallel_loop3A_1053 : vector<16xi1>, vector<16xf32>
        %parallel_loop3A_1055 = arith.constant 912 : i32
        %parallel_loop3A_1056 = arith.addi %parallel_loop3A_864, %parallel_loop3A_1055 : i32
        %parallel_loop3A_1057 = arith.index_cast %parallel_loop3A_1056 : i32 to index
        %parallel_loop3A_1058 = tpu.vector_load %arg9[%parallel_loop3A_1057] {strides = array<i32>} : memref<32768xf32, #tpu.memory_space<vmem>>, vector<16xf32>,
        tpu.vector_store %arg9[%parallel_loop3A_1057], %parallel_loop3A_1054 {strides = array<i32>} : memref<32768xf32, #tpu.memory_space<vmem>>, vector<16xf32>,
        %parallel_loop3A_1059 = arith.index_cast %parallel_loop3A_862 : i32 to index
        %parallel_loop3A_1060 = arith.constant 32 : index
        %parallel_loop3A_1061 = tpu.vector_load %arg7[%parallel_loop3A_1059, %parallel_loop3A_1060] {strides = array<i32>} : memref<32x128xi32, #tpu.memory_space<vmem>>, vector<16xi32>,
        %parallel_loop3A_1062 = arith.constant 16 : i32
        %parallel_loop3A_1063 = vector.broadcast %parallel_loop3A_1062 : i32 to vector<16xi32>
        %parallel_loop3A_1064 = arith.cmpi slt, %parallel_loop3A_1061, %parallel_loop3A_1063 : vector<16xi32>
        %parallel_loop3A_1065 = arith.constant 15 : i32
        %parallel_loop3A_1066 = vector.broadcast %parallel_loop3A_1065 : i32 to vector<16xi32>
        %parallel_loop3A_1067 = arith.andi %parallel_loop3A_1061, %parallel_loop3A_1066 : vector<16xi32>
        %parallel_loop3A_1068 = vector.shape_cast %parallel_loop3A_1067 : vector<16xi32> to vector<16x1xi32>
        %parallel_loop3A_1069 = vector.shape_cast %parallel_loop3A_1068 : vector<16x1xi32> to vector<16xi32>
        %parallel_loop3A_1070 = tpu.dynamic_gather %get3A_781[%parallel_loop3A_1069] in [0] : vector<16xf32>, vector<16xi32> -> vector<16xf32>
        %parallel_loop3A_1071 = vector.shape_cast %parallel_loop3A_1067 : vector<16xi32> to vector<16x1xi32>
        %parallel_loop3A_1072 = vector.shape_cast %parallel_loop3A_1071 : vector<16x1xi32> to vector<16xi32>
        %parallel_loop3A_1073 = tpu.dynamic_gather %get3A_783[%parallel_loop3A_1072] in [0] : vector<16xf32>, vector<16xi32> -> vector<16xf32>
        %parallel_loop3A_1074 = arith.select %parallel_loop3A_1064, %parallel_loop3A_1070, %parallel_loop3A_1073 : vector<16xi1>, vector<16xf32>
        %parallel_loop3A_1075 = arith.constant 32 : i32
        %parallel_loop3A_1076 = arith.addi %parallel_loop3A_864, %parallel_loop3A_1075 : i32
        %parallel_loop3A_1077 = arith.index_cast %parallel_loop3A_1076 : i32 to index
        %parallel_loop3A_1078 = tpu.vector_load %arg9[%parallel_loop3A_1077] {strides = array<i32>} : memref<32768xf32, #tpu.memory_space<vmem>>, vector<16xf32>,
        tpu.vector_store %arg9[%parallel_loop3A_1077], %parallel_loop3A_1074 {strides = array<i32>} : memref<32768xf32, #tpu.memory_space<vmem>>, vector<16xf32>,
        %parallel_loop3A_1079 = vector.shape_cast %parallel_loop3A_1067 : vector<16xi32> to vector<16x1xi32>
        %parallel_loop3A_1080 = vector.shape_cast %parallel_loop3A_1079 : vector<16x1xi32> to vector<16xi32>
        %parallel_loop3A_1081 = tpu.dynamic_gather %get3A_785[%parallel_loop3A_1080] in [0] : vector<16xf32>, vector<16xi32> -> vector<16xf32>
        %parallel_loop3A_1082 = vector.shape_cast %parallel_loop3A_1067 : vector<16xi32> to vector<16x1xi32>
        %parallel_loop3A_1083 = vector.shape_cast %parallel_loop3A_1082 : vector<16x1xi32> to vector<16xi32>
        %parallel_loop3A_1084 = tpu.dynamic_gather %get3A_787[%parallel_loop3A_1083] in [0] : vector<16xf32>, vector<16xi32> -> vector<16xf32>
        %parallel_loop3A_1085 = arith.select %parallel_loop3A_1064, %parallel_loop3A_1081, %parallel_loop3A_1084 : vector<16xi1>, vector<16xf32>
        %parallel_loop3A_1086 = arith.constant 160 : i32
        %parallel_loop3A_1087 = arith.addi %parallel_loop3A_864, %parallel_loop3A_1086 : i32
        %parallel_loop3A_1088 = arith.index_cast %parallel_loop3A_1087 : i32 to index
        %parallel_loop3A_1089 = tpu.vector_load %arg9[%parallel_loop3A_1088] {strides = array<i32>} : memref<32768xf32, #tpu.memory_space<vmem>>, vector<16xf32>,
        tpu.vector_store %arg9[%parallel_loop3A_1088], %parallel_loop3A_1085 {strides = array<i32>} : memref<32768xf32, #tpu.memory_space<vmem>>, vector<16xf32>,
        %parallel_loop3A_1090 = vector.shape_cast %parallel_loop3A_1067 : vector<16xi32> to vector<16x1xi32>
        %parallel_loop3A_1091 = vector.shape_cast %parallel_loop3A_1090 : vector<16x1xi32> to vector<16xi32>
        %parallel_loop3A_1092 = tpu.dynamic_gather %get3A_789[%parallel_loop3A_1091] in [0] : vector<16xf32>, vector<16xi32> -> vector<16xf32>
        %parallel_loop3A_1093 = vector.shape_cast %parallel_loop3A_1067 : vector<16xi32> to vector<16x1xi32>
        %parallel_loop3A_1094 = vector.shape_cast %parallel_loop3A_1093 : vector<16x1xi32> to vector<16xi32>
        %parallel_loop3A_1095 = tpu.dynamic_gather %get3A_791[%parallel_loop3A_1094] in [0] : vector<16xf32>, vector<16xi32> -> vector<16xf32>
        %parallel_loop3A_1096 = arith.select %parallel_loop3A_1064, %parallel_loop3A_1092, %parallel_loop3A_1095 : vector<16xi1>, vector<16xf32>
        %parallel_loop3A_1097 = arith.constant 288 : i32
        %parallel_loop3A_1098 = arith.addi %parallel_loop3A_864, %parallel_loop3A_1097 : i32
        %parallel_loop3A_1099 = arith.index_cast %parallel_loop3A_1098 : i32 to index
        %parallel_loop3A_1100 = tpu.vector_load %arg9[%parallel_loop3A_1099] {strides = array<i32>} : memref<32768xf32, #tpu.memory_space<vmem>>, vector<16xf32>,
        tpu.vector_store %arg9[%parallel_loop3A_1099], %parallel_loop3A_1096 {strides = array<i32>} : memref<32768xf32, #tpu.memory_space<vmem>>, vector<16xf32>,
        %parallel_loop3A_1101 = vector.shape_cast %parallel_loop3A_1067 : vector<16xi32> to vector<16x1xi32>
        %parallel_loop3A_1102 = vector.shape_cast %parallel_loop3A_1101 : vector<16x1xi32> to vector<16xi32>
        %parallel_loop3A_1103 = tpu.dynamic_gather %get3A_793[%parallel_loop3A_1102] in [0] : vector<16xf32>, vector<16xi32> -> vector<16xf32>
        %parallel_loop3A_1104 = vector.shape_cast %parallel_loop3A_1067 : vector<16xi32> to vector<16x1xi32>
        %parallel_loop3A_1105 = vector.shape_cast %parallel_loop3A_1104 : vector<16x1xi32> to vector<16xi32>
        %parallel_loop3A_1106 = tpu.dynamic_gather %get3A_795[%parallel_loop3A_1105] in [0] : vector<16xf32>, vector<16xi32> -> vector<16xf32>
        %parallel_loop3A_1107 = arith.select %parallel_loop3A_1064, %parallel_loop3A_1103, %parallel_loop3A_1106 : vector<16xi1>, vector<16xf32>
        %parallel_loop3A_1108 = arith.constant 416 : i32
        %parallel_loop3A_1109 = arith.addi %parallel_loop3A_864, %parallel_loop3A_1108 : i32
        %parallel_loop3A_1110 = arith.index_cast %parallel_loop3A_1109 : i32 to index
        %parallel_loop3A_1111 = tpu.vector_load %arg9[%parallel_loop3A_1110] {strides = array<i32>} : memref<32768xf32, #tpu.memory_space<vmem>>, vector<16xf32>,
        tpu.vector_store %arg9[%parallel_loop3A_1110], %parallel_loop3A_1107 {strides = array<i32>} : memref<32768xf32, #tpu.memory_space<vmem>>, vector<16xf32>,
        %parallel_loop3A_1112 = vector.shape_cast %parallel_loop3A_1067 : vector<16xi32> to vector<16x1xi32>
        %parallel_loop3A_1113 = vector.shape_cast %parallel_loop3A_1112 : vector<16x1xi32> to vector<16xi32>
        %parallel_loop3A_1114 = tpu.dynamic_gather %get3A_797[%parallel_loop3A_1113] in [0] : vector<16xf32>, vector<16xi32> -> vector<16xf32>
        %parallel_loop3A_1115 = vector.shape_cast %parallel_loop3A_1067 : vector<16xi32> to vector<16x1xi32>
        %parallel_loop3A_1116 = vector.shape_cast %parallel_loop3A_1115 : vector<16x1xi32> to vector<16xi32>
        %parallel_loop3A_1117 = tpu.dynamic_gather %get3A_799[%parallel_loop3A_1116] in [0] : vector<16xf32>, vector<16xi32> -> vector<16xf32>
        %parallel_loop3A_1118 = arith.select %parallel_loop3A_1064, %parallel_loop3A_1114, %parallel_loop3A_1117 : vector<16xi1>, vector<16xf32>
        %parallel_loop3A_1119 = arith.constant 544 : i32
        %parallel_loop3A_1120 = arith.addi %parallel_loop3A_864, %parallel_loop3A_1119 : i32
        %parallel_loop3A_1121 = arith.index_cast %parallel_loop3A_1120 : i32 to index
        %parallel_loop3A_1122 = tpu.vector_load %arg9[%parallel_loop3A_1121] {strides = array<i32>} : memref<32768xf32, #tpu.memory_space<vmem>>, vector<16xf32>,
        tpu.vector_store %arg9[%parallel_loop3A_1121], %parallel_loop3A_1118 {strides = array<i32>} : memref<32768xf32, #tpu.memory_space<vmem>>, vector<16xf32>,
        %parallel_loop3A_1123 = vector.shape_cast %parallel_loop3A_1067 : vector<16xi32> to vector<16x1xi32>
        %parallel_loop3A_1124 = vector.shape_cast %parallel_loop3A_1123 : vector<16x1xi32> to vector<16xi32>
        %parallel_loop3A_1125 = tpu.dynamic_gather %get3A_801[%parallel_loop3A_1124] in [0] : vector<16xf32>, vector<16xi32> -> vector<16xf32>
        %parallel_loop3A_1126 = vector.shape_cast %parallel_loop3A_1067 : vector<16xi32> to vector<16x1xi32>
        %parallel_loop3A_1127 = vector.shape_cast %parallel_loop3A_1126 : vector<16x1xi32> to vector<16xi32>
        %parallel_loop3A_1128 = tpu.dynamic_gather %get3A_803[%parallel_loop3A_1127] in [0] : vector<16xf32>, vector<16xi32> -> vector<16xf32>
        %parallel_loop3A_1129 = arith.select %parallel_loop3A_1064, %parallel_loop3A_1125, %parallel_loop3A_1128 : vector<16xi1>, vector<16xf32>
        %parallel_loop3A_1130 = arith.constant 672 : i32
        %parallel_loop3A_1131 = arith.addi %parallel_loop3A_864, %parallel_loop3A_1130 : i32
        %parallel_loop3A_1132 = arith.index_cast %parallel_loop3A_1131 : i32 to index
        %parallel_loop3A_1133 = tpu.vector_load %arg9[%parallel_loop3A_1132] {strides = array<i32>} : memref<32768xf32, #tpu.memory_space<vmem>>, vector<16xf32>,
        tpu.vector_store %arg9[%parallel_loop3A_1132], %parallel_loop3A_1129 {strides = array<i32>} : memref<32768xf32, #tpu.memory_space<vmem>>, vector<16xf32>,
        %parallel_loop3A_1134 = vector.shape_cast %parallel_loop3A_1067 : vector<16xi32> to vector<16x1xi32>
        %parallel_loop3A_1135 = vector.shape_cast %parallel_loop3A_1134 : vector<16x1xi32> to vector<16xi32>
        %parallel_loop3A_1136 = tpu.dynamic_gather %get3A_805[%parallel_loop3A_1135] in [0] : vector<16xf32>, vector<16xi32> -> vector<16xf32>
        %parallel_loop3A_1137 = vector.shape_cast %parallel_loop3A_1067 : vector<16xi32> to vector<16x1xi32>
        %parallel_loop3A_1138 = vector.shape_cast %parallel_loop3A_1137 : vector<16x1xi32> to vector<16xi32>
        %parallel_loop3A_1139 = tpu.dynamic_gather %get3A_807[%parallel_loop3A_1138] in [0] : vector<16xf32>, vector<16xi32> -> vector<16xf32>
        %parallel_loop3A_1140 = arith.select %parallel_loop3A_1064, %parallel_loop3A_1136, %parallel_loop3A_1139 : vector<16xi1>, vector<16xf32>
        %parallel_loop3A_1141 = arith.constant 800 : i32
        %parallel_loop3A_1142 = arith.addi %parallel_loop3A_864, %parallel_loop3A_1141 : i32
        %parallel_loop3A_1143 = arith.index_cast %parallel_loop3A_1142 : i32 to index
        %parallel_loop3A_1144 = tpu.vector_load %arg9[%parallel_loop3A_1143] {strides = array<i32>} : memref<32768xf32, #tpu.memory_space<vmem>>, vector<16xf32>,
        tpu.vector_store %arg9[%parallel_loop3A_1143], %parallel_loop3A_1140 {strides = array<i32>} : memref<32768xf32, #tpu.memory_space<vmem>>, vector<16xf32>,
        %parallel_loop3A_1145 = vector.shape_cast %parallel_loop3A_1067 : vector<16xi32> to vector<16x1xi32>
        %parallel_loop3A_1146 = vector.shape_cast %parallel_loop3A_1145 : vector<16x1xi32> to vector<16xi32>
        %parallel_loop3A_1147 = tpu.dynamic_gather %get3A_809[%parallel_loop3A_1146] in [0] : vector<16xf32>, vector<16xi32> -> vector<16xf32>
        %parallel_loop3A_1148 = vector.shape_cast %parallel_loop3A_1067 : vector<16xi32> to vector<16x1xi32>
        %parallel_loop3A_1149 = vector.shape_cast %parallel_loop3A_1148 : vector<16x1xi32> to vector<16xi32>
        %parallel_loop3A_1150 = tpu.dynamic_gather %get3A_811[%parallel_loop3A_1149] in [0] : vector<16xf32>, vector<16xi32> -> vector<16xf32>
        %parallel_loop3A_1151 = arith.select %parallel_loop3A_1064, %parallel_loop3A_1147, %parallel_loop3A_1150 : vector<16xi1>, vector<16xf32>
        %parallel_loop3A_1152 = arith.constant 928 : i32
        %parallel_loop3A_1153 = arith.addi %parallel_loop3A_864, %parallel_loop3A_1152 : i32
        %parallel_loop3A_1154 = arith.index_cast %parallel_loop3A_1153 : i32 to index
        %parallel_loop3A_1155 = tpu.vector_load %arg9[%parallel_loop3A_1154] {strides = array<i32>} : memref<32768xf32, #tpu.memory_space<vmem>>, vector<16xf32>,
        tpu.vector_store %arg9[%parallel_loop3A_1154], %parallel_loop3A_1151 {strides = array<i32>} : memref<32768xf32, #tpu.memory_space<vmem>>, vector<16xf32>,
        %parallel_loop3A_1156 = arith.index_cast %parallel_loop3A_862 : i32 to index
        %parallel_loop3A_1157 = arith.constant 48 : index
        %parallel_loop3A_1158 = tpu.vector_load %arg7[%parallel_loop3A_1156, %parallel_loop3A_1157] {strides = array<i32>} : memref<32x128xi32, #tpu.memory_space<vmem>>, vector<16xi32>,
        %parallel_loop3A_1159 = arith.constant 16 : i32
        %parallel_loop3A_1160 = vector.broadcast %parallel_loop3A_1159 : i32 to vector<16xi32>
        %parallel_loop3A_1161 = arith.cmpi slt, %parallel_loop3A_1158, %parallel_loop3A_1160 : vector<16xi32>
        %parallel_loop3A_1162 = arith.constant 15 : i32
        %parallel_loop3A_1163 = vector.broadcast %parallel_loop3A_1162 : i32 to vector<16xi32>
        %parallel_loop3A_1164 = arith.andi %parallel_loop3A_1158, %parallel_loop3A_1163 : vector<16xi32>
        %parallel_loop3A_1165 = vector.shape_cast %parallel_loop3A_1164 : vector<16xi32> to vector<16x1xi32>
        %parallel_loop3A_1166 = vector.shape_cast %parallel_loop3A_1165 : vector<16x1xi32> to vector<16xi32>
        %parallel_loop3A_1167 = tpu.dynamic_gather %get3A_781[%parallel_loop3A_1166] in [0] : vector<16xf32>, vector<16xi32> -> vector<16xf32>
        %parallel_loop3A_1168 = vector.shape_cast %parallel_loop3A_1164 : vector<16xi32> to vector<16x1xi32>
        %parallel_loop3A_1169 = vector.shape_cast %parallel_loop3A_1168 : vector<16x1xi32> to vector<16xi32>
        %parallel_loop3A_1170 = tpu.dynamic_gather %get3A_783[%parallel_loop3A_1169] in [0] : vector<16xf32>, vector<16xi32> -> vector<16xf32>
        %parallel_loop3A_1171 = arith.select %parallel_loop3A_1161, %parallel_loop3A_1167, %parallel_loop3A_1170 : vector<16xi1>, vector<16xf32>
        %parallel_loop3A_1172 = arith.constant 48 : i32
        %parallel_loop3A_1173 = arith.addi %parallel_loop3A_864, %parallel_loop3A_1172 : i32
        %parallel_loop3A_1174 = arith.index_cast %parallel_loop3A_1173 : i32 to index
        %parallel_loop3A_1175 = tpu.vector_load %arg9[%parallel_loop3A_1174] {strides = array<i32>} : memref<32768xf32, #tpu.memory_space<vmem>>, vector<16xf32>,
        tpu.vector_store %arg9[%parallel_loop3A_1174], %parallel_loop3A_1171 {strides = array<i32>} : memref<32768xf32, #tpu.memory_space<vmem>>, vector<16xf32>,
        %parallel_loop3A_1176 = vector.shape_cast %parallel_loop3A_1164 : vector<16xi32> to vector<16x1xi32>
        %parallel_loop3A_1177 = vector.shape_cast %parallel_loop3A_1176 : vector<16x1xi32> to vector<16xi32>
        %parallel_loop3A_1178 = tpu.dynamic_gather %get3A_785[%parallel_loop3A_1177] in [0] : vector<16xf32>, vector<16xi32> -> vector<16xf32>
        %parallel_loop3A_1179 = vector.shape_cast %parallel_loop3A_1164 : vector<16xi32> to vector<16x1xi32>
        %parallel_loop3A_1180 = vector.shape_cast %parallel_loop3A_1179 : vector<16x1xi32> to vector<16xi32>
        %parallel_loop3A_1181 = tpu.dynamic_gather %get3A_787[%parallel_loop3A_1180] in [0] : vector<16xf32>, vector<16xi32> -> vector<16xf32>
        %parallel_loop3A_1182 = arith.select %parallel_loop3A_1161, %parallel_loop3A_1178, %parallel_loop3A_1181 : vector<16xi1>, vector<16xf32>
        %parallel_loop3A_1183 = arith.constant 176 : i32
        %parallel_loop3A_1184 = arith.addi %parallel_loop3A_864, %parallel_loop3A_1183 : i32
        %parallel_loop3A_1185 = arith.index_cast %parallel_loop3A_1184 : i32 to index
        %parallel_loop3A_1186 = tpu.vector_load %arg9[%parallel_loop3A_1185] {strides = array<i32>} : memref<32768xf32, #tpu.memory_space<vmem>>, vector<16xf32>,
        tpu.vector_store %arg9[%parallel_loop3A_1185], %parallel_loop3A_1182 {strides = array<i32>} : memref<32768xf32, #tpu.memory_space<vmem>>, vector<16xf32>,
        %parallel_loop3A_1187 = vector.shape_cast %parallel_loop3A_1164 : vector<16xi32> to vector<16x1xi32>
        %parallel_loop3A_1188 = vector.shape_cast %parallel_loop3A_1187 : vector<16x1xi32> to vector<16xi32>
        %parallel_loop3A_1189 = tpu.dynamic_gather %get3A_789[%parallel_loop3A_1188] in [0] : vector<16xf32>, vector<16xi32> -> vector<16xf32>
        %parallel_loop3A_1190 = vector.shape_cast %parallel_loop3A_1164 : vector<16xi32> to vector<16x1xi32>
        %parallel_loop3A_1191 = vector.shape_cast %parallel_loop3A_1190 : vector<16x1xi32> to vector<16xi32>
        %parallel_loop3A_1192 = tpu.dynamic_gather %get3A_791[%parallel_loop3A_1191] in [0] : vector<16xf32>, vector<16xi32> -> vector<16xf32>
        %parallel_loop3A_1193 = arith.select %parallel_loop3A_1161, %parallel_loop3A_1189, %parallel_loop3A_1192 : vector<16xi1>, vector<16xf32>
        %parallel_loop3A_1194 = arith.constant 304 : i32
        %parallel_loop3A_1195 = arith.addi %parallel_loop3A_864, %parallel_loop3A_1194 : i32
        %parallel_loop3A_1196 = arith.index_cast %parallel_loop3A_1195 : i32 to index
        %parallel_loop3A_1197 = tpu.vector_load %arg9[%parallel_loop3A_1196] {strides = array<i32>} : memref<32768xf32, #tpu.memory_space<vmem>>, vector<16xf32>,
        tpu.vector_store %arg9[%parallel_loop3A_1196], %parallel_loop3A_1193 {strides = array<i32>} : memref<32768xf32, #tpu.memory_space<vmem>>, vector<16xf32>,
        %parallel_loop3A_1198 = vector.shape_cast %parallel_loop3A_1164 : vector<16xi32> to vector<16x1xi32>
        %parallel_loop3A_1199 = vector.shape_cast %parallel_loop3A_1198 : vector<16x1xi32> to vector<16xi32>
        %parallel_loop3A_1200 = tpu.dynamic_gather %get3A_793[%parallel_loop3A_1199] in [0] : vector<16xf32>, vector<16xi32> -> vector<16xf32>
        %parallel_loop3A_1201 = vector.shape_cast %parallel_loop3A_1164 : vector<16xi32> to vector<16x1xi32>
        %parallel_loop3A_1202 = vector.shape_cast %parallel_loop3A_1201 : vector<16x1xi32> to vector<16xi32>
        %parallel_loop3A_1203 = tpu.dynamic_gather %get3A_795[%parallel_loop3A_1202] in [0] : vector<16xf32>, vector<16xi32> -> vector<16xf32>
        %parallel_loop3A_1204 = arith.select %parallel_loop3A_1161, %parallel_loop3A_1200, %parallel_loop3A_1203 : vector<16xi1>, vector<16xf32>
        %parallel_loop3A_1205 = arith.constant 432 : i32
        %parallel_loop3A_1206 = arith.addi %parallel_loop3A_864, %parallel_loop3A_1205 : i32
        %parallel_loop3A_1207 = arith.index_cast %parallel_loop3A_1206 : i32 to index
        %parallel_loop3A_1208 = tpu.vector_load %arg9[%parallel_loop3A_1207] {strides = array<i32>} : memref<32768xf32, #tpu.memory_space<vmem>>, vector<16xf32>,
        tpu.vector_store %arg9[%parallel_loop3A_1207], %parallel_loop3A_1204 {strides = array<i32>} : memref<32768xf32, #tpu.memory_space<vmem>>, vector<16xf32>,
        %parallel_loop3A_1209 = vector.shape_cast %parallel_loop3A_1164 : vector<16xi32> to vector<16x1xi32>
        %parallel_loop3A_1210 = vector.shape_cast %parallel_loop3A_1209 : vector<16x1xi32> to vector<16xi32>
        %parallel_loop3A_1211 = tpu.dynamic_gather %get3A_797[%parallel_loop3A_1210] in [0] : vector<16xf32>, vector<16xi32> -> vector<16xf32>
        %parallel_loop3A_1212 = vector.shape_cast %parallel_loop3A_1164 : vector<16xi32> to vector<16x1xi32>
        %parallel_loop3A_1213 = vector.shape_cast %parallel_loop3A_1212 : vector<16x1xi32> to vector<16xi32>
        %parallel_loop3A_1214 = tpu.dynamic_gather %get3A_799[%parallel_loop3A_1213] in [0] : vector<16xf32>, vector<16xi32> -> vector<16xf32>
        %parallel_loop3A_1215 = arith.select %parallel_loop3A_1161, %parallel_loop3A_1211, %parallel_loop3A_1214 : vector<16xi1>, vector<16xf32>
        %parallel_loop3A_1216 = arith.constant 560 : i32
        %parallel_loop3A_1217 = arith.addi %parallel_loop3A_864, %parallel_loop3A_1216 : i32
        %parallel_loop3A_1218 = arith.index_cast %parallel_loop3A_1217 : i32 to index
        %parallel_loop3A_1219 = tpu.vector_load %arg9[%parallel_loop3A_1218] {strides = array<i32>} : memref<32768xf32, #tpu.memory_space<vmem>>, vector<16xf32>,
        tpu.vector_store %arg9[%parallel_loop3A_1218], %parallel_loop3A_1215 {strides = array<i32>} : memref<32768xf32, #tpu.memory_space<vmem>>, vector<16xf32>,
        %parallel_loop3A_1220 = vector.shape_cast %parallel_loop3A_1164 : vector<16xi32> to vector<16x1xi32>
        %parallel_loop3A_1221 = vector.shape_cast %parallel_loop3A_1220 : vector<16x1xi32> to vector<16xi32>
        %parallel_loop3A_1222 = tpu.dynamic_gather %get3A_801[%parallel_loop3A_1221] in [0] : vector<16xf32>, vector<16xi32> -> vector<16xf32>
        %parallel_loop3A_1223 = vector.shape_cast %parallel_loop3A_1164 : vector<16xi32> to vector<16x1xi32>
        %parallel_loop3A_1224 = vector.shape_cast %parallel_loop3A_1223 : vector<16x1xi32> to vector<16xi32>
        %parallel_loop3A_1225 = tpu.dynamic_gather %get3A_803[%parallel_loop3A_1224] in [0] : vector<16xf32>, vector<16xi32> -> vector<16xf32>
        %parallel_loop3A_1226 = arith.select %parallel_loop3A_1161, %parallel_loop3A_1222, %parallel_loop3A_1225 : vector<16xi1>, vector<16xf32>
        %parallel_loop3A_1227 = arith.constant 688 : i32
        %parallel_loop3A_1228 = arith.addi %parallel_loop3A_864, %parallel_loop3A_1227 : i32
        %parallel_loop3A_1229 = arith.index_cast %parallel_loop3A_1228 : i32 to index
        %parallel_loop3A_1230 = tpu.vector_load %arg9[%parallel_loop3A_1229] {strides = array<i32>} : memref<32768xf32, #tpu.memory_space<vmem>>, vector<16xf32>,
        tpu.vector_store %arg9[%parallel_loop3A_1229], %parallel_loop3A_1226 {strides = array<i32>} : memref<32768xf32, #tpu.memory_space<vmem>>, vector<16xf32>,
        %parallel_loop3A_1231 = vector.shape_cast %parallel_loop3A_1164 : vector<16xi32> to vector<16x1xi32>
        %parallel_loop3A_1232 = vector.shape_cast %parallel_loop3A_1231 : vector<16x1xi32> to vector<16xi32>
        %parallel_loop3A_1233 = tpu.dynamic_gather %get3A_805[%parallel_loop3A_1232] in [0] : vector<16xf32>, vector<16xi32> -> vector<16xf32>
        %parallel_loop3A_1234 = vector.shape_cast %parallel_loop3A_1164 : vector<16xi32> to vector<16x1xi32>
        %parallel_loop3A_1235 = vector.shape_cast %parallel_loop3A_1234 : vector<16x1xi32> to vector<16xi32>
        %parallel_loop3A_1236 = tpu.dynamic_gather %get3A_807[%parallel_loop3A_1235] in [0] : vector<16xf32>, vector<16xi32> -> vector<16xf32>
        %parallel_loop3A_1237 = arith.select %parallel_loop3A_1161, %parallel_loop3A_1233, %parallel_loop3A_1236 : vector<16xi1>, vector<16xf32>
        %parallel_loop3A_1238 = arith.constant 816 : i32
        %parallel_loop3A_1239 = arith.addi %parallel_loop3A_864, %parallel_loop3A_1238 : i32
        %parallel_loop3A_1240 = arith.index_cast %parallel_loop3A_1239 : i32 to index
        %parallel_loop3A_1241 = tpu.vector_load %arg9[%parallel_loop3A_1240] {strides = array<i32>} : memref<32768xf32, #tpu.memory_space<vmem>>, vector<16xf32>,
        tpu.vector_store %arg9[%parallel_loop3A_1240], %parallel_loop3A_1237 {strides = array<i32>} : memref<32768xf32, #tpu.memory_space<vmem>>, vector<16xf32>,
        %parallel_loop3A_1242 = vector.shape_cast %parallel_loop3A_1164 : vector<16xi32> to vector<16x1xi32>
        %parallel_loop3A_1243 = vector.shape_cast %parallel_loop3A_1242 : vector<16x1xi32> to vector<16xi32>
        %parallel_loop3A_1244 = tpu.dynamic_gather %get3A_809[%parallel_loop3A_1243] in [0] : vector<16xf32>, vector<16xi32> -> vector<16xf32>
        %parallel_loop3A_1245 = vector.shape_cast %parallel_loop3A_1164 : vector<16xi32> to vector<16x1xi32>
        %parallel_loop3A_1246 = vector.shape_cast %parallel_loop3A_1245 : vector<16x1xi32> to vector<16xi32>
        %parallel_loop3A_1247 = tpu.dynamic_gather %get3A_811[%parallel_loop3A_1246] in [0] : vector<16xf32>, vector<16xi32> -> vector<16xf32>
        %parallel_loop3A_1248 = arith.select %parallel_loop3A_1161, %parallel_loop3A_1244, %parallel_loop3A_1247 : vector<16xi1>, vector<16xf32>
        %parallel_loop3A_1249 = arith.constant 944 : i32
        %parallel_loop3A_1250 = arith.addi %parallel_loop3A_864, %parallel_loop3A_1249 : i32
        %parallel_loop3A_1251 = arith.index_cast %parallel_loop3A_1250 : i32 to index
        %parallel_loop3A_1252 = tpu.vector_load %arg9[%parallel_loop3A_1251] {strides = array<i32>} : memref<32768xf32, #tpu.memory_space<vmem>>, vector<16xf32>,
        tpu.vector_store %arg9[%parallel_loop3A_1251], %parallel_loop3A_1248 {strides = array<i32>} : memref<32768xf32, #tpu.memory_space<vmem>>, vector<16xf32>,
        %parallel_loop3A_1253 = arith.index_cast %parallel_loop3A_862 : i32 to index
        %parallel_loop3A_1254 = arith.constant 64 : index
        %parallel_loop3A_1255 = tpu.vector_load %arg7[%parallel_loop3A_1253, %parallel_loop3A_1254] {strides = array<i32>} : memref<32x128xi32, #tpu.memory_space<vmem>>, vector<16xi32>,
        %parallel_loop3A_1256 = arith.constant 16 : i32
        %parallel_loop3A_1257 = vector.broadcast %parallel_loop3A_1256 : i32 to vector<16xi32>
        %parallel_loop3A_1258 = arith.cmpi slt, %parallel_loop3A_1255, %parallel_loop3A_1257 : vector<16xi32>
        %parallel_loop3A_1259 = arith.constant 15 : i32
        %parallel_loop3A_1260 = vector.broadcast %parallel_loop3A_1259 : i32 to vector<16xi32>
        %parallel_loop3A_1261 = arith.andi %parallel_loop3A_1255, %parallel_loop3A_1260 : vector<16xi32>
        %parallel_loop3A_1262 = vector.shape_cast %parallel_loop3A_1261 : vector<16xi32> to vector<16x1xi32>
        %parallel_loop3A_1263 = vector.shape_cast %parallel_loop3A_1262 : vector<16x1xi32> to vector<16xi32>
        %parallel_loop3A_1264 = tpu.dynamic_gather %get3A_781[%parallel_loop3A_1263] in [0] : vector<16xf32>, vector<16xi32> -> vector<16xf32>
        %parallel_loop3A_1265 = vector.shape_cast %parallel_loop3A_1261 : vector<16xi32> to vector<16x1xi32>
        %parallel_loop3A_1266 = vector.shape_cast %parallel_loop3A_1265 : vector<16x1xi32> to vector<16xi32>
        %parallel_loop3A_1267 = tpu.dynamic_gather %get3A_783[%parallel_loop3A_1266] in [0] : vector<16xf32>, vector<16xi32> -> vector<16xf32>
        %parallel_loop3A_1268 = arith.select %parallel_loop3A_1258, %parallel_loop3A_1264, %parallel_loop3A_1267 : vector<16xi1>, vector<16xf32>
        %parallel_loop3A_1269 = arith.constant 64 : i32
        %parallel_loop3A_1270 = arith.addi %parallel_loop3A_864, %parallel_loop3A_1269 : i32
        %parallel_loop3A_1271 = arith.index_cast %parallel_loop3A_1270 : i32 to index
        %parallel_loop3A_1272 = tpu.vector_load %arg9[%parallel_loop3A_1271] {strides = array<i32>} : memref<32768xf32, #tpu.memory_space<vmem>>, vector<16xf32>,
        tpu.vector_store %arg9[%parallel_loop3A_1271], %parallel_loop3A_1268 {strides = array<i32>} : memref<32768xf32, #tpu.memory_space<vmem>>, vector<16xf32>,
        %parallel_loop3A_1273 = vector.shape_cast %parallel_loop3A_1261 : vector<16xi32> to vector<16x1xi32>
        %parallel_loop3A_1274 = vector.shape_cast %parallel_loop3A_1273 : vector<16x1xi32> to vector<16xi32>
        %parallel_loop3A_1275 = tpu.dynamic_gather %get3A_785[%parallel_loop3A_1274] in [0] : vector<16xf32>, vector<16xi32> -> vector<16xf32>
        %parallel_loop3A_1276 = vector.shape_cast %parallel_loop3A_1261 : vector<16xi32> to vector<16x1xi32>
        %parallel_loop3A_1277 = vector.shape_cast %parallel_loop3A_1276 : vector<16x1xi32> to vector<16xi32>
        %parallel_loop3A_1278 = tpu.dynamic_gather %get3A_787[%parallel_loop3A_1277] in [0] : vector<16xf32>, vector<16xi32> -> vector<16xf32>
        %parallel_loop3A_1279 = arith.select %parallel_loop3A_1258, %parallel_loop3A_1275, %parallel_loop3A_1278 : vector<16xi1>, vector<16xf32>
        %parallel_loop3A_1280 = arith.constant 192 : i32
        %parallel_loop3A_1281 = arith.addi %parallel_loop3A_864, %parallel_loop3A_1280 : i32
        %parallel_loop3A_1282 = arith.index_cast %parallel_loop3A_1281 : i32 to index
        %parallel_loop3A_1283 = tpu.vector_load %arg9[%parallel_loop3A_1282] {strides = array<i32>} : memref<32768xf32, #tpu.memory_space<vmem>>, vector<16xf32>,
        tpu.vector_store %arg9[%parallel_loop3A_1282], %parallel_loop3A_1279 {strides = array<i32>} : memref<32768xf32, #tpu.memory_space<vmem>>, vector<16xf32>,
        %parallel_loop3A_1284 = vector.shape_cast %parallel_loop3A_1261 : vector<16xi32> to vector<16x1xi32>
        %parallel_loop3A_1285 = vector.shape_cast %parallel_loop3A_1284 : vector<16x1xi32> to vector<16xi32>
        %parallel_loop3A_1286 = tpu.dynamic_gather %get3A_789[%parallel_loop3A_1285] in [0] : vector<16xf32>, vector<16xi32> -> vector<16xf32>
        %parallel_loop3A_1287 = vector.shape_cast %parallel_loop3A_1261 : vector<16xi32> to vector<16x1xi32>
        %parallel_loop3A_1288 = vector.shape_cast %parallel_loop3A_1287 : vector<16x1xi32> to vector<16xi32>
        %parallel_loop3A_1289 = tpu.dynamic_gather %get3A_791[%parallel_loop3A_1288] in [0] : vector<16xf32>, vector<16xi32> -> vector<16xf32>
        %parallel_loop3A_1290 = arith.select %parallel_loop3A_1258, %parallel_loop3A_1286, %parallel_loop3A_1289 : vector<16xi1>, vector<16xf32>
        %parallel_loop3A_1291 = arith.constant 320 : i32
        %parallel_loop3A_1292 = arith.addi %parallel_loop3A_864, %parallel_loop3A_1291 : i32
        %parallel_loop3A_1293 = arith.index_cast %parallel_loop3A_1292 : i32 to index
        %parallel_loop3A_1294 = tpu.vector_load %arg9[%parallel_loop3A_1293] {strides = array<i32>} : memref<32768xf32, #tpu.memory_space<vmem>>, vector<16xf32>,
        tpu.vector_store %arg9[%parallel_loop3A_1293], %parallel_loop3A_1290 {strides = array<i32>} : memref<32768xf32, #tpu.memory_space<vmem>>, vector<16xf32>,
        %parallel_loop3A_1295 = vector.shape_cast %parallel_loop3A_1261 : vector<16xi32> to vector<16x1xi32>
        %parallel_loop3A_1296 = vector.shape_cast %parallel_loop3A_1295 : vector<16x1xi32> to vector<16xi32>
        %parallel_loop3A_1297 = tpu.dynamic_gather %get3A_793[%parallel_loop3A_1296] in [0] : vector<16xf32>, vector<16xi32> -> vector<16xf32>
        %parallel_loop3A_1298 = vector.shape_cast %parallel_loop3A_1261 : vector<16xi32> to vector<16x1xi32>
        %parallel_loop3A_1299 = vector.shape_cast %parallel_loop3A_1298 : vector<16x1xi32> to vector<16xi32>
        %parallel_loop3A_1300 = tpu.dynamic_gather %get3A_795[%parallel_loop3A_1299] in [0] : vector<16xf32>, vector<16xi32> -> vector<16xf32>
        %parallel_loop3A_1301 = arith.select %parallel_loop3A_1258, %parallel_loop3A_1297, %parallel_loop3A_1300 : vector<16xi1>, vector<16xf32>
        %parallel_loop3A_1302 = arith.constant 448 : i32
        %parallel_loop3A_1303 = arith.addi %parallel_loop3A_864, %parallel_loop3A_1302 : i32
        %parallel_loop3A_1304 = arith.index_cast %parallel_loop3A_1303 : i32 to index
        %parallel_loop3A_1305 = tpu.vector_load %arg9[%parallel_loop3A_1304] {strides = array<i32>} : memref<32768xf32, #tpu.memory_space<vmem>>, vector<16xf32>,
        tpu.vector_store %arg9[%parallel_loop3A_1304], %parallel_loop3A_1301 {strides = array<i32>} : memref<32768xf32, #tpu.memory_space<vmem>>, vector<16xf32>,
        %parallel_loop3A_1306 = vector.shape_cast %parallel_loop3A_1261 : vector<16xi32> to vector<16x1xi32>
        %parallel_loop3A_1307 = vector.shape_cast %parallel_loop3A_1306 : vector<16x1xi32> to vector<16xi32>
        %parallel_loop3A_1308 = tpu.dynamic_gather %get3A_797[%parallel_loop3A_1307] in [0] : vector<16xf32>, vector<16xi32> -> vector<16xf32>
        %parallel_loop3A_1309 = vector.shape_cast %parallel_loop3A_1261 : vector<16xi32> to vector<16x1xi32>
        %parallel_loop3A_1310 = vector.shape_cast %parallel_loop3A_1309 : vector<16x1xi32> to vector<16xi32>
        %parallel_loop3A_1311 = tpu.dynamic_gather %get3A_799[%parallel_loop3A_1310] in [0] : vector<16xf32>, vector<16xi32> -> vector<16xf32>
        %parallel_loop3A_1312 = arith.select %parallel_loop3A_1258, %parallel_loop3A_1308, %parallel_loop3A_1311 : vector<16xi1>, vector<16xf32>
        %parallel_loop3A_1313 = arith.constant 576 : i32
        %parallel_loop3A_1314 = arith.addi %parallel_loop3A_864, %parallel_loop3A_1313 : i32
        %parallel_loop3A_1315 = arith.index_cast %parallel_loop3A_1314 : i32 to index
        %parallel_loop3A_1316 = tpu.vector_load %arg9[%parallel_loop3A_1315] {strides = array<i32>} : memref<32768xf32, #tpu.memory_space<vmem>>, vector<16xf32>,
        tpu.vector_store %arg9[%parallel_loop3A_1315], %parallel_loop3A_1312 {strides = array<i32>} : memref<32768xf32, #tpu.memory_space<vmem>>, vector<16xf32>,
        %parallel_loop3A_1317 = vector.shape_cast %parallel_loop3A_1261 : vector<16xi32> to vector<16x1xi32>
        %parallel_loop3A_1318 = vector.shape_cast %parallel_loop3A_1317 : vector<16x1xi32> to vector<16xi32>
        %parallel_loop3A_1319 = tpu.dynamic_gather %get3A_801[%parallel_loop3A_1318] in [0] : vector<16xf32>, vector<16xi32> -> vector<16xf32>
        %parallel_loop3A_1320 = vector.shape_cast %parallel_loop3A_1261 : vector<16xi32> to vector<16x1xi32>
        %parallel_loop3A_1321 = vector.shape_cast %parallel_loop3A_1320 : vector<16x1xi32> to vector<16xi32>
        %parallel_loop3A_1322 = tpu.dynamic_gather %get3A_803[%parallel_loop3A_1321] in [0] : vector<16xf32>, vector<16xi32> -> vector<16xf32>
        %parallel_loop3A_1323 = arith.select %parallel_loop3A_1258, %parallel_loop3A_1319, %parallel_loop3A_1322 : vector<16xi1>, vector<16xf32>
        %parallel_loop3A_1324 = arith.constant 704 : i32
        %parallel_loop3A_1325 = arith.addi %parallel_loop3A_864, %parallel_loop3A_1324 : i32
        %parallel_loop3A_1326 = arith.index_cast %parallel_loop3A_1325 : i32 to index
        %parallel_loop3A_1327 = tpu.vector_load %arg9[%parallel_loop3A_1326] {strides = array<i32>} : memref<32768xf32, #tpu.memory_space<vmem>>, vector<16xf32>,
        tpu.vector_store %arg9[%parallel_loop3A_1326], %parallel_loop3A_1323 {strides = array<i32>} : memref<32768xf32, #tpu.memory_space<vmem>>, vector<16xf32>,
        %parallel_loop3A_1328 = vector.shape_cast %parallel_loop3A_1261 : vector<16xi32> to vector<16x1xi32>
        %parallel_loop3A_1329 = vector.shape_cast %parallel_loop3A_1328 : vector<16x1xi32> to vector<16xi32>
        %parallel_loop3A_1330 = tpu.dynamic_gather %get3A_805[%parallel_loop3A_1329] in [0] : vector<16xf32>, vector<16xi32> -> vector<16xf32>
        %parallel_loop3A_1331 = vector.shape_cast %parallel_loop3A_1261 : vector<16xi32> to vector<16x1xi32>
        %parallel_loop3A_1332 = vector.shape_cast %parallel_loop3A_1331 : vector<16x1xi32> to vector<16xi32>
        %parallel_loop3A_1333 = tpu.dynamic_gather %get3A_807[%parallel_loop3A_1332] in [0] : vector<16xf32>, vector<16xi32> -> vector<16xf32>
        %parallel_loop3A_1334 = arith.select %parallel_loop3A_1258, %parallel_loop3A_1330, %parallel_loop3A_1333 : vector<16xi1>, vector<16xf32>
        %parallel_loop3A_1335 = arith.constant 832 : i32
        %parallel_loop3A_1336 = arith.addi %parallel_loop3A_864, %parallel_loop3A_1335 : i32
        %parallel_loop3A_1337 = arith.index_cast %parallel_loop3A_1336 : i32 to index
        %parallel_loop3A_1338 = tpu.vector_load %arg9[%parallel_loop3A_1337] {strides = array<i32>} : memref<32768xf32, #tpu.memory_space<vmem>>, vector<16xf32>,
        tpu.vector_store %arg9[%parallel_loop3A_1337], %parallel_loop3A_1334 {strides = array<i32>} : memref<32768xf32, #tpu.memory_space<vmem>>, vector<16xf32>,
        %parallel_loop3A_1339 = vector.shape_cast %parallel_loop3A_1261 : vector<16xi32> to vector<16x1xi32>
        %parallel_loop3A_1340 = vector.shape_cast %parallel_loop3A_1339 : vector<16x1xi32> to vector<16xi32>
        %parallel_loop3A_1341 = tpu.dynamic_gather %get3A_809[%parallel_loop3A_1340] in [0] : vector<16xf32>, vector<16xi32> -> vector<16xf32>
        %parallel_loop3A_1342 = vector.shape_cast %parallel_loop3A_1261 : vector<16xi32> to vector<16x1xi32>
        %parallel_loop3A_1343 = vector.shape_cast %parallel_loop3A_1342 : vector<16x1xi32> to vector<16xi32>
        %parallel_loop3A_1344 = tpu.dynamic_gather %get3A_811[%parallel_loop3A_1343] in [0] : vector<16xf32>, vector<16xi32> -> vector<16xf32>
        %parallel_loop3A_1345 = arith.select %parallel_loop3A_1258, %parallel_loop3A_1341, %parallel_loop3A_1344 : vector<16xi1>, vector<16xf32>
        %parallel_loop3A_1346 = arith.constant 960 : i32
        %parallel_loop3A_1347 = arith.addi %parallel_loop3A_864, %parallel_loop3A_1346 : i32
        %parallel_loop3A_1348 = arith.index_cast %parallel_loop3A_1347 : i32 to index
        %parallel_loop3A_1349 = tpu.vector_load %arg9[%parallel_loop3A_1348] {strides = array<i32>} : memref<32768xf32, #tpu.memory_space<vmem>>, vector<16xf32>,
        tpu.vector_store %arg9[%parallel_loop3A_1348], %parallel_loop3A_1345 {strides = array<i32>} : memref<32768xf32, #tpu.memory_space<vmem>>, vector<16xf32>,
        %parallel_loop3A_1350 = arith.index_cast %parallel_loop3A_862 : i32 to index
        %parallel_loop3A_1351 = arith.constant 80 : index
        %parallel_loop3A_1352 = tpu.vector_load %arg7[%parallel_loop3A_1350, %parallel_loop3A_1351] {strides = array<i32>} : memref<32x128xi32, #tpu.memory_space<vmem>>, vector<16xi32>,
        %parallel_loop3A_1353 = arith.constant 16 : i32
        %parallel_loop3A_1354 = vector.broadcast %parallel_loop3A_1353 : i32 to vector<16xi32>
        %parallel_loop3A_1355 = arith.cmpi slt, %parallel_loop3A_1352, %parallel_loop3A_1354 : vector<16xi32>
        %parallel_loop3A_1356 = arith.constant 15 : i32
        %parallel_loop3A_1357 = vector.broadcast %parallel_loop3A_1356 : i32 to vector<16xi32>
        %parallel_loop3A_1358 = arith.andi %parallel_loop3A_1352, %parallel_loop3A_1357 : vector<16xi32>
        %parallel_loop3A_1359 = vector.shape_cast %parallel_loop3A_1358 : vector<16xi32> to vector<16x1xi32>
        %parallel_loop3A_1360 = vector.shape_cast %parallel_loop3A_1359 : vector<16x1xi32> to vector<16xi32>
        %parallel_loop3A_1361 = tpu.dynamic_gather %get3A_781[%parallel_loop3A_1360] in [0] : vector<16xf32>, vector<16xi32> -> vector<16xf32>
        %parallel_loop3A_1362 = vector.shape_cast %parallel_loop3A_1358 : vector<16xi32> to vector<16x1xi32>
        %parallel_loop3A_1363 = vector.shape_cast %parallel_loop3A_1362 : vector<16x1xi32> to vector<16xi32>
        %parallel_loop3A_1364 = tpu.dynamic_gather %get3A_783[%parallel_loop3A_1363] in [0] : vector<16xf32>, vector<16xi32> -> vector<16xf32>
        %parallel_loop3A_1365 = arith.select %parallel_loop3A_1355, %parallel_loop3A_1361, %parallel_loop3A_1364 : vector<16xi1>, vector<16xf32>
        %parallel_loop3A_1366 = arith.constant 80 : i32
        %parallel_loop3A_1367 = arith.addi %parallel_loop3A_864, %parallel_loop3A_1366 : i32
        %parallel_loop3A_1368 = arith.index_cast %parallel_loop3A_1367 : i32 to index
        %parallel_loop3A_1369 = tpu.vector_load %arg9[%parallel_loop3A_1368] {strides = array<i32>} : memref<32768xf32, #tpu.memory_space<vmem>>, vector<16xf32>,
        tpu.vector_store %arg9[%parallel_loop3A_1368], %parallel_loop3A_1365 {strides = array<i32>} : memref<32768xf32, #tpu.memory_space<vmem>>, vector<16xf32>,
        %parallel_loop3A_1370 = vector.shape_cast %parallel_loop3A_1358 : vector<16xi32> to vector<16x1xi32>
        %parallel_loop3A_1371 = vector.shape_cast %parallel_loop3A_1370 : vector<16x1xi32> to vector<16xi32>
        %parallel_loop3A_1372 = tpu.dynamic_gather %get3A_785[%parallel_loop3A_1371] in [0] : vector<16xf32>, vector<16xi32> -> vector<16xf32>
        %parallel_loop3A_1373 = vector.shape_cast %parallel_loop3A_1358 : vector<16xi32> to vector<16x1xi32>
        %parallel_loop3A_1374 = vector.shape_cast %parallel_loop3A_1373 : vector<16x1xi32> to vector<16xi32>
        %parallel_loop3A_1375 = tpu.dynamic_gather %get3A_787[%parallel_loop3A_1374] in [0] : vector<16xf32>, vector<16xi32> -> vector<16xf32>
        %parallel_loop3A_1376 = arith.select %parallel_loop3A_1355, %parallel_loop3A_1372, %parallel_loop3A_1375 : vector<16xi1>, vector<16xf32>
        %parallel_loop3A_1377 = arith.constant 208 : i32
        %parallel_loop3A_1378 = arith.addi %parallel_loop3A_864, %parallel_loop3A_1377 : i32
        %parallel_loop3A_1379 = arith.index_cast %parallel_loop3A_1378 : i32 to index
        %parallel_loop3A_1380 = tpu.vector_load %arg9[%parallel_loop3A_1379] {strides = array<i32>} : memref<32768xf32, #tpu.memory_space<vmem>>, vector<16xf32>,
        tpu.vector_store %arg9[%parallel_loop3A_1379], %parallel_loop3A_1376 {strides = array<i32>} : memref<32768xf32, #tpu.memory_space<vmem>>, vector<16xf32>,
        %parallel_loop3A_1381 = vector.shape_cast %parallel_loop3A_1358 : vector<16xi32> to vector<16x1xi32>
        %parallel_loop3A_1382 = vector.shape_cast %parallel_loop3A_1381 : vector<16x1xi32> to vector<16xi32>
        %parallel_loop3A_1383 = tpu.dynamic_gather %get3A_789[%parallel_loop3A_1382] in [0] : vector<16xf32>, vector<16xi32> -> vector<16xf32>
        %parallel_loop3A_1384 = vector.shape_cast %parallel_loop3A_1358 : vector<16xi32> to vector<16x1xi32>
        %parallel_loop3A_1385 = vector.shape_cast %parallel_loop3A_1384 : vector<16x1xi32> to vector<16xi32>
        %parallel_loop3A_1386 = tpu.dynamic_gather %get3A_791[%parallel_loop3A_1385] in [0] : vector<16xf32>, vector<16xi32> -> vector<16xf32>
        %parallel_loop3A_1387 = arith.select %parallel_loop3A_1355, %parallel_loop3A_1383, %parallel_loop3A_1386 : vector<16xi1>, vector<16xf32>
        %parallel_loop3A_1388 = arith.constant 336 : i32
        %parallel_loop3A_1389 = arith.addi %parallel_loop3A_864, %parallel_loop3A_1388 : i32
        %parallel_loop3A_1390 = arith.index_cast %parallel_loop3A_1389 : i32 to index
        %parallel_loop3A_1391 = tpu.vector_load %arg9[%parallel_loop3A_1390] {strides = array<i32>} : memref<32768xf32, #tpu.memory_space<vmem>>, vector<16xf32>,
        tpu.vector_store %arg9[%parallel_loop3A_1390], %parallel_loop3A_1387 {strides = array<i32>} : memref<32768xf32, #tpu.memory_space<vmem>>, vector<16xf32>,
        %parallel_loop3A_1392 = vector.shape_cast %parallel_loop3A_1358 : vector<16xi32> to vector<16x1xi32>
        %parallel_loop3A_1393 = vector.shape_cast %parallel_loop3A_1392 : vector<16x1xi32> to vector<16xi32>
        %parallel_loop3A_1394 = tpu.dynamic_gather %get3A_793[%parallel_loop3A_1393] in [0] : vector<16xf32>, vector<16xi32> -> vector<16xf32>
        %parallel_loop3A_1395 = vector.shape_cast %parallel_loop3A_1358 : vector<16xi32> to vector<16x1xi32>
        %parallel_loop3A_1396 = vector.shape_cast %parallel_loop3A_1395 : vector<16x1xi32> to vector<16xi32>
        %parallel_loop3A_1397 = tpu.dynamic_gather %get3A_795[%parallel_loop3A_1396] in [0] : vector<16xf32>, vector<16xi32> -> vector<16xf32>
        %parallel_loop3A_1398 = arith.select %parallel_loop3A_1355, %parallel_loop3A_1394, %parallel_loop3A_1397 : vector<16xi1>, vector<16xf32>
        %parallel_loop3A_1399 = arith.constant 464 : i32
        %parallel_loop3A_1400 = arith.addi %parallel_loop3A_864, %parallel_loop3A_1399 : i32
        %parallel_loop3A_1401 = arith.index_cast %parallel_loop3A_1400 : i32 to index
        %parallel_loop3A_1402 = tpu.vector_load %arg9[%parallel_loop3A_1401] {strides = array<i32>} : memref<32768xf32, #tpu.memory_space<vmem>>, vector<16xf32>,
        tpu.vector_store %arg9[%parallel_loop3A_1401], %parallel_loop3A_1398 {strides = array<i32>} : memref<32768xf32, #tpu.memory_space<vmem>>, vector<16xf32>,
        %parallel_loop3A_1403 = vector.shape_cast %parallel_loop3A_1358 : vector<16xi32> to vector<16x1xi32>
        %parallel_loop3A_1404 = vector.shape_cast %parallel_loop3A_1403 : vector<16x1xi32> to vector<16xi32>
        %parallel_loop3A_1405 = tpu.dynamic_gather %get3A_797[%parallel_loop3A_1404] in [0] : vector<16xf32>, vector<16xi32> -> vector<16xf32>
        %parallel_loop3A_1406 = vector.shape_cast %parallel_loop3A_1358 : vector<16xi32> to vector<16x1xi32>
        %parallel_loop3A_1407 = vector.shape_cast %parallel_loop3A_1406 : vector<16x1xi32> to vector<16xi32>
        %parallel_loop3A_1408 = tpu.dynamic_gather %get3A_799[%parallel_loop3A_1407] in [0] : vector<16xf32>, vector<16xi32> -> vector<16xf32>
        %parallel_loop3A_1409 = arith.select %parallel_loop3A_1355, %parallel_loop3A_1405, %parallel_loop3A_1408 : vector<16xi1>, vector<16xf32>
        %parallel_loop3A_1410 = arith.constant 592 : i32
        %parallel_loop3A_1411 = arith.addi %parallel_loop3A_864, %parallel_loop3A_1410 : i32
        %parallel_loop3A_1412 = arith.index_cast %parallel_loop3A_1411 : i32 to index
        %parallel_loop3A_1413 = tpu.vector_load %arg9[%parallel_loop3A_1412] {strides = array<i32>} : memref<32768xf32, #tpu.memory_space<vmem>>, vector<16xf32>,
        tpu.vector_store %arg9[%parallel_loop3A_1412], %parallel_loop3A_1409 {strides = array<i32>} : memref<32768xf32, #tpu.memory_space<vmem>>, vector<16xf32>,
        %parallel_loop3A_1414 = vector.shape_cast %parallel_loop3A_1358 : vector<16xi32> to vector<16x1xi32>
        %parallel_loop3A_1415 = vector.shape_cast %parallel_loop3A_1414 : vector<16x1xi32> to vector<16xi32>
        %parallel_loop3A_1416 = tpu.dynamic_gather %get3A_801[%parallel_loop3A_1415] in [0] : vector<16xf32>, vector<16xi32> -> vector<16xf32>
        %parallel_loop3A_1417 = vector.shape_cast %parallel_loop3A_1358 : vector<16xi32> to vector<16x1xi32>
        %parallel_loop3A_1418 = vector.shape_cast %parallel_loop3A_1417 : vector<16x1xi32> to vector<16xi32>
        %parallel_loop3A_1419 = tpu.dynamic_gather %get3A_803[%parallel_loop3A_1418] in [0] : vector<16xf32>, vector<16xi32> -> vector<16xf32>
        %parallel_loop3A_1420 = arith.select %parallel_loop3A_1355, %parallel_loop3A_1416, %parallel_loop3A_1419 : vector<16xi1>, vector<16xf32>
        %parallel_loop3A_1421 = arith.constant 720 : i32
        %parallel_loop3A_1422 = arith.addi %parallel_loop3A_864, %parallel_loop3A_1421 : i32
        %parallel_loop3A_1423 = arith.index_cast %parallel_loop3A_1422 : i32 to index
        %parallel_loop3A_1424 = tpu.vector_load %arg9[%parallel_loop3A_1423] {strides = array<i32>} : memref<32768xf32, #tpu.memory_space<vmem>>, vector<16xf32>,
        tpu.vector_store %arg9[%parallel_loop3A_1423], %parallel_loop3A_1420 {strides = array<i32>} : memref<32768xf32, #tpu.memory_space<vmem>>, vector<16xf32>,
        %parallel_loop3A_1425 = vector.shape_cast %parallel_loop3A_1358 : vector<16xi32> to vector<16x1xi32>
        %parallel_loop3A_1426 = vector.shape_cast %parallel_loop3A_1425 : vector<16x1xi32> to vector<16xi32>
        %parallel_loop3A_1427 = tpu.dynamic_gather %get3A_805[%parallel_loop3A_1426] in [0] : vector<16xf32>, vector<16xi32> -> vector<16xf32>
        %parallel_loop3A_1428 = vector.shape_cast %parallel_loop3A_1358 : vector<16xi32> to vector<16x1xi32>
        %parallel_loop3A_1429 = vector.shape_cast %parallel_loop3A_1428 : vector<16x1xi32> to vector<16xi32>
        %parallel_loop3A_1430 = tpu.dynamic_gather %get3A_807[%parallel_loop3A_1429] in [0] : vector<16xf32>, vector<16xi32> -> vector<16xf32>
        %parallel_loop3A_1431 = arith.select %parallel_loop3A_1355, %parallel_loop3A_1427, %parallel_loop3A_1430 : vector<16xi1>, vector<16xf32>
        %parallel_loop3A_1432 = arith.constant 848 : i32
        %parallel_loop3A_1433 = arith.addi %parallel_loop3A_864, %parallel_loop3A_1432 : i32
        %parallel_loop3A_1434 = arith.index_cast %parallel_loop3A_1433 : i32 to index
        %parallel_loop3A_1435 = tpu.vector_load %arg9[%parallel_loop3A_1434] {strides = array<i32>} : memref<32768xf32, #tpu.memory_space<vmem>>, vector<16xf32>,
        tpu.vector_store %arg9[%parallel_loop3A_1434], %parallel_loop3A_1431 {strides = array<i32>} : memref<32768xf32, #tpu.memory_space<vmem>>, vector<16xf32>,
        %parallel_loop3A_1436 = vector.shape_cast %parallel_loop3A_1358 : vector<16xi32> to vector<16x1xi32>
        %parallel_loop3A_1437 = vector.shape_cast %parallel_loop3A_1436 : vector<16x1xi32> to vector<16xi32>
        %parallel_loop3A_1438 = tpu.dynamic_gather %get3A_809[%parallel_loop3A_1437] in [0] : vector<16xf32>, vector<16xi32> -> vector<16xf32>
        %parallel_loop3A_1439 = vector.shape_cast %parallel_loop3A_1358 : vector<16xi32> to vector<16x1xi32>
        %parallel_loop3A_1440 = vector.shape_cast %parallel_loop3A_1439 : vector<16x1xi32> to vector<16xi32>
        %parallel_loop3A_1441 = tpu.dynamic_gather %get3A_811[%parallel_loop3A_1440] in [0] : vector<16xf32>, vector<16xi32> -> vector<16xf32>
        %parallel_loop3A_1442 = arith.select %parallel_loop3A_1355, %parallel_loop3A_1438, %parallel_loop3A_1441 : vector<16xi1>, vector<16xf32>
        %parallel_loop3A_1443 = arith.constant 976 : i32
        %parallel_loop3A_1444 = arith.addi %parallel_loop3A_864, %parallel_loop3A_1443 : i32
        %parallel_loop3A_1445 = arith.index_cast %parallel_loop3A_1444 : i32 to index
        %parallel_loop3A_1446 = tpu.vector_load %arg9[%parallel_loop3A_1445] {strides = array<i32>} : memref<32768xf32, #tpu.memory_space<vmem>>, vector<16xf32>,
        tpu.vector_store %arg9[%parallel_loop3A_1445], %parallel_loop3A_1442 {strides = array<i32>} : memref<32768xf32, #tpu.memory_space<vmem>>, vector<16xf32>,
        %parallel_loop3A_1447 = arith.index_cast %parallel_loop3A_862 : i32 to index
        %parallel_loop3A_1448 = arith.constant 96 : index
        %parallel_loop3A_1449 = tpu.vector_load %arg7[%parallel_loop3A_1447, %parallel_loop3A_1448] {strides = array<i32>} : memref<32x128xi32, #tpu.memory_space<vmem>>, vector<16xi32>,
        %parallel_loop3A_1450 = arith.constant 16 : i32
        %parallel_loop3A_1451 = vector.broadcast %parallel_loop3A_1450 : i32 to vector<16xi32>
        %parallel_loop3A_1452 = arith.cmpi slt, %parallel_loop3A_1449, %parallel_loop3A_1451 : vector<16xi32>
        %parallel_loop3A_1453 = arith.constant 15 : i32
        %parallel_loop3A_1454 = vector.broadcast %parallel_loop3A_1453 : i32 to vector<16xi32>
        %parallel_loop3A_1455 = arith.andi %parallel_loop3A_1449, %parallel_loop3A_1454 : vector<16xi32>
        %parallel_loop3A_1456 = vector.shape_cast %parallel_loop3A_1455 : vector<16xi32> to vector<16x1xi32>
        %parallel_loop3A_1457 = vector.shape_cast %parallel_loop3A_1456 : vector<16x1xi32> to vector<16xi32>
        %parallel_loop3A_1458 = tpu.dynamic_gather %get3A_781[%parallel_loop3A_1457] in [0] : vector<16xf32>, vector<16xi32> -> vector<16xf32>
        %parallel_loop3A_1459 = vector.shape_cast %parallel_loop3A_1455 : vector<16xi32> to vector<16x1xi32>
        %parallel_loop3A_1460 = vector.shape_cast %parallel_loop3A_1459 : vector<16x1xi32> to vector<16xi32>
        %parallel_loop3A_1461 = tpu.dynamic_gather %get3A_783[%parallel_loop3A_1460] in [0] : vector<16xf32>, vector<16xi32> -> vector<16xf32>
        %parallel_loop3A_1462 = arith.select %parallel_loop3A_1452, %parallel_loop3A_1458, %parallel_loop3A_1461 : vector<16xi1>, vector<16xf32>
        %parallel_loop3A_1463 = arith.constant 96 : i32
        %parallel_loop3A_1464 = arith.addi %parallel_loop3A_864, %parallel_loop3A_1463 : i32
        %parallel_loop3A_1465 = arith.index_cast %parallel_loop3A_1464 : i32 to index
        %parallel_loop3A_1466 = tpu.vector_load %arg9[%parallel_loop3A_1465] {strides = array<i32>} : memref<32768xf32, #tpu.memory_space<vmem>>, vector<16xf32>,
        tpu.vector_store %arg9[%parallel_loop3A_1465], %parallel_loop3A_1462 {strides = array<i32>} : memref<32768xf32, #tpu.memory_space<vmem>>, vector<16xf32>,
        %parallel_loop3A_1467 = vector.shape_cast %parallel_loop3A_1455 : vector<16xi32> to vector<16x1xi32>
        %parallel_loop3A_1468 = vector.shape_cast %parallel_loop3A_1467 : vector<16x1xi32> to vector<16xi32>
        %parallel_loop3A_1469 = tpu.dynamic_gather %get3A_785[%parallel_loop3A_1468] in [0] : vector<16xf32>, vector<16xi32> -> vector<16xf32>
        %parallel_loop3A_1470 = vector.shape_cast %parallel_loop3A_1455 : vector<16xi32> to vector<16x1xi32>
        %parallel_loop3A_1471 = vector.shape_cast %parallel_loop3A_1470 : vector<16x1xi32> to vector<16xi32>
        %parallel_loop3A_1472 = tpu.dynamic_gather %get3A_787[%parallel_loop3A_1471] in [0] : vector<16xf32>, vector<16xi32> -> vector<16xf32>
        %parallel_loop3A_1473 = arith.select %parallel_loop3A_1452, %parallel_loop3A_1469, %parallel_loop3A_1472 : vector<16xi1>, vector<16xf32>
        %parallel_loop3A_1474 = arith.constant 224 : i32
        %parallel_loop3A_1475 = arith.addi %parallel_loop3A_864, %parallel_loop3A_1474 : i32
        %parallel_loop3A_1476 = arith.index_cast %parallel_loop3A_1475 : i32 to index
        %parallel_loop3A_1477 = tpu.vector_load %arg9[%parallel_loop3A_1476] {strides = array<i32>} : memref<32768xf32, #tpu.memory_space<vmem>>, vector<16xf32>,
        tpu.vector_store %arg9[%parallel_loop3A_1476], %parallel_loop3A_1473 {strides = array<i32>} : memref<32768xf32, #tpu.memory_space<vmem>>, vector<16xf32>,
        %parallel_loop3A_1478 = vector.shape_cast %parallel_loop3A_1455 : vector<16xi32> to vector<16x1xi32>
        %parallel_loop3A_1479 = vector.shape_cast %parallel_loop3A_1478 : vector<16x1xi32> to vector<16xi32>
        %parallel_loop3A_1480 = tpu.dynamic_gather %get3A_789[%parallel_loop3A_1479] in [0] : vector<16xf32>, vector<16xi32> -> vector<16xf32>
        %parallel_loop3A_1481 = vector.shape_cast %parallel_loop3A_1455 : vector<16xi32> to vector<16x1xi32>
        %parallel_loop3A_1482 = vector.shape_cast %parallel_loop3A_1481 : vector<16x1xi32> to vector<16xi32>
        %parallel_loop3A_1483 = tpu.dynamic_gather %get3A_791[%parallel_loop3A_1482] in [0] : vector<16xf32>, vector<16xi32> -> vector<16xf32>
        %parallel_loop3A_1484 = arith.select %parallel_loop3A_1452, %parallel_loop3A_1480, %parallel_loop3A_1483 : vector<16xi1>, vector<16xf32>
        %parallel_loop3A_1485 = arith.constant 352 : i32
        %parallel_loop3A_1486 = arith.addi %parallel_loop3A_864, %parallel_loop3A_1485 : i32
        %parallel_loop3A_1487 = arith.index_cast %parallel_loop3A_1486 : i32 to index
        %parallel_loop3A_1488 = tpu.vector_load %arg9[%parallel_loop3A_1487] {strides = array<i32>} : memref<32768xf32, #tpu.memory_space<vmem>>, vector<16xf32>,
        tpu.vector_store %arg9[%parallel_loop3A_1487], %parallel_loop3A_1484 {strides = array<i32>} : memref<32768xf32, #tpu.memory_space<vmem>>, vector<16xf32>,
        %parallel_loop3A_1489 = vector.shape_cast %parallel_loop3A_1455 : vector<16xi32> to vector<16x1xi32>
        %parallel_loop3A_1490 = vector.shape_cast %parallel_loop3A_1489 : vector<16x1xi32> to vector<16xi32>
        %parallel_loop3A_1491 = tpu.dynamic_gather %get3A_793[%parallel_loop3A_1490] in [0] : vector<16xf32>, vector<16xi32> -> vector<16xf32>
        %parallel_loop3A_1492 = vector.shape_cast %parallel_loop3A_1455 : vector<16xi32> to vector<16x1xi32>
        %parallel_loop3A_1493 = vector.shape_cast %parallel_loop3A_1492 : vector<16x1xi32> to vector<16xi32>
        %parallel_loop3A_1494 = tpu.dynamic_gather %get3A_795[%parallel_loop3A_1493] in [0] : vector<16xf32>, vector<16xi32> -> vector<16xf32>
        %parallel_loop3A_1495 = arith.select %parallel_loop3A_1452, %parallel_loop3A_1491, %parallel_loop3A_1494 : vector<16xi1>, vector<16xf32>
        %parallel_loop3A_1496 = arith.constant 480 : i32
        %parallel_loop3A_1497 = arith.addi %parallel_loop3A_864, %parallel_loop3A_1496 : i32
        %parallel_loop3A_1498 = arith.index_cast %parallel_loop3A_1497 : i32 to index
        %parallel_loop3A_1499 = tpu.vector_load %arg9[%parallel_loop3A_1498] {strides = array<i32>} : memref<32768xf32, #tpu.memory_space<vmem>>, vector<16xf32>,
        tpu.vector_store %arg9[%parallel_loop3A_1498], %parallel_loop3A_1495 {strides = array<i32>} : memref<32768xf32, #tpu.memory_space<vmem>>, vector<16xf32>,
        %parallel_loop3A_1500 = vector.shape_cast %parallel_loop3A_1455 : vector<16xi32> to vector<16x1xi32>
        %parallel_loop3A_1501 = vector.shape_cast %parallel_loop3A_1500 : vector<16x1xi32> to vector<16xi32>
        %parallel_loop3A_1502 = tpu.dynamic_gather %get3A_797[%parallel_loop3A_1501] in [0] : vector<16xf32>, vector<16xi32> -> vector<16xf32>
        %parallel_loop3A_1503 = vector.shape_cast %parallel_loop3A_1455 : vector<16xi32> to vector<16x1xi32>
        %parallel_loop3A_1504 = vector.shape_cast %parallel_loop3A_1503 : vector<16x1xi32> to vector<16xi32>
        %parallel_loop3A_1505 = tpu.dynamic_gather %get3A_799[%parallel_loop3A_1504] in [0] : vector<16xf32>, vector<16xi32> -> vector<16xf32>
        %parallel_loop3A_1506 = arith.select %parallel_loop3A_1452, %parallel_loop3A_1502, %parallel_loop3A_1505 : vector<16xi1>, vector<16xf32>
        %parallel_loop3A_1507 = arith.constant 608 : i32
        %parallel_loop3A_1508 = arith.addi %parallel_loop3A_864, %parallel_loop3A_1507 : i32
        %parallel_loop3A_1509 = arith.index_cast %parallel_loop3A_1508 : i32 to index
        %parallel_loop3A_1510 = tpu.vector_load %arg9[%parallel_loop3A_1509] {strides = array<i32>} : memref<32768xf32, #tpu.memory_space<vmem>>, vector<16xf32>,
        tpu.vector_store %arg9[%parallel_loop3A_1509], %parallel_loop3A_1506 {strides = array<i32>} : memref<32768xf32, #tpu.memory_space<vmem>>, vector<16xf32>,
        %parallel_loop3A_1511 = vector.shape_cast %parallel_loop3A_1455 : vector<16xi32> to vector<16x1xi32>
        %parallel_loop3A_1512 = vector.shape_cast %parallel_loop3A_1511 : vector<16x1xi32> to vector<16xi32>
        %parallel_loop3A_1513 = tpu.dynamic_gather %get3A_801[%parallel_loop3A_1512] in [0] : vector<16xf32>, vector<16xi32> -> vector<16xf32>
        %parallel_loop3A_1514 = vector.shape_cast %parallel_loop3A_1455 : vector<16xi32> to vector<16x1xi32>
        %parallel_loop3A_1515 = vector.shape_cast %parallel_loop3A_1514 : vector<16x1xi32> to vector<16xi32>
        %parallel_loop3A_1516 = tpu.dynamic_gather %get3A_803[%parallel_loop3A_1515] in [0] : vector<16xf32>, vector<16xi32> -> vector<16xf32>
        %parallel_loop3A_1517 = arith.select %parallel_loop3A_1452, %parallel_loop3A_1513, %parallel_loop3A_1516 : vector<16xi1>, vector<16xf32>
        %parallel_loop3A_1518 = arith.constant 736 : i32
        %parallel_loop3A_1519 = arith.addi %parallel_loop3A_864, %parallel_loop3A_1518 : i32
        %parallel_loop3A_1520 = arith.index_cast %parallel_loop3A_1519 : i32 to index
        %parallel_loop3A_1521 = tpu.vector_load %arg9[%parallel_loop3A_1520] {strides = array<i32>} : memref<32768xf32, #tpu.memory_space<vmem>>, vector<16xf32>,
        tpu.vector_store %arg9[%parallel_loop3A_1520], %parallel_loop3A_1517 {strides = array<i32>} : memref<32768xf32, #tpu.memory_space<vmem>>, vector<16xf32>,
        %parallel_loop3A_1522 = vector.shape_cast %parallel_loop3A_1455 : vector<16xi32> to vector<16x1xi32>
        %parallel_loop3A_1523 = vector.shape_cast %parallel_loop3A_1522 : vector<16x1xi32> to vector<16xi32>
        %parallel_loop3A_1524 = tpu.dynamic_gather %get3A_805[%parallel_loop3A_1523] in [0] : vector<16xf32>, vector<16xi32> -> vector<16xf32>
        %parallel_loop3A_1525 = vector.shape_cast %parallel_loop3A_1455 : vector<16xi32> to vector<16x1xi32>
        %parallel_loop3A_1526 = vector.shape_cast %parallel_loop3A_1525 : vector<16x1xi32> to vector<16xi32>
        %parallel_loop3A_1527 = tpu.dynamic_gather %get3A_807[%parallel_loop3A_1526] in [0] : vector<16xf32>, vector<16xi32> -> vector<16xf32>
        %parallel_loop3A_1528 = arith.select %parallel_loop3A_1452, %parallel_loop3A_1524, %parallel_loop3A_1527 : vector<16xi1>, vector<16xf32>
        %parallel_loop3A_1529 = arith.constant 864 : i32
        %parallel_loop3A_1530 = arith.addi %parallel_loop3A_864, %parallel_loop3A_1529 : i32
        %parallel_loop3A_1531 = arith.index_cast %parallel_loop3A_1530 : i32 to index
        %parallel_loop3A_1532 = tpu.vector_load %arg9[%parallel_loop3A_1531] {strides = array<i32>} : memref<32768xf32, #tpu.memory_space<vmem>>, vector<16xf32>,
        tpu.vector_store %arg9[%parallel_loop3A_1531], %parallel_loop3A_1528 {strides = array<i32>} : memref<32768xf32, #tpu.memory_space<vmem>>, vector<16xf32>,
        %parallel_loop3A_1533 = vector.shape_cast %parallel_loop3A_1455 : vector<16xi32> to vector<16x1xi32>
        %parallel_loop3A_1534 = vector.shape_cast %parallel_loop3A_1533 : vector<16x1xi32> to vector<16xi32>
        %parallel_loop3A_1535 = tpu.dynamic_gather %get3A_809[%parallel_loop3A_1534] in [0] : vector<16xf32>, vector<16xi32> -> vector<16xf32>
        %parallel_loop3A_1536 = vector.shape_cast %parallel_loop3A_1455 : vector<16xi32> to vector<16x1xi32>
        %parallel_loop3A_1537 = vector.shape_cast %parallel_loop3A_1536 : vector<16x1xi32> to vector<16xi32>
        %parallel_loop3A_1538 = tpu.dynamic_gather %get3A_811[%parallel_loop3A_1537] in [0] : vector<16xf32>, vector<16xi32> -> vector<16xf32>
        %parallel_loop3A_1539 = arith.select %parallel_loop3A_1452, %parallel_loop3A_1535, %parallel_loop3A_1538 : vector<16xi1>, vector<16xf32>
        %parallel_loop3A_1540 = arith.constant 992 : i32
        %parallel_loop3A_1541 = arith.addi %parallel_loop3A_864, %parallel_loop3A_1540 : i32
        %parallel_loop3A_1542 = arith.index_cast %parallel_loop3A_1541 : i32 to index
        %parallel_loop3A_1543 = tpu.vector_load %arg9[%parallel_loop3A_1542] {strides = array<i32>} : memref<32768xf32, #tpu.memory_space<vmem>>, vector<16xf32>,
        tpu.vector_store %arg9[%parallel_loop3A_1542], %parallel_loop3A_1539 {strides = array<i32>} : memref<32768xf32, #tpu.memory_space<vmem>>, vector<16xf32>,
        %parallel_loop3A_1544 = arith.index_cast %parallel_loop3A_862 : i32 to index
        %parallel_loop3A_1545 = arith.constant 112 : index
        %parallel_loop3A_1546 = tpu.vector_load %arg7[%parallel_loop3A_1544, %parallel_loop3A_1545] {strides = array<i32>} : memref<32x128xi32, #tpu.memory_space<vmem>>, vector<16xi32>,
        %parallel_loop3A_1547 = arith.constant 16 : i32
        %parallel_loop3A_1548 = vector.broadcast %parallel_loop3A_1547 : i32 to vector<16xi32>
        %parallel_loop3A_1549 = arith.cmpi slt, %parallel_loop3A_1546, %parallel_loop3A_1548 : vector<16xi32>
        %parallel_loop3A_1550 = arith.constant 15 : i32
        %parallel_loop3A_1551 = vector.broadcast %parallel_loop3A_1550 : i32 to vector<16xi32>
        %parallel_loop3A_1552 = arith.andi %parallel_loop3A_1546, %parallel_loop3A_1551 : vector<16xi32>
        %parallel_loop3A_1553 = vector.shape_cast %parallel_loop3A_1552 : vector<16xi32> to vector<16x1xi32>
        %parallel_loop3A_1554 = vector.shape_cast %parallel_loop3A_1553 : vector<16x1xi32> to vector<16xi32>
        %parallel_loop3A_1555 = tpu.dynamic_gather %get3A_781[%parallel_loop3A_1554] in [0] : vector<16xf32>, vector<16xi32> -> vector<16xf32>
        %parallel_loop3A_1556 = vector.shape_cast %parallel_loop3A_1552 : vector<16xi32> to vector<16x1xi32>
        %parallel_loop3A_1557 = vector.shape_cast %parallel_loop3A_1556 : vector<16x1xi32> to vector<16xi32>
        %parallel_loop3A_1558 = tpu.dynamic_gather %get3A_783[%parallel_loop3A_1557] in [0] : vector<16xf32>, vector<16xi32> -> vector<16xf32>
        %parallel_loop3A_1559 = arith.select %parallel_loop3A_1549, %parallel_loop3A_1555, %parallel_loop3A_1558 : vector<16xi1>, vector<16xf32>
        %parallel_loop3A_1560 = arith.constant 112 : i32
        %parallel_loop3A_1561 = arith.addi %parallel_loop3A_864, %parallel_loop3A_1560 : i32
        %parallel_loop3A_1562 = arith.index_cast %parallel_loop3A_1561 : i32 to index
        %parallel_loop3A_1563 = tpu.vector_load %arg9[%parallel_loop3A_1562] {strides = array<i32>} : memref<32768xf32, #tpu.memory_space<vmem>>, vector<16xf32>,
        tpu.vector_store %arg9[%parallel_loop3A_1562], %parallel_loop3A_1559 {strides = array<i32>} : memref<32768xf32, #tpu.memory_space<vmem>>, vector<16xf32>,
        %parallel_loop3A_1564 = vector.shape_cast %parallel_loop3A_1552 : vector<16xi32> to vector<16x1xi32>
        %parallel_loop3A_1565 = vector.shape_cast %parallel_loop3A_1564 : vector<16x1xi32> to vector<16xi32>
        %parallel_loop3A_1566 = tpu.dynamic_gather %get3A_785[%parallel_loop3A_1565] in [0] : vector<16xf32>, vector<16xi32> -> vector<16xf32>
        %parallel_loop3A_1567 = vector.shape_cast %parallel_loop3A_1552 : vector<16xi32> to vector<16x1xi32>
        %parallel_loop3A_1568 = vector.shape_cast %parallel_loop3A_1567 : vector<16x1xi32> to vector<16xi32>
        %parallel_loop3A_1569 = tpu.dynamic_gather %get3A_787[%parallel_loop3A_1568] in [0] : vector<16xf32>, vector<16xi32> -> vector<16xf32>
        %parallel_loop3A_1570 = arith.select %parallel_loop3A_1549, %parallel_loop3A_1566, %parallel_loop3A_1569 : vector<16xi1>, vector<16xf32>
        %parallel_loop3A_1571 = arith.constant 240 : i32
        %parallel_loop3A_1572 = arith.addi %parallel_loop3A_864, %parallel_loop3A_1571 : i32
        %parallel_loop3A_1573 = arith.index_cast %parallel_loop3A_1572 : i32 to index
        %parallel_loop3A_1574 = tpu.vector_load %arg9[%parallel_loop3A_1573] {strides = array<i32>} : memref<32768xf32, #tpu.memory_space<vmem>>, vector<16xf32>,
        tpu.vector_store %arg9[%parallel_loop3A_1573], %parallel_loop3A_1570 {strides = array<i32>} : memref<32768xf32, #tpu.memory_space<vmem>>, vector<16xf32>,
        %parallel_loop3A_1575 = vector.shape_cast %parallel_loop3A_1552 : vector<16xi32> to vector<16x1xi32>
        %parallel_loop3A_1576 = vector.shape_cast %parallel_loop3A_1575 : vector<16x1xi32> to vector<16xi32>
        %parallel_loop3A_1577 = tpu.dynamic_gather %get3A_789[%parallel_loop3A_1576] in [0] : vector<16xf32>, vector<16xi32> -> vector<16xf32>
        %parallel_loop3A_1578 = vector.shape_cast %parallel_loop3A_1552 : vector<16xi32> to vector<16x1xi32>
        %parallel_loop3A_1579 = vector.shape_cast %parallel_loop3A_1578 : vector<16x1xi32> to vector<16xi32>
        %parallel_loop3A_1580 = tpu.dynamic_gather %get3A_791[%parallel_loop3A_1579] in [0] : vector<16xf32>, vector<16xi32> -> vector<16xf32>
        %parallel_loop3A_1581 = arith.select %parallel_loop3A_1549, %parallel_loop3A_1577, %parallel_loop3A_1580 : vector<16xi1>, vector<16xf32>
        %parallel_loop3A_1582 = arith.constant 368 : i32
        %parallel_loop3A_1583 = arith.addi %parallel_loop3A_864, %parallel_loop3A_1582 : i32
        %parallel_loop3A_1584 = arith.index_cast %parallel_loop3A_1583 : i32 to index
        %parallel_loop3A_1585 = tpu.vector_load %arg9[%parallel_loop3A_1584] {strides = array<i32>} : memref<32768xf32, #tpu.memory_space<vmem>>, vector<16xf32>,
        tpu.vector_store %arg9[%parallel_loop3A_1584], %parallel_loop3A_1581 {strides = array<i32>} : memref<32768xf32, #tpu.memory_space<vmem>>, vector<16xf32>,
        %parallel_loop3A_1586 = vector.shape_cast %parallel_loop3A_1552 : vector<16xi32> to vector<16x1xi32>
        %parallel_loop3A_1587 = vector.shape_cast %parallel_loop3A_1586 : vector<16x1xi32> to vector<16xi32>
        %parallel_loop3A_1588 = tpu.dynamic_gather %get3A_793[%parallel_loop3A_1587] in [0] : vector<16xf32>, vector<16xi32> -> vector<16xf32>
        %parallel_loop3A_1589 = vector.shape_cast %parallel_loop3A_1552 : vector<16xi32> to vector<16x1xi32>
        %parallel_loop3A_1590 = vector.shape_cast %parallel_loop3A_1589 : vector<16x1xi32> to vector<16xi32>
        %parallel_loop3A_1591 = tpu.dynamic_gather %get3A_795[%parallel_loop3A_1590] in [0] : vector<16xf32>, vector<16xi32> -> vector<16xf32>
        %parallel_loop3A_1592 = arith.select %parallel_loop3A_1549, %parallel_loop3A_1588, %parallel_loop3A_1591 : vector<16xi1>, vector<16xf32>
        %parallel_loop3A_1593 = arith.constant 496 : i32
        %parallel_loop3A_1594 = arith.addi %parallel_loop3A_864, %parallel_loop3A_1593 : i32
        %parallel_loop3A_1595 = arith.index_cast %parallel_loop3A_1594 : i32 to index
        %parallel_loop3A_1596 = tpu.vector_load %arg9[%parallel_loop3A_1595] {strides = array<i32>} : memref<32768xf32, #tpu.memory_space<vmem>>, vector<16xf32>,
        tpu.vector_store %arg9[%parallel_loop3A_1595], %parallel_loop3A_1592 {strides = array<i32>} : memref<32768xf32, #tpu.memory_space<vmem>>, vector<16xf32>,
        %parallel_loop3A_1597 = vector.shape_cast %parallel_loop3A_1552 : vector<16xi32> to vector<16x1xi32>
        %parallel_loop3A_1598 = vector.shape_cast %parallel_loop3A_1597 : vector<16x1xi32> to vector<16xi32>
        %parallel_loop3A_1599 = tpu.dynamic_gather %get3A_797[%parallel_loop3A_1598] in [0] : vector<16xf32>, vector<16xi32> -> vector<16xf32>
        %parallel_loop3A_1600 = vector.shape_cast %parallel_loop3A_1552 : vector<16xi32> to vector<16x1xi32>
        %parallel_loop3A_1601 = vector.shape_cast %parallel_loop3A_1600 : vector<16x1xi32> to vector<16xi32>
        %parallel_loop3A_1602 = tpu.dynamic_gather %get3A_799[%parallel_loop3A_1601] in [0] : vector<16xf32>, vector<16xi32> -> vector<16xf32>
        %parallel_loop3A_1603 = arith.select %parallel_loop3A_1549, %parallel_loop3A_1599, %parallel_loop3A_1602 : vector<16xi1>, vector<16xf32>
        %parallel_loop3A_1604 = arith.constant 624 : i32
        %parallel_loop3A_1605 = arith.addi %parallel_loop3A_864, %parallel_loop3A_1604 : i32
        %parallel_loop3A_1606 = arith.index_cast %parallel_loop3A_1605 : i32 to index
        %parallel_loop3A_1607 = tpu.vector_load %arg9[%parallel_loop3A_1606] {strides = array<i32>} : memref<32768xf32, #tpu.memory_space<vmem>>, vector<16xf32>,
        tpu.vector_store %arg9[%parallel_loop3A_1606], %parallel_loop3A_1603 {strides = array<i32>} : memref<32768xf32, #tpu.memory_space<vmem>>, vector<16xf32>,
        %parallel_loop3A_1608 = vector.shape_cast %parallel_loop3A_1552 : vector<16xi32> to vector<16x1xi32>
        %parallel_loop3A_1609 = vector.shape_cast %parallel_loop3A_1608 : vector<16x1xi32> to vector<16xi32>
        %parallel_loop3A_1610 = tpu.dynamic_gather %get3A_801[%parallel_loop3A_1609] in [0] : vector<16xf32>, vector<16xi32> -> vector<16xf32>
        %parallel_loop3A_1611 = vector.shape_cast %parallel_loop3A_1552 : vector<16xi32> to vector<16x1xi32>
        %parallel_loop3A_1612 = vector.shape_cast %parallel_loop3A_1611 : vector<16x1xi32> to vector<16xi32>
        %parallel_loop3A_1613 = tpu.dynamic_gather %get3A_803[%parallel_loop3A_1612] in [0] : vector<16xf32>, vector<16xi32> -> vector<16xf32>
        %parallel_loop3A_1614 = arith.select %parallel_loop3A_1549, %parallel_loop3A_1610, %parallel_loop3A_1613 : vector<16xi1>, vector<16xf32>
        %parallel_loop3A_1615 = arith.constant 752 : i32
        %parallel_loop3A_1616 = arith.addi %parallel_loop3A_864, %parallel_loop3A_1615 : i32
        %parallel_loop3A_1617 = arith.index_cast %parallel_loop3A_1616 : i32 to index
        %parallel_loop3A_1618 = tpu.vector_load %arg9[%parallel_loop3A_1617] {strides = array<i32>} : memref<32768xf32, #tpu.memory_space<vmem>>, vector<16xf32>,
        tpu.vector_store %arg9[%parallel_loop3A_1617], %parallel_loop3A_1614 {strides = array<i32>} : memref<32768xf32, #tpu.memory_space<vmem>>, vector<16xf32>,
        %parallel_loop3A_1619 = vector.shape_cast %parallel_loop3A_1552 : vector<16xi32> to vector<16x1xi32>
        %parallel_loop3A_1620 = vector.shape_cast %parallel_loop3A_1619 : vector<16x1xi32> to vector<16xi32>
        %parallel_loop3A_1621 = tpu.dynamic_gather %get3A_805[%parallel_loop3A_1620] in [0] : vector<16xf32>, vector<16xi32> -> vector<16xf32>
        %parallel_loop3A_1622 = vector.shape_cast %parallel_loop3A_1552 : vector<16xi32> to vector<16x1xi32>
        %parallel_loop3A_1623 = vector.shape_cast %parallel_loop3A_1622 : vector<16x1xi32> to vector<16xi32>
        %parallel_loop3A_1624 = tpu.dynamic_gather %get3A_807[%parallel_loop3A_1623] in [0] : vector<16xf32>, vector<16xi32> -> vector<16xf32>
        %parallel_loop3A_1625 = arith.select %parallel_loop3A_1549, %parallel_loop3A_1621, %parallel_loop3A_1624 : vector<16xi1>, vector<16xf32>
        %parallel_loop3A_1626 = arith.constant 880 : i32
        %parallel_loop3A_1627 = arith.addi %parallel_loop3A_864, %parallel_loop3A_1626 : i32
        %parallel_loop3A_1628 = arith.index_cast %parallel_loop3A_1627 : i32 to index
        %parallel_loop3A_1629 = tpu.vector_load %arg9[%parallel_loop3A_1628] {strides = array<i32>} : memref<32768xf32, #tpu.memory_space<vmem>>, vector<16xf32>,
        tpu.vector_store %arg9[%parallel_loop3A_1628], %parallel_loop3A_1625 {strides = array<i32>} : memref<32768xf32, #tpu.memory_space<vmem>>, vector<16xf32>,
        %parallel_loop3A_1630 = vector.shape_cast %parallel_loop3A_1552 : vector<16xi32> to vector<16x1xi32>
        %parallel_loop3A_1631 = vector.shape_cast %parallel_loop3A_1630 : vector<16x1xi32> to vector<16xi32>
        %parallel_loop3A_1632 = tpu.dynamic_gather %get3A_809[%parallel_loop3A_1631] in [0] : vector<16xf32>, vector<16xi32> -> vector<16xf32>
        %parallel_loop3A_1633 = vector.shape_cast %parallel_loop3A_1552 : vector<16xi32> to vector<16x1xi32>
        %parallel_loop3A_1634 = vector.shape_cast %parallel_loop3A_1633 : vector<16x1xi32> to vector<16xi32>
        %parallel_loop3A_1635 = tpu.dynamic_gather %get3A_811[%parallel_loop3A_1634] in [0] : vector<16xf32>, vector<16xi32> -> vector<16xf32>
        %parallel_loop3A_1636 = arith.select %parallel_loop3A_1549, %parallel_loop3A_1632, %parallel_loop3A_1635 : vector<16xi1>, vector<16xf32>
        %parallel_loop3A_1637 = arith.constant 1008 : i32
        %parallel_loop3A_1638 = arith.addi %parallel_loop3A_864, %parallel_loop3A_1637 : i32
        %parallel_loop3A_1639 = arith.index_cast %parallel_loop3A_1638 : i32 to index
        %parallel_loop3A_1640 = tpu.vector_load %arg9[%parallel_loop3A_1639] {strides = array<i32>} : memref<32768xf32, #tpu.memory_space<vmem>>, vector<16xf32>,
        tpu.vector_store %arg9[%parallel_loop3A_1639], %parallel_loop3A_1636 {strides = array<i32>} : memref<32768xf32, #tpu.memory_space<vmem>>, vector<16xf32>,
      } {sc.loop_unroll_factor = 1 : i64, sc.parallel_access}
      %jit3A_815 = arith.constant 4 : i32
      %div3A_816 = arith.divsi %add3A_412, %jit3A_815 : i32
      %sign3A_817 = arith.constant 0 : i32
      %sign3A_818 = arith.cmpi sgt, %add3A_412, %sign3A_817 : i32
      %sign3A_819 = arith.extui %sign3A_818 : i1 to i32
      %sign3A_820 = arith.constant 0 : i32
      %sign3A_821 = arith.cmpi slt, %add3A_412, %sign3A_820 : i32
      %sign3A_822 = arith.extui %sign3A_821 : i1 to i32
      %sign3A_823 = arith.subi %sign3A_819, %sign3A_822 : i32
      %sign3A_824 = arith.constant 0 : i32
      %sign3A_825 = arith.cmpi sgt, %jit3A_815, %sign3A_824 : i32
      %sign3A_826 = arith.extui %sign3A_825 : i1 to i32
      %sign3A_827 = arith.constant 0 : i32
      %sign3A_828 = arith.cmpi slt, %jit3A_815, %sign3A_827 : i32
      %sign3A_829 = arith.extui %sign3A_828 : i1 to i32
      %sign3A_830 = arith.subi %sign3A_826, %sign3A_829 : i32
      %ne3A_831 = arith.cmpi ne, %sign3A_823, %sign3A_830 : i32
      %rem3A_832 = arith.remsi %add3A_412, %jit3A_815 : i32
      %ne3A_833 = arith.constant 0 : i32
      %ne3A_834 = arith.cmpi ne, %rem3A_832, %ne3A_833 : i32
      %and3A_835 = arith.andi %ne3A_831, %ne3A_834 : i1
      %sub3A_836 = arith.constant 1 : i32
      %sub3A_837 = arith.subi %div3A_816, %sub3A_836 : i32
      %select_n3A_838 = arith.select %and3A_835, %sub3A_837, %div3A_816 : i32
      %jit3A_839 = arith.constant 4 : i32
      %eq3A_840 = arith.constant 0 : i32
      %eq3A_841 = arith.cmpi eq, %jit3A_839, %eq3A_840 : i32
      %jit3A_842 = arith.constant 1 : i32
      %select_n3A_843 = arith.select %eq3A_841, %jit3A_842, %jit3A_839 : i32
      %rem3A_844 = arith.remsi %add3A_412, %select_n3A_843 : i32
      %ne3A_845 = arith.constant 0 : i32
      %ne3A_846 = arith.cmpi ne, %rem3A_844, %ne3A_845 : i32
      %lt3A_847 = arith.constant 0 : i32
      %lt3A_848 = arith.cmpi slt, %rem3A_844, %lt3A_847 : i32
      %lt3A_849 = arith.constant 0 : i32
      %lt3A_850 = arith.cmpi slt, %select_n3A_843, %lt3A_849 : i32
      %ne3A_851 = arith.xori %lt3A_848, %lt3A_850 : i1
      %and3A_852 = arith.andi %ne3A_851, %ne3A_846 : i1
      %add3A_853 = arith.addi %rem3A_844, %select_n3A_843 : i32
      %select_n3A_854 = arith.select %and3A_852, %add3A_853, %rem3A_844 : i32
      %mul3A_855 = arith.constant 131072 : i32
      %mul3A_856 = arith.muli %select_n3A_838, %mul3A_855 : i32
      %mul3A_857 = arith.constant 32768 : i32
      %mul3A_858 = arith.muli %select_n3A_854, %mul3A_857 : i32
      %add3A_859 = arith.addi %mul3A_856, %mul3A_858 : i32
      %dma_start3A_860 = tpu.memref_slice %arg4[%add3A_859] : memref<26214400xf32, #tpu.memory_space<hbm>> -> memref<32768xf32, #tpu.memory_space<hbm>>
      %dma_start3A_861 = tpu.memref_slice %arg4[%add3A_859] : memref<26214400xf32, #tpu.memory_space<hbm>> -> memref<32768xf32, #tpu.memory_space<hbm>>
      tpu.enqueue_dma source(%arg9 : memref<32768xf32, #tpu.memory_space<vmem>>) target(%dma_start3A_861 : memref<32768xf32, #tpu.memory_space<hbm>>) target_semaphore(%arg13 : memref<!tpu.dma_semaphore, #tpu.memory_space<semaphore_mem>>)
    }
    %scan3A_87 = arith.constant 12 : i32
    %add3A_88 = arith.constant 25 : i32
    %add3A_89 = arith.addi %mul3A_2, %add3A_88 : i32
    %sub3A_90 = arith.constant 1 : i32
    %sub3A_91 = arith.subi %add3A_89, %sub3A_90 : i32
    %jit3A_92 = arith.constant 4 : i32
    %div3A_93 = arith.divsi %sub3A_91, %jit3A_92 : i32
    %sign3A_94 = arith.constant 0 : i32
    %sign3A_95 = arith.cmpi sgt, %sub3A_91, %sign3A_94 : i32
    %sign3A_96 = arith.extui %sign3A_95 : i1 to i32
    %sign3A_97 = arith.constant 0 : i32
    %sign3A_98 = arith.cmpi slt, %sub3A_91, %sign3A_97 : i32
    %sign3A_99 = arith.extui %sign3A_98 : i1 to i32
    %sign3A_100 = arith.subi %sign3A_96, %sign3A_99 : i32
    %sign3A_101 = arith.constant 0 : i32
    %sign3A_102 = arith.cmpi sgt, %jit3A_92, %sign3A_101 : i32
    %sign3A_103 = arith.extui %sign3A_102 : i1 to i32
    %sign3A_104 = arith.constant 0 : i32
    %sign3A_105 = arith.cmpi slt, %jit3A_92, %sign3A_104 : i32
    %sign3A_106 = arith.extui %sign3A_105 : i1 to i32
    %sign3A_107 = arith.subi %sign3A_103, %sign3A_106 : i32
    %ne3A_108 = arith.cmpi ne, %sign3A_100, %sign3A_107 : i32
    %rem3A_109 = arith.remsi %sub3A_91, %jit3A_92 : i32
    %ne3A_110 = arith.constant 0 : i32
    %ne3A_111 = arith.cmpi ne, %rem3A_109, %ne3A_110 : i32
    %and3A_112 = arith.andi %ne3A_108, %ne3A_111 : i1
    %sub3A_113 = arith.constant 1 : i32
    %sub3A_114 = arith.subi %div3A_93, %sub3A_113 : i32
    %select_n3A_115 = arith.select %and3A_112, %sub3A_114, %div3A_93 : i32
    %jit3A_116 = arith.constant 4 : i32
    %eq3A_117 = arith.constant 0 : i32
    %eq3A_118 = arith.cmpi eq, %jit3A_116, %eq3A_117 : i32
    %jit3A_119 = arith.constant 1 : i32
    %select_n3A_120 = arith.select %eq3A_118, %jit3A_119, %jit3A_116 : i32
    %rem3A_121 = arith.remsi %sub3A_91, %select_n3A_120 : i32
    %ne3A_122 = arith.constant 0 : i32
    %ne3A_123 = arith.cmpi ne, %rem3A_121, %ne3A_122 : i32
    %lt3A_124 = arith.constant 0 : i32
    %lt3A_125 = arith.cmpi slt, %rem3A_121, %lt3A_124 : i32
    %lt3A_126 = arith.constant 0 : i32
    %lt3A_127 = arith.cmpi slt, %select_n3A_120, %lt3A_126 : i32
    %ne3A_128 = arith.xori %lt3A_125, %lt3A_127 : i1
    %and3A_129 = arith.andi %ne3A_128, %ne3A_123 : i1
    %add3A_130 = arith.addi %rem3A_121, %select_n3A_120 : i32
    %select_n3A_131 = arith.select %and3A_129, %add3A_130, %rem3A_121 : i32
    %jit3A_132 = arith.constant 8 : i32
    %div3A_133 = arith.divsi %select_n3A_115, %jit3A_132 : i32
    %sign3A_134 = arith.constant 0 : i32
    %sign3A_135 = arith.cmpi sgt, %select_n3A_115, %sign3A_134 : i32
    %sign3A_136 = arith.extui %sign3A_135 : i1 to i32
    %sign3A_137 = arith.constant 0 : i32
    %sign3A_138 = arith.cmpi slt, %select_n3A_115, %sign3A_137 : i32
    %sign3A_139 = arith.extui %sign3A_138 : i1 to i32
    %sign3A_140 = arith.subi %sign3A_136, %sign3A_139 : i32
    %sign3A_141 = arith.constant 0 : i32
    %sign3A_142 = arith.cmpi sgt, %jit3A_132, %sign3A_141 : i32
    %sign3A_143 = arith.extui %sign3A_142 : i1 to i32
    %sign3A_144 = arith.constant 0 : i32
    %sign3A_145 = arith.cmpi slt, %jit3A_132, %sign3A_144 : i32
    %sign3A_146 = arith.extui %sign3A_145 : i1 to i32
    %sign3A_147 = arith.subi %sign3A_143, %sign3A_146 : i32
    %ne3A_148 = arith.cmpi ne, %sign3A_140, %sign3A_147 : i32
    %rem3A_149 = arith.remsi %select_n3A_115, %jit3A_132 : i32
    %ne3A_150 = arith.constant 0 : i32
    %ne3A_151 = arith.cmpi ne, %rem3A_149, %ne3A_150 : i32
    %and3A_152 = arith.andi %ne3A_148, %ne3A_151 : i1
    %sub3A_153 = arith.constant 1 : i32
    %sub3A_154 = arith.subi %div3A_133, %sub3A_153 : i32
    %select_n3A_155 = arith.select %and3A_152, %sub3A_154, %div3A_133 : i32
    %mul3A_156 = arith.constant 128 : i32
    %mul3A_157 = arith.muli %select_n3A_155, %mul3A_156 : i32
    %mul3A_158 = arith.constant 32 : i32
    %mul3A_159 = arith.muli %select_n3A_131, %mul3A_158 : i32
    %add3A_160 = arith.addi %mul3A_157, %mul3A_159 : i32
    %jit3A_161 = arith.constant 8 : i32
    %eq3A_162 = arith.constant 0 : i32
    %eq3A_163 = arith.cmpi eq, %jit3A_161, %eq3A_162 : i32
    %jit3A_164 = arith.constant 1 : i32
    %select_n3A_165 = arith.select %eq3A_163, %jit3A_164, %jit3A_161 : i32
    %rem3A_166 = arith.remsi %select_n3A_115, %select_n3A_165 : i32
    %ne3A_167 = arith.constant 0 : i32
    %ne3A_168 = arith.cmpi ne, %rem3A_166, %ne3A_167 : i32
    %lt3A_169 = arith.constant 0 : i32
    %lt3A_170 = arith.cmpi slt, %rem3A_166, %lt3A_169 : i32
    %lt3A_171 = arith.constant 0 : i32
    %lt3A_172 = arith.cmpi slt, %select_n3A_165, %lt3A_171 : i32
    %ne3A_173 = arith.xori %lt3A_170, %lt3A_172 : i1
    %and3A_174 = arith.andi %ne3A_173, %ne3A_168 : i1
    %add3A_175 = arith.addi %rem3A_166, %select_n3A_165 : i32
    %select_n3A_176 = arith.select %and3A_174, %add3A_175, %rem3A_166 : i32
    %dma_wait3A = arith.constant 0 : i32
    %dma_wait3A_177 = tpu.memref_slice %arg2[%add3A_160, %select_n3A_176, %dma_wait3A] : memref<3200x8x128xi32, #tpu.memory_space<hbm>> -> memref<32x1x128xi32, #tpu.memory_space<hbm>>
    %dma_wait3A_178 = tpu.memref_squeeze %dma_wait3A_177 : memref<32x1x128xi32, #tpu.memory_space<hbm>> -> memref<32x128xi32, #tpu.memory_space<hbm>>
    %dma_wait3A_179 = arith.constant 0 : i32
    %dma_wait3A_180 = tpu.memref_slice %arg2[%add3A_160, %select_n3A_176, %dma_wait3A_179] : memref<3200x8x128xi32, #tpu.memory_space<hbm>> -> memref<32x1x128xi32, #tpu.memory_space<hbm>>
    %dma_wait3A_181 = tpu.memref_squeeze %dma_wait3A_180 : memref<32x1x128xi32, #tpu.memory_space<hbm>> -> memref<32x128xi32, #tpu.memory_space<hbm>>
    tpu.wait_dma2 semaphore(%arg10 : memref<!tpu.dma_semaphore, #tpu.memory_space<semaphore_mem>>) src(%dma_wait3A_181 : memref<32x128xi32, #tpu.memory_space<hbm>>) dst(%arg6 : memref<32x128xi32, #tpu.memory_space<vmem>>)
    %sub3A_182 = arith.constant 2 : i32
    %sub3A_183 = arith.subi %sub3A_91, %sub3A_182 : i32
    %jit3A_184 = arith.constant 4 : i32
    %div3A_185 = arith.divsi %sub3A_183, %jit3A_184 : i32
    %sign3A_186 = arith.constant 0 : i32
    %sign3A_187 = arith.cmpi sgt, %sub3A_183, %sign3A_186 : i32
    %sign3A_188 = arith.extui %sign3A_187 : i1 to i32
    %sign3A_189 = arith.constant 0 : i32
    %sign3A_190 = arith.cmpi slt, %sub3A_183, %sign3A_189 : i32
    %sign3A_191 = arith.extui %sign3A_190 : i1 to i32
    %sign3A_192 = arith.subi %sign3A_188, %sign3A_191 : i32
    %sign3A_193 = arith.constant 0 : i32
    %sign3A_194 = arith.cmpi sgt, %jit3A_184, %sign3A_193 : i32
    %sign3A_195 = arith.extui %sign3A_194 : i1 to i32
    %sign3A_196 = arith.constant 0 : i32
    %sign3A_197 = arith.cmpi slt, %jit3A_184, %sign3A_196 : i32
    %sign3A_198 = arith.extui %sign3A_197 : i1 to i32
    %sign3A_199 = arith.subi %sign3A_195, %sign3A_198 : i32
    %ne3A_200 = arith.cmpi ne, %sign3A_192, %sign3A_199 : i32
    %rem3A_201 = arith.remsi %sub3A_183, %jit3A_184 : i32
    %ne3A_202 = arith.constant 0 : i32
    %ne3A_203 = arith.cmpi ne, %rem3A_201, %ne3A_202 : i32
    %and3A_204 = arith.andi %ne3A_200, %ne3A_203 : i1
    %sub3A_205 = arith.constant 1 : i32
    %sub3A_206 = arith.subi %div3A_185, %sub3A_205 : i32
    %select_n3A_207 = arith.select %and3A_204, %sub3A_206, %div3A_185 : i32
    %jit3A_208 = arith.constant 4 : i32
    %eq3A_209 = arith.constant 0 : i32
    %eq3A_210 = arith.cmpi eq, %jit3A_208, %eq3A_209 : i32
    %jit3A_211 = arith.constant 1 : i32
    %select_n3A_212 = arith.select %eq3A_210, %jit3A_211, %jit3A_208 : i32
    %rem3A_213 = arith.remsi %sub3A_183, %select_n3A_212 : i32
    %ne3A_214 = arith.constant 0 : i32
    %ne3A_215 = arith.cmpi ne, %rem3A_213, %ne3A_214 : i32
    %lt3A_216 = arith.constant 0 : i32
    %lt3A_217 = arith.cmpi slt, %rem3A_213, %lt3A_216 : i32
    %lt3A_218 = arith.constant 0 : i32
    %lt3A_219 = arith.cmpi slt, %select_n3A_212, %lt3A_218 : i32
    %ne3A_220 = arith.xori %lt3A_217, %lt3A_219 : i1
    %and3A_221 = arith.andi %ne3A_220, %ne3A_215 : i1
    %add3A_222 = arith.addi %rem3A_213, %select_n3A_212 : i32
    %select_n3A_223 = arith.select %and3A_221, %add3A_222, %rem3A_213 : i32
    %mul3A_224 = arith.constant 131072 : i32
    %mul3A_225 = arith.muli %select_n3A_207, %mul3A_224 : i32
    %mul3A_226 = arith.constant 32768 : i32
    %mul3A_227 = arith.muli %select_n3A_223, %mul3A_226 : i32
    %add3A_228 = arith.addi %mul3A_225, %mul3A_227 : i32
    %dma_wait3A_229 = tpu.memref_slice %arg4[%add3A_228] : memref<26214400xf32, #tpu.memory_space<hbm>> -> memref<32768xf32, #tpu.memory_space<hbm>>
    %dma_wait3A_230 = tpu.memref_slice %arg4[%add3A_228] : memref<26214400xf32, #tpu.memory_space<hbm>> -> memref<32768xf32, #tpu.memory_space<hbm>>
    tpu.wait_dma2 semaphore(%arg12 : memref<!tpu.dma_semaphore, #tpu.memory_space<semaphore_mem>>) src(%arg8 : memref<32768xf32, #tpu.memory_space<vmem>>) dst(%dma_wait3A_230 : memref<32768xf32, #tpu.memory_space<hbm>>)
    %get3A = arith.constant 0 : index
    %get3A_231 = tpu.vector_load %arg5[%get3A] {strides = array<i32>} : memref<256xf32, #tpu.memory_space<vmem>>, vector<16xf32>,
    %get3A_232 = arith.constant 16 : index
    %get3A_233 = tpu.vector_load %arg5[%get3A_232] {strides = array<i32>} : memref<256xf32, #tpu.memory_space<vmem>>, vector<16xf32>,
    %get3A_234 = arith.constant 32 : index
    %get3A_235 = tpu.vector_load %arg5[%get3A_234] {strides = array<i32>} : memref<256xf32, #tpu.memory_space<vmem>>, vector<16xf32>,
    %get3A_236 = arith.constant 48 : index
    %get3A_237 = tpu.vector_load %arg5[%get3A_236] {strides = array<i32>} : memref<256xf32, #tpu.memory_space<vmem>>, vector<16xf32>,
    %get3A_238 = arith.constant 64 : index
    %get3A_239 = tpu.vector_load %arg5[%get3A_238] {strides = array<i32>} : memref<256xf32, #tpu.memory_space<vmem>>, vector<16xf32>,
    %get3A_240 = arith.constant 80 : index
    %get3A_241 = tpu.vector_load %arg5[%get3A_240] {strides = array<i32>} : memref<256xf32, #tpu.memory_space<vmem>>, vector<16xf32>,
    %get3A_242 = arith.constant 96 : index
    %get3A_243 = tpu.vector_load %arg5[%get3A_242] {strides = array<i32>} : memref<256xf32, #tpu.memory_space<vmem>>, vector<16xf32>,
    %get3A_244 = arith.constant 112 : index
    %get3A_245 = tpu.vector_load %arg5[%get3A_244] {strides = array<i32>} : memref<256xf32, #tpu.memory_space<vmem>>, vector<16xf32>,
    %get3A_246 = arith.constant 128 : index
    %get3A_247 = tpu.vector_load %arg5[%get3A_246] {strides = array<i32>} : memref<256xf32, #tpu.memory_space<vmem>>, vector<16xf32>,
    %get3A_248 = arith.constant 144 : index
    %get3A_249 = tpu.vector_load %arg5[%get3A_248] {strides = array<i32>} : memref<256xf32, #tpu.memory_space<vmem>>, vector<16xf32>,
    %get3A_250 = arith.constant 160 : index
    %get3A_251 = tpu.vector_load %arg5[%get3A_250] {strides = array<i32>} : memref<256xf32, #tpu.memory_space<vmem>>, vector<16xf32>,
    %get3A_252 = arith.constant 176 : index
    %get3A_253 = tpu.vector_load %arg5[%get3A_252] {strides = array<i32>} : memref<256xf32, #tpu.memory_space<vmem>>, vector<16xf32>,
    %get3A_254 = arith.constant 192 : index
    %get3A_255 = tpu.vector_load %arg5[%get3A_254] {strides = array<i32>} : memref<256xf32, #tpu.memory_space<vmem>>, vector<16xf32>,
    %get3A_256 = arith.constant 208 : index
    %get3A_257 = tpu.vector_load %arg5[%get3A_256] {strides = array<i32>} : memref<256xf32, #tpu.memory_space<vmem>>, vector<16xf32>,
    %get3A_258 = arith.constant 224 : index
    %get3A_259 = tpu.vector_load %arg5[%get3A_258] {strides = array<i32>} : memref<256xf32, #tpu.memory_space<vmem>>, vector<16xf32>,
    %get3A_260 = arith.constant 240 : index
    %get3A_261 = tpu.vector_load %arg5[%get3A_260] {strides = array<i32>} : memref<256xf32, #tpu.memory_space<vmem>>, vector<16xf32>,
    %parallel_loop3A = arith.constant 0 : i32
    %parallel_loop3A_262 = arith.constant 32 : i32
    %parallel_loop3A_263 = arith.constant 1 : i32
    scf.for %parallel_loop3A_407 = %parallel_loop3A to %parallel_loop3A_262 step %parallel_loop3A_263  : i32 {
      %parallel_loop3A_408 = arith.constant 10 : i32
      %parallel_loop3A_409 = arith.shli %parallel_loop3A_407, %parallel_loop3A_408 : i32
      %parallel_loop3A_410 = arith.index_cast %parallel_loop3A_407 : i32 to index
      %parallel_loop3A_411 = arith.constant 0 : index
      %parallel_loop3A_412 = tpu.vector_load %arg6[%parallel_loop3A_410, %parallel_loop3A_411] {strides = array<i32>} : memref<32x128xi32, #tpu.memory_space<vmem>>, vector<16xi32>,
      %parallel_loop3A_413 = arith.constant 16 : i32
      %parallel_loop3A_414 = vector.broadcast %parallel_loop3A_413 : i32 to vector<16xi32>
      %parallel_loop3A_415 = arith.cmpi slt, %parallel_loop3A_412, %parallel_loop3A_414 : vector<16xi32>
      %parallel_loop3A_416 = arith.constant 15 : i32
      %parallel_loop3A_417 = vector.broadcast %parallel_loop3A_416 : i32 to vector<16xi32>
      %parallel_loop3A_418 = arith.andi %parallel_loop3A_412, %parallel_loop3A_417 : vector<16xi32>
      %parallel_loop3A_419 = vector.shape_cast %parallel_loop3A_418 : vector<16xi32> to vector<16x1xi32>
      %parallel_loop3A_420 = vector.shape_cast %parallel_loop3A_419 : vector<16x1xi32> to vector<16xi32>
      %parallel_loop3A_421 = tpu.dynamic_gather %get3A_231[%parallel_loop3A_420] in [0] : vector<16xf32>, vector<16xi32> -> vector<16xf32>
      %parallel_loop3A_422 = vector.shape_cast %parallel_loop3A_418 : vector<16xi32> to vector<16x1xi32>
      %parallel_loop3A_423 = vector.shape_cast %parallel_loop3A_422 : vector<16x1xi32> to vector<16xi32>
      %parallel_loop3A_424 = tpu.dynamic_gather %get3A_233[%parallel_loop3A_423] in [0] : vector<16xf32>, vector<16xi32> -> vector<16xf32>
      %parallel_loop3A_425 = arith.select %parallel_loop3A_415, %parallel_loop3A_421, %parallel_loop3A_424 : vector<16xi1>, vector<16xf32>
      %parallel_loop3A_426 = arith.constant 0 : i32
      %parallel_loop3A_427 = arith.addi %parallel_loop3A_409, %parallel_loop3A_426 : i32
      %parallel_loop3A_428 = arith.index_cast %parallel_loop3A_427 : i32 to index
      %parallel_loop3A_429 = tpu.vector_load %arg8[%parallel_loop3A_428] {strides = array<i32>} : memref<32768xf32, #tpu.memory_space<vmem>>, vector<16xf32>,
      tpu.vector_store %arg8[%parallel_loop3A_428], %parallel_loop3A_425 {strides = array<i32>} : memref<32768xf32, #tpu.memory_space<vmem>>, vector<16xf32>,
      %parallel_loop3A_430 = vector.shape_cast %parallel_loop3A_418 : vector<16xi32> to vector<16x1xi32>
      %parallel_loop3A_431 = vector.shape_cast %parallel_loop3A_430 : vector<16x1xi32> to vector<16xi32>
      %parallel_loop3A_432 = tpu.dynamic_gather %get3A_235[%parallel_loop3A_431] in [0] : vector<16xf32>, vector<16xi32> -> vector<16xf32>
      %parallel_loop3A_433 = vector.shape_cast %parallel_loop3A_418 : vector<16xi32> to vector<16x1xi32>
      %parallel_loop3A_434 = vector.shape_cast %parallel_loop3A_433 : vector<16x1xi32> to vector<16xi32>
      %parallel_loop3A_435 = tpu.dynamic_gather %get3A_237[%parallel_loop3A_434] in [0] : vector<16xf32>, vector<16xi32> -> vector<16xf32>
      %parallel_loop3A_436 = arith.select %parallel_loop3A_415, %parallel_loop3A_432, %parallel_loop3A_435 : vector<16xi1>, vector<16xf32>
      %parallel_loop3A_437 = arith.constant 128 : i32
      %parallel_loop3A_438 = arith.addi %parallel_loop3A_409, %parallel_loop3A_437 : i32
      %parallel_loop3A_439 = arith.index_cast %parallel_loop3A_438 : i32 to index
      %parallel_loop3A_440 = tpu.vector_load %arg8[%parallel_loop3A_439] {strides = array<i32>} : memref<32768xf32, #tpu.memory_space<vmem>>, vector<16xf32>,
      tpu.vector_store %arg8[%parallel_loop3A_439], %parallel_loop3A_436 {strides = array<i32>} : memref<32768xf32, #tpu.memory_space<vmem>>, vector<16xf32>,
      %parallel_loop3A_441 = vector.shape_cast %parallel_loop3A_418 : vector<16xi32> to vector<16x1xi32>
      %parallel_loop3A_442 = vector.shape_cast %parallel_loop3A_441 : vector<16x1xi32> to vector<16xi32>
      %parallel_loop3A_443 = tpu.dynamic_gather %get3A_239[%parallel_loop3A_442] in [0] : vector<16xf32>, vector<16xi32> -> vector<16xf32>
      %parallel_loop3A_444 = vector.shape_cast %parallel_loop3A_418 : vector<16xi32> to vector<16x1xi32>
      %parallel_loop3A_445 = vector.shape_cast %parallel_loop3A_444 : vector<16x1xi32> to vector<16xi32>
      %parallel_loop3A_446 = tpu.dynamic_gather %get3A_241[%parallel_loop3A_445] in [0] : vector<16xf32>, vector<16xi32> -> vector<16xf32>
      %parallel_loop3A_447 = arith.select %parallel_loop3A_415, %parallel_loop3A_443, %parallel_loop3A_446 : vector<16xi1>, vector<16xf32>
      %parallel_loop3A_448 = arith.constant 256 : i32
      %parallel_loop3A_449 = arith.addi %parallel_loop3A_409, %parallel_loop3A_448 : i32
      %parallel_loop3A_450 = arith.index_cast %parallel_loop3A_449 : i32 to index
      %parallel_loop3A_451 = tpu.vector_load %arg8[%parallel_loop3A_450] {strides = array<i32>} : memref<32768xf32, #tpu.memory_space<vmem>>, vector<16xf32>,
      tpu.vector_store %arg8[%parallel_loop3A_450], %parallel_loop3A_447 {strides = array<i32>} : memref<32768xf32, #tpu.memory_space<vmem>>, vector<16xf32>,
      %parallel_loop3A_452 = vector.shape_cast %parallel_loop3A_418 : vector<16xi32> to vector<16x1xi32>
      %parallel_loop3A_453 = vector.shape_cast %parallel_loop3A_452 : vector<16x1xi32> to vector<16xi32>
      %parallel_loop3A_454 = tpu.dynamic_gather %get3A_243[%parallel_loop3A_453] in [0] : vector<16xf32>, vector<16xi32> -> vector<16xf32>
      %parallel_loop3A_455 = vector.shape_cast %parallel_loop3A_418 : vector<16xi32> to vector<16x1xi32>
      %parallel_loop3A_456 = vector.shape_cast %parallel_loop3A_455 : vector<16x1xi32> to vector<16xi32>
      %parallel_loop3A_457 = tpu.dynamic_gather %get3A_245[%parallel_loop3A_456] in [0] : vector<16xf32>, vector<16xi32> -> vector<16xf32>
      %parallel_loop3A_458 = arith.select %parallel_loop3A_415, %parallel_loop3A_454, %parallel_loop3A_457 : vector<16xi1>, vector<16xf32>
      %parallel_loop3A_459 = arith.constant 384 : i32
      %parallel_loop3A_460 = arith.addi %parallel_loop3A_409, %parallel_loop3A_459 : i32
      %parallel_loop3A_461 = arith.index_cast %parallel_loop3A_460 : i32 to index
      %parallel_loop3A_462 = tpu.vector_load %arg8[%parallel_loop3A_461] {strides = array<i32>} : memref<32768xf32, #tpu.memory_space<vmem>>, vector<16xf32>,
      tpu.vector_store %arg8[%parallel_loop3A_461], %parallel_loop3A_458 {strides = array<i32>} : memref<32768xf32, #tpu.memory_space<vmem>>, vector<16xf32>,
      %parallel_loop3A_463 = vector.shape_cast %parallel_loop3A_418 : vector<16xi32> to vector<16x1xi32>
      %parallel_loop3A_464 = vector.shape_cast %parallel_loop3A_463 : vector<16x1xi32> to vector<16xi32>
      %parallel_loop3A_465 = tpu.dynamic_gather %get3A_247[%parallel_loop3A_464] in [0] : vector<16xf32>, vector<16xi32> -> vector<16xf32>
      %parallel_loop3A_466 = vector.shape_cast %parallel_loop3A_418 : vector<16xi32> to vector<16x1xi32>
      %parallel_loop3A_467 = vector.shape_cast %parallel_loop3A_466 : vector<16x1xi32> to vector<16xi32>
      %parallel_loop3A_468 = tpu.dynamic_gather %get3A_249[%parallel_loop3A_467] in [0] : vector<16xf32>, vector<16xi32> -> vector<16xf32>
      %parallel_loop3A_469 = arith.select %parallel_loop3A_415, %parallel_loop3A_465, %parallel_loop3A_468 : vector<16xi1>, vector<16xf32>
      %parallel_loop3A_470 = arith.constant 512 : i32
      %parallel_loop3A_471 = arith.addi %parallel_loop3A_409, %parallel_loop3A_470 : i32
      %parallel_loop3A_472 = arith.index_cast %parallel_loop3A_471 : i32 to index
      %parallel_loop3A_473 = tpu.vector_load %arg8[%parallel_loop3A_472] {strides = array<i32>} : memref<32768xf32, #tpu.memory_space<vmem>>, vector<16xf32>,
      tpu.vector_store %arg8[%parallel_loop3A_472], %parallel_loop3A_469 {strides = array<i32>} : memref<32768xf32, #tpu.memory_space<vmem>>, vector<16xf32>,
      %parallel_loop3A_474 = vector.shape_cast %parallel_loop3A_418 : vector<16xi32> to vector<16x1xi32>
      %parallel_loop3A_475 = vector.shape_cast %parallel_loop3A_474 : vector<16x1xi32> to vector<16xi32>
      %parallel_loop3A_476 = tpu.dynamic_gather %get3A_251[%parallel_loop3A_475] in [0] : vector<16xf32>, vector<16xi32> -> vector<16xf32>
      %parallel_loop3A_477 = vector.shape_cast %parallel_loop3A_418 : vector<16xi32> to vector<16x1xi32>
      %parallel_loop3A_478 = vector.shape_cast %parallel_loop3A_477 : vector<16x1xi32> to vector<16xi32>
      %parallel_loop3A_479 = tpu.dynamic_gather %get3A_253[%parallel_loop3A_478] in [0] : vector<16xf32>, vector<16xi32> -> vector<16xf32>
      %parallel_loop3A_480 = arith.select %parallel_loop3A_415, %parallel_loop3A_476, %parallel_loop3A_479 : vector<16xi1>, vector<16xf32>
      %parallel_loop3A_481 = arith.constant 640 : i32
      %parallel_loop3A_482 = arith.addi %parallel_loop3A_409, %parallel_loop3A_481 : i32
      %parallel_loop3A_483 = arith.index_cast %parallel_loop3A_482 : i32 to index
      %parallel_loop3A_484 = tpu.vector_load %arg8[%parallel_loop3A_483] {strides = array<i32>} : memref<32768xf32, #tpu.memory_space<vmem>>, vector<16xf32>,
      tpu.vector_store %arg8[%parallel_loop3A_483], %parallel_loop3A_480 {strides = array<i32>} : memref<32768xf32, #tpu.memory_space<vmem>>, vector<16xf32>,
      %parallel_loop3A_485 = vector.shape_cast %parallel_loop3A_418 : vector<16xi32> to vector<16x1xi32>
      %parallel_loop3A_486 = vector.shape_cast %parallel_loop3A_485 : vector<16x1xi32> to vector<16xi32>
      %parallel_loop3A_487 = tpu.dynamic_gather %get3A_255[%parallel_loop3A_486] in [0] : vector<16xf32>, vector<16xi32> -> vector<16xf32>
      %parallel_loop3A_488 = vector.shape_cast %parallel_loop3A_418 : vector<16xi32> to vector<16x1xi32>
      %parallel_loop3A_489 = vector.shape_cast %parallel_loop3A_488 : vector<16x1xi32> to vector<16xi32>
      %parallel_loop3A_490 = tpu.dynamic_gather %get3A_257[%parallel_loop3A_489] in [0] : vector<16xf32>, vector<16xi32> -> vector<16xf32>
      %parallel_loop3A_491 = arith.select %parallel_loop3A_415, %parallel_loop3A_487, %parallel_loop3A_490 : vector<16xi1>, vector<16xf32>
      %parallel_loop3A_492 = arith.constant 768 : i32
      %parallel_loop3A_493 = arith.addi %parallel_loop3A_409, %parallel_loop3A_492 : i32
      %parallel_loop3A_494 = arith.index_cast %parallel_loop3A_493 : i32 to index
      %parallel_loop3A_495 = tpu.vector_load %arg8[%parallel_loop3A_494] {strides = array<i32>} : memref<32768xf32, #tpu.memory_space<vmem>>, vector<16xf32>,
      tpu.vector_store %arg8[%parallel_loop3A_494], %parallel_loop3A_491 {strides = array<i32>} : memref<32768xf32, #tpu.memory_space<vmem>>, vector<16xf32>,
      %parallel_loop3A_496 = vector.shape_cast %parallel_loop3A_418 : vector<16xi32> to vector<16x1xi32>
      %parallel_loop3A_497 = vector.shape_cast %parallel_loop3A_496 : vector<16x1xi32> to vector<16xi32>
      %parallel_loop3A_498 = tpu.dynamic_gather %get3A_259[%parallel_loop3A_497] in [0] : vector<16xf32>, vector<16xi32> -> vector<16xf32>
      %parallel_loop3A_499 = vector.shape_cast %parallel_loop3A_418 : vector<16xi32> to vector<16x1xi32>
      %parallel_loop3A_500 = vector.shape_cast %parallel_loop3A_499 : vector<16x1xi32> to vector<16xi32>
      %parallel_loop3A_501 = tpu.dynamic_gather %get3A_261[%parallel_loop3A_500] in [0] : vector<16xf32>, vector<16xi32> -> vector<16xf32>
      %parallel_loop3A_502 = arith.select %parallel_loop3A_415, %parallel_loop3A_498, %parallel_loop3A_501 : vector<16xi1>, vector<16xf32>
      %parallel_loop3A_503 = arith.constant 896 : i32
      %parallel_loop3A_504 = arith.addi %parallel_loop3A_409, %parallel_loop3A_503 : i32
      %parallel_loop3A_505 = arith.index_cast %parallel_loop3A_504 : i32 to index
      %parallel_loop3A_506 = tpu.vector_load %arg8[%parallel_loop3A_505] {strides = array<i32>} : memref<32768xf32, #tpu.memory_space<vmem>>, vector<16xf32>,
      tpu.vector_store %arg8[%parallel_loop3A_505], %parallel_loop3A_502 {strides = array<i32>} : memref<32768xf32, #tpu.memory_space<vmem>>, vector<16xf32>,
      %parallel_loop3A_507 = arith.index_cast %parallel_loop3A_407 : i32 to index
      %parallel_loop3A_508 = arith.constant 16 : index
      %parallel_loop3A_509 = tpu.vector_load %arg6[%parallel_loop3A_507, %parallel_loop3A_508] {strides = array<i32>} : memref<32x128xi32, #tpu.memory_space<vmem>>, vector<16xi32>,
      %parallel_loop3A_510 = arith.constant 16 : i32
      %parallel_loop3A_511 = vector.broadcast %parallel_loop3A_510 : i32 to vector<16xi32>
      %parallel_loop3A_512 = arith.cmpi slt, %parallel_loop3A_509, %parallel_loop3A_511 : vector<16xi32>
      %parallel_loop3A_513 = arith.constant 15 : i32
      %parallel_loop3A_514 = vector.broadcast %parallel_loop3A_513 : i32 to vector<16xi32>
      %parallel_loop3A_515 = arith.andi %parallel_loop3A_509, %parallel_loop3A_514 : vector<16xi32>
      %parallel_loop3A_516 = vector.shape_cast %parallel_loop3A_515 : vector<16xi32> to vector<16x1xi32>
      %parallel_loop3A_517 = vector.shape_cast %parallel_loop3A_516 : vector<16x1xi32> to vector<16xi32>
      %parallel_loop3A_518 = tpu.dynamic_gather %get3A_231[%parallel_loop3A_517] in [0] : vector<16xf32>, vector<16xi32> -> vector<16xf32>
      %parallel_loop3A_519 = vector.shape_cast %parallel_loop3A_515 : vector<16xi32> to vector<16x1xi32>
      %parallel_loop3A_520 = vector.shape_cast %parallel_loop3A_519 : vector<16x1xi32> to vector<16xi32>
      %parallel_loop3A_521 = tpu.dynamic_gather %get3A_233[%parallel_loop3A_520] in [0] : vector<16xf32>, vector<16xi32> -> vector<16xf32>
      %parallel_loop3A_522 = arith.select %parallel_loop3A_512, %parallel_loop3A_518, %parallel_loop3A_521 : vector<16xi1>, vector<16xf32>
      %parallel_loop3A_523 = arith.constant 16 : i32
      %parallel_loop3A_524 = arith.addi %parallel_loop3A_409, %parallel_loop3A_523 : i32
      %parallel_loop3A_525 = arith.index_cast %parallel_loop3A_524 : i32 to index
      %parallel_loop3A_526 = tpu.vector_load %arg8[%parallel_loop3A_525] {strides = array<i32>} : memref<32768xf32, #tpu.memory_space<vmem>>, vector<16xf32>,
      tpu.vector_store %arg8[%parallel_loop3A_525], %parallel_loop3A_522 {strides = array<i32>} : memref<32768xf32, #tpu.memory_space<vmem>>, vector<16xf32>,
      %parallel_loop3A_527 = vector.shape_cast %parallel_loop3A_515 : vector<16xi32> to vector<16x1xi32>
      %parallel_loop3A_528 = vector.shape_cast %parallel_loop3A_527 : vector<16x1xi32> to vector<16xi32>
      %parallel_loop3A_529 = tpu.dynamic_gather %get3A_235[%parallel_loop3A_528] in [0] : vector<16xf32>, vector<16xi32> -> vector<16xf32>
      %parallel_loop3A_530 = vector.shape_cast %parallel_loop3A_515 : vector<16xi32> to vector<16x1xi32>
      %parallel_loop3A_531 = vector.shape_cast %parallel_loop3A_530 : vector<16x1xi32> to vector<16xi32>
      %parallel_loop3A_532 = tpu.dynamic_gather %get3A_237[%parallel_loop3A_531] in [0] : vector<16xf32>, vector<16xi32> -> vector<16xf32>
      %parallel_loop3A_533 = arith.select %parallel_loop3A_512, %parallel_loop3A_529, %parallel_loop3A_532 : vector<16xi1>, vector<16xf32>
      %parallel_loop3A_534 = arith.constant 144 : i32
      %parallel_loop3A_535 = arith.addi %parallel_loop3A_409, %parallel_loop3A_534 : i32
      %parallel_loop3A_536 = arith.index_cast %parallel_loop3A_535 : i32 to index
      %parallel_loop3A_537 = tpu.vector_load %arg8[%parallel_loop3A_536] {strides = array<i32>} : memref<32768xf32, #tpu.memory_space<vmem>>, vector<16xf32>,
      tpu.vector_store %arg8[%parallel_loop3A_536], %parallel_loop3A_533 {strides = array<i32>} : memref<32768xf32, #tpu.memory_space<vmem>>, vector<16xf32>,
      %parallel_loop3A_538 = vector.shape_cast %parallel_loop3A_515 : vector<16xi32> to vector<16x1xi32>
      %parallel_loop3A_539 = vector.shape_cast %parallel_loop3A_538 : vector<16x1xi32> to vector<16xi32>
      %parallel_loop3A_540 = tpu.dynamic_gather %get3A_239[%parallel_loop3A_539] in [0] : vector<16xf32>, vector<16xi32> -> vector<16xf32>
      %parallel_loop3A_541 = vector.shape_cast %parallel_loop3A_515 : vector<16xi32> to vector<16x1xi32>
      %parallel_loop3A_542 = vector.shape_cast %parallel_loop3A_541 : vector<16x1xi32> to vector<16xi32>
      %parallel_loop3A_543 = tpu.dynamic_gather %get3A_241[%parallel_loop3A_542] in [0] : vector<16xf32>, vector<16xi32> -> vector<16xf32>
      %parallel_loop3A_544 = arith.select %parallel_loop3A_512, %parallel_loop3A_540, %parallel_loop3A_543 : vector<16xi1>, vector<16xf32>
      %parallel_loop3A_545 = arith.constant 272 : i32
      %parallel_loop3A_546 = arith.addi %parallel_loop3A_409, %parallel_loop3A_545 : i32
      %parallel_loop3A_547 = arith.index_cast %parallel_loop3A_546 : i32 to index
      %parallel_loop3A_548 = tpu.vector_load %arg8[%parallel_loop3A_547] {strides = array<i32>} : memref<32768xf32, #tpu.memory_space<vmem>>, vector<16xf32>,
      tpu.vector_store %arg8[%parallel_loop3A_547], %parallel_loop3A_544 {strides = array<i32>} : memref<32768xf32, #tpu.memory_space<vmem>>, vector<16xf32>,
      %parallel_loop3A_549 = vector.shape_cast %parallel_loop3A_515 : vector<16xi32> to vector<16x1xi32>
      %parallel_loop3A_550 = vector.shape_cast %parallel_loop3A_549 : vector<16x1xi32> to vector<16xi32>
      %parallel_loop3A_551 = tpu.dynamic_gather %get3A_243[%parallel_loop3A_550] in [0] : vector<16xf32>, vector<16xi32> -> vector<16xf32>
      %parallel_loop3A_552 = vector.shape_cast %parallel_loop3A_515 : vector<16xi32> to vector<16x1xi32>
      %parallel_loop3A_553 = vector.shape_cast %parallel_loop3A_552 : vector<16x1xi32> to vector<16xi32>
      %parallel_loop3A_554 = tpu.dynamic_gather %get3A_245[%parallel_loop3A_553] in [0] : vector<16xf32>, vector<16xi32> -> vector<16xf32>
      %parallel_loop3A_555 = arith.select %parallel_loop3A_512, %parallel_loop3A_551, %parallel_loop3A_554 : vector<16xi1>, vector<16xf32>
      %parallel_loop3A_556 = arith.constant 400 : i32
      %parallel_loop3A_557 = arith.addi %parallel_loop3A_409, %parallel_loop3A_556 : i32
      %parallel_loop3A_558 = arith.index_cast %parallel_loop3A_557 : i32 to index
      %parallel_loop3A_559 = tpu.vector_load %arg8[%parallel_loop3A_558] {strides = array<i32>} : memref<32768xf32, #tpu.memory_space<vmem>>, vector<16xf32>,
      tpu.vector_store %arg8[%parallel_loop3A_558], %parallel_loop3A_555 {strides = array<i32>} : memref<32768xf32, #tpu.memory_space<vmem>>, vector<16xf32>,
      %parallel_loop3A_560 = vector.shape_cast %parallel_loop3A_515 : vector<16xi32> to vector<16x1xi32>
      %parallel_loop3A_561 = vector.shape_cast %parallel_loop3A_560 : vector<16x1xi32> to vector<16xi32>
      %parallel_loop3A_562 = tpu.dynamic_gather %get3A_247[%parallel_loop3A_561] in [0] : vector<16xf32>, vector<16xi32> -> vector<16xf32>
      %parallel_loop3A_563 = vector.shape_cast %parallel_loop3A_515 : vector<16xi32> to vector<16x1xi32>
      %parallel_loop3A_564 = vector.shape_cast %parallel_loop3A_563 : vector<16x1xi32> to vector<16xi32>
      %parallel_loop3A_565 = tpu.dynamic_gather %get3A_249[%parallel_loop3A_564] in [0] : vector<16xf32>, vector<16xi32> -> vector<16xf32>
      %parallel_loop3A_566 = arith.select %parallel_loop3A_512, %parallel_loop3A_562, %parallel_loop3A_565 : vector<16xi1>, vector<16xf32>
      %parallel_loop3A_567 = arith.constant 528 : i32
      %parallel_loop3A_568 = arith.addi %parallel_loop3A_409, %parallel_loop3A_567 : i32
      %parallel_loop3A_569 = arith.index_cast %parallel_loop3A_568 : i32 to index
      %parallel_loop3A_570 = tpu.vector_load %arg8[%parallel_loop3A_569] {strides = array<i32>} : memref<32768xf32, #tpu.memory_space<vmem>>, vector<16xf32>,
      tpu.vector_store %arg8[%parallel_loop3A_569], %parallel_loop3A_566 {strides = array<i32>} : memref<32768xf32, #tpu.memory_space<vmem>>, vector<16xf32>,
      %parallel_loop3A_571 = vector.shape_cast %parallel_loop3A_515 : vector<16xi32> to vector<16x1xi32>
      %parallel_loop3A_572 = vector.shape_cast %parallel_loop3A_571 : vector<16x1xi32> to vector<16xi32>
      %parallel_loop3A_573 = tpu.dynamic_gather %get3A_251[%parallel_loop3A_572] in [0] : vector<16xf32>, vector<16xi32> -> vector<16xf32>
      %parallel_loop3A_574 = vector.shape_cast %parallel_loop3A_515 : vector<16xi32> to vector<16x1xi32>
      %parallel_loop3A_575 = vector.shape_cast %parallel_loop3A_574 : vector<16x1xi32> to vector<16xi32>
      %parallel_loop3A_576 = tpu.dynamic_gather %get3A_253[%parallel_loop3A_575] in [0] : vector<16xf32>, vector<16xi32> -> vector<16xf32>
      %parallel_loop3A_577 = arith.select %parallel_loop3A_512, %parallel_loop3A_573, %parallel_loop3A_576 : vector<16xi1>, vector<16xf32>
      %parallel_loop3A_578 = arith.constant 656 : i32
      %parallel_loop3A_579 = arith.addi %parallel_loop3A_409, %parallel_loop3A_578 : i32
      %parallel_loop3A_580 = arith.index_cast %parallel_loop3A_579 : i32 to index
      %parallel_loop3A_581 = tpu.vector_load %arg8[%parallel_loop3A_580] {strides = array<i32>} : memref<32768xf32, #tpu.memory_space<vmem>>, vector<16xf32>,
      tpu.vector_store %arg8[%parallel_loop3A_580], %parallel_loop3A_577 {strides = array<i32>} : memref<32768xf32, #tpu.memory_space<vmem>>, vector<16xf32>,
      %parallel_loop3A_582 = vector.shape_cast %parallel_loop3A_515 : vector<16xi32> to vector<16x1xi32>
      %parallel_loop3A_583 = vector.shape_cast %parallel_loop3A_582 : vector<16x1xi32> to vector<16xi32>
      %parallel_loop3A_584 = tpu.dynamic_gather %get3A_255[%parallel_loop3A_583] in [0] : vector<16xf32>, vector<16xi32> -> vector<16xf32>
      %parallel_loop3A_585 = vector.shape_cast %parallel_loop3A_515 : vector<16xi32> to vector<16x1xi32>
      %parallel_loop3A_586 = vector.shape_cast %parallel_loop3A_585 : vector<16x1xi32> to vector<16xi32>
      %parallel_loop3A_587 = tpu.dynamic_gather %get3A_257[%parallel_loop3A_586] in [0] : vector<16xf32>, vector<16xi32> -> vector<16xf32>
      %parallel_loop3A_588 = arith.select %parallel_loop3A_512, %parallel_loop3A_584, %parallel_loop3A_587 : vector<16xi1>, vector<16xf32>
      %parallel_loop3A_589 = arith.constant 784 : i32
      %parallel_loop3A_590 = arith.addi %parallel_loop3A_409, %parallel_loop3A_589 : i32
      %parallel_loop3A_591 = arith.index_cast %parallel_loop3A_590 : i32 to index
      %parallel_loop3A_592 = tpu.vector_load %arg8[%parallel_loop3A_591] {strides = array<i32>} : memref<32768xf32, #tpu.memory_space<vmem>>, vector<16xf32>,
      tpu.vector_store %arg8[%parallel_loop3A_591], %parallel_loop3A_588 {strides = array<i32>} : memref<32768xf32, #tpu.memory_space<vmem>>, vector<16xf32>,
      %parallel_loop3A_593 = vector.shape_cast %parallel_loop3A_515 : vector<16xi32> to vector<16x1xi32>
      %parallel_loop3A_594 = vector.shape_cast %parallel_loop3A_593 : vector<16x1xi32> to vector<16xi32>
      %parallel_loop3A_595 = tpu.dynamic_gather %get3A_259[%parallel_loop3A_594] in [0] : vector<16xf32>, vector<16xi32> -> vector<16xf32>
      %parallel_loop3A_596 = vector.shape_cast %parallel_loop3A_515 : vector<16xi32> to vector<16x1xi32>
      %parallel_loop3A_597 = vector.shape_cast %parallel_loop3A_596 : vector<16x1xi32> to vector<16xi32>
      %parallel_loop3A_598 = tpu.dynamic_gather %get3A_261[%parallel_loop3A_597] in [0] : vector<16xf32>, vector<16xi32> -> vector<16xf32>
      %parallel_loop3A_599 = arith.select %parallel_loop3A_512, %parallel_loop3A_595, %parallel_loop3A_598 : vector<16xi1>, vector<16xf32>
      %parallel_loop3A_600 = arith.constant 912 : i32
      %parallel_loop3A_601 = arith.addi %parallel_loop3A_409, %parallel_loop3A_600 : i32
      %parallel_loop3A_602 = arith.index_cast %parallel_loop3A_601 : i32 to index
      %parallel_loop3A_603 = tpu.vector_load %arg8[%parallel_loop3A_602] {strides = array<i32>} : memref<32768xf32, #tpu.memory_space<vmem>>, vector<16xf32>,
      tpu.vector_store %arg8[%parallel_loop3A_602], %parallel_loop3A_599 {strides = array<i32>} : memref<32768xf32, #tpu.memory_space<vmem>>, vector<16xf32>,
      %parallel_loop3A_604 = arith.index_cast %parallel_loop3A_407 : i32 to index
      %parallel_loop3A_605 = arith.constant 32 : index
      %parallel_loop3A_606 = tpu.vector_load %arg6[%parallel_loop3A_604, %parallel_loop3A_605] {strides = array<i32>} : memref<32x128xi32, #tpu.memory_space<vmem>>, vector<16xi32>,
      %parallel_loop3A_607 = arith.constant 16 : i32
      %parallel_loop3A_608 = vector.broadcast %parallel_loop3A_607 : i32 to vector<16xi32>
      %parallel_loop3A_609 = arith.cmpi slt, %parallel_loop3A_606, %parallel_loop3A_608 : vector<16xi32>
      %parallel_loop3A_610 = arith.constant 15 : i32
      %parallel_loop3A_611 = vector.broadcast %parallel_loop3A_610 : i32 to vector<16xi32>
      %parallel_loop3A_612 = arith.andi %parallel_loop3A_606, %parallel_loop3A_611 : vector<16xi32>
      %parallel_loop3A_613 = vector.shape_cast %parallel_loop3A_612 : vector<16xi32> to vector<16x1xi32>
      %parallel_loop3A_614 = vector.shape_cast %parallel_loop3A_613 : vector<16x1xi32> to vector<16xi32>
      %parallel_loop3A_615 = tpu.dynamic_gather %get3A_231[%parallel_loop3A_614] in [0] : vector<16xf32>, vector<16xi32> -> vector<16xf32>
      %parallel_loop3A_616 = vector.shape_cast %parallel_loop3A_612 : vector<16xi32> to vector<16x1xi32>
      %parallel_loop3A_617 = vector.shape_cast %parallel_loop3A_616 : vector<16x1xi32> to vector<16xi32>
      %parallel_loop3A_618 = tpu.dynamic_gather %get3A_233[%parallel_loop3A_617] in [0] : vector<16xf32>, vector<16xi32> -> vector<16xf32>
      %parallel_loop3A_619 = arith.select %parallel_loop3A_609, %parallel_loop3A_615, %parallel_loop3A_618 : vector<16xi1>, vector<16xf32>
      %parallel_loop3A_620 = arith.constant 32 : i32
      %parallel_loop3A_621 = arith.addi %parallel_loop3A_409, %parallel_loop3A_620 : i32
      %parallel_loop3A_622 = arith.index_cast %parallel_loop3A_621 : i32 to index
      %parallel_loop3A_623 = tpu.vector_load %arg8[%parallel_loop3A_622] {strides = array<i32>} : memref<32768xf32, #tpu.memory_space<vmem>>, vector<16xf32>,
      tpu.vector_store %arg8[%parallel_loop3A_622], %parallel_loop3A_619 {strides = array<i32>} : memref<32768xf32, #tpu.memory_space<vmem>>, vector<16xf32>,
      %parallel_loop3A_624 = vector.shape_cast %parallel_loop3A_612 : vector<16xi32> to vector<16x1xi32>
      %parallel_loop3A_625 = vector.shape_cast %parallel_loop3A_624 : vector<16x1xi32> to vector<16xi32>
      %parallel_loop3A_626 = tpu.dynamic_gather %get3A_235[%parallel_loop3A_625] in [0] : vector<16xf32>, vector<16xi32> -> vector<16xf32>
      %parallel_loop3A_627 = vector.shape_cast %parallel_loop3A_612 : vector<16xi32> to vector<16x1xi32>
      %parallel_loop3A_628 = vector.shape_cast %parallel_loop3A_627 : vector<16x1xi32> to vector<16xi32>
      %parallel_loop3A_629 = tpu.dynamic_gather %get3A_237[%parallel_loop3A_628] in [0] : vector<16xf32>, vector<16xi32> -> vector<16xf32>
      %parallel_loop3A_630 = arith.select %parallel_loop3A_609, %parallel_loop3A_626, %parallel_loop3A_629 : vector<16xi1>, vector<16xf32>
      %parallel_loop3A_631 = arith.constant 160 : i32
      %parallel_loop3A_632 = arith.addi %parallel_loop3A_409, %parallel_loop3A_631 : i32
      %parallel_loop3A_633 = arith.index_cast %parallel_loop3A_632 : i32 to index
      %parallel_loop3A_634 = tpu.vector_load %arg8[%parallel_loop3A_633] {strides = array<i32>} : memref<32768xf32, #tpu.memory_space<vmem>>, vector<16xf32>,
      tpu.vector_store %arg8[%parallel_loop3A_633], %parallel_loop3A_630 {strides = array<i32>} : memref<32768xf32, #tpu.memory_space<vmem>>, vector<16xf32>,
      %parallel_loop3A_635 = vector.shape_cast %parallel_loop3A_612 : vector<16xi32> to vector<16x1xi32>
      %parallel_loop3A_636 = vector.shape_cast %parallel_loop3A_635 : vector<16x1xi32> to vector<16xi32>
      %parallel_loop3A_637 = tpu.dynamic_gather %get3A_239[%parallel_loop3A_636] in [0] : vector<16xf32>, vector<16xi32> -> vector<16xf32>
      %parallel_loop3A_638 = vector.shape_cast %parallel_loop3A_612 : vector<16xi32> to vector<16x1xi32>
      %parallel_loop3A_639 = vector.shape_cast %parallel_loop3A_638 : vector<16x1xi32> to vector<16xi32>
      %parallel_loop3A_640 = tpu.dynamic_gather %get3A_241[%parallel_loop3A_639] in [0] : vector<16xf32>, vector<16xi32> -> vector<16xf32>
      %parallel_loop3A_641 = arith.select %parallel_loop3A_609, %parallel_loop3A_637, %parallel_loop3A_640 : vector<16xi1>, vector<16xf32>
      %parallel_loop3A_642 = arith.constant 288 : i32
      %parallel_loop3A_643 = arith.addi %parallel_loop3A_409, %parallel_loop3A_642 : i32
      %parallel_loop3A_644 = arith.index_cast %parallel_loop3A_643 : i32 to index
      %parallel_loop3A_645 = tpu.vector_load %arg8[%parallel_loop3A_644] {strides = array<i32>} : memref<32768xf32, #tpu.memory_space<vmem>>, vector<16xf32>,
      tpu.vector_store %arg8[%parallel_loop3A_644], %parallel_loop3A_641 {strides = array<i32>} : memref<32768xf32, #tpu.memory_space<vmem>>, vector<16xf32>,
      %parallel_loop3A_646 = vector.shape_cast %parallel_loop3A_612 : vector<16xi32> to vector<16x1xi32>
      %parallel_loop3A_647 = vector.shape_cast %parallel_loop3A_646 : vector<16x1xi32> to vector<16xi32>
      %parallel_loop3A_648 = tpu.dynamic_gather %get3A_243[%parallel_loop3A_647] in [0] : vector<16xf32>, vector<16xi32> -> vector<16xf32>
      %parallel_loop3A_649 = vector.shape_cast %parallel_loop3A_612 : vector<16xi32> to vector<16x1xi32>
      %parallel_loop3A_650 = vector.shape_cast %parallel_loop3A_649 : vector<16x1xi32> to vector<16xi32>
      %parallel_loop3A_651 = tpu.dynamic_gather %get3A_245[%parallel_loop3A_650] in [0] : vector<16xf32>, vector<16xi32> -> vector<16xf32>
      %parallel_loop3A_652 = arith.select %parallel_loop3A_609, %parallel_loop3A_648, %parallel_loop3A_651 : vector<16xi1>, vector<16xf32>
      %parallel_loop3A_653 = arith.constant 416 : i32
      %parallel_loop3A_654 = arith.addi %parallel_loop3A_409, %parallel_loop3A_653 : i32
      %parallel_loop3A_655 = arith.index_cast %parallel_loop3A_654 : i32 to index
      %parallel_loop3A_656 = tpu.vector_load %arg8[%parallel_loop3A_655] {strides = array<i32>} : memref<32768xf32, #tpu.memory_space<vmem>>, vector<16xf32>,
      tpu.vector_store %arg8[%parallel_loop3A_655], %parallel_loop3A_652 {strides = array<i32>} : memref<32768xf32, #tpu.memory_space<vmem>>, vector<16xf32>,
      %parallel_loop3A_657 = vector.shape_cast %parallel_loop3A_612 : vector<16xi32> to vector<16x1xi32>
      %parallel_loop3A_658 = vector.shape_cast %parallel_loop3A_657 : vector<16x1xi32> to vector<16xi32>
      %parallel_loop3A_659 = tpu.dynamic_gather %get3A_247[%parallel_loop3A_658] in [0] : vector<16xf32>, vector<16xi32> -> vector<16xf32>
      %parallel_loop3A_660 = vector.shape_cast %parallel_loop3A_612 : vector<16xi32> to vector<16x1xi32>
      %parallel_loop3A_661 = vector.shape_cast %parallel_loop3A_660 : vector<16x1xi32> to vector<16xi32>
      %parallel_loop3A_662 = tpu.dynamic_gather %get3A_249[%parallel_loop3A_661] in [0] : vector<16xf32>, vector<16xi32> -> vector<16xf32>
      %parallel_loop3A_663 = arith.select %parallel_loop3A_609, %parallel_loop3A_659, %parallel_loop3A_662 : vector<16xi1>, vector<16xf32>
      %parallel_loop3A_664 = arith.constant 544 : i32
      %parallel_loop3A_665 = arith.addi %parallel_loop3A_409, %parallel_loop3A_664 : i32
      %parallel_loop3A_666 = arith.index_cast %parallel_loop3A_665 : i32 to index
      %parallel_loop3A_667 = tpu.vector_load %arg8[%parallel_loop3A_666] {strides = array<i32>} : memref<32768xf32, #tpu.memory_space<vmem>>, vector<16xf32>,
      tpu.vector_store %arg8[%parallel_loop3A_666], %parallel_loop3A_663 {strides = array<i32>} : memref<32768xf32, #tpu.memory_space<vmem>>, vector<16xf32>,
      %parallel_loop3A_668 = vector.shape_cast %parallel_loop3A_612 : vector<16xi32> to vector<16x1xi32>
      %parallel_loop3A_669 = vector.shape_cast %parallel_loop3A_668 : vector<16x1xi32> to vector<16xi32>
      %parallel_loop3A_670 = tpu.dynamic_gather %get3A_251[%parallel_loop3A_669] in [0] : vector<16xf32>, vector<16xi32> -> vector<16xf32>
      %parallel_loop3A_671 = vector.shape_cast %parallel_loop3A_612 : vector<16xi32> to vector<16x1xi32>
      %parallel_loop3A_672 = vector.shape_cast %parallel_loop3A_671 : vector<16x1xi32> to vector<16xi32>
      %parallel_loop3A_673 = tpu.dynamic_gather %get3A_253[%parallel_loop3A_672] in [0] : vector<16xf32>, vector<16xi32> -> vector<16xf32>
      %parallel_loop3A_674 = arith.select %parallel_loop3A_609, %parallel_loop3A_670, %parallel_loop3A_673 : vector<16xi1>, vector<16xf32>
      %parallel_loop3A_675 = arith.constant 672 : i32
      %parallel_loop3A_676 = arith.addi %parallel_loop3A_409, %parallel_loop3A_675 : i32
      %parallel_loop3A_677 = arith.index_cast %parallel_loop3A_676 : i32 to index
      %parallel_loop3A_678 = tpu.vector_load %arg8[%parallel_loop3A_677] {strides = array<i32>} : memref<32768xf32, #tpu.memory_space<vmem>>, vector<16xf32>,
      tpu.vector_store %arg8[%parallel_loop3A_677], %parallel_loop3A_674 {strides = array<i32>} : memref<32768xf32, #tpu.memory_space<vmem>>, vector<16xf32>,
      %parallel_loop3A_679 = vector.shape_cast %parallel_loop3A_612 : vector<16xi32> to vector<16x1xi32>
      %parallel_loop3A_680 = vector.shape_cast %parallel_loop3A_679 : vector<16x1xi32> to vector<16xi32>
      %parallel_loop3A_681 = tpu.dynamic_gather %get3A_255[%parallel_loop3A_680] in [0] : vector<16xf32>, vector<16xi32> -> vector<16xf32>
      %parallel_loop3A_682 = vector.shape_cast %parallel_loop3A_612 : vector<16xi32> to vector<16x1xi32>
      %parallel_loop3A_683 = vector.shape_cast %parallel_loop3A_682 : vector<16x1xi32> to vector<16xi32>
      %parallel_loop3A_684 = tpu.dynamic_gather %get3A_257[%parallel_loop3A_683] in [0] : vector<16xf32>, vector<16xi32> -> vector<16xf32>
      %parallel_loop3A_685 = arith.select %parallel_loop3A_609, %parallel_loop3A_681, %parallel_loop3A_684 : vector<16xi1>, vector<16xf32>
      %parallel_loop3A_686 = arith.constant 800 : i32
      %parallel_loop3A_687 = arith.addi %parallel_loop3A_409, %parallel_loop3A_686 : i32
      %parallel_loop3A_688 = arith.index_cast %parallel_loop3A_687 : i32 to index
      %parallel_loop3A_689 = tpu.vector_load %arg8[%parallel_loop3A_688] {strides = array<i32>} : memref<32768xf32, #tpu.memory_space<vmem>>, vector<16xf32>,
      tpu.vector_store %arg8[%parallel_loop3A_688], %parallel_loop3A_685 {strides = array<i32>} : memref<32768xf32, #tpu.memory_space<vmem>>, vector<16xf32>,
      %parallel_loop3A_690 = vector.shape_cast %parallel_loop3A_612 : vector<16xi32> to vector<16x1xi32>
      %parallel_loop3A_691 = vector.shape_cast %parallel_loop3A_690 : vector<16x1xi32> to vector<16xi32>
      %parallel_loop3A_692 = tpu.dynamic_gather %get3A_259[%parallel_loop3A_691] in [0] : vector<16xf32>, vector<16xi32> -> vector<16xf32>
      %parallel_loop3A_693 = vector.shape_cast %parallel_loop3A_612 : vector<16xi32> to vector<16x1xi32>
      %parallel_loop3A_694 = vector.shape_cast %parallel_loop3A_693 : vector<16x1xi32> to vector<16xi32>
      %parallel_loop3A_695 = tpu.dynamic_gather %get3A_261[%parallel_loop3A_694] in [0] : vector<16xf32>, vector<16xi32> -> vector<16xf32>
      %parallel_loop3A_696 = arith.select %parallel_loop3A_609, %parallel_loop3A_692, %parallel_loop3A_695 : vector<16xi1>, vector<16xf32>
      %parallel_loop3A_697 = arith.constant 928 : i32
      %parallel_loop3A_698 = arith.addi %parallel_loop3A_409, %parallel_loop3A_697 : i32
      %parallel_loop3A_699 = arith.index_cast %parallel_loop3A_698 : i32 to index
      %parallel_loop3A_700 = tpu.vector_load %arg8[%parallel_loop3A_699] {strides = array<i32>} : memref<32768xf32, #tpu.memory_space<vmem>>, vector<16xf32>,
      tpu.vector_store %arg8[%parallel_loop3A_699], %parallel_loop3A_696 {strides = array<i32>} : memref<32768xf32, #tpu.memory_space<vmem>>, vector<16xf32>,
      %parallel_loop3A_701 = arith.index_cast %parallel_loop3A_407 : i32 to index
      %parallel_loop3A_702 = arith.constant 48 : index
      %parallel_loop3A_703 = tpu.vector_load %arg6[%parallel_loop3A_701, %parallel_loop3A_702] {strides = array<i32>} : memref<32x128xi32, #tpu.memory_space<vmem>>, vector<16xi32>,
      %parallel_loop3A_704 = arith.constant 16 : i32
      %parallel_loop3A_705 = vector.broadcast %parallel_loop3A_704 : i32 to vector<16xi32>
      %parallel_loop3A_706 = arith.cmpi slt, %parallel_loop3A_703, %parallel_loop3A_705 : vector<16xi32>
      %parallel_loop3A_707 = arith.constant 15 : i32
      %parallel_loop3A_708 = vector.broadcast %parallel_loop3A_707 : i32 to vector<16xi32>
      %parallel_loop3A_709 = arith.andi %parallel_loop3A_703, %parallel_loop3A_708 : vector<16xi32>
      %parallel_loop3A_710 = vector.shape_cast %parallel_loop3A_709 : vector<16xi32> to vector<16x1xi32>
      %parallel_loop3A_711 = vector.shape_cast %parallel_loop3A_710 : vector<16x1xi32> to vector<16xi32>
      %parallel_loop3A_712 = tpu.dynamic_gather %get3A_231[%parallel_loop3A_711] in [0] : vector<16xf32>, vector<16xi32> -> vector<16xf32>
      %parallel_loop3A_713 = vector.shape_cast %parallel_loop3A_709 : vector<16xi32> to vector<16x1xi32>
      %parallel_loop3A_714 = vector.shape_cast %parallel_loop3A_713 : vector<16x1xi32> to vector<16xi32>
      %parallel_loop3A_715 = tpu.dynamic_gather %get3A_233[%parallel_loop3A_714] in [0] : vector<16xf32>, vector<16xi32> -> vector<16xf32>
      %parallel_loop3A_716 = arith.select %parallel_loop3A_706, %parallel_loop3A_712, %parallel_loop3A_715 : vector<16xi1>, vector<16xf32>
      %parallel_loop3A_717 = arith.constant 48 : i32
      %parallel_loop3A_718 = arith.addi %parallel_loop3A_409, %parallel_loop3A_717 : i32
      %parallel_loop3A_719 = arith.index_cast %parallel_loop3A_718 : i32 to index
      %parallel_loop3A_720 = tpu.vector_load %arg8[%parallel_loop3A_719] {strides = array<i32>} : memref<32768xf32, #tpu.memory_space<vmem>>, vector<16xf32>,
      tpu.vector_store %arg8[%parallel_loop3A_719], %parallel_loop3A_716 {strides = array<i32>} : memref<32768xf32, #tpu.memory_space<vmem>>, vector<16xf32>,
      %parallel_loop3A_721 = vector.shape_cast %parallel_loop3A_709 : vector<16xi32> to vector<16x1xi32>
      %parallel_loop3A_722 = vector.shape_cast %parallel_loop3A_721 : vector<16x1xi32> to vector<16xi32>
      %parallel_loop3A_723 = tpu.dynamic_gather %get3A_235[%parallel_loop3A_722] in [0] : vector<16xf32>, vector<16xi32> -> vector<16xf32>
      %parallel_loop3A_724 = vector.shape_cast %parallel_loop3A_709 : vector<16xi32> to vector<16x1xi32>
      %parallel_loop3A_725 = vector.shape_cast %parallel_loop3A_724 : vector<16x1xi32> to vector<16xi32>
      %parallel_loop3A_726 = tpu.dynamic_gather %get3A_237[%parallel_loop3A_725] in [0] : vector<16xf32>, vector<16xi32> -> vector<16xf32>
      %parallel_loop3A_727 = arith.select %parallel_loop3A_706, %parallel_loop3A_723, %parallel_loop3A_726 : vector<16xi1>, vector<16xf32>
      %parallel_loop3A_728 = arith.constant 176 : i32
      %parallel_loop3A_729 = arith.addi %parallel_loop3A_409, %parallel_loop3A_728 : i32
      %parallel_loop3A_730 = arith.index_cast %parallel_loop3A_729 : i32 to index
      %parallel_loop3A_731 = tpu.vector_load %arg8[%parallel_loop3A_730] {strides = array<i32>} : memref<32768xf32, #tpu.memory_space<vmem>>, vector<16xf32>,
      tpu.vector_store %arg8[%parallel_loop3A_730], %parallel_loop3A_727 {strides = array<i32>} : memref<32768xf32, #tpu.memory_space<vmem>>, vector<16xf32>,
      %parallel_loop3A_732 = vector.shape_cast %parallel_loop3A_709 : vector<16xi32> to vector<16x1xi32>
      %parallel_loop3A_733 = vector.shape_cast %parallel_loop3A_732 : vector<16x1xi32> to vector<16xi32>
      %parallel_loop3A_734 = tpu.dynamic_gather %get3A_239[%parallel_loop3A_733] in [0] : vector<16xf32>, vector<16xi32> -> vector<16xf32>
      %parallel_loop3A_735 = vector.shape_cast %parallel_loop3A_709 : vector<16xi32> to vector<16x1xi32>
      %parallel_loop3A_736 = vector.shape_cast %parallel_loop3A_735 : vector<16x1xi32> to vector<16xi32>
      %parallel_loop3A_737 = tpu.dynamic_gather %get3A_241[%parallel_loop3A_736] in [0] : vector<16xf32>, vector<16xi32> -> vector<16xf32>
      %parallel_loop3A_738 = arith.select %parallel_loop3A_706, %parallel_loop3A_734, %parallel_loop3A_737 : vector<16xi1>, vector<16xf32>
      %parallel_loop3A_739 = arith.constant 304 : i32
      %parallel_loop3A_740 = arith.addi %parallel_loop3A_409, %parallel_loop3A_739 : i32
      %parallel_loop3A_741 = arith.index_cast %parallel_loop3A_740 : i32 to index
      %parallel_loop3A_742 = tpu.vector_load %arg8[%parallel_loop3A_741] {strides = array<i32>} : memref<32768xf32, #tpu.memory_space<vmem>>, vector<16xf32>,
      tpu.vector_store %arg8[%parallel_loop3A_741], %parallel_loop3A_738 {strides = array<i32>} : memref<32768xf32, #tpu.memory_space<vmem>>, vector<16xf32>,
      %parallel_loop3A_743 = vector.shape_cast %parallel_loop3A_709 : vector<16xi32> to vector<16x1xi32>
      %parallel_loop3A_744 = vector.shape_cast %parallel_loop3A_743 : vector<16x1xi32> to vector<16xi32>
      %parallel_loop3A_745 = tpu.dynamic_gather %get3A_243[%parallel_loop3A_744] in [0] : vector<16xf32>, vector<16xi32> -> vector<16xf32>
      %parallel_loop3A_746 = vector.shape_cast %parallel_loop3A_709 : vector<16xi32> to vector<16x1xi32>
      %parallel_loop3A_747 = vector.shape_cast %parallel_loop3A_746 : vector<16x1xi32> to vector<16xi32>
      %parallel_loop3A_748 = tpu.dynamic_gather %get3A_245[%parallel_loop3A_747] in [0] : vector<16xf32>, vector<16xi32> -> vector<16xf32>
      %parallel_loop3A_749 = arith.select %parallel_loop3A_706, %parallel_loop3A_745, %parallel_loop3A_748 : vector<16xi1>, vector<16xf32>
      %parallel_loop3A_750 = arith.constant 432 : i32
      %parallel_loop3A_751 = arith.addi %parallel_loop3A_409, %parallel_loop3A_750 : i32
      %parallel_loop3A_752 = arith.index_cast %parallel_loop3A_751 : i32 to index
      %parallel_loop3A_753 = tpu.vector_load %arg8[%parallel_loop3A_752] {strides = array<i32>} : memref<32768xf32, #tpu.memory_space<vmem>>, vector<16xf32>,
      tpu.vector_store %arg8[%parallel_loop3A_752], %parallel_loop3A_749 {strides = array<i32>} : memref<32768xf32, #tpu.memory_space<vmem>>, vector<16xf32>,
      %parallel_loop3A_754 = vector.shape_cast %parallel_loop3A_709 : vector<16xi32> to vector<16x1xi32>
      %parallel_loop3A_755 = vector.shape_cast %parallel_loop3A_754 : vector<16x1xi32> to vector<16xi32>
      %parallel_loop3A_756 = tpu.dynamic_gather %get3A_247[%parallel_loop3A_755] in [0] : vector<16xf32>, vector<16xi32> -> vector<16xf32>
      %parallel_loop3A_757 = vector.shape_cast %parallel_loop3A_709 : vector<16xi32> to vector<16x1xi32>
      %parallel_loop3A_758 = vector.shape_cast %parallel_loop3A_757 : vector<16x1xi32> to vector<16xi32>
      %parallel_loop3A_759 = tpu.dynamic_gather %get3A_249[%parallel_loop3A_758] in [0] : vector<16xf32>, vector<16xi32> -> vector<16xf32>
      %parallel_loop3A_760 = arith.select %parallel_loop3A_706, %parallel_loop3A_756, %parallel_loop3A_759 : vector<16xi1>, vector<16xf32>
      %parallel_loop3A_761 = arith.constant 560 : i32
      %parallel_loop3A_762 = arith.addi %parallel_loop3A_409, %parallel_loop3A_761 : i32
      %parallel_loop3A_763 = arith.index_cast %parallel_loop3A_762 : i32 to index
      %parallel_loop3A_764 = tpu.vector_load %arg8[%parallel_loop3A_763] {strides = array<i32>} : memref<32768xf32, #tpu.memory_space<vmem>>, vector<16xf32>,
      tpu.vector_store %arg8[%parallel_loop3A_763], %parallel_loop3A_760 {strides = array<i32>} : memref<32768xf32, #tpu.memory_space<vmem>>, vector<16xf32>,
      %parallel_loop3A_765 = vector.shape_cast %parallel_loop3A_709 : vector<16xi32> to vector<16x1xi32>
      %parallel_loop3A_766 = vector.shape_cast %parallel_loop3A_765 : vector<16x1xi32> to vector<16xi32>
      %parallel_loop3A_767 = tpu.dynamic_gather %get3A_251[%parallel_loop3A_766] in [0] : vector<16xf32>, vector<16xi32> -> vector<16xf32>
      %parallel_loop3A_768 = vector.shape_cast %parallel_loop3A_709 : vector<16xi32> to vector<16x1xi32>
      %parallel_loop3A_769 = vector.shape_cast %parallel_loop3A_768 : vector<16x1xi32> to vector<16xi32>
      %parallel_loop3A_770 = tpu.dynamic_gather %get3A_253[%parallel_loop3A_769] in [0] : vector<16xf32>, vector<16xi32> -> vector<16xf32>
      %parallel_loop3A_771 = arith.select %parallel_loop3A_706, %parallel_loop3A_767, %parallel_loop3A_770 : vector<16xi1>, vector<16xf32>
      %parallel_loop3A_772 = arith.constant 688 : i32
      %parallel_loop3A_773 = arith.addi %parallel_loop3A_409, %parallel_loop3A_772 : i32
      %parallel_loop3A_774 = arith.index_cast %parallel_loop3A_773 : i32 to index
      %parallel_loop3A_775 = tpu.vector_load %arg8[%parallel_loop3A_774] {strides = array<i32>} : memref<32768xf32, #tpu.memory_space<vmem>>, vector<16xf32>,
      tpu.vector_store %arg8[%parallel_loop3A_774], %parallel_loop3A_771 {strides = array<i32>} : memref<32768xf32, #tpu.memory_space<vmem>>, vector<16xf32>,
      %parallel_loop3A_776 = vector.shape_cast %parallel_loop3A_709 : vector<16xi32> to vector<16x1xi32>
      %parallel_loop3A_777 = vector.shape_cast %parallel_loop3A_776 : vector<16x1xi32> to vector<16xi32>
      %parallel_loop3A_778 = tpu.dynamic_gather %get3A_255[%parallel_loop3A_777] in [0] : vector<16xf32>, vector<16xi32> -> vector<16xf32>
      %parallel_loop3A_779 = vector.shape_cast %parallel_loop3A_709 : vector<16xi32> to vector<16x1xi32>
      %parallel_loop3A_780 = vector.shape_cast %parallel_loop3A_779 : vector<16x1xi32> to vector<16xi32>
      %parallel_loop3A_781 = tpu.dynamic_gather %get3A_257[%parallel_loop3A_780] in [0] : vector<16xf32>, vector<16xi32> -> vector<16xf32>
      %parallel_loop3A_782 = arith.select %parallel_loop3A_706, %parallel_loop3A_778, %parallel_loop3A_781 : vector<16xi1>, vector<16xf32>
      %parallel_loop3A_783 = arith.constant 816 : i32
      %parallel_loop3A_784 = arith.addi %parallel_loop3A_409, %parallel_loop3A_783 : i32
      %parallel_loop3A_785 = arith.index_cast %parallel_loop3A_784 : i32 to index
      %parallel_loop3A_786 = tpu.vector_load %arg8[%parallel_loop3A_785] {strides = array<i32>} : memref<32768xf32, #tpu.memory_space<vmem>>, vector<16xf32>,
      tpu.vector_store %arg8[%parallel_loop3A_785], %parallel_loop3A_782 {strides = array<i32>} : memref<32768xf32, #tpu.memory_space<vmem>>, vector<16xf32>,
      %parallel_loop3A_787 = vector.shape_cast %parallel_loop3A_709 : vector<16xi32> to vector<16x1xi32>
      %parallel_loop3A_788 = vector.shape_cast %parallel_loop3A_787 : vector<16x1xi32> to vector<16xi32>
      %parallel_loop3A_789 = tpu.dynamic_gather %get3A_259[%parallel_loop3A_788] in [0] : vector<16xf32>, vector<16xi32> -> vector<16xf32>
      %parallel_loop3A_790 = vector.shape_cast %parallel_loop3A_709 : vector<16xi32> to vector<16x1xi32>
      %parallel_loop3A_791 = vector.shape_cast %parallel_loop3A_790 : vector<16x1xi32> to vector<16xi32>
      %parallel_loop3A_792 = tpu.dynamic_gather %get3A_261[%parallel_loop3A_791] in [0] : vector<16xf32>, vector<16xi32> -> vector<16xf32>
      %parallel_loop3A_793 = arith.select %parallel_loop3A_706, %parallel_loop3A_789, %parallel_loop3A_792 : vector<16xi1>, vector<16xf32>
      %parallel_loop3A_794 = arith.constant 944 : i32
      %parallel_loop3A_795 = arith.addi %parallel_loop3A_409, %parallel_loop3A_794 : i32
      %parallel_loop3A_796 = arith.index_cast %parallel_loop3A_795 : i32 to index
      %parallel_loop3A_797 = tpu.vector_load %arg8[%parallel_loop3A_796] {strides = array<i32>} : memref<32768xf32, #tpu.memory_space<vmem>>, vector<16xf32>,
      tpu.vector_store %arg8[%parallel_loop3A_796], %parallel_loop3A_793 {strides = array<i32>} : memref<32768xf32, #tpu.memory_space<vmem>>, vector<16xf32>,
      %parallel_loop3A_798 = arith.index_cast %parallel_loop3A_407 : i32 to index
      %parallel_loop3A_799 = arith.constant 64 : index
      %parallel_loop3A_800 = tpu.vector_load %arg6[%parallel_loop3A_798, %parallel_loop3A_799] {strides = array<i32>} : memref<32x128xi32, #tpu.memory_space<vmem>>, vector<16xi32>,
      %parallel_loop3A_801 = arith.constant 16 : i32
      %parallel_loop3A_802 = vector.broadcast %parallel_loop3A_801 : i32 to vector<16xi32>
      %parallel_loop3A_803 = arith.cmpi slt, %parallel_loop3A_800, %parallel_loop3A_802 : vector<16xi32>
      %parallel_loop3A_804 = arith.constant 15 : i32
      %parallel_loop3A_805 = vector.broadcast %parallel_loop3A_804 : i32 to vector<16xi32>
      %parallel_loop3A_806 = arith.andi %parallel_loop3A_800, %parallel_loop3A_805 : vector<16xi32>
      %parallel_loop3A_807 = vector.shape_cast %parallel_loop3A_806 : vector<16xi32> to vector<16x1xi32>
      %parallel_loop3A_808 = vector.shape_cast %parallel_loop3A_807 : vector<16x1xi32> to vector<16xi32>
      %parallel_loop3A_809 = tpu.dynamic_gather %get3A_231[%parallel_loop3A_808] in [0] : vector<16xf32>, vector<16xi32> -> vector<16xf32>
      %parallel_loop3A_810 = vector.shape_cast %parallel_loop3A_806 : vector<16xi32> to vector<16x1xi32>
      %parallel_loop3A_811 = vector.shape_cast %parallel_loop3A_810 : vector<16x1xi32> to vector<16xi32>
      %parallel_loop3A_812 = tpu.dynamic_gather %get3A_233[%parallel_loop3A_811] in [0] : vector<16xf32>, vector<16xi32> -> vector<16xf32>
      %parallel_loop3A_813 = arith.select %parallel_loop3A_803, %parallel_loop3A_809, %parallel_loop3A_812 : vector<16xi1>, vector<16xf32>
      %parallel_loop3A_814 = arith.constant 64 : i32
      %parallel_loop3A_815 = arith.addi %parallel_loop3A_409, %parallel_loop3A_814 : i32
      %parallel_loop3A_816 = arith.index_cast %parallel_loop3A_815 : i32 to index
      %parallel_loop3A_817 = tpu.vector_load %arg8[%parallel_loop3A_816] {strides = array<i32>} : memref<32768xf32, #tpu.memory_space<vmem>>, vector<16xf32>,
      tpu.vector_store %arg8[%parallel_loop3A_816], %parallel_loop3A_813 {strides = array<i32>} : memref<32768xf32, #tpu.memory_space<vmem>>, vector<16xf32>,
      %parallel_loop3A_818 = vector.shape_cast %parallel_loop3A_806 : vector<16xi32> to vector<16x1xi32>
      %parallel_loop3A_819 = vector.shape_cast %parallel_loop3A_818 : vector<16x1xi32> to vector<16xi32>
      %parallel_loop3A_820 = tpu.dynamic_gather %get3A_235[%parallel_loop3A_819] in [0] : vector<16xf32>, vector<16xi32> -> vector<16xf32>
      %parallel_loop3A_821 = vector.shape_cast %parallel_loop3A_806 : vector<16xi32> to vector<16x1xi32>
      %parallel_loop3A_822 = vector.shape_cast %parallel_loop3A_821 : vector<16x1xi32> to vector<16xi32>
      %parallel_loop3A_823 = tpu.dynamic_gather %get3A_237[%parallel_loop3A_822] in [0] : vector<16xf32>, vector<16xi32> -> vector<16xf32>
      %parallel_loop3A_824 = arith.select %parallel_loop3A_803, %parallel_loop3A_820, %parallel_loop3A_823 : vector<16xi1>, vector<16xf32>
      %parallel_loop3A_825 = arith.constant 192 : i32
      %parallel_loop3A_826 = arith.addi %parallel_loop3A_409, %parallel_loop3A_825 : i32
      %parallel_loop3A_827 = arith.index_cast %parallel_loop3A_826 : i32 to index
      %parallel_loop3A_828 = tpu.vector_load %arg8[%parallel_loop3A_827] {strides = array<i32>} : memref<32768xf32, #tpu.memory_space<vmem>>, vector<16xf32>,
      tpu.vector_store %arg8[%parallel_loop3A_827], %parallel_loop3A_824 {strides = array<i32>} : memref<32768xf32, #tpu.memory_space<vmem>>, vector<16xf32>,
      %parallel_loop3A_829 = vector.shape_cast %parallel_loop3A_806 : vector<16xi32> to vector<16x1xi32>
      %parallel_loop3A_830 = vector.shape_cast %parallel_loop3A_829 : vector<16x1xi32> to vector<16xi32>
      %parallel_loop3A_831 = tpu.dynamic_gather %get3A_239[%parallel_loop3A_830] in [0] : vector<16xf32>, vector<16xi32> -> vector<16xf32>
      %parallel_loop3A_832 = vector.shape_cast %parallel_loop3A_806 : vector<16xi32> to vector<16x1xi32>
      %parallel_loop3A_833 = vector.shape_cast %parallel_loop3A_832 : vector<16x1xi32> to vector<16xi32>
      %parallel_loop3A_834 = tpu.dynamic_gather %get3A_241[%parallel_loop3A_833] in [0] : vector<16xf32>, vector<16xi32> -> vector<16xf32>
      %parallel_loop3A_835 = arith.select %parallel_loop3A_803, %parallel_loop3A_831, %parallel_loop3A_834 : vector<16xi1>, vector<16xf32>
      %parallel_loop3A_836 = arith.constant 320 : i32
      %parallel_loop3A_837 = arith.addi %parallel_loop3A_409, %parallel_loop3A_836 : i32
      %parallel_loop3A_838 = arith.index_cast %parallel_loop3A_837 : i32 to index
      %parallel_loop3A_839 = tpu.vector_load %arg8[%parallel_loop3A_838] {strides = array<i32>} : memref<32768xf32, #tpu.memory_space<vmem>>, vector<16xf32>,
      tpu.vector_store %arg8[%parallel_loop3A_838], %parallel_loop3A_835 {strides = array<i32>} : memref<32768xf32, #tpu.memory_space<vmem>>, vector<16xf32>,
      %parallel_loop3A_840 = vector.shape_cast %parallel_loop3A_806 : vector<16xi32> to vector<16x1xi32>
      %parallel_loop3A_841 = vector.shape_cast %parallel_loop3A_840 : vector<16x1xi32> to vector<16xi32>
      %parallel_loop3A_842 = tpu.dynamic_gather %get3A_243[%parallel_loop3A_841] in [0] : vector<16xf32>, vector<16xi32> -> vector<16xf32>
      %parallel_loop3A_843 = vector.shape_cast %parallel_loop3A_806 : vector<16xi32> to vector<16x1xi32>
      %parallel_loop3A_844 = vector.shape_cast %parallel_loop3A_843 : vector<16x1xi32> to vector<16xi32>
      %parallel_loop3A_845 = tpu.dynamic_gather %get3A_245[%parallel_loop3A_844] in [0] : vector<16xf32>, vector<16xi32> -> vector<16xf32>
      %parallel_loop3A_846 = arith.select %parallel_loop3A_803, %parallel_loop3A_842, %parallel_loop3A_845 : vector<16xi1>, vector<16xf32>
      %parallel_loop3A_847 = arith.constant 448 : i32
      %parallel_loop3A_848 = arith.addi %parallel_loop3A_409, %parallel_loop3A_847 : i32
      %parallel_loop3A_849 = arith.index_cast %parallel_loop3A_848 : i32 to index
      %parallel_loop3A_850 = tpu.vector_load %arg8[%parallel_loop3A_849] {strides = array<i32>} : memref<32768xf32, #tpu.memory_space<vmem>>, vector<16xf32>,
      tpu.vector_store %arg8[%parallel_loop3A_849], %parallel_loop3A_846 {strides = array<i32>} : memref<32768xf32, #tpu.memory_space<vmem>>, vector<16xf32>,
      %parallel_loop3A_851 = vector.shape_cast %parallel_loop3A_806 : vector<16xi32> to vector<16x1xi32>
      %parallel_loop3A_852 = vector.shape_cast %parallel_loop3A_851 : vector<16x1xi32> to vector<16xi32>
      %parallel_loop3A_853 = tpu.dynamic_gather %get3A_247[%parallel_loop3A_852] in [0] : vector<16xf32>, vector<16xi32> -> vector<16xf32>
      %parallel_loop3A_854 = vector.shape_cast %parallel_loop3A_806 : vector<16xi32> to vector<16x1xi32>
      %parallel_loop3A_855 = vector.shape_cast %parallel_loop3A_854 : vector<16x1xi32> to vector<16xi32>
      %parallel_loop3A_856 = tpu.dynamic_gather %get3A_249[%parallel_loop3A_855] in [0] : vector<16xf32>, vector<16xi32> -> vector<16xf32>
      %parallel_loop3A_857 = arith.select %parallel_loop3A_803, %parallel_loop3A_853, %parallel_loop3A_856 : vector<16xi1>, vector<16xf32>
      %parallel_loop3A_858 = arith.constant 576 : i32
      %parallel_loop3A_859 = arith.addi %parallel_loop3A_409, %parallel_loop3A_858 : i32
      %parallel_loop3A_860 = arith.index_cast %parallel_loop3A_859 : i32 to index
      %parallel_loop3A_861 = tpu.vector_load %arg8[%parallel_loop3A_860] {strides = array<i32>} : memref<32768xf32, #tpu.memory_space<vmem>>, vector<16xf32>,
      tpu.vector_store %arg8[%parallel_loop3A_860], %parallel_loop3A_857 {strides = array<i32>} : memref<32768xf32, #tpu.memory_space<vmem>>, vector<16xf32>,
      %parallel_loop3A_862 = vector.shape_cast %parallel_loop3A_806 : vector<16xi32> to vector<16x1xi32>
      %parallel_loop3A_863 = vector.shape_cast %parallel_loop3A_862 : vector<16x1xi32> to vector<16xi32>
      %parallel_loop3A_864 = tpu.dynamic_gather %get3A_251[%parallel_loop3A_863] in [0] : vector<16xf32>, vector<16xi32> -> vector<16xf32>
      %parallel_loop3A_865 = vector.shape_cast %parallel_loop3A_806 : vector<16xi32> to vector<16x1xi32>
      %parallel_loop3A_866 = vector.shape_cast %parallel_loop3A_865 : vector<16x1xi32> to vector<16xi32>
      %parallel_loop3A_867 = tpu.dynamic_gather %get3A_253[%parallel_loop3A_866] in [0] : vector<16xf32>, vector<16xi32> -> vector<16xf32>
      %parallel_loop3A_868 = arith.select %parallel_loop3A_803, %parallel_loop3A_864, %parallel_loop3A_867 : vector<16xi1>, vector<16xf32>
      %parallel_loop3A_869 = arith.constant 704 : i32
      %parallel_loop3A_870 = arith.addi %parallel_loop3A_409, %parallel_loop3A_869 : i32
      %parallel_loop3A_871 = arith.index_cast %parallel_loop3A_870 : i32 to index
      %parallel_loop3A_872 = tpu.vector_load %arg8[%parallel_loop3A_871] {strides = array<i32>} : memref<32768xf32, #tpu.memory_space<vmem>>, vector<16xf32>,
      tpu.vector_store %arg8[%parallel_loop3A_871], %parallel_loop3A_868 {strides = array<i32>} : memref<32768xf32, #tpu.memory_space<vmem>>, vector<16xf32>,
      %parallel_loop3A_873 = vector.shape_cast %parallel_loop3A_806 : vector<16xi32> to vector<16x1xi32>
      %parallel_loop3A_874 = vector.shape_cast %parallel_loop3A_873 : vector<16x1xi32> to vector<16xi32>
      %parallel_loop3A_875 = tpu.dynamic_gather %get3A_255[%parallel_loop3A_874] in [0] : vector<16xf32>, vector<16xi32> -> vector<16xf32>
      %parallel_loop3A_876 = vector.shape_cast %parallel_loop3A_806 : vector<16xi32> to vector<16x1xi32>
      %parallel_loop3A_877 = vector.shape_cast %parallel_loop3A_876 : vector<16x1xi32> to vector<16xi32>
      %parallel_loop3A_878 = tpu.dynamic_gather %get3A_257[%parallel_loop3A_877] in [0] : vector<16xf32>, vector<16xi32> -> vector<16xf32>
      %parallel_loop3A_879 = arith.select %parallel_loop3A_803, %parallel_loop3A_875, %parallel_loop3A_878 : vector<16xi1>, vector<16xf32>
      %parallel_loop3A_880 = arith.constant 832 : i32
      %parallel_loop3A_881 = arith.addi %parallel_loop3A_409, %parallel_loop3A_880 : i32
      %parallel_loop3A_882 = arith.index_cast %parallel_loop3A_881 : i32 to index
      %parallel_loop3A_883 = tpu.vector_load %arg8[%parallel_loop3A_882] {strides = array<i32>} : memref<32768xf32, #tpu.memory_space<vmem>>, vector<16xf32>,
      tpu.vector_store %arg8[%parallel_loop3A_882], %parallel_loop3A_879 {strides = array<i32>} : memref<32768xf32, #tpu.memory_space<vmem>>, vector<16xf32>,
      %parallel_loop3A_884 = vector.shape_cast %parallel_loop3A_806 : vector<16xi32> to vector<16x1xi32>
      %parallel_loop3A_885 = vector.shape_cast %parallel_loop3A_884 : vector<16x1xi32> to vector<16xi32>
      %parallel_loop3A_886 = tpu.dynamic_gather %get3A_259[%parallel_loop3A_885] in [0] : vector<16xf32>, vector<16xi32> -> vector<16xf32>
      %parallel_loop3A_887 = vector.shape_cast %parallel_loop3A_806 : vector<16xi32> to vector<16x1xi32>
      %parallel_loop3A_888 = vector.shape_cast %parallel_loop3A_887 : vector<16x1xi32> to vector<16xi32>
      %parallel_loop3A_889 = tpu.dynamic_gather %get3A_261[%parallel_loop3A_888] in [0] : vector<16xf32>, vector<16xi32> -> vector<16xf32>
      %parallel_loop3A_890 = arith.select %parallel_loop3A_803, %parallel_loop3A_886, %parallel_loop3A_889 : vector<16xi1>, vector<16xf32>
      %parallel_loop3A_891 = arith.constant 960 : i32
      %parallel_loop3A_892 = arith.addi %parallel_loop3A_409, %parallel_loop3A_891 : i32
      %parallel_loop3A_893 = arith.index_cast %parallel_loop3A_892 : i32 to index
      %parallel_loop3A_894 = tpu.vector_load %arg8[%parallel_loop3A_893] {strides = array<i32>} : memref<32768xf32, #tpu.memory_space<vmem>>, vector<16xf32>,
      tpu.vector_store %arg8[%parallel_loop3A_893], %parallel_loop3A_890 {strides = array<i32>} : memref<32768xf32, #tpu.memory_space<vmem>>, vector<16xf32>,
      %parallel_loop3A_895 = arith.index_cast %parallel_loop3A_407 : i32 to index
      %parallel_loop3A_896 = arith.constant 80 : index
      %parallel_loop3A_897 = tpu.vector_load %arg6[%parallel_loop3A_895, %parallel_loop3A_896] {strides = array<i32>} : memref<32x128xi32, #tpu.memory_space<vmem>>, vector<16xi32>,
      %parallel_loop3A_898 = arith.constant 16 : i32
      %parallel_loop3A_899 = vector.broadcast %parallel_loop3A_898 : i32 to vector<16xi32>
      %parallel_loop3A_900 = arith.cmpi slt, %parallel_loop3A_897, %parallel_loop3A_899 : vector<16xi32>
      %parallel_loop3A_901 = arith.constant 15 : i32
      %parallel_loop3A_902 = vector.broadcast %parallel_loop3A_901 : i32 to vector<16xi32>
      %parallel_loop3A_903 = arith.andi %parallel_loop3A_897, %parallel_loop3A_902 : vector<16xi32>
      %parallel_loop3A_904 = vector.shape_cast %parallel_loop3A_903 : vector<16xi32> to vector<16x1xi32>
      %parallel_loop3A_905 = vector.shape_cast %parallel_loop3A_904 : vector<16x1xi32> to vector<16xi32>
      %parallel_loop3A_906 = tpu.dynamic_gather %get3A_231[%parallel_loop3A_905] in [0] : vector<16xf32>, vector<16xi32> -> vector<16xf32>
      %parallel_loop3A_907 = vector.shape_cast %parallel_loop3A_903 : vector<16xi32> to vector<16x1xi32>
      %parallel_loop3A_908 = vector.shape_cast %parallel_loop3A_907 : vector<16x1xi32> to vector<16xi32>
      %parallel_loop3A_909 = tpu.dynamic_gather %get3A_233[%parallel_loop3A_908] in [0] : vector<16xf32>, vector<16xi32> -> vector<16xf32>
      %parallel_loop3A_910 = arith.select %parallel_loop3A_900, %parallel_loop3A_906, %parallel_loop3A_909 : vector<16xi1>, vector<16xf32>
      %parallel_loop3A_911 = arith.constant 80 : i32
      %parallel_loop3A_912 = arith.addi %parallel_loop3A_409, %parallel_loop3A_911 : i32
      %parallel_loop3A_913 = arith.index_cast %parallel_loop3A_912 : i32 to index
      %parallel_loop3A_914 = tpu.vector_load %arg8[%parallel_loop3A_913] {strides = array<i32>} : memref<32768xf32, #tpu.memory_space<vmem>>, vector<16xf32>,
      tpu.vector_store %arg8[%parallel_loop3A_913], %parallel_loop3A_910 {strides = array<i32>} : memref<32768xf32, #tpu.memory_space<vmem>>, vector<16xf32>,
      %parallel_loop3A_915 = vector.shape_cast %parallel_loop3A_903 : vector<16xi32> to vector<16x1xi32>
      %parallel_loop3A_916 = vector.shape_cast %parallel_loop3A_915 : vector<16x1xi32> to vector<16xi32>
      %parallel_loop3A_917 = tpu.dynamic_gather %get3A_235[%parallel_loop3A_916] in [0] : vector<16xf32>, vector<16xi32> -> vector<16xf32>
      %parallel_loop3A_918 = vector.shape_cast %parallel_loop3A_903 : vector<16xi32> to vector<16x1xi32>
      %parallel_loop3A_919 = vector.shape_cast %parallel_loop3A_918 : vector<16x1xi32> to vector<16xi32>
      %parallel_loop3A_920 = tpu.dynamic_gather %get3A_237[%parallel_loop3A_919] in [0] : vector<16xf32>, vector<16xi32> -> vector<16xf32>
      %parallel_loop3A_921 = arith.select %parallel_loop3A_900, %parallel_loop3A_917, %parallel_loop3A_920 : vector<16xi1>, vector<16xf32>
      %parallel_loop3A_922 = arith.constant 208 : i32
      %parallel_loop3A_923 = arith.addi %parallel_loop3A_409, %parallel_loop3A_922 : i32
      %parallel_loop3A_924 = arith.index_cast %parallel_loop3A_923 : i32 to index
      %parallel_loop3A_925 = tpu.vector_load %arg8[%parallel_loop3A_924] {strides = array<i32>} : memref<32768xf32, #tpu.memory_space<vmem>>, vector<16xf32>,
      tpu.vector_store %arg8[%parallel_loop3A_924], %parallel_loop3A_921 {strides = array<i32>} : memref<32768xf32, #tpu.memory_space<vmem>>, vector<16xf32>,
      %parallel_loop3A_926 = vector.shape_cast %parallel_loop3A_903 : vector<16xi32> to vector<16x1xi32>
      %parallel_loop3A_927 = vector.shape_cast %parallel_loop3A_926 : vector<16x1xi32> to vector<16xi32>
      %parallel_loop3A_928 = tpu.dynamic_gather %get3A_239[%parallel_loop3A_927] in [0] : vector<16xf32>, vector<16xi32> -> vector<16xf32>
      %parallel_loop3A_929 = vector.shape_cast %parallel_loop3A_903 : vector<16xi32> to vector<16x1xi32>
      %parallel_loop3A_930 = vector.shape_cast %parallel_loop3A_929 : vector<16x1xi32> to vector<16xi32>
      %parallel_loop3A_931 = tpu.dynamic_gather %get3A_241[%parallel_loop3A_930] in [0] : vector<16xf32>, vector<16xi32> -> vector<16xf32>
      %parallel_loop3A_932 = arith.select %parallel_loop3A_900, %parallel_loop3A_928, %parallel_loop3A_931 : vector<16xi1>, vector<16xf32>
      %parallel_loop3A_933 = arith.constant 336 : i32
      %parallel_loop3A_934 = arith.addi %parallel_loop3A_409, %parallel_loop3A_933 : i32
      %parallel_loop3A_935 = arith.index_cast %parallel_loop3A_934 : i32 to index
      %parallel_loop3A_936 = tpu.vector_load %arg8[%parallel_loop3A_935] {strides = array<i32>} : memref<32768xf32, #tpu.memory_space<vmem>>, vector<16xf32>,
      tpu.vector_store %arg8[%parallel_loop3A_935], %parallel_loop3A_932 {strides = array<i32>} : memref<32768xf32, #tpu.memory_space<vmem>>, vector<16xf32>,
      %parallel_loop3A_937 = vector.shape_cast %parallel_loop3A_903 : vector<16xi32> to vector<16x1xi32>
      %parallel_loop3A_938 = vector.shape_cast %parallel_loop3A_937 : vector<16x1xi32> to vector<16xi32>
      %parallel_loop3A_939 = tpu.dynamic_gather %get3A_243[%parallel_loop3A_938] in [0] : vector<16xf32>, vector<16xi32> -> vector<16xf32>
      %parallel_loop3A_940 = vector.shape_cast %parallel_loop3A_903 : vector<16xi32> to vector<16x1xi32>
      %parallel_loop3A_941 = vector.shape_cast %parallel_loop3A_940 : vector<16x1xi32> to vector<16xi32>
      %parallel_loop3A_942 = tpu.dynamic_gather %get3A_245[%parallel_loop3A_941] in [0] : vector<16xf32>, vector<16xi32> -> vector<16xf32>
      %parallel_loop3A_943 = arith.select %parallel_loop3A_900, %parallel_loop3A_939, %parallel_loop3A_942 : vector<16xi1>, vector<16xf32>
      %parallel_loop3A_944 = arith.constant 464 : i32
      %parallel_loop3A_945 = arith.addi %parallel_loop3A_409, %parallel_loop3A_944 : i32
      %parallel_loop3A_946 = arith.index_cast %parallel_loop3A_945 : i32 to index
      %parallel_loop3A_947 = tpu.vector_load %arg8[%parallel_loop3A_946] {strides = array<i32>} : memref<32768xf32, #tpu.memory_space<vmem>>, vector<16xf32>,
      tpu.vector_store %arg8[%parallel_loop3A_946], %parallel_loop3A_943 {strides = array<i32>} : memref<32768xf32, #tpu.memory_space<vmem>>, vector<16xf32>,
      %parallel_loop3A_948 = vector.shape_cast %parallel_loop3A_903 : vector<16xi32> to vector<16x1xi32>
      %parallel_loop3A_949 = vector.shape_cast %parallel_loop3A_948 : vector<16x1xi32> to vector<16xi32>
      %parallel_loop3A_950 = tpu.dynamic_gather %get3A_247[%parallel_loop3A_949] in [0] : vector<16xf32>, vector<16xi32> -> vector<16xf32>
      %parallel_loop3A_951 = vector.shape_cast %parallel_loop3A_903 : vector<16xi32> to vector<16x1xi32>
      %parallel_loop3A_952 = vector.shape_cast %parallel_loop3A_951 : vector<16x1xi32> to vector<16xi32>
      %parallel_loop3A_953 = tpu.dynamic_gather %get3A_249[%parallel_loop3A_952] in [0] : vector<16xf32>, vector<16xi32> -> vector<16xf32>
      %parallel_loop3A_954 = arith.select %parallel_loop3A_900, %parallel_loop3A_950, %parallel_loop3A_953 : vector<16xi1>, vector<16xf32>
      %parallel_loop3A_955 = arith.constant 592 : i32
      %parallel_loop3A_956 = arith.addi %parallel_loop3A_409, %parallel_loop3A_955 : i32
      %parallel_loop3A_957 = arith.index_cast %parallel_loop3A_956 : i32 to index
      %parallel_loop3A_958 = tpu.vector_load %arg8[%parallel_loop3A_957] {strides = array<i32>} : memref<32768xf32, #tpu.memory_space<vmem>>, vector<16xf32>,
      tpu.vector_store %arg8[%parallel_loop3A_957], %parallel_loop3A_954 {strides = array<i32>} : memref<32768xf32, #tpu.memory_space<vmem>>, vector<16xf32>,
      %parallel_loop3A_959 = vector.shape_cast %parallel_loop3A_903 : vector<16xi32> to vector<16x1xi32>
      %parallel_loop3A_960 = vector.shape_cast %parallel_loop3A_959 : vector<16x1xi32> to vector<16xi32>
      %parallel_loop3A_961 = tpu.dynamic_gather %get3A_251[%parallel_loop3A_960] in [0] : vector<16xf32>, vector<16xi32> -> vector<16xf32>
      %parallel_loop3A_962 = vector.shape_cast %parallel_loop3A_903 : vector<16xi32> to vector<16x1xi32>
      %parallel_loop3A_963 = vector.shape_cast %parallel_loop3A_962 : vector<16x1xi32> to vector<16xi32>
      %parallel_loop3A_964 = tpu.dynamic_gather %get3A_253[%parallel_loop3A_963] in [0] : vector<16xf32>, vector<16xi32> -> vector<16xf32>
      %parallel_loop3A_965 = arith.select %parallel_loop3A_900, %parallel_loop3A_961, %parallel_loop3A_964 : vector<16xi1>, vector<16xf32>
      %parallel_loop3A_966 = arith.constant 720 : i32
      %parallel_loop3A_967 = arith.addi %parallel_loop3A_409, %parallel_loop3A_966 : i32
      %parallel_loop3A_968 = arith.index_cast %parallel_loop3A_967 : i32 to index
      %parallel_loop3A_969 = tpu.vector_load %arg8[%parallel_loop3A_968] {strides = array<i32>} : memref<32768xf32, #tpu.memory_space<vmem>>, vector<16xf32>,
      tpu.vector_store %arg8[%parallel_loop3A_968], %parallel_loop3A_965 {strides = array<i32>} : memref<32768xf32, #tpu.memory_space<vmem>>, vector<16xf32>,
      %parallel_loop3A_970 = vector.shape_cast %parallel_loop3A_903 : vector<16xi32> to vector<16x1xi32>
      %parallel_loop3A_971 = vector.shape_cast %parallel_loop3A_970 : vector<16x1xi32> to vector<16xi32>
      %parallel_loop3A_972 = tpu.dynamic_gather %get3A_255[%parallel_loop3A_971] in [0] : vector<16xf32>, vector<16xi32> -> vector<16xf32>
      %parallel_loop3A_973 = vector.shape_cast %parallel_loop3A_903 : vector<16xi32> to vector<16x1xi32>
      %parallel_loop3A_974 = vector.shape_cast %parallel_loop3A_973 : vector<16x1xi32> to vector<16xi32>
      %parallel_loop3A_975 = tpu.dynamic_gather %get3A_257[%parallel_loop3A_974] in [0] : vector<16xf32>, vector<16xi32> -> vector<16xf32>
      %parallel_loop3A_976 = arith.select %parallel_loop3A_900, %parallel_loop3A_972, %parallel_loop3A_975 : vector<16xi1>, vector<16xf32>
      %parallel_loop3A_977 = arith.constant 848 : i32
      %parallel_loop3A_978 = arith.addi %parallel_loop3A_409, %parallel_loop3A_977 : i32
      %parallel_loop3A_979 = arith.index_cast %parallel_loop3A_978 : i32 to index
      %parallel_loop3A_980 = tpu.vector_load %arg8[%parallel_loop3A_979] {strides = array<i32>} : memref<32768xf32, #tpu.memory_space<vmem>>, vector<16xf32>,
      tpu.vector_store %arg8[%parallel_loop3A_979], %parallel_loop3A_976 {strides = array<i32>} : memref<32768xf32, #tpu.memory_space<vmem>>, vector<16xf32>,
      %parallel_loop3A_981 = vector.shape_cast %parallel_loop3A_903 : vector<16xi32> to vector<16x1xi32>
      %parallel_loop3A_982 = vector.shape_cast %parallel_loop3A_981 : vector<16x1xi32> to vector<16xi32>
      %parallel_loop3A_983 = tpu.dynamic_gather %get3A_259[%parallel_loop3A_982] in [0] : vector<16xf32>, vector<16xi32> -> vector<16xf32>
      %parallel_loop3A_984 = vector.shape_cast %parallel_loop3A_903 : vector<16xi32> to vector<16x1xi32>
      %parallel_loop3A_985 = vector.shape_cast %parallel_loop3A_984 : vector<16x1xi32> to vector<16xi32>
      %parallel_loop3A_986 = tpu.dynamic_gather %get3A_261[%parallel_loop3A_985] in [0] : vector<16xf32>, vector<16xi32> -> vector<16xf32>
      %parallel_loop3A_987 = arith.select %parallel_loop3A_900, %parallel_loop3A_983, %parallel_loop3A_986 : vector<16xi1>, vector<16xf32>
      %parallel_loop3A_988 = arith.constant 976 : i32
      %parallel_loop3A_989 = arith.addi %parallel_loop3A_409, %parallel_loop3A_988 : i32
      %parallel_loop3A_990 = arith.index_cast %parallel_loop3A_989 : i32 to index
      %parallel_loop3A_991 = tpu.vector_load %arg8[%parallel_loop3A_990] {strides = array<i32>} : memref<32768xf32, #tpu.memory_space<vmem>>, vector<16xf32>,
      tpu.vector_store %arg8[%parallel_loop3A_990], %parallel_loop3A_987 {strides = array<i32>} : memref<32768xf32, #tpu.memory_space<vmem>>, vector<16xf32>,
      %parallel_loop3A_992 = arith.index_cast %parallel_loop3A_407 : i32 to index
      %parallel_loop3A_993 = arith.constant 96 : index
      %parallel_loop3A_994 = tpu.vector_load %arg6[%parallel_loop3A_992, %parallel_loop3A_993] {strides = array<i32>} : memref<32x128xi32, #tpu.memory_space<vmem>>, vector<16xi32>,
      %parallel_loop3A_995 = arith.constant 16 : i32
      %parallel_loop3A_996 = vector.broadcast %parallel_loop3A_995 : i32 to vector<16xi32>
      %parallel_loop3A_997 = arith.cmpi slt, %parallel_loop3A_994, %parallel_loop3A_996 : vector<16xi32>
      %parallel_loop3A_998 = arith.constant 15 : i32
      %parallel_loop3A_999 = vector.broadcast %parallel_loop3A_998 : i32 to vector<16xi32>
      %parallel_loop3A_1000 = arith.andi %parallel_loop3A_994, %parallel_loop3A_999 : vector<16xi32>
      %parallel_loop3A_1001 = vector.shape_cast %parallel_loop3A_1000 : vector<16xi32> to vector<16x1xi32>
      %parallel_loop3A_1002 = vector.shape_cast %parallel_loop3A_1001 : vector<16x1xi32> to vector<16xi32>
      %parallel_loop3A_1003 = tpu.dynamic_gather %get3A_231[%parallel_loop3A_1002] in [0] : vector<16xf32>, vector<16xi32> -> vector<16xf32>
      %parallel_loop3A_1004 = vector.shape_cast %parallel_loop3A_1000 : vector<16xi32> to vector<16x1xi32>
      %parallel_loop3A_1005 = vector.shape_cast %parallel_loop3A_1004 : vector<16x1xi32> to vector<16xi32>
      %parallel_loop3A_1006 = tpu.dynamic_gather %get3A_233[%parallel_loop3A_1005] in [0] : vector<16xf32>, vector<16xi32> -> vector<16xf32>
      %parallel_loop3A_1007 = arith.select %parallel_loop3A_997, %parallel_loop3A_1003, %parallel_loop3A_1006 : vector<16xi1>, vector<16xf32>
      %parallel_loop3A_1008 = arith.constant 96 : i32
      %parallel_loop3A_1009 = arith.addi %parallel_loop3A_409, %parallel_loop3A_1008 : i32
      %parallel_loop3A_1010 = arith.index_cast %parallel_loop3A_1009 : i32 to index
      %parallel_loop3A_1011 = tpu.vector_load %arg8[%parallel_loop3A_1010] {strides = array<i32>} : memref<32768xf32, #tpu.memory_space<vmem>>, vector<16xf32>,
      tpu.vector_store %arg8[%parallel_loop3A_1010], %parallel_loop3A_1007 {strides = array<i32>} : memref<32768xf32, #tpu.memory_space<vmem>>, vector<16xf32>,
      %parallel_loop3A_1012 = vector.shape_cast %parallel_loop3A_1000 : vector<16xi32> to vector<16x1xi32>
      %parallel_loop3A_1013 = vector.shape_cast %parallel_loop3A_1012 : vector<16x1xi32> to vector<16xi32>
      %parallel_loop3A_1014 = tpu.dynamic_gather %get3A_235[%parallel_loop3A_1013] in [0] : vector<16xf32>, vector<16xi32> -> vector<16xf32>
      %parallel_loop3A_1015 = vector.shape_cast %parallel_loop3A_1000 : vector<16xi32> to vector<16x1xi32>
      %parallel_loop3A_1016 = vector.shape_cast %parallel_loop3A_1015 : vector<16x1xi32> to vector<16xi32>
      %parallel_loop3A_1017 = tpu.dynamic_gather %get3A_237[%parallel_loop3A_1016] in [0] : vector<16xf32>, vector<16xi32> -> vector<16xf32>
      %parallel_loop3A_1018 = arith.select %parallel_loop3A_997, %parallel_loop3A_1014, %parallel_loop3A_1017 : vector<16xi1>, vector<16xf32>
      %parallel_loop3A_1019 = arith.constant 224 : i32
      %parallel_loop3A_1020 = arith.addi %parallel_loop3A_409, %parallel_loop3A_1019 : i32
      %parallel_loop3A_1021 = arith.index_cast %parallel_loop3A_1020 : i32 to index
      %parallel_loop3A_1022 = tpu.vector_load %arg8[%parallel_loop3A_1021] {strides = array<i32>} : memref<32768xf32, #tpu.memory_space<vmem>>, vector<16xf32>,
      tpu.vector_store %arg8[%parallel_loop3A_1021], %parallel_loop3A_1018 {strides = array<i32>} : memref<32768xf32, #tpu.memory_space<vmem>>, vector<16xf32>,
      %parallel_loop3A_1023 = vector.shape_cast %parallel_loop3A_1000 : vector<16xi32> to vector<16x1xi32>
      %parallel_loop3A_1024 = vector.shape_cast %parallel_loop3A_1023 : vector<16x1xi32> to vector<16xi32>
      %parallel_loop3A_1025 = tpu.dynamic_gather %get3A_239[%parallel_loop3A_1024] in [0] : vector<16xf32>, vector<16xi32> -> vector<16xf32>
      %parallel_loop3A_1026 = vector.shape_cast %parallel_loop3A_1000 : vector<16xi32> to vector<16x1xi32>
      %parallel_loop3A_1027 = vector.shape_cast %parallel_loop3A_1026 : vector<16x1xi32> to vector<16xi32>
      %parallel_loop3A_1028 = tpu.dynamic_gather %get3A_241[%parallel_loop3A_1027] in [0] : vector<16xf32>, vector<16xi32> -> vector<16xf32>
      %parallel_loop3A_1029 = arith.select %parallel_loop3A_997, %parallel_loop3A_1025, %parallel_loop3A_1028 : vector<16xi1>, vector<16xf32>
      %parallel_loop3A_1030 = arith.constant 352 : i32
      %parallel_loop3A_1031 = arith.addi %parallel_loop3A_409, %parallel_loop3A_1030 : i32
      %parallel_loop3A_1032 = arith.index_cast %parallel_loop3A_1031 : i32 to index
      %parallel_loop3A_1033 = tpu.vector_load %arg8[%parallel_loop3A_1032] {strides = array<i32>} : memref<32768xf32, #tpu.memory_space<vmem>>, vector<16xf32>,
      tpu.vector_store %arg8[%parallel_loop3A_1032], %parallel_loop3A_1029 {strides = array<i32>} : memref<32768xf32, #tpu.memory_space<vmem>>, vector<16xf32>,
      %parallel_loop3A_1034 = vector.shape_cast %parallel_loop3A_1000 : vector<16xi32> to vector<16x1xi32>
      %parallel_loop3A_1035 = vector.shape_cast %parallel_loop3A_1034 : vector<16x1xi32> to vector<16xi32>
      %parallel_loop3A_1036 = tpu.dynamic_gather %get3A_243[%parallel_loop3A_1035] in [0] : vector<16xf32>, vector<16xi32> -> vector<16xf32>
      %parallel_loop3A_1037 = vector.shape_cast %parallel_loop3A_1000 : vector<16xi32> to vector<16x1xi32>
      %parallel_loop3A_1038 = vector.shape_cast %parallel_loop3A_1037 : vector<16x1xi32> to vector<16xi32>
      %parallel_loop3A_1039 = tpu.dynamic_gather %get3A_245[%parallel_loop3A_1038] in [0] : vector<16xf32>, vector<16xi32> -> vector<16xf32>
      %parallel_loop3A_1040 = arith.select %parallel_loop3A_997, %parallel_loop3A_1036, %parallel_loop3A_1039 : vector<16xi1>, vector<16xf32>
      %parallel_loop3A_1041 = arith.constant 480 : i32
      %parallel_loop3A_1042 = arith.addi %parallel_loop3A_409, %parallel_loop3A_1041 : i32
      %parallel_loop3A_1043 = arith.index_cast %parallel_loop3A_1042 : i32 to index
      %parallel_loop3A_1044 = tpu.vector_load %arg8[%parallel_loop3A_1043] {strides = array<i32>} : memref<32768xf32, #tpu.memory_space<vmem>>, vector<16xf32>,
      tpu.vector_store %arg8[%parallel_loop3A_1043], %parallel_loop3A_1040 {strides = array<i32>} : memref<32768xf32, #tpu.memory_space<vmem>>, vector<16xf32>,
      %parallel_loop3A_1045 = vector.shape_cast %parallel_loop3A_1000 : vector<16xi32> to vector<16x1xi32>
      %parallel_loop3A_1046 = vector.shape_cast %parallel_loop3A_1045 : vector<16x1xi32> to vector<16xi32>
      %parallel_loop3A_1047 = tpu.dynamic_gather %get3A_247[%parallel_loop3A_1046] in [0] : vector<16xf32>, vector<16xi32> -> vector<16xf32>
      %parallel_loop3A_1048 = vector.shape_cast %parallel_loop3A_1000 : vector<16xi32> to vector<16x1xi32>
      %parallel_loop3A_1049 = vector.shape_cast %parallel_loop3A_1048 : vector<16x1xi32> to vector<16xi32>
      %parallel_loop3A_1050 = tpu.dynamic_gather %get3A_249[%parallel_loop3A_1049] in [0] : vector<16xf32>, vector<16xi32> -> vector<16xf32>
      %parallel_loop3A_1051 = arith.select %parallel_loop3A_997, %parallel_loop3A_1047, %parallel_loop3A_1050 : vector<16xi1>, vector<16xf32>
      %parallel_loop3A_1052 = arith.constant 608 : i32
      %parallel_loop3A_1053 = arith.addi %parallel_loop3A_409, %parallel_loop3A_1052 : i32
      %parallel_loop3A_1054 = arith.index_cast %parallel_loop3A_1053 : i32 to index
      %parallel_loop3A_1055 = tpu.vector_load %arg8[%parallel_loop3A_1054] {strides = array<i32>} : memref<32768xf32, #tpu.memory_space<vmem>>, vector<16xf32>,
      tpu.vector_store %arg8[%parallel_loop3A_1054], %parallel_loop3A_1051 {strides = array<i32>} : memref<32768xf32, #tpu.memory_space<vmem>>, vector<16xf32>,
      %parallel_loop3A_1056 = vector.shape_cast %parallel_loop3A_1000 : vector<16xi32> to vector<16x1xi32>
      %parallel_loop3A_1057 = vector.shape_cast %parallel_loop3A_1056 : vector<16x1xi32> to vector<16xi32>
      %parallel_loop3A_1058 = tpu.dynamic_gather %get3A_251[%parallel_loop3A_1057] in [0] : vector<16xf32>, vector<16xi32> -> vector<16xf32>
      %parallel_loop3A_1059 = vector.shape_cast %parallel_loop3A_1000 : vector<16xi32> to vector<16x1xi32>
      %parallel_loop3A_1060 = vector.shape_cast %parallel_loop3A_1059 : vector<16x1xi32> to vector<16xi32>
      %parallel_loop3A_1061 = tpu.dynamic_gather %get3A_253[%parallel_loop3A_1060] in [0] : vector<16xf32>, vector<16xi32> -> vector<16xf32>
      %parallel_loop3A_1062 = arith.select %parallel_loop3A_997, %parallel_loop3A_1058, %parallel_loop3A_1061 : vector<16xi1>, vector<16xf32>
      %parallel_loop3A_1063 = arith.constant 736 : i32
      %parallel_loop3A_1064 = arith.addi %parallel_loop3A_409, %parallel_loop3A_1063 : i32
      %parallel_loop3A_1065 = arith.index_cast %parallel_loop3A_1064 : i32 to index
      %parallel_loop3A_1066 = tpu.vector_load %arg8[%parallel_loop3A_1065] {strides = array<i32>} : memref<32768xf32, #tpu.memory_space<vmem>>, vector<16xf32>,
      tpu.vector_store %arg8[%parallel_loop3A_1065], %parallel_loop3A_1062 {strides = array<i32>} : memref<32768xf32, #tpu.memory_space<vmem>>, vector<16xf32>,
      %parallel_loop3A_1067 = vector.shape_cast %parallel_loop3A_1000 : vector<16xi32> to vector<16x1xi32>
      %parallel_loop3A_1068 = vector.shape_cast %parallel_loop3A_1067 : vector<16x1xi32> to vector<16xi32>
      %parallel_loop3A_1069 = tpu.dynamic_gather %get3A_255[%parallel_loop3A_1068] in [0] : vector<16xf32>, vector<16xi32> -> vector<16xf32>
      %parallel_loop3A_1070 = vector.shape_cast %parallel_loop3A_1000 : vector<16xi32> to vector<16x1xi32>
      %parallel_loop3A_1071 = vector.shape_cast %parallel_loop3A_1070 : vector<16x1xi32> to vector<16xi32>
      %parallel_loop3A_1072 = tpu.dynamic_gather %get3A_257[%parallel_loop3A_1071] in [0] : vector<16xf32>, vector<16xi32> -> vector<16xf32>
      %parallel_loop3A_1073 = arith.select %parallel_loop3A_997, %parallel_loop3A_1069, %parallel_loop3A_1072 : vector<16xi1>, vector<16xf32>
      %parallel_loop3A_1074 = arith.constant 864 : i32
      %parallel_loop3A_1075 = arith.addi %parallel_loop3A_409, %parallel_loop3A_1074 : i32
      %parallel_loop3A_1076 = arith.index_cast %parallel_loop3A_1075 : i32 to index
      %parallel_loop3A_1077 = tpu.vector_load %arg8[%parallel_loop3A_1076] {strides = array<i32>} : memref<32768xf32, #tpu.memory_space<vmem>>, vector<16xf32>,
      tpu.vector_store %arg8[%parallel_loop3A_1076], %parallel_loop3A_1073 {strides = array<i32>} : memref<32768xf32, #tpu.memory_space<vmem>>, vector<16xf32>,
      %parallel_loop3A_1078 = vector.shape_cast %parallel_loop3A_1000 : vector<16xi32> to vector<16x1xi32>
      %parallel_loop3A_1079 = vector.shape_cast %parallel_loop3A_1078 : vector<16x1xi32> to vector<16xi32>
      %parallel_loop3A_1080 = tpu.dynamic_gather %get3A_259[%parallel_loop3A_1079] in [0] : vector<16xf32>, vector<16xi32> -> vector<16xf32>
      %parallel_loop3A_1081 = vector.shape_cast %parallel_loop3A_1000 : vector<16xi32> to vector<16x1xi32>
      %parallel_loop3A_1082 = vector.shape_cast %parallel_loop3A_1081 : vector<16x1xi32> to vector<16xi32>
      %parallel_loop3A_1083 = tpu.dynamic_gather %get3A_261[%parallel_loop3A_1082] in [0] : vector<16xf32>, vector<16xi32> -> vector<16xf32>
      %parallel_loop3A_1084 = arith.select %parallel_loop3A_997, %parallel_loop3A_1080, %parallel_loop3A_1083 : vector<16xi1>, vector<16xf32>
      %parallel_loop3A_1085 = arith.constant 992 : i32
      %parallel_loop3A_1086 = arith.addi %parallel_loop3A_409, %parallel_loop3A_1085 : i32
      %parallel_loop3A_1087 = arith.index_cast %parallel_loop3A_1086 : i32 to index
      %parallel_loop3A_1088 = tpu.vector_load %arg8[%parallel_loop3A_1087] {strides = array<i32>} : memref<32768xf32, #tpu.memory_space<vmem>>, vector<16xf32>,
      tpu.vector_store %arg8[%parallel_loop3A_1087], %parallel_loop3A_1084 {strides = array<i32>} : memref<32768xf32, #tpu.memory_space<vmem>>, vector<16xf32>,
      %parallel_loop3A_1089 = arith.index_cast %parallel_loop3A_407 : i32 to index
      %parallel_loop3A_1090 = arith.constant 112 : index
      %parallel_loop3A_1091 = tpu.vector_load %arg6[%parallel_loop3A_1089, %parallel_loop3A_1090] {strides = array<i32>} : memref<32x128xi32, #tpu.memory_space<vmem>>, vector<16xi32>,
      %parallel_loop3A_1092 = arith.constant 16 : i32
      %parallel_loop3A_1093 = vector.broadcast %parallel_loop3A_1092 : i32 to vector<16xi32>
      %parallel_loop3A_1094 = arith.cmpi slt, %parallel_loop3A_1091, %parallel_loop3A_1093 : vector<16xi32>
      %parallel_loop3A_1095 = arith.constant 15 : i32
      %parallel_loop3A_1096 = vector.broadcast %parallel_loop3A_1095 : i32 to vector<16xi32>
      %parallel_loop3A_1097 = arith.andi %parallel_loop3A_1091, %parallel_loop3A_1096 : vector<16xi32>
      %parallel_loop3A_1098 = vector.shape_cast %parallel_loop3A_1097 : vector<16xi32> to vector<16x1xi32>
      %parallel_loop3A_1099 = vector.shape_cast %parallel_loop3A_1098 : vector<16x1xi32> to vector<16xi32>
      %parallel_loop3A_1100 = tpu.dynamic_gather %get3A_231[%parallel_loop3A_1099] in [0] : vector<16xf32>, vector<16xi32> -> vector<16xf32>
      %parallel_loop3A_1101 = vector.shape_cast %parallel_loop3A_1097 : vector<16xi32> to vector<16x1xi32>
      %parallel_loop3A_1102 = vector.shape_cast %parallel_loop3A_1101 : vector<16x1xi32> to vector<16xi32>
      %parallel_loop3A_1103 = tpu.dynamic_gather %get3A_233[%parallel_loop3A_1102] in [0] : vector<16xf32>, vector<16xi32> -> vector<16xf32>
      %parallel_loop3A_1104 = arith.select %parallel_loop3A_1094, %parallel_loop3A_1100, %parallel_loop3A_1103 : vector<16xi1>, vector<16xf32>
      %parallel_loop3A_1105 = arith.constant 112 : i32
      %parallel_loop3A_1106 = arith.addi %parallel_loop3A_409, %parallel_loop3A_1105 : i32
      %parallel_loop3A_1107 = arith.index_cast %parallel_loop3A_1106 : i32 to index
      %parallel_loop3A_1108 = tpu.vector_load %arg8[%parallel_loop3A_1107] {strides = array<i32>} : memref<32768xf32, #tpu.memory_space<vmem>>, vector<16xf32>,
      tpu.vector_store %arg8[%parallel_loop3A_1107], %parallel_loop3A_1104 {strides = array<i32>} : memref<32768xf32, #tpu.memory_space<vmem>>, vector<16xf32>,
      %parallel_loop3A_1109 = vector.shape_cast %parallel_loop3A_1097 : vector<16xi32> to vector<16x1xi32>
      %parallel_loop3A_1110 = vector.shape_cast %parallel_loop3A_1109 : vector<16x1xi32> to vector<16xi32>
      %parallel_loop3A_1111 = tpu.dynamic_gather %get3A_235[%parallel_loop3A_1110] in [0] : vector<16xf32>, vector<16xi32> -> vector<16xf32>
      %parallel_loop3A_1112 = vector.shape_cast %parallel_loop3A_1097 : vector<16xi32> to vector<16x1xi32>
      %parallel_loop3A_1113 = vector.shape_cast %parallel_loop3A_1112 : vector<16x1xi32> to vector<16xi32>
      %parallel_loop3A_1114 = tpu.dynamic_gather %get3A_237[%parallel_loop3A_1113] in [0] : vector<16xf32>, vector<16xi32> -> vector<16xf32>
      %parallel_loop3A_1115 = arith.select %parallel_loop3A_1094, %parallel_loop3A_1111, %parallel_loop3A_1114 : vector<16xi1>, vector<16xf32>
      %parallel_loop3A_1116 = arith.constant 240 : i32
      %parallel_loop3A_1117 = arith.addi %parallel_loop3A_409, %parallel_loop3A_1116 : i32
      %parallel_loop3A_1118 = arith.index_cast %parallel_loop3A_1117 : i32 to index
      %parallel_loop3A_1119 = tpu.vector_load %arg8[%parallel_loop3A_1118] {strides = array<i32>} : memref<32768xf32, #tpu.memory_space<vmem>>, vector<16xf32>,
      tpu.vector_store %arg8[%parallel_loop3A_1118], %parallel_loop3A_1115 {strides = array<i32>} : memref<32768xf32, #tpu.memory_space<vmem>>, vector<16xf32>,
      %parallel_loop3A_1120 = vector.shape_cast %parallel_loop3A_1097 : vector<16xi32> to vector<16x1xi32>
      %parallel_loop3A_1121 = vector.shape_cast %parallel_loop3A_1120 : vector<16x1xi32> to vector<16xi32>
      %parallel_loop3A_1122 = tpu.dynamic_gather %get3A_239[%parallel_loop3A_1121] in [0] : vector<16xf32>, vector<16xi32> -> vector<16xf32>
      %parallel_loop3A_1123 = vector.shape_cast %parallel_loop3A_1097 : vector<16xi32> to vector<16x1xi32>
      %parallel_loop3A_1124 = vector.shape_cast %parallel_loop3A_1123 : vector<16x1xi32> to vector<16xi32>
      %parallel_loop3A_1125 = tpu.dynamic_gather %get3A_241[%parallel_loop3A_1124] in [0] : vector<16xf32>, vector<16xi32> -> vector<16xf32>
      %parallel_loop3A_1126 = arith.select %parallel_loop3A_1094, %parallel_loop3A_1122, %parallel_loop3A_1125 : vector<16xi1>, vector<16xf32>
      %parallel_loop3A_1127 = arith.constant 368 : i32
      %parallel_loop3A_1128 = arith.addi %parallel_loop3A_409, %parallel_loop3A_1127 : i32
      %parallel_loop3A_1129 = arith.index_cast %parallel_loop3A_1128 : i32 to index
      %parallel_loop3A_1130 = tpu.vector_load %arg8[%parallel_loop3A_1129] {strides = array<i32>} : memref<32768xf32, #tpu.memory_space<vmem>>, vector<16xf32>,
      tpu.vector_store %arg8[%parallel_loop3A_1129], %parallel_loop3A_1126 {strides = array<i32>} : memref<32768xf32, #tpu.memory_space<vmem>>, vector<16xf32>,
      %parallel_loop3A_1131 = vector.shape_cast %parallel_loop3A_1097 : vector<16xi32> to vector<16x1xi32>
      %parallel_loop3A_1132 = vector.shape_cast %parallel_loop3A_1131 : vector<16x1xi32> to vector<16xi32>
      %parallel_loop3A_1133 = tpu.dynamic_gather %get3A_243[%parallel_loop3A_1132] in [0] : vector<16xf32>, vector<16xi32> -> vector<16xf32>
      %parallel_loop3A_1134 = vector.shape_cast %parallel_loop3A_1097 : vector<16xi32> to vector<16x1xi32>
      %parallel_loop3A_1135 = vector.shape_cast %parallel_loop3A_1134 : vector<16x1xi32> to vector<16xi32>
      %parallel_loop3A_1136 = tpu.dynamic_gather %get3A_245[%parallel_loop3A_1135] in [0] : vector<16xf32>, vector<16xi32> -> vector<16xf32>
      %parallel_loop3A_1137 = arith.select %parallel_loop3A_1094, %parallel_loop3A_1133, %parallel_loop3A_1136 : vector<16xi1>, vector<16xf32>
      %parallel_loop3A_1138 = arith.constant 496 : i32
      %parallel_loop3A_1139 = arith.addi %parallel_loop3A_409, %parallel_loop3A_1138 : i32
      %parallel_loop3A_1140 = arith.index_cast %parallel_loop3A_1139 : i32 to index
      %parallel_loop3A_1141 = tpu.vector_load %arg8[%parallel_loop3A_1140] {strides = array<i32>} : memref<32768xf32, #tpu.memory_space<vmem>>, vector<16xf32>,
      tpu.vector_store %arg8[%parallel_loop3A_1140], %parallel_loop3A_1137 {strides = array<i32>} : memref<32768xf32, #tpu.memory_space<vmem>>, vector<16xf32>,
      %parallel_loop3A_1142 = vector.shape_cast %parallel_loop3A_1097 : vector<16xi32> to vector<16x1xi32>
      %parallel_loop3A_1143 = vector.shape_cast %parallel_loop3A_1142 : vector<16x1xi32> to vector<16xi32>
      %parallel_loop3A_1144 = tpu.dynamic_gather %get3A_247[%parallel_loop3A_1143] in [0] : vector<16xf32>, vector<16xi32> -> vector<16xf32>
      %parallel_loop3A_1145 = vector.shape_cast %parallel_loop3A_1097 : vector<16xi32> to vector<16x1xi32>
      %parallel_loop3A_1146 = vector.shape_cast %parallel_loop3A_1145 : vector<16x1xi32> to vector<16xi32>
      %parallel_loop3A_1147 = tpu.dynamic_gather %get3A_249[%parallel_loop3A_1146] in [0] : vector<16xf32>, vector<16xi32> -> vector<16xf32>
      %parallel_loop3A_1148 = arith.select %parallel_loop3A_1094, %parallel_loop3A_1144, %parallel_loop3A_1147 : vector<16xi1>, vector<16xf32>
      %parallel_loop3A_1149 = arith.constant 624 : i32
      %parallel_loop3A_1150 = arith.addi %parallel_loop3A_409, %parallel_loop3A_1149 : i32
      %parallel_loop3A_1151 = arith.index_cast %parallel_loop3A_1150 : i32 to index
      %parallel_loop3A_1152 = tpu.vector_load %arg8[%parallel_loop3A_1151] {strides = array<i32>} : memref<32768xf32, #tpu.memory_space<vmem>>, vector<16xf32>,
      tpu.vector_store %arg8[%parallel_loop3A_1151], %parallel_loop3A_1148 {strides = array<i32>} : memref<32768xf32, #tpu.memory_space<vmem>>, vector<16xf32>,
      %parallel_loop3A_1153 = vector.shape_cast %parallel_loop3A_1097 : vector<16xi32> to vector<16x1xi32>
      %parallel_loop3A_1154 = vector.shape_cast %parallel_loop3A_1153 : vector<16x1xi32> to vector<16xi32>
      %parallel_loop3A_1155 = tpu.dynamic_gather %get3A_251[%parallel_loop3A_1154] in [0] : vector<16xf32>, vector<16xi32> -> vector<16xf32>
      %parallel_loop3A_1156 = vector.shape_cast %parallel_loop3A_1097 : vector<16xi32> to vector<16x1xi32>
      %parallel_loop3A_1157 = vector.shape_cast %parallel_loop3A_1156 : vector<16x1xi32> to vector<16xi32>
      %parallel_loop3A_1158 = tpu.dynamic_gather %get3A_253[%parallel_loop3A_1157] in [0] : vector<16xf32>, vector<16xi32> -> vector<16xf32>
      %parallel_loop3A_1159 = arith.select %parallel_loop3A_1094, %parallel_loop3A_1155, %parallel_loop3A_1158 : vector<16xi1>, vector<16xf32>
      %parallel_loop3A_1160 = arith.constant 752 : i32
      %parallel_loop3A_1161 = arith.addi %parallel_loop3A_409, %parallel_loop3A_1160 : i32
      %parallel_loop3A_1162 = arith.index_cast %parallel_loop3A_1161 : i32 to index
      %parallel_loop3A_1163 = tpu.vector_load %arg8[%parallel_loop3A_1162] {strides = array<i32>} : memref<32768xf32, #tpu.memory_space<vmem>>, vector<16xf32>,
      tpu.vector_store %arg8[%parallel_loop3A_1162], %parallel_loop3A_1159 {strides = array<i32>} : memref<32768xf32, #tpu.memory_space<vmem>>, vector<16xf32>,
      %parallel_loop3A_1164 = vector.shape_cast %parallel_loop3A_1097 : vector<16xi32> to vector<16x1xi32>
      %parallel_loop3A_1165 = vector.shape_cast %parallel_loop3A_1164 : vector<16x1xi32> to vector<16xi32>
      %parallel_loop3A_1166 = tpu.dynamic_gather %get3A_255[%parallel_loop3A_1165] in [0] : vector<16xf32>, vector<16xi32> -> vector<16xf32>
      %parallel_loop3A_1167 = vector.shape_cast %parallel_loop3A_1097 : vector<16xi32> to vector<16x1xi32>
      %parallel_loop3A_1168 = vector.shape_cast %parallel_loop3A_1167 : vector<16x1xi32> to vector<16xi32>
      %parallel_loop3A_1169 = tpu.dynamic_gather %get3A_257[%parallel_loop3A_1168] in [0] : vector<16xf32>, vector<16xi32> -> vector<16xf32>
      %parallel_loop3A_1170 = arith.select %parallel_loop3A_1094, %parallel_loop3A_1166, %parallel_loop3A_1169 : vector<16xi1>, vector<16xf32>
      %parallel_loop3A_1171 = arith.constant 880 : i32
      %parallel_loop3A_1172 = arith.addi %parallel_loop3A_409, %parallel_loop3A_1171 : i32
      %parallel_loop3A_1173 = arith.index_cast %parallel_loop3A_1172 : i32 to index
      %parallel_loop3A_1174 = tpu.vector_load %arg8[%parallel_loop3A_1173] {strides = array<i32>} : memref<32768xf32, #tpu.memory_space<vmem>>, vector<16xf32>,
      tpu.vector_store %arg8[%parallel_loop3A_1173], %parallel_loop3A_1170 {strides = array<i32>} : memref<32768xf32, #tpu.memory_space<vmem>>, vector<16xf32>,
      %parallel_loop3A_1175 = vector.shape_cast %parallel_loop3A_1097 : vector<16xi32> to vector<16x1xi32>
      %parallel_loop3A_1176 = vector.shape_cast %parallel_loop3A_1175 : vector<16x1xi32> to vector<16xi32>
      %parallel_loop3A_1177 = tpu.dynamic_gather %get3A_259[%parallel_loop3A_1176] in [0] : vector<16xf32>, vector<16xi32> -> vector<16xf32>
      %parallel_loop3A_1178 = vector.shape_cast %parallel_loop3A_1097 : vector<16xi32> to vector<16x1xi32>
      %parallel_loop3A_1179 = vector.shape_cast %parallel_loop3A_1178 : vector<16x1xi32> to vector<16xi32>
      %parallel_loop3A_1180 = tpu.dynamic_gather %get3A_261[%parallel_loop3A_1179] in [0] : vector<16xf32>, vector<16xi32> -> vector<16xf32>
      %parallel_loop3A_1181 = arith.select %parallel_loop3A_1094, %parallel_loop3A_1177, %parallel_loop3A_1180 : vector<16xi1>, vector<16xf32>
      %parallel_loop3A_1182 = arith.constant 1008 : i32
      %parallel_loop3A_1183 = arith.addi %parallel_loop3A_409, %parallel_loop3A_1182 : i32
      %parallel_loop3A_1184 = arith.index_cast %parallel_loop3A_1183 : i32 to index
      %parallel_loop3A_1185 = tpu.vector_load %arg8[%parallel_loop3A_1184] {strides = array<i32>} : memref<32768xf32, #tpu.memory_space<vmem>>, vector<16xf32>,
      tpu.vector_store %arg8[%parallel_loop3A_1184], %parallel_loop3A_1181 {strides = array<i32>} : memref<32768xf32, #tpu.memory_space<vmem>>, vector<16xf32>,
    } {sc.loop_unroll_factor = 1 : i64, sc.parallel_access}
    %jit3A_264 = arith.constant 4 : i32
    %div3A_265 = arith.divsi %sub3A_91, %jit3A_264 : i32
    %sign3A_266 = arith.constant 0 : i32
    %sign3A_267 = arith.cmpi sgt, %sub3A_91, %sign3A_266 : i32
    %sign3A_268 = arith.extui %sign3A_267 : i1 to i32
    %sign3A_269 = arith.constant 0 : i32
    %sign3A_270 = arith.cmpi slt, %sub3A_91, %sign3A_269 : i32
    %sign3A_271 = arith.extui %sign3A_270 : i1 to i32
    %sign3A_272 = arith.subi %sign3A_268, %sign3A_271 : i32
    %sign3A_273 = arith.constant 0 : i32
    %sign3A_274 = arith.cmpi sgt, %jit3A_264, %sign3A_273 : i32
    %sign3A_275 = arith.extui %sign3A_274 : i1 to i32
    %sign3A_276 = arith.constant 0 : i32
    %sign3A_277 = arith.cmpi slt, %jit3A_264, %sign3A_276 : i32
    %sign3A_278 = arith.extui %sign3A_277 : i1 to i32
    %sign3A_279 = arith.subi %sign3A_275, %sign3A_278 : i32
    %ne3A_280 = arith.cmpi ne, %sign3A_272, %sign3A_279 : i32
    %rem3A_281 = arith.remsi %sub3A_91, %jit3A_264 : i32
    %ne3A_282 = arith.constant 0 : i32
    %ne3A_283 = arith.cmpi ne, %rem3A_281, %ne3A_282 : i32
    %and3A_284 = arith.andi %ne3A_280, %ne3A_283 : i1
    %sub3A_285 = arith.constant 1 : i32
    %sub3A_286 = arith.subi %div3A_265, %sub3A_285 : i32
    %select_n3A_287 = arith.select %and3A_284, %sub3A_286, %div3A_265 : i32
    %jit3A_288 = arith.constant 4 : i32
    %eq3A_289 = arith.constant 0 : i32
    %eq3A_290 = arith.cmpi eq, %jit3A_288, %eq3A_289 : i32
    %jit3A_291 = arith.constant 1 : i32
    %select_n3A_292 = arith.select %eq3A_290, %jit3A_291, %jit3A_288 : i32
    %rem3A_293 = arith.remsi %sub3A_91, %select_n3A_292 : i32
    %ne3A_294 = arith.constant 0 : i32
    %ne3A_295 = arith.cmpi ne, %rem3A_293, %ne3A_294 : i32
    %lt3A_296 = arith.constant 0 : i32
    %lt3A_297 = arith.cmpi slt, %rem3A_293, %lt3A_296 : i32
    %lt3A_298 = arith.constant 0 : i32
    %lt3A_299 = arith.cmpi slt, %select_n3A_292, %lt3A_298 : i32
    %ne3A_300 = arith.xori %lt3A_297, %lt3A_299 : i1
    %and3A_301 = arith.andi %ne3A_300, %ne3A_295 : i1
    %add3A_302 = arith.addi %rem3A_293, %select_n3A_292 : i32
    %select_n3A_303 = arith.select %and3A_301, %add3A_302, %rem3A_293 : i32
    %mul3A_304 = arith.constant 131072 : i32
    %mul3A_305 = arith.muli %select_n3A_287, %mul3A_304 : i32
    %mul3A_306 = arith.constant 32768 : i32
    %mul3A_307 = arith.muli %select_n3A_303, %mul3A_306 : i32
    %add3A_308 = arith.addi %mul3A_305, %mul3A_307 : i32
    %dma_start3A_309 = tpu.memref_slice %arg4[%add3A_308] : memref<26214400xf32, #tpu.memory_space<hbm>> -> memref<32768xf32, #tpu.memory_space<hbm>>
    %dma_start3A_310 = tpu.memref_slice %arg4[%add3A_308] : memref<26214400xf32, #tpu.memory_space<hbm>> -> memref<32768xf32, #tpu.memory_space<hbm>>
    tpu.enqueue_dma source(%arg8 : memref<32768xf32, #tpu.memory_space<vmem>>) target(%dma_start3A_310 : memref<32768xf32, #tpu.memory_space<hbm>>) target_semaphore(%arg12 : memref<!tpu.dma_semaphore, #tpu.memory_space<semaphore_mem>>)
    %sub3A_311 = arith.constant 1 : i32
    %sub3A_312 = arith.subi %sub3A_91, %sub3A_311 : i32
    %jit3A_313 = arith.constant 4 : i32
    %div3A_314 = arith.divsi %sub3A_312, %jit3A_313 : i32
    %sign3A_315 = arith.constant 0 : i32
    %sign3A_316 = arith.cmpi sgt, %sub3A_312, %sign3A_315 : i32
    %sign3A_317 = arith.extui %sign3A_316 : i1 to i32
    %sign3A_318 = arith.constant 0 : i32
    %sign3A_319 = arith.cmpi slt, %sub3A_312, %sign3A_318 : i32
    %sign3A_320 = arith.extui %sign3A_319 : i1 to i32
    %sign3A_321 = arith.subi %sign3A_317, %sign3A_320 : i32
    %sign3A_322 = arith.constant 0 : i32
    %sign3A_323 = arith.cmpi sgt, %jit3A_313, %sign3A_322 : i32
    %sign3A_324 = arith.extui %sign3A_323 : i1 to i32
    %sign3A_325 = arith.constant 0 : i32
    %sign3A_326 = arith.cmpi slt, %jit3A_313, %sign3A_325 : i32
    %sign3A_327 = arith.extui %sign3A_326 : i1 to i32
    %sign3A_328 = arith.subi %sign3A_324, %sign3A_327 : i32
    %ne3A_329 = arith.cmpi ne, %sign3A_321, %sign3A_328 : i32
    %rem3A_330 = arith.remsi %sub3A_312, %jit3A_313 : i32
    %ne3A_331 = arith.constant 0 : i32
    %ne3A_332 = arith.cmpi ne, %rem3A_330, %ne3A_331 : i32
    %and3A_333 = arith.andi %ne3A_329, %ne3A_332 : i1
    %sub3A_334 = arith.constant 1 : i32
    %sub3A_335 = arith.subi %div3A_314, %sub3A_334 : i32
    %select_n3A_336 = arith.select %and3A_333, %sub3A_335, %div3A_314 : i32
    %jit3A_337 = arith.constant 4 : i32
    %eq3A_338 = arith.constant 0 : i32
    %eq3A_339 = arith.cmpi eq, %jit3A_337, %eq3A_338 : i32
    %jit3A_340 = arith.constant 1 : i32
    %select_n3A_341 = arith.select %eq3A_339, %jit3A_340, %jit3A_337 : i32
    %rem3A_342 = arith.remsi %sub3A_312, %select_n3A_341 : i32
    %ne3A_343 = arith.constant 0 : i32
    %ne3A_344 = arith.cmpi ne, %rem3A_342, %ne3A_343 : i32
    %lt3A_345 = arith.constant 0 : i32
    %lt3A_346 = arith.cmpi slt, %rem3A_342, %lt3A_345 : i32
    %lt3A_347 = arith.constant 0 : i32
    %lt3A_348 = arith.cmpi slt, %select_n3A_341, %lt3A_347 : i32
    %ne3A_349 = arith.xori %lt3A_346, %lt3A_348 : i1
    %and3A_350 = arith.andi %ne3A_349, %ne3A_344 : i1
    %add3A_351 = arith.addi %rem3A_342, %select_n3A_341 : i32
    %select_n3A_352 = arith.select %and3A_350, %add3A_351, %rem3A_342 : i32
    %mul3A_353 = arith.constant 131072 : i32
    %mul3A_354 = arith.muli %select_n3A_336, %mul3A_353 : i32
    %mul3A_355 = arith.constant 32768 : i32
    %mul3A_356 = arith.muli %select_n3A_352, %mul3A_355 : i32
    %add3A_357 = arith.addi %mul3A_354, %mul3A_356 : i32
    %dma_wait3A_358 = tpu.memref_slice %arg4[%add3A_357] : memref<26214400xf32, #tpu.memory_space<hbm>> -> memref<32768xf32, #tpu.memory_space<hbm>>
    %dma_wait3A_359 = tpu.memref_slice %arg4[%add3A_357] : memref<26214400xf32, #tpu.memory_space<hbm>> -> memref<32768xf32, #tpu.memory_space<hbm>>
    tpu.wait_dma2 semaphore(%arg13 : memref<!tpu.dma_semaphore, #tpu.memory_space<semaphore_mem>>) src(%arg9 : memref<32768xf32, #tpu.memory_space<vmem>>) dst(%dma_wait3A_359 : memref<32768xf32, #tpu.memory_space<hbm>>)
    %jit3A_360 = arith.constant 4 : i32
    %div3A_361 = arith.divsi %sub3A_91, %jit3A_360 : i32
    %sign3A_362 = arith.constant 0 : i32
    %sign3A_363 = arith.cmpi sgt, %sub3A_91, %sign3A_362 : i32
    %sign3A_364 = arith.extui %sign3A_363 : i1 to i32
    %sign3A_365 = arith.constant 0 : i32
    %sign3A_366 = arith.cmpi slt, %sub3A_91, %sign3A_365 : i32
    %sign3A_367 = arith.extui %sign3A_366 : i1 to i32
    %sign3A_368 = arith.subi %sign3A_364, %sign3A_367 : i32
    %sign3A_369 = arith.constant 0 : i32
    %sign3A_370 = arith.cmpi sgt, %jit3A_360, %sign3A_369 : i32
    %sign3A_371 = arith.extui %sign3A_370 : i1 to i32
    %sign3A_372 = arith.constant 0 : i32
    %sign3A_373 = arith.cmpi slt, %jit3A_360, %sign3A_372 : i32
    %sign3A_374 = arith.extui %sign3A_373 : i1 to i32
    %sign3A_375 = arith.subi %sign3A_371, %sign3A_374 : i32
    %ne3A_376 = arith.cmpi ne, %sign3A_368, %sign3A_375 : i32
    %rem3A_377 = arith.remsi %sub3A_91, %jit3A_360 : i32
    %ne3A_378 = arith.constant 0 : i32
    %ne3A_379 = arith.cmpi ne, %rem3A_377, %ne3A_378 : i32
    %and3A_380 = arith.andi %ne3A_376, %ne3A_379 : i1
    %sub3A_381 = arith.constant 1 : i32
    %sub3A_382 = arith.subi %div3A_361, %sub3A_381 : i32
    %select_n3A_383 = arith.select %and3A_380, %sub3A_382, %div3A_361 : i32
    %jit3A_384 = arith.constant 4 : i32
    %eq3A_385 = arith.constant 0 : i32
    %eq3A_386 = arith.cmpi eq, %jit3A_384, %eq3A_385 : i32
    %jit3A_387 = arith.constant 1 : i32
    %select_n3A_388 = arith.select %eq3A_386, %jit3A_387, %jit3A_384 : i32
    %rem3A_389 = arith.remsi %sub3A_91, %select_n3A_388 : i32
    %ne3A_390 = arith.constant 0 : i32
    %ne3A_391 = arith.cmpi ne, %rem3A_389, %ne3A_390 : i32
    %lt3A_392 = arith.constant 0 : i32
    %lt3A_393 = arith.cmpi slt, %rem3A_389, %lt3A_392 : i32
    %lt3A_394 = arith.constant 0 : i32
    %lt3A_395 = arith.cmpi slt, %select_n3A_388, %lt3A_394 : i32
    %ne3A_396 = arith.xori %lt3A_393, %lt3A_395 : i1
    %and3A_397 = arith.andi %ne3A_396, %ne3A_391 : i1
    %add3A_398 = arith.addi %rem3A_389, %select_n3A_388 : i32
    %select_n3A_399 = arith.select %and3A_397, %add3A_398, %rem3A_389 : i32
    %mul3A_400 = arith.constant 131072 : i32
    %mul3A_401 = arith.muli %select_n3A_383, %mul3A_400 : i32
    %mul3A_402 = arith.constant 32768 : i32
    %mul3A_403 = arith.muli %select_n3A_399, %mul3A_402 : i32
    %add3A_404 = arith.addi %mul3A_401, %mul3A_403 : i32
    %dma_wait3A_405 = tpu.memref_slice %arg4[%add3A_404] : memref<26214400xf32, #tpu.memory_space<hbm>> -> memref<32768xf32, #tpu.memory_space<hbm>>
    %dma_wait3A_406 = tpu.memref_slice %arg4[%add3A_404] : memref<26214400xf32, #tpu.memory_space<hbm>> -> memref<32768xf32, #tpu.memory_space<hbm>>
    tpu.wait_dma2 semaphore(%arg12 : memref<!tpu.dma_semaphore, #tpu.memory_space<semaphore_mem>>) src(%arg8 : memref<32768xf32, #tpu.memory_space<vmem>>) dst(%dma_wait3A_406 : memref<32768xf32, #tpu.memory_space<hbm>>)
    return
  }
}

</mosaic_0001>

<sc_bundles>
// kernel: kernel.3.cloned.1.call-start
scs
__scs_entry_jumppad:
0x0: {  	(pc) =	sbr.rel $0x88, $3  }
0x1: {  	(tag) =	ssettag $0x0;
	lr =	simm.s32 $0x1  }
0x2: {  	[smem:$0x3F9F] =	sst lr;
	_ =	strace $0xD0000000  }
0x3: {  	_ = 	snop  }
0x4: {  	_ = 	snop  }
0x5: {  	_ = 	snop  }
0x6: {  	_ = 	snop  }
0x7: {  	_ = 	snop  }
__scs_overlays_trampoline_lowered:
0x8: {  	[smem:$0x3FAE] =	sst s0  }
0x9: {  	[smem:$0x3FAF] =	sst s1  }
0xa: {  	[smem:$0x3FB0] =	sst s2  }
0xb: {  	[smem:$0x3FB1] =	sst s3  }
0xc: {  	[smem:$0x3FB2] =	sst s4  }
0xd: {  	[smem:$0x3FB3] =	sst s5  }
0xe: {  	[smem:$0x3FB4] =	sst s6  }
0xf: {  	[smem:$0x3FB5] =	sst s7  }
0x10: {  	[smem:$0x3FB6] =	sst s8  }
0x11: {  	[smem:$0x3FB7] =	sst s9;
	s0 =	simm.s32 @!p0 $0x0  }
0x12: {  	s1 =	sld [smem:$0x3F9D];
	s0 =	simm.s32 @p0 $0x1  }
0x13: {  	[smem:$0x3FB8] =	sst s0;
	s0 =	simm.s32 @!p1 $0x0  }
0x14: {  	s2 =	sld [smem:$0x3F9C];
	s0 =	simm.s32 @p1 $0x1  }
0x15: {  	[smem:$0x3FB9] =	sst s0;
	s0 =	simm.s32 @!p2 $0x0  }
0x16: {  	s3 =	sld [smem:$0x3FDB];
	s0 =	simm.s32 @p2 $0x1  }
0x17: {  	s4 =	simm.s32 $0x1BF5;
	[smem:$0x3FBB] =	sst s0  }
0x18: {  	s0 =	sld [smem:$0x3F9E];
	_ =	swait.ge [sflag:s4], $0x0  }
0x19: {  	s7 =	sld [smem:$0x3F9F]  }
0x1a: {  	s8 =	sadd.s32 $0xFFFFE003, lr  }
0x1b: {  	s9 =	sadd.s32 $0xFFFFFEF7, lr;
	s5 =	simm.s32 $0xFFFFFFFF;
	p2 =	slt.u32 s8, $0xFFFFF086  }
0x1c: {  	p1 =	slt.u32 s9, $0xF7A;
	s5 =	simm.s32 @!p2 $0x0  }
0x1d: {  	s5 =	simm.s32 @p1 $0x1;
	p0 =	seq.s32 s7, s2  }
0x1e: {  	s7 =	smul.u32 @!p0 $0xF7A, s2;
	p2 =	seq.s32 @!p0 s5, $0x0  }
0x1f: {  	s9 =	smul.u32 $0xF7A, s1;
	s8 =	simm.s32 @!p0 $0x1BF5;
	p2 =	por !p2, p0  }
0x20: {  	[sflag:s8] =	ssyncset.s32 @!p0 $0xFFFFF086;
	s6 =	sadd.s32 @!p0 s3, s7;
	s7 =	simm.s32 @!p0 $0x108  }
0x21: {  	s3 =	sadd.s32 s3, s9;
	s6 =	sadd.s32 @!p0 $0x88, s6;
	s7 =	simm.s32 @p2 $0x1082  }
0x22: {  	[simem:s7], [sflag:s8] =	dma.local @!p0 [hbm:s6], $0xF7A  }
0x23: {  	s9 =	sor.u32 $0xD0000000, s2;
	s6 =	simm.s32 $0x108;
	_ =	swait.ge @!p0 [sflag:s8], $0x0  }
0x24: {  	s3 =	sadd.s32 $0x88, s3;
	s6 =	simm.s32 @!p1 $0x1082;
	[sflag:s4] =	ssyncset.s32 $0xFFFFF086  }
0x25: {  	[simem:s6], [sflag:s4] =	dma.local [hbm:s3], $0xF7A  }
0x26: {  	[smem:$0x3F9F] =	sst s1;
	(tag) =	ssettag s2;
	_ =	strace s9  }
0x27: {  	s1 =	sld [smem:$0x3FAF]  }
0x28: {  	s2 =	sld [smem:$0x3FB0]  }
0x29: {  	s4 =	sld [smem:$0x3FB2]  }
0x2a: {  	p0 =	seq.s32 s5, $0x0;
	s5 =	sld [smem:$0x3FB3]  }
0x2b: {  	s6 =	sld [smem:$0x3FB4]  }
0x2c: {  	s7 =	sld [smem:$0x3FB5]  }
0x2d: {  	s3 =	simm.s32 $0x108;
	s8 =	sld [smem:$0x3FB6]  }
0x2e: {  	s3 =	simm.s32 @!p0 $0x1082;
	s9 =	sld [smem:$0x3FB7]  }
0x2f: {  	lr =	sadd.s32 s0, s3;
	s0 =	sld [smem:$0x3FAE]  }
0x30: {  	s3 =	sld [smem:$0x3FB1]  }
0x31: {  	[smem:$0x3FBA] =	sst s10  }
0x32: {  	s10 =	sld [smem:$0x3FB8];
	_ =	sdelay $0x3  }
0x33: {  	p0 =	seq.s32 s10, $0x1;
	s10 =	sld [smem:$0x3FBA];
	_ =	sdelay $0x3  }
0x34: {  	[smem:$0x3FBA] =	sst s10  }
0x35: {  	s10 =	sld [smem:$0x3FB9];
	_ =	sdelay $0x3  }
0x36: {  	p1 =	seq.s32 s10, $0x1;
	s10 =	sld [smem:$0x3FBA];
	_ =	sdelay $0x3  }
0x37: {  	[smem:$0x3FBA] =	sst s10  }
0x38: {  	s10 =	sld [smem:$0x3FBB]  }
0x39: {  	_ = 	snop;
	(pc) =	sbr.ind lr, $3  }
0x3a: {  	_ = 	snop  }
0x3b: {  	_ = 	snop  }
0x3c: {  	p2 =	seq.s32 s10, $0x1;
	s10 =	sld [smem:$0x3FBA]  }
0x3d: {  	_ =	shalt  }
0x3e: {  	_ =	shalt  }
0x3f: {  	_ =	shalt  }
0x40: {  	_ =	shalt  }
0x41: {  	_ =	shalt  }
0x42: {  	_ =	shalt  }
0x43: {  	_ =	shalt  }
0x44: {  	_ =	shalt  }
0x45: {  	_ =	shalt  }
0x46: {  	_ =	shalt  }
0x47: {  	_ =	shalt  }
0x48: {  	_ =	shalt  }
0x49: {  	_ =	shalt  }
0x4a: {  	_ =	shalt  }
0x4b: {  	_ =	shalt  }
0x4c: {  	_ =	shalt  }
0x4d: {  	_ =	shalt  }
0x4e: {  	_ =	shalt  }
0x4f: {  	_ =	shalt  }
0x50: {  	_ =	shalt  }
0x51: {  	_ =	shalt  }
0x52: {  	_ =	shalt  }
0x53: {  	_ =	shalt  }
0x54: {  	_ =	shalt  }
0x55: {  	_ =	shalt  }
0x56: {  	_ =	shalt  }
0x57: {  	_ =	shalt  }
0x58: {  	_ =	shalt  }
0x59: {  	_ =	shalt  }
0x5a: {  	_ =	shalt  }
0x5b: {  	_ =	shalt  }
0x5c: {  	_ =	shalt  }
0x5d: {  	_ =	shalt  }
0x5e: {  	_ =	shalt  }
0x5f: {  	_ =	shalt  }
0x60: {  	_ =	shalt  }
0x61: {  	_ =	shalt  }
0x62: {  	_ =	shalt  }
0x63: {  	_ =	shalt  }
0x64: {  	_ =	shalt  }
0x65: {  	_ =	shalt  }
0x66: {  	_ =	shalt  }
0x67: {  	_ =	shalt  }
0x68: {  	_ =	shalt  }
0x69: {  	_ =	shalt  }
0x6a: {  	_ =	shalt  }
0x6b: {  	_ =	shalt  }
0x6c: {  	_ =	shalt  }
0x6d: {  	_ =	shalt  }
0x6e: {  	_ =	shalt  }
0x6f: {  	_ =	shalt  }
0x70: {  	_ =	shalt  }
0x71: {  	_ =	shalt  }
0x72: {  	_ =	shalt  }
0x73: {  	_ =	shalt  }
0x74: {  	_ =	shalt  }
0x75: {  	_ =	shalt  }
0x76: {  	_ =	shalt  }
0x77: {  	_ =	shalt  }
0x78: {  	_ =	shalt  }
0x79: {  	_ =	shalt  }
0x7a: {  	_ =	shalt  }
0x7b: {  	_ =	shalt  }
0x7c: {  	_ =	shalt  }
0x7d: {  	_ =	shalt  }
0x7e: {  	_ =	shalt  }
0x7f: {  	_ =	shalt  }
0x80: {  	_ =	shalt  }
0x81: {  	_ =	shalt  }
0x82: {  	_ =	shalt  }
0x83: {  	_ =	shalt  }
0x84: {  	_ =	shalt  }
0x85: {  	_ =	shalt  }
0x86: {  	_ =	shalt  }
0x87: {  	_ =	shalt  }
.Lfunc_end0:
.L_simem_size_0:
called_computation_lowered:
.L_overlay_start_0:
0x88: {  	s2 =	sld [smem:$0x3FD9]  }
0x89: {  	s3 =	sld [smem:$0x3FFE];
	_ =	sdelay $0x1  }
0x8a: {  	s1 =	srdreg.scid  }
0x8b: {  	s0 =	sand.u32 $0x1, s1  }
0x8c: {  	s17 =	sshll.u32 s0, $0xA;
	s2 =	sadd.s32 s3, s2  }
0x8d: {  	s2 =	sadd.s32 s2, s17  }
0x8e: {  	[smem:$0x3FC6] =	sst s2  }
0x8f: {  	_ = 	snop  }
0x90: {  	s2 =	sld [smem:$0x3FC9]  }
0x91: {  	s18 =	sld [smem:$0x3FD0];
	(tm) =	ssettm $0x1  }
0x92: {  	s4 =	sld [smem:$0x3FFB];
	_ =	sdelay $0x3  }
0x93: {  	_ =	strace s4  }
0x94: {  	s4 =	sld [smem:$0x3FFC];
	_ =	sdelay $0x3  }
0x95: {  	_ =	strace s4  }
0x96: {  	s4 =	sld [smem:$0x3FFD];
	_ =	sdelay $0x3  }
0x97: {  	_ =	strace s4  }
0x98: {  	_ =	strace $0x8FFFFFFF  }
0x99: {  	s19 =	sld [smem:$0x3FDB];
	_ =	sdelay $0x1  }
0x9a: {  	s5 =	simm.s32 $_scs_section_size  }
0x9b: {  	s6 =	simm.s32 $_size__tile_overlayer_lowered;
	s7 =	simm.s32 $_tile_overlayer_lowered  }
0x9c: {  	s22 =	simm.s32 $0x1BFF;
	s21 =	sshll.u32 s7, $0x1;
	s4 =	sadd.s32 s5, s19  }
0x9d: {  	s8 =	simm.s32 $0x0;
	s20 =	sshll.u32 s6, $0x1;
	s6 =	sadd.s32 s21, s4  }
0x9e: {  	[timem:s8], [sflag:s22] =	dma.local [hbm:s6], s20  }
0x9f: {  	_ =	swait.ge [sflag:s22], s20  }
0xa0: {  	s5 =	ssub.s32 $0x0, s20;
	[sflag:s22] =	ssyncset.done $0x0  }
0xa1: {  	[sflag:s22] =	ssyncadd.s32 s5;
	_ =	sdelay $0x1  }
0xa2: {  	s23 =	simm.s32 $0x1B8B  }
0xa3: {  	_ =	swait.ge [sflag:s23], $0x1  }
0xa4: {  	[sflag:s23] =	ssyncset.done $0x0  }
0xa5: {  	s25 =	simm.s32 $0x1B8E;
	s24 =	sld [smem:$0x3FFE];
	[sflag:s23] =	ssyncadd.s32 $0xFFFFFFFF  }
0xa6: {  	s26 =	simm.s32 $execute0_lowered;
	[smem:$0x3FD2] =	sst s25  }
0xa7: {  	s6 =	sshll.u32 s26, $0x1;
	_ =	strace $0x80000046;
	[dreg:$0x1] =	wrdreg $0xFFFFFFFF  }
0xa8: {  	s28 =	simm.s32 $_size_execute0_lowered;
	s4 =	sadd.s32 s4, s6;
	[dreg:$0x0] =	wrdreg $0x0  }
0xa9: {  	s6 =	sshll.u32 s28, $0x1;
	[dreg:$0x2] =	wrdreg s4  }
0xaa: {  	[dreg:$0x3] =	wrdreg s6  }
0xab: {  	[dreg:$0x4] =	wrdreg $0xC0  }
0xac: {  	_ =	task [dreg:s8], $0x5FFFF  }
0xad: {  	[dreg:$0x1] =	wrdreg $0xFFFFFFFF  }
0xae: {  	[dreg:$0x0] =	wrdreg $0x60  }
0xaf: {  	[dreg:$0x2] =	wrdreg s2  }
0xb0: {  	[dreg:$0x3] =	wrdreg s24  }
0xb1: {  	[dreg:$0x4] =	wrdreg s18  }
0xb2: {  	[dreg:$0x5] =	wrdreg $0x9  }
0xb3: {  	_ =	task.clear_ibuf [dreg:s8], $0x6FFFF;
	_ =	strace $0x90000046  }
0xb4: {  	s29 =	simm.s32 $0x9;
	_ =	strace $0x80000048  }
0xb5: {  	_ =	swait.ge [sflag:s29], $0x1  }
0xb6: {  	[sflag:s29] =	ssyncadd.s32 $0xFFFFFFFF  }
0xb7: {  	_ =	strace $0x90000048  }
0xb8: {  	_ =	sfence  }
0xb9: {  	s30 =	sld [smem:$0x0];
	_ =	sdelay $0x2  }
0xba: {  	s31 =	sshll.u32 s1, $0xD;
	s1 =	sshrl.u32 s1, $0x2  }
0xbb: {  	s3 =	sand.u32 $0x4000, s31;
	s1 =	sadd.s32 s1, s30  }
0xbc: {  	s0 =	sor.u32 s3, s0;
	s1 =	sshll.u32 s1, $0x11  }
0xbd: {  	s0 =	sor.u32 s1, s0  }
0xbe: {  	s0 =	sadd.s32 $0x8F2B, s0  }
0xbf: {  	[sflag:s0] =	ssyncadd.remote.s32 $0x1  }
0xc0: {  	_ =	sfence.sel $0xFFFF  }
0xc1: {  	[dreg:$0x0] =	wrdreg $0xFFFFFFFF;
	(pc) =	sbr.abs _section_cstart, $3  }
0xc2: {  	[dreg:$0x1] =	wrdreg $0xFFFFFFFF  }
0xc3: {  	_ =	task.clear_ibuf [dreg:s8], $0x2FFFF;
	_ =	strace $0x9FFFFFFF  }
0xc4: {  	(tm) =	ssettm $0x7FFFFFFF  }
0xc5: {  	_ =	shalt  }
tec
execute0_lowered:
.L_overlay_start_1:
0x0: {  	(tag) =	ssettag $0x1  }
0x1: {  	s1 =	rddreg [dreg:$0x0]  }
0x2: {  	s2 =	srdreg.scid;
	s5 =	rddreg [dreg:$0x1]  }
0x3: {  	s0 =	stileid.u32;
	s3 =	rddreg [dreg:$0x2]  }
0x4: {  	s11 =	simm.s32 $0x80;
	s12 =	simm.s32 $0x400;
	s13 =	simm.s32 $0x100  }
0x5: {  	s14 =	simm.s32 $0x1100;
	s15 =	simm.s32 $0x1;
	s16 =	simm.s32 $0x2100  }
0x6: {  	s17 =	simm.s32 $0x2;
	s2 =	sand.u32 $0x1, s2;
	s4 =	sshll.u32 s0, $0x1  }
0x7: {  	s18 =	simm.s32 $0xA100;
	s19 =	simm.s32 $0x3;
	s6 =	sor.u32 s2, s4  }
0x8: {  	s20 =	simm.s32 $0x4;
	s21 =	simm.s32 $0x0;
	s7 =	smul.u32 $0x19000, s6  }
0x9: {  	s5 =	sadd.s32 $0x400, s5;
	s4 =	simm.s32 $0x0;
	s8 =	smul.u32 $0x320, s6  }
0xa: {  	s2 =	ssub.s32 $0x2, s2;
	[smem:$0x7FF] =	sst s4;
	s9 =	smul.u32 $0xC8000, s6  }
0xb: {  	s10 =	sshll.u32 s6, $0xF;
	s30 =	sshrl.u32 s2, $0x1;
	s6 =	smul.u32 $0x19, s6  }
0xc: {  	s29 =	sand.u32 $0x18000, s10;
	s7 =	sor.u32 s8, s7;
	s9 =	sand.u32 $0x1FE0000, s9  }
0xd: {  	_ =	strace $0x80000047;
	s7 =	sand.u32 $0x3E0380, s7;
	s9 =	sor.u32 s29, s9  }
0xe: {  	s2 =	ssub.s32 s2, s30;
	s7 =	sor.u32 s29, s7;
	s31 =	sadd.s32 $0xC0000, s9  }
0xf: {  	s10 =	simm.s32 $0x5;
	s7 =	sshrl.u32 s7, $0x3;
	s8 =	sshrl.u32 s31, $0x3  }
0x10: {  	s9 =	smax.u32 s2, $0x1;
	s7 =	sadd.s32 s1, s7;
	s8 =	sadd.s32 s3, s8  }
.LBB2_1:
0x11: {  	[tilespmem:s4], [sflag:$0x5] =	stream.linear.gather [hbm4b:s5+s4], $0x100, $0x38;
	[tilespmem:$0x12100] =	vst v63  }
0x12: {  	_ =	swait.ge [sflag:s10], $0x100  }
0x13: {  	[sflag:s10] =	ssyncset.done $0x0  }
0x14: {  	s22 =	simm.s32 $0x0;
	[sflag:s10] =	ssyncadd.s32 $0xFFFFFF00  }
0x15: {  	[tilespmem:s13], [sflag:$0x1] =	stream.strided.gather [hbm4b:s7+s11], $0x1000, s12, s11, $0x38;
	[tilespmem:$0x12100] =	vst v63  }
.LBB2_2:
0x16: {  	s2 =	sshll.u32 s22, $0x1  }
0x17: {  	s25 =	sadd.s32 s6, s2  }
0x18: {  	s24 =	sadd.s32 $0x1, s25  }
0x19: {  	s26 =	sshll.u32 s24, $0xC;
	s23 =	sshll.u32 s24, $0x5  }
0x1a: {  	s2 =	sand.u32 $0x7FFE0000, s26;
	s26 =	sshll.u32 s24, $0xF;
	s28 =	sand.u32 $0x380, s23  }
0x1b: {  	s23 =	sand.u32 $0x18000, s26;
	s2 =	sor.u32 s28, s2  }
0x1c: {  	s2 =	sor.u32 s23, s2  }
0x1d: {  	s2 =	sshrl.u32 s2, $0x3  }
0x1e: {  	s2 =	sadd.s32 s1, s2  }
0x1f: {  	[tilespmem:s14], [sflag:$0x2] =	stream.strided.gather [hbm4b:s2+s11], $0x1000, s12, s11, $0x38;
	[tilespmem:$0x12100] =	vst v63  }
0x20: {  	_ =	swait.ge [sflag:s15], $0x1000  }
0x21: {  	p0 =	seq.s32 s22, $0x0;
	[sflag:s15] =	ssyncset.done $0x0  }
0x22: {  	s2 =	simm.s32 @!p0 $0x3;
	[sflag:s15] =	ssyncadd.s32 $0xFFFFF000  }
0x23: {  	_ =	swait.ge @!p0 [sflag:s2], $0x8000  }
0x24: {  	[sflag:s2] =	ssyncset.done @!p0 $0x0  }
0x25: {  	[sflag:s2] =	ssyncadd.s32 @!p0 $0xFFFF8000  }
0x26: {  	v12 =	vld [tilespmem:$0x0]  }
0x27: {  	v13 =	vld [tilespmem:$0x10]  }
0x28: {  	v11 =	vld [tilespmem:$0x20]  }
0x29: {  	v9 =	vld [tilespmem:$0x30]  }
0x2a: {  	v10 =	vld [tilespmem:$0x40]  }
0x2b: {  	v6 =	vld [tilespmem:$0x50]  }
0x2c: {  	v7 =	vld [tilespmem:$0x60]  }
0x2d: {  	s30 =	simm.s32 $0x0;
	v3 =	vld [tilespmem:$0x70]  }
0x2e: {  	v15 =	vld [tilespmem:s30+$0x100]  }
0x2f: {  	v8 =	vld [tilespmem:$0x80]  }
0x30: {  	v4 =	vld [tilespmem:$0x90]  }
0x31: {  	v5 =	vld [tilespmem:$0xA0]  }
0x32: {  	v1 =	vld [tilespmem:$0xB0]  }
0x33: {  	v2 =	vld [tilespmem:$0xC0];
	v16 =	vand.u32 $0xF, v15  }
0x34: {  	v0 =	vld [tilespmem:$0xD0];
	v17 =	vperm.xlane v12, v16;
	v18 =	vperm.xlane v13, v16  }
0x35: {  	v14 =	vld [tilespmem:$0xE0];
	vm0 =	vlt.s32 v15, $0x10;
	v19 =	vperm.xlane v11, v16;
	v20 =	vperm.xlane v9, v16  }
0x36: {  	s26 =	simm.s32 $0x2300;
	v15 =	vld [tilespmem:$0xF0];
	v21 =	vperm.xlane v10, v16;
	v22 =	vperm.xlane v6, v16;
	v17 =	vsel vm0, v17, v18  }
0x37: {  	v23 =	vperm.xlane v3, v16;
	v18 =	vperm.xlane v7, v16;
	[tilespmem:s26+$0xFFFFFE00] =	vst v17;
	v17 =	vsel vm0, v19, v20  }
0x38: {  	v19 =	vperm.xlane v8, v16;
	v20 =	vperm.xlane v4, v16;
	[tilespmem:s26+$0xFFFFFE80] =	vst v17;
	v17 =	vsel vm0, v21, v22  }
0x39: {  	v21 =	vperm.xlane v5, v16;
	v22 =	vperm.xlane v1, v16;
	[tilespmem:s26+$0xFFFFFF00] =	vst v17;
	v17 =	vsel vm0, v18, v23  }
0x3a: {  	v18 =	vperm.xlane v2, v16;
	v23 =	vperm.xlane v0, v16;
	[tilespmem:s26+$0xFFFFFF80] =	vst v17;
	v17 =	vsel vm0, v19, v20  }
0x3b: {  	v19 =	vperm.xlane v14, v16;
	v16 =	vperm.xlane v15, v16;
	[tilespmem:s26+$0x0] =	vst v17;
	v17 =	vsel vm0, v21, v22  }
0x3c: {  	v18 =	vsel vm0, v18, v23;
	[tilespmem:s26+$0x80] =	vst v17  }
0x3d: {  	v16 =	vsel vm0, v19, v16;
	[tilespmem:s26+$0x100] =	vst v18  }
0x3e: {  	[tilespmem:s26+$0x180] =	vst v16  }
0x3f: {  	v16 =	vld [tilespmem:s30+$0x110];
	_ =	sdelay $0x4  }
0x40: {  	v17 =	vand.u32 $0xF, v16  }
0x41: {  	v18 =	vperm.xlane v12, v17;
	v19 =	vperm.xlane v13, v17  }
0x42: {  	vm0 =	vlt.s32 v16, $0x10;
	v16 =	vperm.xlane v10, v17;
	v22 =	vperm.xlane v6, v17  }
0x43: {  	v20 =	vperm.xlane v11, v17;
	v21 =	vperm.xlane v9, v17;
	v18 =	vsel vm0, v18, v19  }
0x44: {  	v23 =	vperm.xlane v3, v17;
	v19 =	vperm.xlane v7, v17;
	v16 =	vsel vm0, v16, v22;
	[tilespmem:s26+$0xFFFFFE10] =	vst v18  }
0x45: {  	v18 =	vsel vm0, v20, v21;
	v20 =	vperm.xlane v8, v17;
	v21 =	vperm.xlane v4, v17;
	[tilespmem:s26+$0xFFFFFF10] =	vst v16  }
0x46: {  	v22 =	vperm.xlane v1, v17;
	[tilespmem:s26+$0xFFFFFE90] =	vst v18;
	v18 =	vperm.xlane v5, v17;
	v16 =	vsel vm0, v19, v23  }
0x47: {  	v19 =	vperm.xlane v2, v17;
	v23 =	vperm.xlane v0, v17;
	[tilespmem:s26+$0xFFFFFF90] =	vst v16;
	v16 =	vsel vm0, v20, v21  }
0x48: {  	v18 =	vsel vm0, v18, v22;
	[tilespmem:s26+$0x10] =	vst v16;
	v16 =	vperm.xlane v14, v17;
	v17 =	vperm.xlane v15, v17  }
0x49: {  	v19 =	vsel vm0, v19, v23;
	[tilespmem:s26+$0x90] =	vst v18  }
0x4a: {  	[tilespmem:s26+$0x110] =	vst v19;
	v16 =	vsel vm0, v16, v17  }
0x4b: {  	[tilespmem:s26+$0x190] =	vst v16  }
0x4c: {  	v16 =	vld [tilespmem:s30+$0x120];
	_ =	sdelay $0x4  }
0x4d: {  	v17 =	vand.u32 $0xF, v16  }
0x4e: {  	v18 =	vperm.xlane v12, v17;
	v19 =	vperm.xlane v13, v17  }
0x4f: {  	vm0 =	vlt.s32 v16, $0x10;
	v20 =	vperm.xlane v11, v17;
	v16 =	vperm.xlane v9, v17  }
0x50: {  	v21 =	vperm.xlane v10, v17;
	v18 =	vsel vm0, v18, v19;
	v19 =	vperm.xlane v6, v17  }
0x51: {  	v22 =	vperm.xlane v7, v17;
	v16 =	vsel vm0, v20, v16;
	[tilespmem:s26+$0xFFFFFE20] =	vst v18;
	v18 =	vperm.xlane v3, v17  }
0x52: {  	v20 =	vperm.xlane v8, v17;
	[tilespmem:s26+$0xFFFFFEA0] =	vst v16;
	v16 =	vsel vm0, v21, v19;
	v19 =	vperm.xlane v4, v17  }
0x53: {  	v21 =	vperm.xlane v5, v17;
	[tilespmem:s26+$0xFFFFFF20] =	vst v16;
	v16 =	vsel vm0, v22, v18;
	v18 =	vperm.xlane v1, v17  }
0x54: {  	v22 =	vperm.xlane v2, v17;
	[tilespmem:s26+$0xFFFFFFA0] =	vst v16;
	v16 =	vsel vm0, v20, v19;
	v19 =	vperm.xlane v0, v17  }
0x55: {  	v20 =	vperm.xlane v14, v17;
	v17 =	vperm.xlane v15, v17;
	[tilespmem:s26+$0x20] =	vst v16;
	v16 =	vsel vm0, v21, v18  }
0x56: {  	[tilespmem:s26+$0xA0] =	vst v16;
	v16 =	vsel vm0, v22, v19  }
0x57: {  	[tilespmem:s26+$0x120] =	vst v16;
	v16 =	vsel vm0, v20, v17  }
0x58: {  	[tilespmem:s26+$0x1A0] =	vst v16  }
0x59: {  	s28 =	simm.s32 $0x80;
	v16 =	vld [tilespmem:s30+$0x130]  }
0x5a: {  	v17 =	vld [tilespmem:s28+$0x100];
	_ =	sdelay $0x3  }
0x5b: {  	v18 =	vand.u32 $0xF, v16  }
0x5c: {  	v19 =	vand.u32 $0xF, v17;
	v20 =	vperm.xlane v12, v18;
	v21 =	vperm.xlane v13, v18  }
0x5d: {  	vm0 =	vlt.s32 v16, $0x10;
	v16 =	vperm.xlane v11, v18;
	v22 =	vperm.xlane v9, v18  }
0x5e: {  	v23 =	vperm.xlane v6, v18;
	v20 =	vsel vm0, v20, v21;
	v21 =	vperm.xlane v10, v18  }
0x5f: {  	v16 =	vsel vm0, v16, v22;
	v22 =	vperm.xlane v3, v18;
	[tilespmem:s26+$0xFFFFFE30] =	vst v20;
	v20 =	vperm.xlane v7, v18  }
0x60: {  	[tilespmem:s26+$0xFFFFFEB0] =	vst v16;
	v16 =	vsel vm0, v21, v23;
	v21 =	vperm.xlane v8, v18;
	v23 =	vperm.xlane v4, v18  }
0x61: {  	[tilespmem:s26+$0xFFFFFF30] =	vst v16;
	v16 =	vsel vm0, v20, v22;
	v20 =	vperm.xlane v5, v18;
	v22 =	vperm.xlane v1, v18  }
0x62: {  	[tilespmem:s26+$0xFFFFFFB0] =	vst v16;
	v16 =	vsel vm0, v21, v23;
	v21 =	vperm.xlane v2, v18;
	v23 =	vperm.xlane v0, v18  }
0x63: {  	[tilespmem:s26+$0x30] =	vst v16;
	v16 =	vsel vm0, v20, v22;
	v20 =	vperm.xlane v14, v18;
	v18 =	vperm.xlane v15, v18  }
0x64: {  	v24 =	vperm.xlane v13, v19;
	v22 =	vperm.xlane v12, v19;
	[tilespmem:s26+$0xB0] =	vst v16;
	v16 =	vsel vm0, v21, v23  }
0x65: {  	v21 =	vperm.xlane v11, v19;
	v23 =	vperm.xlane v9, v19;
	[tilespmem:s26+$0x130] =	vst v16;
	v16 =	vsel vm0, v20, v18  }
0x66: {  	vm0 =	vlt.s32 v17, $0x10;
	v17 =	vperm.xlane v10, v19;
	v18 =	vperm.xlane v6, v19;
	[tilespmem:s26+$0x1B0] =	vst v16  }
0x67: {  	s29 =	simm.s32 $0x2700;
	v20 =	vperm.xlane v7, v19;
	v16 =	vsel vm0, v22, v24;
	v22 =	vperm.xlane v3, v19;
	v61 =	vld [tilespmem:s30+$0x140]  }
0x68: {  	[tilespmem:s29+$0xFFFFFE00] =	vst v16;
	v16 =	vsel vm0, v21, v23;
	v21 =	vperm.xlane v8, v19;
	v23 =	vperm.xlane v4, v19  }
0x69: {  	[tilespmem:s29+$0xFFFFFE80] =	vst v16;
	v16 =	vsel vm0, v17, v18;
	v17 =	vperm.xlane v5, v19;
	v18 =	vperm.xlane v1, v19  }
0x6a: {  	[tilespmem:s29+$0xFFFFFF00] =	vst v16;
	v16 =	vsel vm0, v20, v22;
	v20 =	vperm.xlane v2, v19;
	v22 =	vperm.xlane v0, v19  }
0x6b: {  	[tilespmem:s29+$0xFFFFFF80] =	vst v16;
	v16 =	vsel vm0, v21, v23;
	v21 =	vperm.xlane v14, v19;
	v19 =	vperm.xlane v15, v19  }
0x6c: {  	[tilespmem:s29+$0x0] =	vst v16;
	v16 =	vsel vm0, v17, v18;
	v17 =	vsel vm0, v20, v22;
	v18 =	vand.u32 $0xF, v61  }
0x6d: {  	[tilespmem:s29+$0x80] =	vst v16;
	v16 =	vsel vm0, v21, v19;
	v19 =	vperm.xlane v12, v18;
	v20 =	vperm.xlane v13, v18  }
0x6e: {  	[tilespmem:s29+$0x100] =	vst v17;
	vm0 =	vlt.s32 v61, $0x10;
	v17 =	vperm.xlane v11, v18;
	v21 =	vperm.xlane v9, v18  }
0x6f: {  	[tilespmem:s29+$0x180] =	vst v16;
	v16 =	vsel vm0, v19, v20;
	v19 =	vperm.xlane v10, v18;
	v20 =	vperm.xlane v6, v18  }
0x70: {  	v22 =	vld [tilespmem:s28+$0x110];
	[tilespmem:s26+$0xFFFFFE40] =	vst v16;
	v16 =	vsel vm0, v17, v21;
	v17 =	vperm.xlane v7, v18;
	v21 =	vperm.xlane v3, v18  }
0x71: {  	[tilespmem:s26+$0xFFFFFEC0] =	vst v16;
	v16 =	vsel vm0, v19, v20;
	v19 =	vperm.xlane v8, v18;
	v20 =	vperm.xlane v4, v18  }
0x72: {  	[tilespmem:s26+$0xFFFFFF40] =	vst v16;
	v16 =	vsel vm0, v17, v21;
	v17 =	vperm.xlane v5, v18;
	v21 =	vperm.xlane v1, v18  }
0x73: {  	[tilespmem:s26+$0xFFFFFFC0] =	vst v16;
	v16 =	vsel vm0, v19, v20;
	v19 =	vperm.xlane v2, v18;
	v20 =	vperm.xlane v0, v18  }
0x74: {  	[tilespmem:s26+$0x40] =	vst v16;
	v16 =	vsel vm0, v17, v21;
	v17 =	vperm.xlane v14, v18;
	v18 =	vperm.xlane v15, v18  }
0x75: {  	v21 =	vand.u32 $0xF, v22;
	[tilespmem:s26+$0xC0] =	vst v16;
	v16 =	vsel vm0, v19, v20  }
0x76: {  	v19 =	vperm.xlane v12, v21;
	v20 =	vperm.xlane v13, v21;
	[tilespmem:s26+$0x140] =	vst v16;
	v16 =	vsel vm0, v17, v18  }
0x77: {  	v62 =	vperm.xlane v3, v21;
	v17 =	vperm.xlane v11, v21;
	[tilespmem:s26+$0x1C0] =	vst v16  }
0x78: {  	v18 =	vperm.xlane v9, v21;
	vm0 =	vlt.s32 v22, $0x10;
	v22 =	vperm.xlane v6, v21;
	v23 =	vld [tilespmem:s30+$0x150]  }
0x79: {  	v16 =	vperm.xlane v10, v21;
	v19 =	vsel vm0, v19, v20;
	v20 =	vperm.xlane v7, v21  }
0x7a: {  	[tilespmem:s29+$0xFFFFFE10] =	vst v19;
	v17 =	vsel vm0, v17, v18;
	v18 =	vperm.xlane v8, v21;
	v19 =	vperm.xlane v4, v21  }
0x7b: {  	[tilespmem:s29+$0xFFFFFE90] =	vst v17;
	v16 =	vsel vm0, v16, v22;
	v17 =	vperm.xlane v5, v21;
	v22 =	vperm.xlane v1, v21  }
0x7c: {  	v63 =	vperm.xlane v0, v21;
	[tilespmem:s29+$0xFFFFFF10] =	vst v16;
	v16 =	vsel vm0, v20, v62;
	v20 =	vperm.xlane v2, v21  }
0x7d: {  	[tilespmem:s29+$0xFFFFFF90] =	vst v16;
	v16 =	vsel vm0, v18, v19;
	v17 =	vsel vm0, v17, v22;
	v18 =	vand.u32 $0xF, v23  }
0x7e: {  	[tilespmem:s29+$0x10] =	vst v16;
	v16 =	vsel vm0, v20, v63;
	v19 =	vperm.xlane v12, v18;
	v20 =	vperm.xlane v13, v18  }
0x7f: {  	[tilespmem:s29+$0x90] =	vst v17;
	vm1 =	vlt.s32 v23, $0x10;
	v17 =	vperm.xlane v11, v18;
	v22 =	vperm.xlane v9, v18  }
0x80: {  	[tilespmem:s29+$0x110] =	vst v16;
	v16 =	vsel vm1, v19, v20;
	v19 =	vperm.xlane v10, v18;
	v20 =	vperm.xlane v6, v18  }
0x81: {  	[tilespmem:s26+$0xFFFFFE50] =	vst v16;
	v16 =	vsel vm1, v17, v22;
	v17 =	vperm.xlane v7, v18;
	v22 =	vperm.xlane v3, v18  }
0x82: {  	[tilespmem:s26+$0xFFFFFED0] =	vst v16;
	v16 =	vsel vm1, v19, v20;
	v19 =	vperm.xlane v8, v18;
	v20 =	vperm.xlane v4, v18  }
0x83: {  	[tilespmem:s26+$0xFFFFFF50] =	vst v16;
	v16 =	vsel vm1, v17, v22;
	v17 =	vperm.xlane v5, v18;
	v22 =	vperm.xlane v1, v18  }
0x84: {  	[tilespmem:s26+$0xFFFFFFD0] =	vst v16;
	v16 =	vsel vm1, v19, v20;
	v19 =	vperm.xlane v2, v18;
	v20 =	vperm.xlane v0, v18  }
0x85: {  	[tilespmem:s26+$0x50] =	vst v16;
	v16 =	vsel vm1, v17, v22;
	v17 =	vperm.xlane v14, v18;
	v18 =	vperm.xlane v15, v18  }
0x86: {  	v22 =	vperm.xlane v14, v21;
	v21 =	vperm.xlane v15, v21;
	[tilespmem:s26+$0xD0] =	vst v16;
	v16 =	vsel vm1, v19, v20  }
0x87: {  	[tilespmem:s26+$0x150] =	vst v16;
	v16 =	vsel vm1, v17, v18  }
0x88: {  	v17 =	vsel vm0, v22, v21;
	[tilespmem:s26+$0x1D0] =	vst v16  }
0x89: {  	[tilespmem:s29+$0x190] =	vst v17;
	v16 =	vld [tilespmem:s30+$0x160]  }
0x8a: {  	v17 =	vld [tilespmem:s28+$0x120];
	_ =	sdelay $0x3  }
0x8b: {  	v18 =	vand.u32 $0xF, v16  }
0x8c: {  	v19 =	vand.u32 $0xF, v17;
	v20 =	vperm.xlane v12, v18;
	v21 =	vperm.xlane v13, v18  }
0x8d: {  	vm0 =	vlt.s32 v16, $0x10;
	v16 =	vperm.xlane v11, v18;
	v22 =	vperm.xlane v9, v18  }
0x8e: {  	v23 =	vperm.xlane v6, v18;
	v20 =	vsel vm0, v20, v21;
	v21 =	vperm.xlane v10, v18  }
0x8f: {  	v16 =	vsel vm0, v16, v22;
	v22 =	vperm.xlane v3, v18;
	[tilespmem:s26+$0xFFFFFE60] =	vst v20;
	v20 =	vperm.xlane v7, v18  }
0x90: {  	[tilespmem:s26+$0xFFFFFEE0] =	vst v16;
	v16 =	vsel vm0, v21, v23;
	v21 =	vperm.xlane v8, v18;
	v23 =	vperm.xlane v4, v18  }
0x91: {  	[tilespmem:s26+$0xFFFFFF60] =	vst v16;
	v16 =	vsel vm0, v20, v22;
	v20 =	vperm.xlane v5, v18;
	v22 =	vperm.xlane v1, v18  }
0x92: {  	[tilespmem:s26+$0xFFFFFFE0] =	vst v16;
	v16 =	vsel vm0, v21, v23;
	v21 =	vperm.xlane v2, v18;
	v23 =	vperm.xlane v0, v18  }
0x93: {  	[tilespmem:s26+$0x60] =	vst v16;
	v16 =	vsel vm0, v20, v22;
	v20 =	vperm.xlane v14, v18;
	v18 =	vperm.xlane v15, v18  }
0x94: {  	v22 =	vperm.xlane v12, v19;
	[tilespmem:s26+$0xE0] =	vst v16;
	v16 =	vsel vm0, v21, v23  }
0x95: {  	v21 =	vperm.xlane v13, v19;
	v23 =	vperm.xlane v11, v19;
	[tilespmem:s26+$0x160] =	vst v16;
	v16 =	vsel vm0, v20, v18  }
0x96: {  	vm0 =	vlt.s32 v17, $0x10;
	v18 =	vperm.xlane v9, v19;
	v20 =	vperm.xlane v10, v19;
	[tilespmem:s26+$0x1E0] =	vst v16  }
0x97: {  	v16 =	vsel vm0, v22, v21;
	v21 =	vperm.xlane v6, v19;
	v22 =	vperm.xlane v7, v19;
	v17 =	vld [tilespmem:s30+$0x170]  }
0x98: {  	[tilespmem:s29+$0xFFFFFE20] =	vst v16;
	v16 =	vsel vm0, v23, v18;
	v18 =	vperm.xlane v3, v19;
	v23 =	vperm.xlane v8, v19  }
0x99: {  	[tilespmem:s29+$0xFFFFFEA0] =	vst v16;
	v16 =	vsel vm0, v20, v21;
	v20 =	vperm.xlane v4, v19;
	v21 =	vperm.xlane v5, v19  }
0x9a: {  	[tilespmem:s29+$0xFFFFFF20] =	vst v16;
	v16 =	vsel vm0, v22, v18;
	v18 =	vperm.xlane v1, v19;
	v22 =	vperm.xlane v2, v19  }
0x9b: {  	[tilespmem:s29+$0xFFFFFFA0] =	vst v16;
	v16 =	vsel vm0, v23, v20;
	v23 =	vperm.xlane v0, v19;
	v20 =	vperm.xlane v14, v19  }
0x9c: {  	[tilespmem:s29+$0x20] =	vst v16;
	v18 =	vsel vm0, v21, v18;
	v21 =	vperm.xlane v15, v19;
	v16 =	vand.u32 $0xF, v17  }
0x9d: {  	s31 =	simm.s32 $0x400;
	s24 =	sshrl.u32 s24, $0x2;
	s30 =	simm.s32 $0x2700;
	[tilespmem:s29+$0xA0] =	vst v18;
	v22 =	vsel vm0, v22, v23;
	v18 =	vperm.xlane v14, v16;
	v19 =	vperm.xlane v15, v16  }
.LBB2_3:
0x9e: {  	p1 =	sne.s32 s31, $0x3E00;
	[tilespmem:s29+$0x120] =	vst v22;
	v20 =	vsel vm0, v20, v21;
	vm0 =	vlt.s32 v17, $0x10;
	v17 =	vperm.xlane v12, v16  }
0x9f: {  	v21 =	vperm.xlane v11, v16;
	[tilespmem:s29+$0x1A0] =	vst v20;
	v20 =	vperm.xlane v13, v16;
	v18 =	vsel vm0, v18, v19  }
0xa0: {  	s2 =	sshra.s32 s31, $0x2;
	v23 =	vperm.xlane v10, v16;
	v19 =	vperm.xlane v9, v16;
	v22 =	vld [tilespmem:s28+$0x130];
	[tilespmem:s26+$0x1F0] =	vst v18  }
0xa1: {  	v18 =	vperm.xlane v6, v16;
	v24 =	vld [tilespmem:s2+$0x100];
	v17 =	vsel vm0, v17, v20;
	v20 =	vperm.xlane v7, v16  }
0xa2: {  	[tilespmem:s26+$0xFFFFFE70] =	vst v17;
	v17 =	vsel vm0, v21, v19;
	v19 =	vperm.xlane v3, v16;
	v21 =	vperm.xlane v8, v16  }
0xa3: {  	[tilespmem:s26+$0xFFFFFEF0] =	vst v17;
	v17 =	vsel vm0, v23, v18;
	v23 =	vperm.xlane v4, v16;
	v18 =	vperm.xlane v5, v16  }
0xa4: {  	[tilespmem:s26+$0xFFFFFF70] =	vst v17;
	v20 =	vsel vm0, v20, v19;
	v19 =	vperm.xlane v1, v16;
	v17 =	vperm.xlane v2, v16  }
0xa5: {  	v16 =	vperm.xlane v0, v16;
	v25 =	vand.u32 $0xF, v22;
	[tilespmem:s26+$0xFFFFFFF0] =	vst v20;
	v20 =	vsel vm0, v21, v23  }
0xa6: {  	v21 =	vand.u32 $0xF, v24;
	v23 =	vperm.xlane v12, v25;
	v26 =	vperm.xlane v13, v25;
	[tilespmem:s26+$0x70] =	vst v20  }
0xa7: {  	vm1 =	vlt.s32 v22, $0x10;
	v20 =	vperm.xlane v11, v25;
	v22 =	vperm.xlane v9, v25  }
0xa8: {  	v27 =	vperm.xlane v6, v25;
	v23 =	vsel vm1, v23, v26;
	v26 =	vperm.xlane v10, v25  }
0xa9: {  	v20 =	vsel vm1, v20, v22;
	v22 =	vperm.xlane v7, v25;
	[tilespmem:s29+$0xFFFFFE30] =	vst v23;
	v23 =	vperm.xlane v3, v25  }
0xaa: {  	[tilespmem:s29+$0xFFFFFEB0] =	vst v20;
	v20 =	vsel vm1, v26, v27;
	v26 =	vperm.xlane v8, v25;
	v27 =	vperm.xlane v4, v25  }
0xab: {  	[tilespmem:s29+$0xFFFFFF30] =	vst v20;
	v20 =	vsel vm1, v22, v23;
	v22 =	vperm.xlane v5, v25;
	v23 =	vperm.xlane v1, v25  }
0xac: {  	[tilespmem:s29+$0xFFFFFFB0] =	vst v20;
	v20 =	vsel vm1, v26, v27;
	v26 =	vperm.xlane v2, v25;
	v27 =	vperm.xlane v0, v25  }
0xad: {  	[tilespmem:s29+$0x30] =	vst v20;
	v20 =	vsel vm1, v22, v23;
	v22 =	vperm.xlane v14, v25;
	v23 =	vperm.xlane v15, v25  }
0xae: {  	v28 =	vperm.xlane v13, v21;
	v25 =	vperm.xlane v12, v21;
	[tilespmem:s29+$0xB0] =	vst v20;
	v20 =	vsel vm1, v26, v27  }
0xaf: {  	v26 =	vperm.xlane v11, v21;
	v27 =	vperm.xlane v9, v21;
	[tilespmem:s29+$0x130] =	vst v20;
	v20 =	vsel vm1, v22, v23  }
0xb0: {  	vm1 =	vlt.s32 v24, $0x10;
	v22 =	vperm.xlane v10, v21;
	v23 =	vperm.xlane v6, v21;
	[tilespmem:s29+$0x1B0] =	vst v20  }
0xb1: {  	v24 =	vperm.xlane v7, v21;
	v20 =	vsel vm1, v25, v28;
	v25 =	vperm.xlane v3, v21;
	s29 =	sadd.s32 $0x400, s29;
	v28 =	vld [tilespmem:s28+$0x140]  }
0xb2: {  	[tilespmem:s29+$0xFFFFFE00] =	vst v20;
	v20 =	vsel vm1, v26, v27;
	v26 =	vperm.xlane v8, v21;
	v27 =	vperm.xlane v4, v21  }
0xb3: {  	[tilespmem:s29+$0xFFFFFE80] =	vst v20;
	v20 =	vsel vm1, v22, v23;
	v22 =	vperm.xlane v5, v21;
	v23 =	vperm.xlane v1, v21  }
0xb4: {  	[tilespmem:s29+$0xFFFFFF00] =	vst v20;
	v20 =	vsel vm1, v24, v25;
	v24 =	vperm.xlane v2, v21;
	v25 =	vperm.xlane v0, v21  }
0xb5: {  	[tilespmem:s29+$0xFFFFFF80] =	vst v20;
	v20 =	vsel vm1, v26, v27;
	v26 =	vperm.xlane v14, v21;
	v21 =	vperm.xlane v15, v21  }
0xb6: {  	[tilespmem:s29+$0x0] =	vst v20;
	v20 =	vsel vm1, v22, v23;
	v22 =	vsel vm1, v24, v25;
	v23 =	vand.u32 $0xF, v28  }
0xb7: {  	[tilespmem:s29+$0x80] =	vst v20;
	v20 =	vsel vm1, v26, v21;
	v21 =	vperm.xlane v12, v23;
	v24 =	vperm.xlane v13, v23  }
0xb8: {  	vm1 =	vlt.s32 v28, $0x10;
	v25 =	vperm.xlane v9, v23;
	[tilespmem:s29+$0x100] =	vst v22;
	v22 =	vperm.xlane v11, v23  }
0xb9: {  	[tilespmem:s29+$0x180] =	vst v20;
	v20 =	vsel vm1, v21, v24;
	v21 =	vperm.xlane v10, v23;
	v24 =	vperm.xlane v6, v23  }
0xba: {  	v26 =	vld [tilespmem:s2+$0x110];
	[tilespmem:s30+$0xFFFFFE40] =	vst v20;
	v20 =	vsel vm1, v22, v25;
	v22 =	vperm.xlane v7, v23;
	v25 =	vperm.xlane v3, v23  }
0xbb: {  	[tilespmem:s30+$0xFFFFFEC0] =	vst v20;
	v20 =	vsel vm1, v21, v24;
	v21 =	vperm.xlane v8, v23;
	v24 =	vperm.xlane v4, v23  }
0xbc: {  	[tilespmem:s30+$0xFFFFFF40] =	vst v20;
	v20 =	vsel vm1, v22, v25;
	v22 =	vperm.xlane v5, v23;
	v25 =	vperm.xlane v1, v23  }
0xbd: {  	[tilespmem:s30+$0xFFFFFFC0] =	vst v20;
	v20 =	vsel vm1, v21, v24;
	v21 =	vperm.xlane v2, v23;
	v24 =	vperm.xlane v0, v23  }
0xbe: {  	[tilespmem:s30+$0x40] =	vst v20;
	v20 =	vsel vm1, v22, v25;
	v22 =	vperm.xlane v14, v23;
	v23 =	vperm.xlane v15, v23  }
0xbf: {  	v18 =	vsel vm0, v18, v19;
	v25 =	vand.u32 $0xF, v26;
	[tilespmem:s30+$0xC0] =	vst v20;
	v20 =	vsel vm1, v21, v24  }
0xc0: {  	v19 =	vperm.xlane v12, v25;
	v21 =	vperm.xlane v13, v25;
	[tilespmem:s30+$0x140] =	vst v20;
	v20 =	vsel vm1, v22, v23  }
0xc1: {  	v16 =	vsel vm0, v17, v16;
	v22 =	vperm.xlane v11, v25;
	v23 =	vperm.xlane v9, v25;
	[tilespmem:s30+$0x1C0] =	vst v20  }
0xc2: {  	vm0 =	vlt.s32 v26, $0x10;
	v17 =	vperm.xlane v10, v25;
	v20 =	vperm.xlane v6, v25;
	v24 =	vld [tilespmem:s28+$0x150];
	[tilespmem:s26+$0xF0] =	vst v18  }
0xc3: {  	v18 =	vsel vm0, v19, v21;
	v19 =	vperm.xlane v7, v25;
	v21 =	vperm.xlane v3, v25;
	[tilespmem:s26+$0x170] =	vst v16;
	s26 =	smov.u32 s30;
	s30 =	smov.u32 s29  }
0xc4: {  	v16 =	vsel vm0, v22, v23;
	v22 =	vperm.xlane v4, v25;
	[tilespmem:s29+$0xFFFFFE10] =	vst v18;
	v18 =	vperm.xlane v8, v25  }
0xc5: {  	[tilespmem:s29+$0xFFFFFE90] =	vst v16;
	v16 =	vsel vm0, v17, v20;
	v17 =	vperm.xlane v5, v25;
	v20 =	vperm.xlane v1, v25  }
0xc6: {  	[tilespmem:s29+$0xFFFFFF10] =	vst v16;
	v16 =	vsel vm0, v19, v21;
	v19 =	vperm.xlane v2, v25;
	v21 =	vperm.xlane v0, v25  }
0xc7: {  	[tilespmem:s29+$0xFFFFFF90] =	vst v16;
	v16 =	vsel vm0, v18, v22;
	v17 =	vsel vm0, v17, v20;
	v18 =	vand.u32 $0xF, v24  }
0xc8: {  	[tilespmem:s29+$0x10] =	vst v16;
	v16 =	vsel vm0, v19, v21;
	v19 =	vperm.xlane v12, v18;
	v20 =	vperm.xlane v13, v18  }
0xc9: {  	vm1 =	vlt.s32 v24, $0x10;
	v21 =	vperm.xlane v9, v18;
	[tilespmem:s29+$0x90] =	vst v17;
	v17 =	vperm.xlane v11, v18  }
0xca: {  	[tilespmem:s29+$0x110] =	vst v16;
	v16 =	vsel vm1, v19, v20;
	v19 =	vperm.xlane v10, v18;
	v20 =	vperm.xlane v6, v18  }
0xcb: {  	[tilespmem:s26+$0xFFFFFE50] =	vst v16;
	v16 =	vsel vm1, v17, v21;
	v17 =	vperm.xlane v7, v18;
	v21 =	vperm.xlane v3, v18  }
0xcc: {  	[tilespmem:s26+$0xFFFFFED0] =	vst v16;
	v16 =	vsel vm1, v19, v20;
	v19 =	vperm.xlane v8, v18;
	v20 =	vperm.xlane v4, v18  }
0xcd: {  	[tilespmem:s26+$0xFFFFFF50] =	vst v16;
	v16 =	vsel vm1, v17, v21;
	v17 =	vperm.xlane v5, v18;
	v21 =	vperm.xlane v1, v18  }
0xce: {  	[tilespmem:s26+$0xFFFFFFD0] =	vst v16;
	v16 =	vsel vm1, v19, v20;
	v19 =	vperm.xlane v2, v18;
	v20 =	vperm.xlane v0, v18  }
0xcf: {  	[tilespmem:s26+$0x50] =	vst v16;
	v16 =	vsel vm1, v17, v21;
	v17 =	vperm.xlane v14, v18;
	v18 =	vperm.xlane v15, v18  }
0xd0: {  	v22 =	vperm.xlane v15, v25;
	v21 =	vperm.xlane v14, v25;
	[tilespmem:s26+$0xD0] =	vst v16;
	v16 =	vsel vm1, v19, v20  }
0xd1: {  	[tilespmem:s26+$0x150] =	vst v16;
	v16 =	vsel vm1, v17, v18  }
0xd2: {  	v17 =	vsel vm0, v21, v22;
	[tilespmem:s26+$0x1D0] =	vst v16  }
0xd3: {  	[tilespmem:s29+$0x190] =	vst v17;
	v16 =	vld [tilespmem:s28+$0x160]  }
0xd4: {  	v17 =	vld [tilespmem:s2+$0x120];
	_ =	sdelay $0x3  }
0xd5: {  	v18 =	vand.u32 $0xF, v16  }
0xd6: {  	v19 =	vand.u32 $0xF, v17;
	v20 =	vperm.xlane v12, v18;
	v21 =	vperm.xlane v13, v18  }
0xd7: {  	vm0 =	vlt.s32 v16, $0x10;
	v16 =	vperm.xlane v11, v18;
	v22 =	vperm.xlane v9, v18  }
0xd8: {  	v23 =	vperm.xlane v6, v18;
	v20 =	vsel vm0, v20, v21;
	v21 =	vperm.xlane v10, v18  }
0xd9: {  	v16 =	vsel vm0, v16, v22;
	v22 =	vperm.xlane v3, v18;
	[tilespmem:s26+$0xFFFFFE60] =	vst v20;
	v20 =	vperm.xlane v7, v18  }
0xda: {  	[tilespmem:s26+$0xFFFFFEE0] =	vst v16;
	v16 =	vsel vm0, v21, v23;
	v21 =	vperm.xlane v8, v18;
	v23 =	vperm.xlane v4, v18  }
0xdb: {  	[tilespmem:s26+$0xFFFFFF60] =	vst v16;
	v16 =	vsel vm0, v20, v22;
	v20 =	vperm.xlane v5, v18;
	v22 =	vperm.xlane v1, v18  }
0xdc: {  	[tilespmem:s26+$0xFFFFFFE0] =	vst v16;
	v16 =	vsel vm0, v21, v23;
	v21 =	vperm.xlane v2, v18;
	v23 =	vperm.xlane v0, v18  }
0xdd: {  	[tilespmem:s26+$0x60] =	vst v16;
	v16 =	vsel vm0, v20, v22;
	v20 =	vperm.xlane v14, v18;
	v18 =	vperm.xlane v15, v18  }
0xde: {  	v22 =	vperm.xlane v12, v19;
	[tilespmem:s26+$0xE0] =	vst v16;
	v16 =	vsel vm0, v21, v23  }
0xdf: {  	v21 =	vperm.xlane v13, v19;
	v23 =	vperm.xlane v11, v19;
	[tilespmem:s26+$0x160] =	vst v16;
	v16 =	vsel vm0, v20, v18  }
0xe0: {  	vm0 =	vlt.s32 v17, $0x10;
	v18 =	vperm.xlane v9, v19;
	v20 =	vperm.xlane v10, v19;
	[tilespmem:s26+$0x1E0] =	vst v16  }
0xe1: {  	v16 =	vsel vm0, v22, v21;
	v21 =	vperm.xlane v6, v19;
	v22 =	vperm.xlane v7, v19;
	v17 =	vld [tilespmem:s28+$0x170];
	s28 =	smov.u32 s2  }
0xe2: {  	[tilespmem:s29+$0xFFFFFE20] =	vst v16;
	v16 =	vsel vm0, v23, v18;
	v18 =	vperm.xlane v3, v19;
	v23 =	vperm.xlane v8, v19  }
.Ltmp0:
0xe3: {  	[tilespmem:s29+$0xFFFFFEA0] =	vst v16;
	v16 =	vsel vm0, v20, v21;
	v20 =	vperm.xlane v4, v19;
	v21 =	vperm.xlane v5, v19;
	(pc) =	sbr.rel @p1 .LBB2_3-.Ltmp0, $4  }
0xe4: {  	[tilespmem:s29+$0xFFFFFF20] =	vst v16;
	v16 =	vsel vm0, v22, v18;
	v18 =	vperm.xlane v1, v19;
	v22 =	vperm.xlane v2, v19  }
0xe5: {  	[tilespmem:s29+$0xFFFFFFA0] =	vst v16;
	v16 =	vsel vm0, v23, v20;
	v23 =	vperm.xlane v0, v19;
	v20 =	vperm.xlane v14, v19  }
0xe6: {  	[tilespmem:s29+$0x20] =	vst v16;
	v18 =	vsel vm0, v21, v18;
	v21 =	vperm.xlane v15, v19;
	v16 =	vand.u32 $0xF, v17  }
0xe7: {  	s31 =	sadd.s32 $0x200, s31;
	[tilespmem:s29+$0xA0] =	vst v18;
	v22 =	vsel vm0, v22, v23;
	v18 =	vperm.xlane v14, v16;
	v19 =	vperm.xlane v15, v16  }
0xe8: {  	[tilespmem:s29+$0x120] =	vst v22;
	v20 =	vsel vm0, v20, v21  }
0xe9: {  	[tilespmem:s29+$0x1A0] =	vst v20  }
0xea: {  	v20 =	vld [tilespmem:s28+$0x130];
	_ =	sdelay $0x4  }
0xeb: {  	v21 =	vand.u32 $0xF, v20  }
0xec: {  	v22 =	vperm.xlane v12, v21;
	v23 =	vperm.xlane v13, v21  }
0xed: {  	vm0 =	vlt.s32 v20, $0x10;
	v20 =	vperm.xlane v11, v21;
	v24 =	vperm.xlane v9, v21  }
0xee: {  	v25 =	vperm.xlane v6, v21;
	v22 =	vsel vm0, v22, v23;
	v23 =	vperm.xlane v10, v21  }
0xef: {  	v36 =	vperm.xlane v3, v21;
	v20 =	vsel vm0, v20, v24;
	[tilespmem:s29+$0xFFFFFE30] =	vst v22;
	v22 =	vperm.xlane v7, v21  }
0xf0: {  	v37 =	vperm.xlane v4, v21;
	[tilespmem:s29+$0xFFFFFEB0] =	vst v20;
	v20 =	vsel vm0, v23, v25;
	v23 =	vperm.xlane v8, v21  }
0xf1: {  	v38 =	vperm.xlane v1, v21;
	[tilespmem:s29+$0xFFFFFF30] =	vst v20;
	v20 =	vsel vm0, v22, v36;
	v22 =	vperm.xlane v5, v21  }
0xf2: {  	v39 =	vperm.xlane v0, v21;
	[tilespmem:s29+$0xFFFFFFB0] =	vst v20;
	v20 =	vsel vm0, v23, v37;
	v23 =	vperm.xlane v2, v21  }
0xf3: {  	[tilespmem:s29+$0x30] =	vst v20;
	v20 =	vsel vm0, v22, v38;
	v22 =	vperm.xlane v14, v21;
	v21 =	vperm.xlane v15, v21  }
0xf4: {  	[tilespmem:s29+$0xB0] =	vst v20;
	v20 =	vsel vm0, v23, v39  }
0xf5: {  	[tilespmem:s29+$0x130] =	vst v20;
	v20 =	vsel vm0, v22, v21  }
0xf6: {  	[tilespmem:s29+$0x1B0] =	vst v20  }
0xf7: {  	v20 =	vld [tilespmem:s28+$0x140];
	_ =	sdelay $0x4  }
0xf8: {  	v21 =	vand.u32 $0xF, v20  }
0xf9: {  	v22 =	vperm.xlane v12, v21;
	v23 =	vperm.xlane v13, v21  }
0xfa: {  	vm0 =	vlt.s32 v20, $0x10;
	v20 =	vperm.xlane v11, v21;
	v40 =	vperm.xlane v9, v21  }
0xfb: {  	v41 =	vperm.xlane v6, v21;
	v22 =	vsel vm0, v22, v23;
	v23 =	vperm.xlane v10, v21  }
0xfc: {  	v42 =	vperm.xlane v3, v21;
	v20 =	vsel vm0, v20, v40;
	[tilespmem:s30+$0xFFFFFE40] =	vst v22;
	v22 =	vperm.xlane v7, v21  }
0xfd: {  	v43 =	vperm.xlane v4, v21;
	[tilespmem:s30+$0xFFFFFEC0] =	vst v20;
	v20 =	vsel vm0, v23, v41;
	v23 =	vperm.xlane v8, v21  }
0xfe: {  	v44 =	vperm.xlane v1, v21;
	[tilespmem:s30+$0xFFFFFF40] =	vst v20;
	v20 =	vsel vm0, v22, v42;
	v22 =	vperm.xlane v5, v21  }
0xff: {  	v45 =	vperm.xlane v0, v21;
	[tilespmem:s30+$0xFFFFFFC0] =	vst v20;
	v20 =	vsel vm0, v23, v43;
	v23 =	vperm.xlane v2, v21  }
0x100: {  	[tilespmem:s30+$0x40] =	vst v20;
	v20 =	vsel vm0, v22, v44;
	v22 =	vperm.xlane v14, v21;
	v21 =	vperm.xlane v15, v21  }
0x101: {  	[tilespmem:s30+$0xC0] =	vst v20;
	v20 =	vsel vm0, v23, v45  }
0x102: {  	[tilespmem:s30+$0x140] =	vst v20;
	v20 =	vsel vm0, v22, v21  }
0x103: {  	[tilespmem:s30+$0x1C0] =	vst v20  }
0x104: {  	v20 =	vld [tilespmem:s28+$0x150];
	_ =	sdelay $0x4  }
0x105: {  	v21 =	vand.u32 $0xF, v20  }
0x106: {  	v22 =	vperm.xlane v12, v21;
	v23 =	vperm.xlane v13, v21  }
0x107: {  	vm0 =	vlt.s32 v20, $0x10;
	v20 =	vperm.xlane v11, v21;
	v46 =	vperm.xlane v9, v21  }
0x108: {  	v47 =	vperm.xlane v6, v21;
	v22 =	vsel vm0, v22, v23;
	v23 =	vperm.xlane v10, v21  }
0x109: {  	v48 =	vperm.xlane v3, v21;
	v20 =	vsel vm0, v20, v46;
	[tilespmem:s30+$0xFFFFFE50] =	vst v22;
	v22 =	vperm.xlane v7, v21  }
0x10a: {  	v49 =	vperm.xlane v4, v21;
	[tilespmem:s30+$0xFFFFFED0] =	vst v20;
	v20 =	vsel vm0, v23, v47;
	v23 =	vperm.xlane v8, v21  }
0x10b: {  	v50 =	vperm.xlane v1, v21;
	[tilespmem:s30+$0xFFFFFF50] =	vst v20;
	v20 =	vsel vm0, v22, v48;
	v22 =	vperm.xlane v5, v21  }
0x10c: {  	v51 =	vperm.xlane v0, v21;
	[tilespmem:s30+$0xFFFFFFD0] =	vst v20;
	v20 =	vsel vm0, v23, v49;
	v23 =	vperm.xlane v2, v21  }
0x10d: {  	[tilespmem:s30+$0x50] =	vst v20;
	v20 =	vsel vm0, v22, v50;
	v22 =	vperm.xlane v14, v21;
	v21 =	vperm.xlane v15, v21  }
0x10e: {  	[tilespmem:s30+$0xD0] =	vst v20;
	v20 =	vsel vm0, v23, v51  }
0x10f: {  	[tilespmem:s30+$0x150] =	vst v20;
	v20 =	vsel vm0, v22, v21  }
0x110: {  	[tilespmem:s30+$0x1D0] =	vst v20  }
0x111: {  	v20 =	vld [tilespmem:s28+$0x160];
	_ =	sdelay $0x4  }
0x112: {  	v21 =	vand.u32 $0xF, v20  }
0x113: {  	v22 =	vperm.xlane v12, v21;
	v23 =	vperm.xlane v13, v21  }
0x114: {  	vm0 =	vlt.s32 v20, $0x10;
	v20 =	vperm.xlane v11, v21;
	v52 =	vperm.xlane v9, v21  }
0x115: {  	v53 =	vperm.xlane v6, v21;
	v22 =	vsel vm0, v22, v23;
	v23 =	vperm.xlane v10, v21  }
0x116: {  	v54 =	vperm.xlane v3, v21;
	v20 =	vsel vm0, v20, v52;
	[tilespmem:s30+$0xFFFFFE60] =	vst v22;
	v22 =	vperm.xlane v7, v21  }
0x117: {  	v55 =	vperm.xlane v4, v21;
	[tilespmem:s30+$0xFFFFFEE0] =	vst v20;
	v20 =	vsel vm0, v23, v53;
	v23 =	vperm.xlane v8, v21  }
0x118: {  	v56 =	vperm.xlane v1, v21;
	[tilespmem:s30+$0xFFFFFF60] =	vst v20;
	v20 =	vsel vm0, v22, v54;
	v22 =	vperm.xlane v5, v21  }
0x119: {  	v57 =	vperm.xlane v0, v21;
	[tilespmem:s30+$0xFFFFFFE0] =	vst v20;
	v20 =	vsel vm0, v23, v55;
	v23 =	vperm.xlane v2, v21  }
0x11a: {  	[tilespmem:s30+$0x60] =	vst v20;
	v20 =	vsel vm0, v22, v56;
	v22 =	vperm.xlane v14, v21;
	v21 =	vperm.xlane v15, v21  }
0x11b: {  	[tilespmem:s30+$0xE0] =	vst v20;
	v20 =	vsel vm0, v23, v57  }
0x11c: {  	v58 =	vperm.xlane v13, v16;
	v59 =	vperm.xlane v3, v16;
	[tilespmem:s30+$0x160] =	vst v20;
	v20 =	vsel vm0, v22, v21  }
0x11d: {  	v23 =	vperm.xlane v12, v16;
	vm0 =	vlt.s32 v17, $0x10;
	v17 =	vperm.xlane v11, v16;
	[tilespmem:s30+$0x1E0] =	vst v20  }
0x11e: {  	v21 =	vperm.xlane v9, v16;
	v18 =	vsel vm0, v18, v19;
	v19 =	vperm.xlane v10, v16;
	v22 =	vld [tilespmem:s28+$0x170]  }
0x11f: {  	v20 =	vperm.xlane v6, v16;
	[tilespmem:s26+$0x1F0] =	vst v18;
	v18 =	vsel vm0, v23, v58;
	v23 =	vperm.xlane v7, v16  }
0x120: {  	v17 =	vsel vm0, v17, v21;
	v21 =	vperm.xlane v4, v16;
	[tilespmem:s26+$0xFFFFFE70] =	vst v18;
	v18 =	vperm.xlane v8, v16  }
0x121: {  	[tilespmem:s26+$0xFFFFFEF0] =	vst v17;
	v17 =	vsel vm0, v19, v20;
	v19 =	vperm.xlane v5, v16;
	v20 =	vperm.xlane v1, v16  }
0x122: {  	[tilespmem:s26+$0xFFFFFF70] =	vst v17;
	v17 =	vsel vm0, v23, v59;
	v23 =	vperm.xlane v2, v16;
	v16 =	vperm.xlane v0, v16  }
0x123: {  	[tilespmem:s26+$0xFFFFFFF0] =	vst v17;
	v17 =	vsel vm0, v18, v21;
	v18 =	vsel vm0, v19, v20;
	v19 =	vand.u32 $0xF, v22  }
0x124: {  	[tilespmem:s26+$0x70] =	vst v17;
	v16 =	vsel vm0, v23, v16;
	v14 =	vperm.xlane v14, v19;
	v15 =	vperm.xlane v15, v19  }
0x125: {  	[tilespmem:s26+$0xF0] =	vst v18;
	vm0 =	vlt.s32 v22, $0x10;
	v12 =	vperm.xlane v12, v19;
	v13 =	vperm.xlane v13, v19  }
0x126: {  	[tilespmem:s26+$0x170] =	vst v16;
	v11 =	vperm.xlane v11, v19;
	v9 =	vperm.xlane v9, v19;
	v14 =	vsel vm0, v14, v15  }
0x127: {  	v10 =	vperm.xlane v10, v19;
	v6 =	vperm.xlane v6, v19;
	v12 =	vsel vm0, v12, v13;
	[tilespmem:s30+$0x1F0] =	vst v14  }
0x128: {  	v7 =	vperm.xlane v7, v19;
	v3 =	vperm.xlane v3, v19;
	v9 =	vsel vm0, v11, v9;
	[tilespmem:s30+$0xFFFFFE70] =	vst v12  }
0x129: {  	v5 =	vperm.xlane v5, v19;
	v1 =	vperm.xlane v1, v19;
	v6 =	vsel vm0, v10, v6;
	[tilespmem:s30+$0xFFFFFEF0] =	vst v9  }
0x12a: {  	v2 =	vperm.xlane v2, v19;
	v0 =	vperm.xlane v0, v19;
	v3 =	vsel vm0, v7, v3;
	[tilespmem:s30+$0xFFFFFF70] =	vst v6  }
0x12b: {  	v8 =	vperm.xlane v8, v19;
	v4 =	vperm.xlane v4, v19;
	v1 =	vsel vm0, v5, v1;
	[tilespmem:s30+$0xFFFFFFF0] =	vst v3  }
0x12c: {  	v0 =	vsel vm0, v2, v0;
	[tilespmem:s30+$0xF0] =	vst v1  }
0x12d: {  	s2 =	sshll.u32 s25, $0xC;
	v3 =	vsel vm0, v8, v4;
	[tilespmem:s30+$0x170] =	vst v0  }
0x12e: {  	s2 =	sadd.s32 s3, s2;
	s26 =	sadd.s32 $0x2, s25;
	[tilespmem:s30+$0x70] =	vst v3  }
0x12f: {  	[hbm4b:s2+s4] =	stream.linear.scatter [tilespmem:s16], [sflag:$0x3], $0x8000, $0x38;
	[tilespmem:$0x12100] =	vst v63  }
0x130: {  	s25 =	sshll.u32 s26, $0x9;
	s31 =	sshll.u32 s26, $0xC;
	s2 =	sshll.u32 s26, $0x2  }
0x131: {  	s25 =	sand.u32 $0xFFFC000, s25;
	s26 =	sand.u32 $0x3000, s31;
	s2 =	sand.u32 $0x70, s2  }
0x132: {  	s25 =	sor.u32 s26, s25;
	s2 =	sadd.s32 s1, s2  }
0x133: {  	s2 =	sadd.s32 s25, s2  }
0x134: {  	[tilespmem:s13], [sflag:$0x1] =	stream.strided.gather [hbm4b:s2+s11], $0x1000, s12, s11, $0x38;
	[tilespmem:$0x12100] =	vst v63  }
0x135: {  	_ =	swait.ge [sflag:s17], $0x1000  }
0x136: {  	[sflag:s17] =	ssyncset.done $0x0  }
0x137: {  	s2 =	simm.s32 @!p0 $0x4;
	[sflag:s17] =	ssyncadd.s32 $0xFFFFF000  }
0x138: {  	_ =	swait.ge @!p0 [sflag:s2], $0x8000  }
0x139: {  	[sflag:s2] =	ssyncset.done @!p0 $0x0  }
0x13a: {  	[sflag:s2] =	ssyncadd.s32 @!p0 $0xFFFF8000  }
0x13b: {  	v12 =	vld [tilespmem:$0x0]  }
0x13c: {  	v13 =	vld [tilespmem:$0x10]  }
0x13d: {  	v11 =	vld [tilespmem:$0x20]  }
0x13e: {  	v9 =	vld [tilespmem:$0x30]  }
0x13f: {  	v10 =	vld [tilespmem:$0x40]  }
0x140: {  	v6 =	vld [tilespmem:$0x50]  }
0x141: {  	v7 =	vld [tilespmem:$0x60]  }
0x142: {  	s29 =	simm.s32 $0x0;
	v3 =	vld [tilespmem:$0x70]  }
0x143: {  	v15 =	vld [tilespmem:s29+$0x1100]  }
0x144: {  	v8 =	vld [tilespmem:$0x80]  }
0x145: {  	v4 =	vld [tilespmem:$0x90]  }
0x146: {  	v5 =	vld [tilespmem:$0xA0]  }
0x147: {  	v1 =	vld [tilespmem:$0xB0]  }
0x148: {  	v2 =	vld [tilespmem:$0xC0];
	v16 =	vand.u32 $0xF, v15  }
0x149: {  	v0 =	vld [tilespmem:$0xD0];
	v17 =	vperm.xlane v12, v16;
	v18 =	vperm.xlane v13, v16  }
0x14a: {  	v14 =	vld [tilespmem:$0xE0];
	vm0 =	vlt.s32 v15, $0x10;
	v19 =	vperm.xlane v11, v16;
	v20 =	vperm.xlane v9, v16  }
0x14b: {  	s25 =	simm.s32 $0xA300;
	v15 =	vld [tilespmem:$0xF0];
	v21 =	vperm.xlane v10, v16;
	v22 =	vperm.xlane v6, v16;
	v17 =	vsel vm0, v17, v18  }
0x14c: {  	v23 =	vperm.xlane v3, v16;
	v18 =	vperm.xlane v7, v16;
	[tilespmem:s25+$0xFFFFFE00] =	vst v17;
	v17 =	vsel vm0, v19, v20  }
0x14d: {  	v19 =	vperm.xlane v8, v16;
	v20 =	vperm.xlane v4, v16;
	[tilespmem:s25+$0xFFFFFE80] =	vst v17;
	v17 =	vsel vm0, v21, v22  }
0x14e: {  	v21 =	vperm.xlane v5, v16;
	v22 =	vperm.xlane v1, v16;
	[tilespmem:s25+$0xFFFFFF00] =	vst v17;
	v17 =	vsel vm0, v18, v23  }
0x14f: {  	v18 =	vperm.xlane v2, v16;
	v23 =	vperm.xlane v0, v16;
	[tilespmem:s25+$0xFFFFFF80] =	vst v17;
	v17 =	vsel vm0, v19, v20  }
0x150: {  	v19 =	vperm.xlane v14, v16;
	v16 =	vperm.xlane v15, v16;
	[tilespmem:s25+$0x0] =	vst v17;
	v17 =	vsel vm0, v21, v22  }
0x151: {  	v18 =	vsel vm0, v18, v23;
	[tilespmem:s25+$0x80] =	vst v17  }
0x152: {  	v16 =	vsel vm0, v19, v16;
	[tilespmem:s25+$0x100] =	vst v18  }
0x153: {  	[tilespmem:s25+$0x180] =	vst v16  }
0x154: {  	v16 =	vld [tilespmem:s29+$0x1110];
	_ =	sdelay $0x4  }
0x155: {  	v17 =	vand.u32 $0xF, v16  }
0x156: {  	v18 =	vperm.xlane v12, v17;
	v19 =	vperm.xlane v13, v17  }
0x157: {  	vm0 =	vlt.s32 v16, $0x10;
	v16 =	vperm.xlane v10, v17;
	v22 =	vperm.xlane v6, v17  }
0x158: {  	v20 =	vperm.xlane v11, v17;
	v21 =	vperm.xlane v9, v17;
	v18 =	vsel vm0, v18, v19  }
0x159: {  	v23 =	vperm.xlane v3, v17;
	v19 =	vperm.xlane v7, v17;
	v16 =	vsel vm0, v16, v22;
	[tilespmem:s25+$0xFFFFFE10] =	vst v18  }
0x15a: {  	v18 =	vsel vm0, v20, v21;
	v20 =	vperm.xlane v8, v17;
	v21 =	vperm.xlane v4, v17;
	[tilespmem:s25+$0xFFFFFF10] =	vst v16  }
0x15b: {  	v22 =	vperm.xlane v1, v17;
	[tilespmem:s25+$0xFFFFFE90] =	vst v18;
	v18 =	vperm.xlane v5, v17;
	v16 =	vsel vm0, v19, v23  }
0x15c: {  	v19 =	vperm.xlane v2, v17;
	v23 =	vperm.xlane v0, v17;
	[tilespmem:s25+$0xFFFFFF90] =	vst v16;
	v16 =	vsel vm0, v20, v21  }
0x15d: {  	v18 =	vsel vm0, v18, v22;
	[tilespmem:s25+$0x10] =	vst v16;
	v16 =	vperm.xlane v14, v17;
	v17 =	vperm.xlane v15, v17  }
0x15e: {  	v19 =	vsel vm0, v19, v23;
	[tilespmem:s25+$0x90] =	vst v18  }
0x15f: {  	[tilespmem:s25+$0x110] =	vst v19;
	v16 =	vsel vm0, v16, v17  }
0x160: {  	[tilespmem:s25+$0x190] =	vst v16  }
0x161: {  	v16 =	vld [tilespmem:s29+$0x1120];
	_ =	sdelay $0x4  }
0x162: {  	v17 =	vand.u32 $0xF, v16  }
0x163: {  	v18 =	vperm.xlane v12, v17;
	v19 =	vperm.xlane v13, v17  }
0x164: {  	vm0 =	vlt.s32 v16, $0x10;
	v20 =	vperm.xlane v11, v17;
	v16 =	vperm.xlane v9, v17  }
0x165: {  	v21 =	vperm.xlane v10, v17;
	v18 =	vsel vm0, v18, v19;
	v19 =	vperm.xlane v6, v17  }
0x166: {  	v22 =	vperm.xlane v7, v17;
	v16 =	vsel vm0, v20, v16;
	[tilespmem:s25+$0xFFFFFE20] =	vst v18;
	v18 =	vperm.xlane v3, v17  }
0x167: {  	v20 =	vperm.xlane v8, v17;
	[tilespmem:s25+$0xFFFFFEA0] =	vst v16;
	v16 =	vsel vm0, v21, v19;
	v19 =	vperm.xlane v4, v17  }
0x168: {  	v21 =	vperm.xlane v5, v17;
	[tilespmem:s25+$0xFFFFFF20] =	vst v16;
	v16 =	vsel vm0, v22, v18;
	v18 =	vperm.xlane v1, v17  }
0x169: {  	v22 =	vperm.xlane v2, v17;
	[tilespmem:s25+$0xFFFFFFA0] =	vst v16;
	v16 =	vsel vm0, v20, v19;
	v19 =	vperm.xlane v0, v17  }
0x16a: {  	v20 =	vperm.xlane v14, v17;
	v17 =	vperm.xlane v15, v17;
	[tilespmem:s25+$0x20] =	vst v16;
	v16 =	vsel vm0, v21, v18  }
0x16b: {  	[tilespmem:s25+$0xA0] =	vst v16;
	v16 =	vsel vm0, v22, v19  }
0x16c: {  	[tilespmem:s25+$0x120] =	vst v16;
	v16 =	vsel vm0, v20, v17  }
0x16d: {  	[tilespmem:s25+$0x1A0] =	vst v16  }
0x16e: {  	s26 =	simm.s32 $0x80;
	v16 =	vld [tilespmem:s29+$0x1130]  }
0x16f: {  	v17 =	vld [tilespmem:s26+$0x1100];
	_ =	sdelay $0x3  }
0x170: {  	v18 =	vand.u32 $0xF, v16  }
0x171: {  	v19 =	vand.u32 $0xF, v17;
	v20 =	vperm.xlane v12, v18;
	v21 =	vperm.xlane v13, v18  }
0x172: {  	vm0 =	vlt.s32 v16, $0x10;
	v16 =	vperm.xlane v11, v18;
	v22 =	vperm.xlane v9, v18  }
0x173: {  	v23 =	vperm.xlane v6, v18;
	v20 =	vsel vm0, v20, v21;
	v21 =	vperm.xlane v10, v18  }
0x174: {  	v16 =	vsel vm0, v16, v22;
	v22 =	vperm.xlane v3, v18;
	[tilespmem:s25+$0xFFFFFE30] =	vst v20;
	v20 =	vperm.xlane v7, v18  }
0x175: {  	[tilespmem:s25+$0xFFFFFEB0] =	vst v16;
	v16 =	vsel vm0, v21, v23;
	v21 =	vperm.xlane v8, v18;
	v23 =	vperm.xlane v4, v18  }
0x176: {  	[tilespmem:s25+$0xFFFFFF30] =	vst v16;
	v16 =	vsel vm0, v20, v22;
	v20 =	vperm.xlane v5, v18;
	v22 =	vperm.xlane v1, v18  }
0x177: {  	[tilespmem:s25+$0xFFFFFFB0] =	vst v16;
	v16 =	vsel vm0, v21, v23;
	v21 =	vperm.xlane v2, v18;
	v23 =	vperm.xlane v0, v18  }
0x178: {  	[tilespmem:s25+$0x30] =	vst v16;
	v16 =	vsel vm0, v20, v22;
	v20 =	vperm.xlane v14, v18;
	v18 =	vperm.xlane v15, v18  }
0x179: {  	v60 =	vperm.xlane v13, v19;
	v22 =	vperm.xlane v12, v19;
	[tilespmem:s25+$0xB0] =	vst v16;
	v16 =	vsel vm0, v21, v23  }
0x17a: {  	v21 =	vperm.xlane v11, v19;
	v23 =	vperm.xlane v9, v19;
	[tilespmem:s25+$0x130] =	vst v16;
	v16 =	vsel vm0, v20, v18  }
0x17b: {  	vm0 =	vlt.s32 v17, $0x10;
	v17 =	vperm.xlane v10, v19;
	v18 =	vperm.xlane v6, v19;
	[tilespmem:s25+$0x1B0] =	vst v16  }
0x17c: {  	s28 =	simm.s32 $0xA700;
	v20 =	vperm.xlane v7, v19;
	v16 =	vsel vm0, v22, v60;
	v22 =	vperm.xlane v3, v19;
	v61 =	vld [tilespmem:s29+$0x1140]  }
0x17d: {  	[tilespmem:s28+$0xFFFFFE00] =	vst v16;
	v16 =	vsel vm0, v21, v23;
	v21 =	vperm.xlane v8, v19;
	v23 =	vperm.xlane v4, v19  }
0x17e: {  	[tilespmem:s28+$0xFFFFFE80] =	vst v16;
	v16 =	vsel vm0, v17, v18;
	v17 =	vperm.xlane v5, v19;
	v18 =	vperm.xlane v1, v19  }
0x17f: {  	[tilespmem:s28+$0xFFFFFF00] =	vst v16;
	v16 =	vsel vm0, v20, v22;
	v20 =	vperm.xlane v2, v19;
	v22 =	vperm.xlane v0, v19  }
0x180: {  	[tilespmem:s28+$0xFFFFFF80] =	vst v16;
	v16 =	vsel vm0, v21, v23;
	v21 =	vperm.xlane v14, v19;
	v19 =	vperm.xlane v15, v19  }
0x181: {  	[tilespmem:s28+$0x0] =	vst v16;
	v16 =	vsel vm0, v17, v18;
	v17 =	vsel vm0, v20, v22;
	v18 =	vand.u32 $0xF, v61  }
0x182: {  	[tilespmem:s28+$0x80] =	vst v16;
	v16 =	vsel vm0, v21, v19;
	v19 =	vperm.xlane v12, v18;
	v20 =	vperm.xlane v13, v18  }
0x183: {  	[tilespmem:s28+$0x100] =	vst v17;
	vm0 =	vlt.s32 v61, $0x10;
	v17 =	vperm.xlane v11, v18;
	v21 =	vperm.xlane v9, v18  }
0x184: {  	[tilespmem:s28+$0x180] =	vst v16;
	v16 =	vsel vm0, v19, v20;
	v19 =	vperm.xlane v10, v18;
	v20 =	vperm.xlane v6, v18  }
0x185: {  	v22 =	vld [tilespmem:s26+$0x1110];
	[tilespmem:s25+$0xFFFFFE40] =	vst v16;
	v16 =	vsel vm0, v17, v21;
	v17 =	vperm.xlane v7, v18;
	v21 =	vperm.xlane v3, v18  }
0x186: {  	[tilespmem:s25+$0xFFFFFEC0] =	vst v16;
	v16 =	vsel vm0, v19, v20;
	v19 =	vperm.xlane v8, v18;
	v20 =	vperm.xlane v4, v18  }
0x187: {  	[tilespmem:s25+$0xFFFFFF40] =	vst v16;
	v16 =	vsel vm0, v17, v21;
	v17 =	vperm.xlane v5, v18;
	v21 =	vperm.xlane v1, v18  }
0x188: {  	[tilespmem:s25+$0xFFFFFFC0] =	vst v16;
	v16 =	vsel vm0, v19, v20;
	v19 =	vperm.xlane v2, v18;
	v20 =	vperm.xlane v0, v18  }
0x189: {  	[tilespmem:s25+$0x40] =	vst v16;
	v16 =	vsel vm0, v17, v21;
	v17 =	vperm.xlane v14, v18;
	v18 =	vperm.xlane v15, v18  }
0x18a: {  	v21 =	vand.u32 $0xF, v22;
	[tilespmem:s25+$0xC0] =	vst v16;
	v16 =	vsel vm0, v19, v20  }
0x18b: {  	v19 =	vperm.xlane v12, v21;
	v20 =	vperm.xlane v13, v21;
	[tilespmem:s25+$0x140] =	vst v16;
	v16 =	vsel vm0, v17, v18  }
0x18c: {  	v62 =	vperm.xlane v3, v21;
	v17 =	vperm.xlane v11, v21;
	[tilespmem:s25+$0x1C0] =	vst v16  }
0x18d: {  	v18 =	vperm.xlane v9, v21;
	vm0 =	vlt.s32 v22, $0x10;
	v22 =	vperm.xlane v6, v21;
	v23 =	vld [tilespmem:s29+$0x1150]  }
0x18e: {  	v16 =	vperm.xlane v10, v21;
	v19 =	vsel vm0, v19, v20;
	v20 =	vperm.xlane v7, v21  }
0x18f: {  	[tilespmem:s28+$0xFFFFFE10] =	vst v19;
	v17 =	vsel vm0, v17, v18;
	v18 =	vperm.xlane v8, v21;
	v19 =	vperm.xlane v4, v21  }
0x190: {  	[tilespmem:s28+$0xFFFFFE90] =	vst v17;
	v16 =	vsel vm0, v16, v22;
	v17 =	vperm.xlane v5, v21;
	v22 =	vperm.xlane v1, v21  }
0x191: {  	v63 =	vperm.xlane v0, v21;
	[tilespmem:s28+$0xFFFFFF10] =	vst v16;
	v16 =	vsel vm0, v20, v62;
	v20 =	vperm.xlane v2, v21  }
0x192: {  	[tilespmem:s28+$0xFFFFFF90] =	vst v16;
	v16 =	vsel vm0, v18, v19;
	v17 =	vsel vm0, v17, v22;
	v18 =	vand.u32 $0xF, v23  }
0x193: {  	[tilespmem:s28+$0x10] =	vst v16;
	v16 =	vsel vm0, v20, v63;
	v19 =	vperm.xlane v12, v18;
	v20 =	vperm.xlane v13, v18  }
0x194: {  	[tilespmem:s28+$0x90] =	vst v17;
	vm1 =	vlt.s32 v23, $0x10;
	v17 =	vperm.xlane v11, v18;
	v22 =	vperm.xlane v9, v18  }
0x195: {  	[tilespmem:s28+$0x110] =	vst v16;
	v16 =	vsel vm1, v19, v20;
	v19 =	vperm.xlane v10, v18;
	v20 =	vperm.xlane v6, v18  }
0x196: {  	[tilespmem:s25+$0xFFFFFE50] =	vst v16;
	v16 =	vsel vm1, v17, v22;
	v17 =	vperm.xlane v7, v18;
	v22 =	vperm.xlane v3, v18  }
0x197: {  	[tilespmem:s25+$0xFFFFFED0] =	vst v16;
	v16 =	vsel vm1, v19, v20;
	v19 =	vperm.xlane v8, v18;
	v20 =	vperm.xlane v4, v18  }
0x198: {  	[tilespmem:s25+$0xFFFFFF50] =	vst v16;
	v16 =	vsel vm1, v17, v22;
	v17 =	vperm.xlane v5, v18;
	v22 =	vperm.xlane v1, v18  }
0x199: {  	[tilespmem:s25+$0xFFFFFFD0] =	vst v16;
	v16 =	vsel vm1, v19, v20;
	v19 =	vperm.xlane v2, v18;
	v20 =	vperm.xlane v0, v18  }
0x19a: {  	[tilespmem:s25+$0x50] =	vst v16;
	v16 =	vsel vm1, v17, v22;
	v17 =	vperm.xlane v14, v18;
	v18 =	vperm.xlane v15, v18  }
0x19b: {  	v22 =	vperm.xlane v14, v21;
	v21 =	vperm.xlane v15, v21;
	[tilespmem:s25+$0xD0] =	vst v16;
	v16 =	vsel vm1, v19, v20  }
0x19c: {  	[tilespmem:s25+$0x150] =	vst v16;
	v16 =	vsel vm1, v17, v18  }
0x19d: {  	v17 =	vsel vm0, v22, v21;
	[tilespmem:s25+$0x1D0] =	vst v16  }
0x19e: {  	[tilespmem:s28+$0x190] =	vst v17;
	v16 =	vld [tilespmem:s29+$0x1160]  }
0x19f: {  	v17 =	vld [tilespmem:s26+$0x1120];
	_ =	sdelay $0x3  }
0x1a0: {  	v18 =	vand.u32 $0xF, v16  }
0x1a1: {  	v19 =	vand.u32 $0xF, v17;
	v20 =	vperm.xlane v12, v18;
	v21 =	vperm.xlane v13, v18  }
0x1a2: {  	vm0 =	vlt.s32 v16, $0x10;
	v16 =	vperm.xlane v11, v18;
	v22 =	vperm.xlane v9, v18  }
0x1a3: {  	v23 =	vperm.xlane v6, v18;
	v20 =	vsel vm0, v20, v21;
	v21 =	vperm.xlane v10, v18  }
0x1a4: {  	v16 =	vsel vm0, v16, v22;
	v22 =	vperm.xlane v3, v18;
	[tilespmem:s25+$0xFFFFFE60] =	vst v20;
	v20 =	vperm.xlane v7, v18  }
0x1a5: {  	[tilespmem:s25+$0xFFFFFEE0] =	vst v16;
	v16 =	vsel vm0, v21, v23;
	v21 =	vperm.xlane v8, v18;
	v23 =	vperm.xlane v4, v18  }
0x1a6: {  	[tilespmem:s25+$0xFFFFFF60] =	vst v16;
	v16 =	vsel vm0, v20, v22;
	v20 =	vperm.xlane v5, v18;
	v22 =	vperm.xlane v1, v18  }
0x1a7: {  	[tilespmem:s25+$0xFFFFFFE0] =	vst v16;
	v16 =	vsel vm0, v21, v23;
	v21 =	vperm.xlane v2, v18;
	v23 =	vperm.xlane v0, v18  }
0x1a8: {  	[tilespmem:s25+$0x60] =	vst v16;
	v16 =	vsel vm0, v20, v22;
	v20 =	vperm.xlane v14, v18;
	v18 =	vperm.xlane v15, v18  }
0x1a9: {  	v22 =	vperm.xlane v12, v19;
	[tilespmem:s25+$0xE0] =	vst v16;
	v16 =	vsel vm0, v21, v23  }
0x1aa: {  	v21 =	vperm.xlane v13, v19;
	v23 =	vperm.xlane v11, v19;
	[tilespmem:s25+$0x160] =	vst v16;
	v16 =	vsel vm0, v20, v18  }
0x1ab: {  	vm0 =	vlt.s32 v17, $0x10;
	v18 =	vperm.xlane v9, v19;
	v20 =	vperm.xlane v10, v19;
	[tilespmem:s25+$0x1E0] =	vst v16  }
0x1ac: {  	v16 =	vsel vm0, v22, v21;
	v21 =	vperm.xlane v6, v19;
	v22 =	vperm.xlane v7, v19;
	v17 =	vld [tilespmem:s29+$0x1170]  }
0x1ad: {  	[tilespmem:s28+$0xFFFFFE20] =	vst v16;
	v16 =	vsel vm0, v23, v18;
	v18 =	vperm.xlane v3, v19;
	v23 =	vperm.xlane v8, v19  }
0x1ae: {  	[tilespmem:s28+$0xFFFFFEA0] =	vst v16;
	v16 =	vsel vm0, v20, v21;
	v20 =	vperm.xlane v4, v19;
	v21 =	vperm.xlane v5, v19  }
0x1af: {  	[tilespmem:s28+$0xFFFFFF20] =	vst v16;
	v16 =	vsel vm0, v22, v18;
	v18 =	vperm.xlane v1, v19;
	v22 =	vperm.xlane v2, v19  }
0x1b0: {  	[tilespmem:s28+$0xFFFFFFA0] =	vst v16;
	v16 =	vsel vm0, v23, v20;
	v23 =	vperm.xlane v0, v19;
	v20 =	vperm.xlane v14, v19  }
0x1b1: {  	[tilespmem:s28+$0x20] =	vst v16;
	v18 =	vsel vm0, v21, v18;
	v21 =	vperm.xlane v15, v19;
	v16 =	vand.u32 $0xF, v17  }
0x1b2: {  	s30 =	simm.s32 $0x400;
	s29 =	simm.s32 $0xA700;
	[tilespmem:s28+$0xA0] =	vst v18;
	v22 =	vsel vm0, v22, v23;
	v18 =	vperm.xlane v14, v16;
	v19 =	vperm.xlane v15, v16  }
.LBB2_5:
0x1b3: {  	p0 =	sne.s32 s30, $0x3E00;
	[tilespmem:s28+$0x120] =	vst v22;
	v20 =	vsel vm0, v20, v21;
	vm0 =	vlt.s32 v17, $0x10;
	v17 =	vperm.xlane v12, v16  }
0x1b4: {  	v21 =	vperm.xlane v11, v16;
	[tilespmem:s28+$0x1A0] =	vst v20;
	v20 =	vperm.xlane v13, v16;
	v18 =	vsel vm0, v18, v19  }
0x1b5: {  	s2 =	sshra.s32 s30, $0x2;
	v23 =	vperm.xlane v10, v16;
	v19 =	vperm.xlane v9, v16;
	v22 =	vld [tilespmem:s26+$0x1130];
	[tilespmem:s25+$0x1F0] =	vst v18  }
0x1b6: {  	v18 =	vperm.xlane v6, v16;
	v24 =	vld [tilespmem:s2+$0x1100];
	v17 =	vsel vm0, v17, v20;
	v20 =	vperm.xlane v7, v16  }
0x1b7: {  	[tilespmem:s25+$0xFFFFFE70] =	vst v17;
	v17 =	vsel vm0, v21, v19;
	v19 =	vperm.xlane v3, v16;
	v21 =	vperm.xlane v8, v16  }
0x1b8: {  	[tilespmem:s25+$0xFFFFFEF0] =	vst v17;
	v17 =	vsel vm0, v23, v18;
	v23 =	vperm.xlane v4, v16;
	v18 =	vperm.xlane v5, v16  }
0x1b9: {  	[tilespmem:s25+$0xFFFFFF70] =	vst v17;
	v20 =	vsel vm0, v20, v19;
	v19 =	vperm.xlane v1, v16;
	v17 =	vperm.xlane v2, v16  }
0x1ba: {  	v16 =	vperm.xlane v0, v16;
	v25 =	vand.u32 $0xF, v22;
	[tilespmem:s25+$0xFFFFFFF0] =	vst v20;
	v20 =	vsel vm0, v21, v23  }
0x1bb: {  	v21 =	vand.u32 $0xF, v24;
	v23 =	vperm.xlane v12, v25;
	v26 =	vperm.xlane v13, v25;
	[tilespmem:s25+$0x70] =	vst v20  }
0x1bc: {  	vm1 =	vlt.s32 v22, $0x10;
	v20 =	vperm.xlane v11, v25;
	v22 =	vperm.xlane v9, v25  }
0x1bd: {  	v27 =	vperm.xlane v6, v25;
	v23 =	vsel vm1, v23, v26;
	v26 =	vperm.xlane v10, v25  }
0x1be: {  	v20 =	vsel vm1, v20, v22;
	v22 =	vperm.xlane v7, v25;
	[tilespmem:s28+$0xFFFFFE30] =	vst v23;
	v23 =	vperm.xlane v3, v25  }
0x1bf: {  	[tilespmem:s28+$0xFFFFFEB0] =	vst v20;
	v20 =	vsel vm1, v26, v27;
	v26 =	vperm.xlane v8, v25;
	v27 =	vperm.xlane v4, v25  }
0x1c0: {  	[tilespmem:s28+$0xFFFFFF30] =	vst v20;
	v20 =	vsel vm1, v22, v23;
	v22 =	vperm.xlane v5, v25;
	v23 =	vperm.xlane v1, v25  }
0x1c1: {  	[tilespmem:s28+$0xFFFFFFB0] =	vst v20;
	v20 =	vsel vm1, v26, v27;
	v26 =	vperm.xlane v2, v25;
	v27 =	vperm.xlane v0, v25  }
0x1c2: {  	[tilespmem:s28+$0x30] =	vst v20;
	v20 =	vsel vm1, v22, v23;
	v22 =	vperm.xlane v14, v25;
	v23 =	vperm.xlane v15, v25  }
0x1c3: {  	v28 =	vperm.xlane v13, v21;
	v25 =	vperm.xlane v12, v21;
	[tilespmem:s28+$0xB0] =	vst v20;
	v20 =	vsel vm1, v26, v27  }
0x1c4: {  	v26 =	vperm.xlane v11, v21;
	v27 =	vperm.xlane v9, v21;
	[tilespmem:s28+$0x130] =	vst v20;
	v20 =	vsel vm1, v22, v23  }
0x1c5: {  	vm1 =	vlt.s32 v24, $0x10;
	v22 =	vperm.xlane v10, v21;
	v23 =	vperm.xlane v6, v21;
	[tilespmem:s28+$0x1B0] =	vst v20  }
0x1c6: {  	v24 =	vperm.xlane v7, v21;
	v20 =	vsel vm1, v25, v28;
	v25 =	vperm.xlane v3, v21;
	s28 =	sadd.s32 $0x400, s28;
	v28 =	vld [tilespmem:s26+$0x1140]  }
0x1c7: {  	[tilespmem:s28+$0xFFFFFE00] =	vst v20;
	v20 =	vsel vm1, v26, v27;
	v26 =	vperm.xlane v8, v21;
	v27 =	vperm.xlane v4, v21  }
0x1c8: {  	[tilespmem:s28+$0xFFFFFE80] =	vst v20;
	v20 =	vsel vm1, v22, v23;
	v22 =	vperm.xlane v5, v21;
	v23 =	vperm.xlane v1, v21  }
0x1c9: {  	[tilespmem:s28+$0xFFFFFF00] =	vst v20;
	v20 =	vsel vm1, v24, v25;
	v24 =	vperm.xlane v2, v21;
	v25 =	vperm.xlane v0, v21  }
0x1ca: {  	[tilespmem:s28+$0xFFFFFF80] =	vst v20;
	v20 =	vsel vm1, v26, v27;
	v26 =	vperm.xlane v14, v21;
	v21 =	vperm.xlane v15, v21  }
0x1cb: {  	[tilespmem:s28+$0x0] =	vst v20;
	v20 =	vsel vm1, v22, v23;
	v22 =	vsel vm1, v24, v25;
	v23 =	vand.u32 $0xF, v28  }
0x1cc: {  	[tilespmem:s28+$0x80] =	vst v20;
	v20 =	vsel vm1, v26, v21;
	v21 =	vperm.xlane v12, v23;
	v24 =	vperm.xlane v13, v23  }
0x1cd: {  	vm1 =	vlt.s32 v28, $0x10;
	v25 =	vperm.xlane v9, v23;
	[tilespmem:s28+$0x100] =	vst v22;
	v22 =	vperm.xlane v11, v23  }
0x1ce: {  	[tilespmem:s28+$0x180] =	vst v20;
	v20 =	vsel vm1, v21, v24;
	v21 =	vperm.xlane v10, v23;
	v24 =	vperm.xlane v6, v23  }
0x1cf: {  	v26 =	vld [tilespmem:s2+$0x1110];
	[tilespmem:s29+$0xFFFFFE40] =	vst v20;
	v20 =	vsel vm1, v22, v25;
	v22 =	vperm.xlane v7, v23;
	v25 =	vperm.xlane v3, v23  }
0x1d0: {  	[tilespmem:s29+$0xFFFFFEC0] =	vst v20;
	v20 =	vsel vm1, v21, v24;
	v21 =	vperm.xlane v8, v23;
	v24 =	vperm.xlane v4, v23  }
0x1d1: {  	[tilespmem:s29+$0xFFFFFF40] =	vst v20;
	v20 =	vsel vm1, v22, v25;
	v22 =	vperm.xlane v5, v23;
	v25 =	vperm.xlane v1, v23  }
0x1d2: {  	[tilespmem:s29+$0xFFFFFFC0] =	vst v20;
	v20 =	vsel vm1, v21, v24;
	v21 =	vperm.xlane v2, v23;
	v24 =	vperm.xlane v0, v23  }
0x1d3: {  	[tilespmem:s29+$0x40] =	vst v20;
	v20 =	vsel vm1, v22, v25;
	v22 =	vperm.xlane v14, v23;
	v23 =	vperm.xlane v15, v23  }
0x1d4: {  	v18 =	vsel vm0, v18, v19;
	v25 =	vand.u32 $0xF, v26;
	[tilespmem:s29+$0xC0] =	vst v20;
	v20 =	vsel vm1, v21, v24  }
0x1d5: {  	v19 =	vperm.xlane v12, v25;
	v21 =	vperm.xlane v13, v25;
	[tilespmem:s29+$0x140] =	vst v20;
	v20 =	vsel vm1, v22, v23  }
0x1d6: {  	v16 =	vsel vm0, v17, v16;
	v22 =	vperm.xlane v11, v25;
	v23 =	vperm.xlane v9, v25;
	[tilespmem:s29+$0x1C0] =	vst v20  }
0x1d7: {  	vm0 =	vlt.s32 v26, $0x10;
	v17 =	vperm.xlane v10, v25;
	v20 =	vperm.xlane v6, v25;
	v24 =	vld [tilespmem:s26+$0x1150];
	[tilespmem:s25+$0xF0] =	vst v18  }
0x1d8: {  	v18 =	vsel vm0, v19, v21;
	v19 =	vperm.xlane v7, v25;
	v21 =	vperm.xlane v3, v25;
	[tilespmem:s25+$0x170] =	vst v16;
	s25 =	smov.u32 s29;
	s29 =	smov.u32 s28  }
0x1d9: {  	v16 =	vsel vm0, v22, v23;
	v22 =	vperm.xlane v4, v25;
	[tilespmem:s28+$0xFFFFFE10] =	vst v18;
	v18 =	vperm.xlane v8, v25  }
0x1da: {  	[tilespmem:s28+$0xFFFFFE90] =	vst v16;
	v16 =	vsel vm0, v17, v20;
	v17 =	vperm.xlane v5, v25;
	v20 =	vperm.xlane v1, v25  }
0x1db: {  	[tilespmem:s28+$0xFFFFFF10] =	vst v16;
	v16 =	vsel vm0, v19, v21;
	v19 =	vperm.xlane v2, v25;
	v21 =	vperm.xlane v0, v25  }
0x1dc: {  	[tilespmem:s28+$0xFFFFFF90] =	vst v16;
	v16 =	vsel vm0, v18, v22;
	v17 =	vsel vm0, v17, v20;
	v18 =	vand.u32 $0xF, v24  }
0x1dd: {  	[tilespmem:s28+$0x10] =	vst v16;
	v16 =	vsel vm0, v19, v21;
	v19 =	vperm.xlane v12, v18;
	v20 =	vperm.xlane v13, v18  }
0x1de: {  	vm1 =	vlt.s32 v24, $0x10;
	v21 =	vperm.xlane v9, v18;
	[tilespmem:s28+$0x90] =	vst v17;
	v17 =	vperm.xlane v11, v18  }
0x1df: {  	[tilespmem:s28+$0x110] =	vst v16;
	v16 =	vsel vm1, v19, v20;
	v19 =	vperm.xlane v10, v18;
	v20 =	vperm.xlane v6, v18  }
0x1e0: {  	[tilespmem:s25+$0xFFFFFE50] =	vst v16;
	v16 =	vsel vm1, v17, v21;
	v17 =	vperm.xlane v7, v18;
	v21 =	vperm.xlane v3, v18  }
0x1e1: {  	[tilespmem:s25+$0xFFFFFED0] =	vst v16;
	v16 =	vsel vm1, v19, v20;
	v19 =	vperm.xlane v8, v18;
	v20 =	vperm.xlane v4, v18  }
0x1e2: {  	[tilespmem:s25+$0xFFFFFF50] =	vst v16;
	v16 =	vsel vm1, v17, v21;
	v17 =	vperm.xlane v5, v18;
	v21 =	vperm.xlane v1, v18  }
0x1e3: {  	[tilespmem:s25+$0xFFFFFFD0] =	vst v16;
	v16 =	vsel vm1, v19, v20;
	v19 =	vperm.xlane v2, v18;
	v20 =	vperm.xlane v0, v18  }
0x1e4: {  	[tilespmem:s25+$0x50] =	vst v16;
	v16 =	vsel vm1, v17, v21;
	v17 =	vperm.xlane v14, v18;
	v18 =	vperm.xlane v15, v18  }
0x1e5: {  	v22 =	vperm.xlane v15, v25;
	v21 =	vperm.xlane v14, v25;
	[tilespmem:s25+$0xD0] =	vst v16;
	v16 =	vsel vm1, v19, v20  }
0x1e6: {  	[tilespmem:s25+$0x150] =	vst v16;
	v16 =	vsel vm1, v17, v18  }
0x1e7: {  	v17 =	vsel vm0, v21, v22;
	[tilespmem:s25+$0x1D0] =	vst v16  }
0x1e8: {  	[tilespmem:s28+$0x190] =	vst v17;
	v16 =	vld [tilespmem:s26+$0x1160]  }
0x1e9: {  	v17 =	vld [tilespmem:s2+$0x1120];
	_ =	sdelay $0x3  }
0x1ea: {  	v18 =	vand.u32 $0xF, v16  }
0x1eb: {  	v19 =	vand.u32 $0xF, v17;
	v20 =	vperm.xlane v12, v18;
	v21 =	vperm.xlane v13, v18  }
0x1ec: {  	vm0 =	vlt.s32 v16, $0x10;
	v16 =	vperm.xlane v11, v18;
	v22 =	vperm.xlane v9, v18  }
0x1ed: {  	v23 =	vperm.xlane v6, v18;
	v20 =	vsel vm0, v20, v21;
	v21 =	vperm.xlane v10, v18  }
0x1ee: {  	v16 =	vsel vm0, v16, v22;
	v22 =	vperm.xlane v3, v18;
	[tilespmem:s25+$0xFFFFFE60] =	vst v20;
	v20 =	vperm.xlane v7, v18  }
0x1ef: {  	[tilespmem:s25+$0xFFFFFEE0] =	vst v16;
	v16 =	vsel vm0, v21, v23;
	v21 =	vperm.xlane v8, v18;
	v23 =	vperm.xlane v4, v18  }
0x1f0: {  	[tilespmem:s25+$0xFFFFFF60] =	vst v16;
	v16 =	vsel vm0, v20, v22;
	v20 =	vperm.xlane v5, v18;
	v22 =	vperm.xlane v1, v18  }
0x1f1: {  	[tilespmem:s25+$0xFFFFFFE0] =	vst v16;
	v16 =	vsel vm0, v21, v23;
	v21 =	vperm.xlane v2, v18;
	v23 =	vperm.xlane v0, v18  }
0x1f2: {  	[tilespmem:s25+$0x60] =	vst v16;
	v16 =	vsel vm0, v20, v22;
	v20 =	vperm.xlane v14, v18;
	v18 =	vperm.xlane v15, v18  }
0x1f3: {  	v22 =	vperm.xlane v12, v19;
	[tilespmem:s25+$0xE0] =	vst v16;
	v16 =	vsel vm0, v21, v23  }
0x1f4: {  	v21 =	vperm.xlane v13, v19;
	v23 =	vperm.xlane v11, v19;
	[tilespmem:s25+$0x160] =	vst v16;
	v16 =	vsel vm0, v20, v18  }
0x1f5: {  	vm0 =	vlt.s32 v17, $0x10;
	v18 =	vperm.xlane v9, v19;
	v20 =	vperm.xlane v10, v19;
	[tilespmem:s25+$0x1E0] =	vst v16  }
0x1f6: {  	v16 =	vsel vm0, v22, v21;
	v21 =	vperm.xlane v6, v19;
	v22 =	vperm.xlane v7, v19;
	v17 =	vld [tilespmem:s26+$0x1170];
	s26 =	smov.u32 s2  }
0x1f7: {  	[tilespmem:s28+$0xFFFFFE20] =	vst v16;
	v16 =	vsel vm0, v23, v18;
	v18 =	vperm.xlane v3, v19;
	v23 =	vperm.xlane v8, v19  }
.Ltmp1:
0x1f8: {  	[tilespmem:s28+$0xFFFFFEA0] =	vst v16;
	v16 =	vsel vm0, v20, v21;
	v20 =	vperm.xlane v4, v19;
	v21 =	vperm.xlane v5, v19;
	(pc) =	sbr.rel @p0 .LBB2_5-.Ltmp1, $4  }
0x1f9: {  	[tilespmem:s28+$0xFFFFFF20] =	vst v16;
	v16 =	vsel vm0, v22, v18;
	v18 =	vperm.xlane v1, v19;
	v22 =	vperm.xlane v2, v19  }
0x1fa: {  	[tilespmem:s28+$0xFFFFFFA0] =	vst v16;
	v16 =	vsel vm0, v23, v20;
	v23 =	vperm.xlane v0, v19;
	v20 =	vperm.xlane v14, v19  }
0x1fb: {  	[tilespmem:s28+$0x20] =	vst v16;
	v18 =	vsel vm0, v21, v18;
	v21 =	vperm.xlane v15, v19;
	v16 =	vand.u32 $0xF, v17  }
0x1fc: {  	s30 =	sadd.s32 $0x200, s30;
	[tilespmem:s28+$0xA0] =	vst v18;
	v22 =	vsel vm0, v22, v23;
	v18 =	vperm.xlane v14, v16;
	v19 =	vperm.xlane v15, v16  }
0x1fd: {  	[tilespmem:s28+$0x120] =	vst v22;
	v20 =	vsel vm0, v20, v21  }
0x1fe: {  	[tilespmem:s28+$0x1A0] =	vst v20  }
0x1ff: {  	v20 =	vld [tilespmem:s26+$0x1130];
	_ =	sdelay $0x4  }
0x200: {  	v50 =	vand.u32 $0xF, v20  }
0x201: {  	v51 =	vperm.xlane v12, v50;
	v23 =	vperm.xlane v13, v50  }
0x202: {  	vm10 =	vlt.s32 v20, $0x10;
	v52 =	vperm.xlane v11, v50;
	v24 =	vperm.xlane v9, v50  }
0x203: {  	v53 =	vperm.xlane v10, v50;
	v25 =	vperm.xlane v6, v50;
	v22 =	vsel vm10, v51, v23  }
0x204: {  	v54 =	vperm.xlane v7, v50;
	v55 =	vperm.xlane v3, v50;
	v20 =	vsel vm10, v52, v24;
	[tilespmem:s28+$0xFFFFFE30] =	vst v22  }
0x205: {  	v57 =	vperm.xlane v8, v50;
	v58 =	vperm.xlane v4, v50;
	v56 =	vsel vm10, v53, v25;
	[tilespmem:s28+$0xFFFFFEB0] =	vst v20  }
0x206: {  	v60 =	vperm.xlane v5, v50;
	v61 =	vperm.xlane v1, v50;
	v59 =	vsel vm10, v54, v55;
	[tilespmem:s28+$0xFFFFFF30] =	vst v56  }
0x207: {  	v63 =	vperm.xlane v2, v50;
	v28 =	vperm.xlane v0, v50;
	v62 =	vsel vm10, v57, v58;
	[tilespmem:s28+$0xFFFFFFB0] =	vst v59  }
0x208: {  	v30 =	vperm.xlane v14, v50;
	v21 =	vperm.xlane v15, v50;
	v29 =	vsel vm10, v60, v61;
	[tilespmem:s28+$0x30] =	vst v62  }
0x209: {  	v31 =	vsel vm10, v63, v28;
	[tilespmem:s28+$0xB0] =	vst v29  }
0x20a: {  	v32 =	vsel vm10, v30, v21;
	[tilespmem:s28+$0x130] =	vst v31  }
0x20b: {  	[tilespmem:s28+$0x1B0] =	vst v32  }
0x20c: {  	v20 =	vld [tilespmem:s26+$0x1140];
	_ =	sdelay $0x4  }
0x20d: {  	v33 =	vand.u32 $0xF, v20  }
0x20e: {  	v34 =	vperm.xlane v12, v33;
	v35 =	vperm.xlane v13, v33  }
0x20f: {  	vm11 =	vlt.s32 v20, $0x10;
	v36 =	vperm.xlane v11, v33;
	v37 =	vperm.xlane v9, v33  }
0x210: {  	v38 =	vperm.xlane v10, v33;
	v39 =	vperm.xlane v6, v33;
	v22 =	vsel vm11, v34, v35  }
0x211: {  	v40 =	vperm.xlane v7, v33;
	v41 =	vperm.xlane v3, v33;
	v20 =	vsel vm11, v36, v37;
	[tilespmem:s29+$0xFFFFFE40] =	vst v22  }
0x212: {  	v43 =	vperm.xlane v8, v33;
	v44 =	vperm.xlane v4, v33;
	v42 =	vsel vm11, v38, v39;
	[tilespmem:s29+$0xFFFFFEC0] =	vst v20  }
0x213: {  	v46 =	vperm.xlane v5, v33;
	v47 =	vperm.xlane v1, v33;
	v45 =	vsel vm11, v40, v41;
	[tilespmem:s29+$0xFFFFFF40] =	vst v42  }
0x214: {  	v49 =	vperm.xlane v2, v33;
	v50 =	vperm.xlane v0, v33;
	v48 =	vsel vm11, v43, v44;
	[tilespmem:s29+$0xFFFFFFC0] =	vst v45  }
0x215: {  	v52 =	vperm.xlane v14, v33;
	v21 =	vperm.xlane v15, v33;
	v51 =	vsel vm11, v46, v47;
	[tilespmem:s29+$0x40] =	vst v48  }
0x216: {  	v53 =	vsel vm11, v49, v50;
	[tilespmem:s29+$0xC0] =	vst v51  }
0x217: {  	v54 =	vsel vm11, v52, v21;
	[tilespmem:s29+$0x140] =	vst v53  }
0x218: {  	[tilespmem:s29+$0x1C0] =	vst v54  }
0x219: {  	v20 =	vld [tilespmem:s26+$0x1150];
	_ =	sdelay $0x4  }
0x21a: {  	v55 =	vand.u32 $0xF, v20  }
0x21b: {  	v56 =	vperm.xlane v12, v55;
	v57 =	vperm.xlane v13, v55  }
0x21c: {  	vm12 =	vlt.s32 v20, $0x10;
	v58 =	vperm.xlane v11, v55;
	v59 =	vperm.xlane v9, v55  }
0x21d: {  	v60 =	vperm.xlane v10, v55;
	v61 =	vperm.xlane v6, v55;
	v22 =	vsel vm12, v56, v57  }
0x21e: {  	v62 =	vperm.xlane v7, v55;
	v63 =	vperm.xlane v3, v55;
	v20 =	vsel vm12, v58, v59;
	[tilespmem:s29+$0xFFFFFE50] =	vst v22  }
0x21f: {  	v29 =	vperm.xlane v8, v55;
	v30 =	vperm.xlane v4, v55;
	v28 =	vsel vm12, v60, v61;
	[tilespmem:s29+$0xFFFFFED0] =	vst v20  }
0x220: {  	v32 =	vperm.xlane v5, v55;
	v33 =	vperm.xlane v1, v55;
	v31 =	vsel vm12, v62, v63;
	[tilespmem:s29+$0xFFFFFF50] =	vst v28  }
0x221: {  	v35 =	vperm.xlane v2, v55;
	v36 =	vperm.xlane v0, v55;
	v34 =	vsel vm12, v29, v30;
	[tilespmem:s29+$0xFFFFFFD0] =	vst v31  }
0x222: {  	v38 =	vperm.xlane v14, v55;
	v21 =	vperm.xlane v15, v55;
	v37 =	vsel vm12, v32, v33;
	[tilespmem:s29+$0x50] =	vst v34  }
0x223: {  	v39 =	vsel vm12, v35, v36;
	[tilespmem:s29+$0xD0] =	vst v37  }
0x224: {  	v40 =	vsel vm12, v38, v21;
	[tilespmem:s29+$0x150] =	vst v39  }
0x225: {  	[tilespmem:s29+$0x1D0] =	vst v40  }
0x226: {  	v20 =	vld [tilespmem:s26+$0x1160];
	_ =	sdelay $0x4  }
0x227: {  	v41 =	vand.u32 $0xF, v20  }
0x228: {  	v42 =	vperm.xlane v12, v41;
	v43 =	vperm.xlane v13, v41  }
0x229: {  	vm13 =	vlt.s32 v20, $0x10;
	v44 =	vperm.xlane v11, v41;
	v45 =	vperm.xlane v9, v41  }
0x22a: {  	v46 =	vperm.xlane v10, v41;
	v47 =	vperm.xlane v6, v41;
	v22 =	vsel vm13, v42, v43  }
0x22b: {  	v48 =	vperm.xlane v7, v41;
	v49 =	vperm.xlane v3, v41;
	v20 =	vsel vm13, v44, v45;
	[tilespmem:s29+$0xFFFFFE60] =	vst v22  }
0x22c: {  	v51 =	vperm.xlane v8, v41;
	v52 =	vperm.xlane v4, v41;
	v50 =	vsel vm13, v46, v47;
	[tilespmem:s29+$0xFFFFFEE0] =	vst v20  }
0x22d: {  	v54 =	vperm.xlane v5, v41;
	v55 =	vperm.xlane v1, v41;
	v53 =	vsel vm13, v48, v49;
	[tilespmem:s29+$0xFFFFFF60] =	vst v50  }
0x22e: {  	v57 =	vperm.xlane v2, v41;
	v58 =	vperm.xlane v0, v41;
	v56 =	vsel vm13, v51, v52;
	[tilespmem:s29+$0xFFFFFFE0] =	vst v53  }
0x22f: {  	v60 =	vperm.xlane v14, v41;
	v21 =	vperm.xlane v15, v41;
	v59 =	vsel vm13, v54, v55;
	[tilespmem:s29+$0x60] =	vst v56  }
0x230: {  	v61 =	vsel vm13, v57, v58;
	[tilespmem:s29+$0xE0] =	vst v59  }
0x231: {  	v62 =	vperm.xlane v12, v16;
	v63 =	vperm.xlane v13, v16;
	v27 =	vsel vm13, v60, v21;
	[tilespmem:s29+$0x160] =	vst v61  }
0x232: {  	vm14 =	vlt.s32 v17, $0x10;
	v29 =	vperm.xlane v9, v16;
	v30 =	vperm.xlane v10, v16;
	[tilespmem:s29+$0x1E0] =	vst v27  }
0x233: {  	v18 =	vsel vm14, v18, v19;
	v35 =	vperm.xlane v3, v16;
	v28 =	vperm.xlane v11, v16;
	v32 =	vld [tilespmem:s26+$0x1170]  }
0x234: {  	[tilespmem:s25+$0x1F0] =	vst v18;
	v36 =	vperm.xlane v8, v16;
	v31 =	vperm.xlane v6, v16;
	v33 =	vsel vm14, v62, v63  }
0x235: {  	v34 =	vperm.xlane v7, v16;
	v37 =	vperm.xlane v4, v16;
	[tilespmem:s25+$0xFFFFFE70] =	vst v33;
	v17 =	vsel vm14, v28, v29  }
0x236: {  	v39 =	vperm.xlane v5, v16;
	v40 =	vperm.xlane v1, v16;
	v38 =	vsel vm14, v30, v31;
	[tilespmem:s25+$0xFFFFFEF0] =	vst v17  }
0x237: {  	[tilespmem:s25+$0xFFFFFF70] =	vst v38;
	v41 =	vsel vm14, v34, v35;
	v42 =	vperm.xlane v2, v16;
	v43 =	vperm.xlane v0, v16  }
0x238: {  	[tilespmem:s25+$0xFFFFFFF0] =	vst v41;
	v44 =	vsel vm14, v36, v37;
	v45 =	vsel vm14, v39, v40;
	v46 =	vand.u32 $0xF, v32  }
0x239: {  	[tilespmem:s25+$0x70] =	vst v44;
	v16 =	vsel vm14, v42, v43;
	v47 =	vperm.xlane v14, v46;
	v48 =	vperm.xlane v15, v46  }
0x23a: {  	[tilespmem:s25+$0xF0] =	vst v45;
	vm15 =	vlt.s32 v32, $0x10;
	v49 =	vperm.xlane v12, v46;
	v50 =	vperm.xlane v13, v46  }
0x23b: {  	[tilespmem:s25+$0x170] =	vst v16;
	v51 =	vperm.xlane v11, v46;
	v52 =	vperm.xlane v9, v46;
	v14 =	vsel vm15, v47, v48  }
0x23c: {  	v53 =	vperm.xlane v10, v46;
	v54 =	vperm.xlane v6, v46;
	v12 =	vsel vm15, v49, v50;
	[tilespmem:s29+$0x1F0] =	vst v14  }
0x23d: {  	v55 =	vperm.xlane v7, v46;
	v56 =	vperm.xlane v3, v46;
	v9 =	vsel vm15, v51, v52;
	[tilespmem:s29+$0xFFFFFE70] =	vst v12  }
0x23e: {  	s22 =	sadd.s32 $0x1, s22;
	v57 =	vperm.xlane v8, v46;
	v58 =	vperm.xlane v4, v46;
	v6 =	vsel vm15, v53, v54;
	[tilespmem:s29+$0xFFFFFEF0] =	vst v9  }
0x23f: {  	p0 =	sne.s32 s22, $0xC;
	v59 =	vperm.xlane v5, v46;
	v60 =	vperm.xlane v1, v46;
	v3 =	vsel vm15, v55, v56;
	[tilespmem:s29+$0xFFFFFF70] =	vst v6  }
.Ltmp2:
0x240: {  	s2 =	sshll.u32 s24, $0x11;
	v61 =	vperm.xlane v2, v46;
	v63 =	vperm.xlane v0, v46;
	v62 =	vsel vm15, v57, v58;
	[tilespmem:s29+$0xFFFFFFF0] =	vst v3;
	(pc) =	sbr.rel @p0 .LBB2_2-.Ltmp2, $4  }
0x241: {  	s2 =	sor.u32 s23, s2;
	v1 =	vsel vm15, v59, v60;
	[tilespmem:s29+$0x70] =	vst v62  }
0x242: {  	s2 =	sshrl.u32 s2, $0x3;
	v0 =	vsel vm15, v61, v63;
	[tilespmem:s29+$0xF0] =	vst v1  }
0x243: {  	s2 =	sadd.s32 s3, s2;
	[tilespmem:s29+$0x170] =	vst v0  }
0x244: {  	[hbm4b:s2+s4] =	stream.linear.scatter [tilespmem:s18], [sflag:$0x4], $0x8000, $0x38;
	[tilespmem:$0x12100] =	vst v63  }
0x245: {  	_ =	swait.ge [sflag:s15], $0x1000  }
0x246: {  	[sflag:s15] =	ssyncset.done $0x0  }
0x247: {  	[sflag:s15] =	ssyncadd.s32 $0xFFFFF000  }
0x248: {  	_ =	swait.ge [sflag:s19], $0x8000  }
0x249: {  	[sflag:s19] =	ssyncset.done $0x0  }
0x24a: {  	[sflag:s19] =	ssyncadd.s32 $0xFFFF8000  }
0x24b: {  	v12 =	vld [tilespmem:$0x0]  }
0x24c: {  	v13 =	vld [tilespmem:$0x10]  }
0x24d: {  	v11 =	vld [tilespmem:$0x20]  }
0x24e: {  	v9 =	vld [tilespmem:$0x30]  }
0x24f: {  	v10 =	vld [tilespmem:$0x40]  }
0x250: {  	v6 =	vld [tilespmem:$0x50]  }
0x251: {  	v7 =	vld [tilespmem:$0x60]  }
0x252: {  	s25 =	simm.s32 $0x0;
	v3 =	vld [tilespmem:$0x70]  }
0x253: {  	v15 =	vld [tilespmem:s25+$0x100]  }
0x254: {  	v8 =	vld [tilespmem:$0x80]  }
0x255: {  	v4 =	vld [tilespmem:$0x90]  }
0x256: {  	v5 =	vld [tilespmem:$0xA0]  }
0x257: {  	v1 =	vld [tilespmem:$0xB0]  }
0x258: {  	v2 =	vld [tilespmem:$0xC0];
	v16 =	vand.u32 $0xF, v15  }
0x259: {  	v0 =	vld [tilespmem:$0xD0];
	v17 =	vperm.xlane v12, v16;
	v18 =	vperm.xlane v13, v16  }
0x25a: {  	v14 =	vld [tilespmem:$0xE0];
	vm0 =	vlt.s32 v15, $0x10;
	v19 =	vperm.xlane v11, v16;
	v20 =	vperm.xlane v9, v16  }
0x25b: {  	s22 =	simm.s32 $0x2300;
	v15 =	vld [tilespmem:$0xF0];
	v21 =	vperm.xlane v10, v16;
	v22 =	vperm.xlane v6, v16;
	v17 =	vsel vm0, v17, v18  }
0x25c: {  	v23 =	vperm.xlane v3, v16;
	v18 =	vperm.xlane v7, v16;
	[tilespmem:s22+$0xFFFFFE00] =	vst v17;
	v17 =	vsel vm0, v19, v20  }
0x25d: {  	v19 =	vperm.xlane v8, v16;
	v20 =	vperm.xlane v4, v16;
	[tilespmem:s22+$0xFFFFFE80] =	vst v17;
	v17 =	vsel vm0, v21, v22  }
0x25e: {  	v21 =	vperm.xlane v5, v16;
	v22 =	vperm.xlane v1, v16;
	[tilespmem:s22+$0xFFFFFF00] =	vst v17;
	v17 =	vsel vm0, v18, v23  }
0x25f: {  	v18 =	vperm.xlane v2, v16;
	v23 =	vperm.xlane v0, v16;
	[tilespmem:s22+$0xFFFFFF80] =	vst v17;
	v17 =	vsel vm0, v19, v20  }
0x260: {  	v19 =	vperm.xlane v14, v16;
	v16 =	vperm.xlane v15, v16;
	[tilespmem:s22+$0x0] =	vst v17;
	v17 =	vsel vm0, v21, v22  }
0x261: {  	v18 =	vsel vm0, v18, v23;
	[tilespmem:s22+$0x80] =	vst v17  }
0x262: {  	v16 =	vsel vm0, v19, v16;
	[tilespmem:s22+$0x100] =	vst v18  }
0x263: {  	[tilespmem:s22+$0x180] =	vst v16  }
0x264: {  	v16 =	vld [tilespmem:s25+$0x110];
	_ =	sdelay $0x4  }
0x265: {  	v17 =	vand.u32 $0xF, v16  }
0x266: {  	v18 =	vperm.xlane v12, v17;
	v19 =	vperm.xlane v13, v17  }
0x267: {  	vm0 =	vlt.s32 v16, $0x10;
	v16 =	vperm.xlane v10, v17;
	v22 =	vperm.xlane v6, v17  }
0x268: {  	v20 =	vperm.xlane v11, v17;
	v21 =	vperm.xlane v9, v17;
	v18 =	vsel vm0, v18, v19  }
0x269: {  	v23 =	vperm.xlane v3, v17;
	v19 =	vperm.xlane v7, v17;
	v16 =	vsel vm0, v16, v22;
	[tilespmem:s22+$0xFFFFFE10] =	vst v18  }
0x26a: {  	v18 =	vsel vm0, v20, v21;
	v20 =	vperm.xlane v8, v17;
	v21 =	vperm.xlane v4, v17;
	[tilespmem:s22+$0xFFFFFF10] =	vst v16  }
0x26b: {  	v22 =	vperm.xlane v1, v17;
	[tilespmem:s22+$0xFFFFFE90] =	vst v18;
	v18 =	vperm.xlane v5, v17;
	v16 =	vsel vm0, v19, v23  }
0x26c: {  	v19 =	vperm.xlane v2, v17;
	v23 =	vperm.xlane v0, v17;
	[tilespmem:s22+$0xFFFFFF90] =	vst v16;
	v16 =	vsel vm0, v20, v21  }
0x26d: {  	v18 =	vsel vm0, v18, v22;
	[tilespmem:s22+$0x10] =	vst v16;
	v16 =	vperm.xlane v14, v17;
	v17 =	vperm.xlane v15, v17  }
0x26e: {  	v19 =	vsel vm0, v19, v23;
	[tilespmem:s22+$0x90] =	vst v18  }
0x26f: {  	[tilespmem:s22+$0x110] =	vst v19;
	v16 =	vsel vm0, v16, v17  }
0x270: {  	[tilespmem:s22+$0x190] =	vst v16  }
0x271: {  	v16 =	vld [tilespmem:s25+$0x120];
	_ =	sdelay $0x4  }
0x272: {  	v17 =	vand.u32 $0xF, v16  }
0x273: {  	v18 =	vperm.xlane v12, v17;
	v19 =	vperm.xlane v13, v17  }
0x274: {  	vm0 =	vlt.s32 v16, $0x10;
	v20 =	vperm.xlane v11, v17;
	v16 =	vperm.xlane v9, v17  }
0x275: {  	v21 =	vperm.xlane v10, v17;
	v18 =	vsel vm0, v18, v19;
	v19 =	vperm.xlane v6, v17  }
0x276: {  	v22 =	vperm.xlane v7, v17;
	v16 =	vsel vm0, v20, v16;
	[tilespmem:s22+$0xFFFFFE20] =	vst v18;
	v18 =	vperm.xlane v3, v17  }
0x277: {  	v20 =	vperm.xlane v8, v17;
	[tilespmem:s22+$0xFFFFFEA0] =	vst v16;
	v16 =	vsel vm0, v21, v19;
	v19 =	vperm.xlane v4, v17  }
0x278: {  	v21 =	vperm.xlane v5, v17;
	[tilespmem:s22+$0xFFFFFF20] =	vst v16;
	v16 =	vsel vm0, v22, v18;
	v18 =	vperm.xlane v1, v17  }
0x279: {  	v22 =	vperm.xlane v2, v17;
	[tilespmem:s22+$0xFFFFFFA0] =	vst v16;
	v16 =	vsel vm0, v20, v19;
	v19 =	vperm.xlane v0, v17  }
0x27a: {  	v20 =	vperm.xlane v14, v17;
	v17 =	vperm.xlane v15, v17;
	[tilespmem:s22+$0x20] =	vst v16;
	v16 =	vsel vm0, v21, v18  }
0x27b: {  	[tilespmem:s22+$0xA0] =	vst v16;
	v16 =	vsel vm0, v22, v19  }
0x27c: {  	[tilespmem:s22+$0x120] =	vst v16;
	v16 =	vsel vm0, v20, v17  }
0x27d: {  	[tilespmem:s22+$0x1A0] =	vst v16  }
0x27e: {  	s23 =	simm.s32 $0x80;
	v16 =	vld [tilespmem:s25+$0x130]  }
0x27f: {  	v17 =	vld [tilespmem:s23+$0x100];
	_ =	sdelay $0x3  }
0x280: {  	v18 =	vand.u32 $0xF, v16  }
0x281: {  	v19 =	vand.u32 $0xF, v17;
	v20 =	vperm.xlane v12, v18;
	v21 =	vperm.xlane v13, v18  }
0x282: {  	vm0 =	vlt.s32 v16, $0x10;
	v16 =	vperm.xlane v11, v18;
	v22 =	vperm.xlane v9, v18  }
0x283: {  	v23 =	vperm.xlane v6, v18;
	v20 =	vsel vm0, v20, v21;
	v21 =	vperm.xlane v10, v18  }
0x284: {  	v16 =	vsel vm0, v16, v22;
	v22 =	vperm.xlane v3, v18;
	[tilespmem:s22+$0xFFFFFE30] =	vst v20;
	v20 =	vperm.xlane v7, v18  }
0x285: {  	[tilespmem:s22+$0xFFFFFEB0] =	vst v16;
	v16 =	vsel vm0, v21, v23;
	v21 =	vperm.xlane v8, v18;
	v23 =	vperm.xlane v4, v18  }
0x286: {  	[tilespmem:s22+$0xFFFFFF30] =	vst v16;
	v16 =	vsel vm0, v20, v22;
	v20 =	vperm.xlane v5, v18;
	v22 =	vperm.xlane v1, v18  }
0x287: {  	[tilespmem:s22+$0xFFFFFFB0] =	vst v16;
	v16 =	vsel vm0, v21, v23;
	v21 =	vperm.xlane v2, v18;
	v23 =	vperm.xlane v0, v18  }
0x288: {  	[tilespmem:s22+$0x30] =	vst v16;
	v16 =	vsel vm0, v20, v22;
	v20 =	vperm.xlane v14, v18;
	v18 =	vperm.xlane v15, v18  }
0x289: {  	v24 =	vperm.xlane v13, v19;
	v22 =	vperm.xlane v12, v19;
	[tilespmem:s22+$0xB0] =	vst v16;
	v16 =	vsel vm0, v21, v23  }
0x28a: {  	v21 =	vperm.xlane v11, v19;
	v23 =	vperm.xlane v9, v19;
	[tilespmem:s22+$0x130] =	vst v16;
	v16 =	vsel vm0, v20, v18  }
0x28b: {  	vm0 =	vlt.s32 v17, $0x10;
	v17 =	vperm.xlane v10, v19;
	v18 =	vperm.xlane v6, v19;
	[tilespmem:s22+$0x1B0] =	vst v16  }
0x28c: {  	s24 =	simm.s32 $0x2700;
	v20 =	vperm.xlane v7, v19;
	v16 =	vsel vm0, v22, v24;
	v22 =	vperm.xlane v3, v19;
	v61 =	vld [tilespmem:s25+$0x140]  }
0x28d: {  	[tilespmem:s24+$0xFFFFFE00] =	vst v16;
	v16 =	vsel vm0, v21, v23;
	v21 =	vperm.xlane v8, v19;
	v23 =	vperm.xlane v4, v19  }
0x28e: {  	[tilespmem:s24+$0xFFFFFE80] =	vst v16;
	v16 =	vsel vm0, v17, v18;
	v17 =	vperm.xlane v5, v19;
	v18 =	vperm.xlane v1, v19  }
0x28f: {  	[tilespmem:s24+$0xFFFFFF00] =	vst v16;
	v16 =	vsel vm0, v20, v22;
	v20 =	vperm.xlane v2, v19;
	v22 =	vperm.xlane v0, v19  }
0x290: {  	[tilespmem:s24+$0xFFFFFF80] =	vst v16;
	v16 =	vsel vm0, v21, v23;
	v21 =	vperm.xlane v14, v19;
	v19 =	vperm.xlane v15, v19  }
0x291: {  	[tilespmem:s24+$0x0] =	vst v16;
	v16 =	vsel vm0, v17, v18;
	v17 =	vsel vm0, v20, v22;
	v18 =	vand.u32 $0xF, v61  }
0x292: {  	[tilespmem:s24+$0x80] =	vst v16;
	v16 =	vsel vm0, v21, v19;
	v19 =	vperm.xlane v12, v18;
	v20 =	vperm.xlane v13, v18  }
0x293: {  	[tilespmem:s24+$0x100] =	vst v17;
	vm0 =	vlt.s32 v61, $0x10;
	v17 =	vperm.xlane v11, v18;
	v21 =	vperm.xlane v9, v18  }
0x294: {  	[tilespmem:s24+$0x180] =	vst v16;
	v16 =	vsel vm0, v19, v20;
	v19 =	vperm.xlane v10, v18;
	v20 =	vperm.xlane v6, v18  }
0x295: {  	v22 =	vld [tilespmem:s23+$0x110];
	[tilespmem:s22+$0xFFFFFE40] =	vst v16;
	v16 =	vsel vm0, v17, v21;
	v17 =	vperm.xlane v7, v18;
	v21 =	vperm.xlane v3, v18  }
0x296: {  	[tilespmem:s22+$0xFFFFFEC0] =	vst v16;
	v16 =	vsel vm0, v19, v20;
	v19 =	vperm.xlane v8, v18;
	v20 =	vperm.xlane v4, v18  }
0x297: {  	[tilespmem:s22+$0xFFFFFF40] =	vst v16;
	v16 =	vsel vm0, v17, v21;
	v17 =	vperm.xlane v5, v18;
	v21 =	vperm.xlane v1, v18  }
0x298: {  	[tilespmem:s22+$0xFFFFFFC0] =	vst v16;
	v16 =	vsel vm0, v19, v20;
	v19 =	vperm.xlane v2, v18;
	v20 =	vperm.xlane v0, v18  }
0x299: {  	[tilespmem:s22+$0x40] =	vst v16;
	v16 =	vsel vm0, v17, v21;
	v17 =	vperm.xlane v14, v18;
	v18 =	vperm.xlane v15, v18  }
0x29a: {  	v21 =	vand.u32 $0xF, v22;
	[tilespmem:s22+$0xC0] =	vst v16;
	v16 =	vsel vm0, v19, v20  }
0x29b: {  	v19 =	vperm.xlane v12, v21;
	v20 =	vperm.xlane v13, v21;
	[tilespmem:s22+$0x140] =	vst v16;
	v16 =	vsel vm0, v17, v18  }
0x29c: {  	v62 =	vperm.xlane v3, v21;
	v17 =	vperm.xlane v11, v21;
	[tilespmem:s22+$0x1C0] =	vst v16  }
0x29d: {  	v18 =	vperm.xlane v9, v21;
	vm0 =	vlt.s32 v22, $0x10;
	v22 =	vperm.xlane v6, v21;
	v23 =	vld [tilespmem:s25+$0x150]  }
0x29e: {  	v16 =	vperm.xlane v10, v21;
	v19 =	vsel vm0, v19, v20;
	v20 =	vperm.xlane v7, v21  }
0x29f: {  	[tilespmem:s24+$0xFFFFFE10] =	vst v19;
	v17 =	vsel vm0, v17, v18;
	v18 =	vperm.xlane v8, v21;
	v19 =	vperm.xlane v4, v21  }
0x2a0: {  	[tilespmem:s24+$0xFFFFFE90] =	vst v17;
	v16 =	vsel vm0, v16, v22;
	v17 =	vperm.xlane v5, v21;
	v22 =	vperm.xlane v1, v21  }
0x2a1: {  	v63 =	vperm.xlane v0, v21;
	[tilespmem:s24+$0xFFFFFF10] =	vst v16;
	v16 =	vsel vm0, v20, v62;
	v20 =	vperm.xlane v2, v21  }
0x2a2: {  	[tilespmem:s24+$0xFFFFFF90] =	vst v16;
	v16 =	vsel vm0, v18, v19;
	v17 =	vsel vm0, v17, v22;
	v18 =	vand.u32 $0xF, v23  }
0x2a3: {  	[tilespmem:s24+$0x10] =	vst v16;
	v16 =	vsel vm0, v20, v63;
	v19 =	vperm.xlane v12, v18;
	v20 =	vperm.xlane v13, v18  }
0x2a4: {  	[tilespmem:s24+$0x90] =	vst v17;
	vm1 =	vlt.s32 v23, $0x10;
	v17 =	vperm.xlane v11, v18;
	v22 =	vperm.xlane v9, v18  }
0x2a5: {  	[tilespmem:s24+$0x110] =	vst v16;
	v16 =	vsel vm1, v19, v20;
	v19 =	vperm.xlane v10, v18;
	v20 =	vperm.xlane v6, v18  }
0x2a6: {  	[tilespmem:s22+$0xFFFFFE50] =	vst v16;
	v16 =	vsel vm1, v17, v22;
	v17 =	vperm.xlane v7, v18;
	v22 =	vperm.xlane v3, v18  }
0x2a7: {  	[tilespmem:s22+$0xFFFFFED0] =	vst v16;
	v16 =	vsel vm1, v19, v20;
	v19 =	vperm.xlane v8, v18;
	v20 =	vperm.xlane v4, v18  }
0x2a8: {  	[tilespmem:s22+$0xFFFFFF50] =	vst v16;
	v16 =	vsel vm1, v17, v22;
	v17 =	vperm.xlane v5, v18;
	v22 =	vperm.xlane v1, v18  }
0x2a9: {  	[tilespmem:s22+$0xFFFFFFD0] =	vst v16;
	v16 =	vsel vm1, v19, v20;
	v19 =	vperm.xlane v2, v18;
	v20 =	vperm.xlane v0, v18  }
0x2aa: {  	[tilespmem:s22+$0x50] =	vst v16;
	v16 =	vsel vm1, v17, v22;
	v17 =	vperm.xlane v14, v18;
	v18 =	vperm.xlane v15, v18  }
0x2ab: {  	v22 =	vperm.xlane v14, v21;
	v21 =	vperm.xlane v15, v21;
	[tilespmem:s22+$0xD0] =	vst v16;
	v16 =	vsel vm1, v19, v20  }
0x2ac: {  	[tilespmem:s22+$0x150] =	vst v16;
	v16 =	vsel vm1, v17, v18  }
0x2ad: {  	v17 =	vsel vm0, v22, v21;
	[tilespmem:s22+$0x1D0] =	vst v16  }
0x2ae: {  	[tilespmem:s24+$0x190] =	vst v17;
	v16 =	vld [tilespmem:s25+$0x160]  }
0x2af: {  	v17 =	vld [tilespmem:s23+$0x120];
	_ =	sdelay $0x3  }
0x2b0: {  	v18 =	vand.u32 $0xF, v16  }
0x2b1: {  	v19 =	vand.u32 $0xF, v17;
	v20 =	vperm.xlane v12, v18;
	v21 =	vperm.xlane v13, v18  }
0x2b2: {  	vm0 =	vlt.s32 v16, $0x10;
	v16 =	vperm.xlane v11, v18;
	v22 =	vperm.xlane v9, v18  }
0x2b3: {  	v23 =	vperm.xlane v6, v18;
	v20 =	vsel vm0, v20, v21;
	v21 =	vperm.xlane v10, v18  }
0x2b4: {  	v16 =	vsel vm0, v16, v22;
	v22 =	vperm.xlane v3, v18;
	[tilespmem:s22+$0xFFFFFE60] =	vst v20;
	v20 =	vperm.xlane v7, v18  }
0x2b5: {  	[tilespmem:s22+$0xFFFFFEE0] =	vst v16;
	v16 =	vsel vm0, v21, v23;
	v21 =	vperm.xlane v8, v18;
	v23 =	vperm.xlane v4, v18  }
0x2b6: {  	[tilespmem:s22+$0xFFFFFF60] =	vst v16;
	v16 =	vsel vm0, v20, v22;
	v20 =	vperm.xlane v5, v18;
	v22 =	vperm.xlane v1, v18  }
0x2b7: {  	[tilespmem:s22+$0xFFFFFFE0] =	vst v16;
	v16 =	vsel vm0, v21, v23;
	v21 =	vperm.xlane v2, v18;
	v23 =	vperm.xlane v0, v18  }
0x2b8: {  	[tilespmem:s22+$0x60] =	vst v16;
	v16 =	vsel vm0, v20, v22;
	v20 =	vperm.xlane v14, v18;
	v18 =	vperm.xlane v15, v18  }
0x2b9: {  	v22 =	vperm.xlane v12, v19;
	[tilespmem:s22+$0xE0] =	vst v16;
	v16 =	vsel vm0, v21, v23  }
0x2ba: {  	v21 =	vperm.xlane v13, v19;
	v23 =	vperm.xlane v11, v19;
	[tilespmem:s22+$0x160] =	vst v16;
	v16 =	vsel vm0, v20, v18  }
0x2bb: {  	vm0 =	vlt.s32 v17, $0x10;
	v18 =	vperm.xlane v9, v19;
	v20 =	vperm.xlane v10, v19;
	[tilespmem:s22+$0x1E0] =	vst v16  }
0x2bc: {  	v16 =	vsel vm0, v22, v21;
	v21 =	vperm.xlane v6, v19;
	v22 =	vperm.xlane v7, v19;
	v17 =	vld [tilespmem:s25+$0x170]  }
0x2bd: {  	[tilespmem:s24+$0xFFFFFE20] =	vst v16;
	v16 =	vsel vm0, v23, v18;
	v18 =	vperm.xlane v3, v19;
	v23 =	vperm.xlane v8, v19  }
0x2be: {  	[tilespmem:s24+$0xFFFFFEA0] =	vst v16;
	v16 =	vsel vm0, v20, v21;
	v20 =	vperm.xlane v4, v19;
	v21 =	vperm.xlane v5, v19  }
0x2bf: {  	[tilespmem:s24+$0xFFFFFF20] =	vst v16;
	v16 =	vsel vm0, v22, v18;
	v18 =	vperm.xlane v1, v19;
	v22 =	vperm.xlane v2, v19  }
0x2c0: {  	[tilespmem:s24+$0xFFFFFFA0] =	vst v16;
	v16 =	vsel vm0, v23, v20;
	v23 =	vperm.xlane v0, v19;
	v20 =	vperm.xlane v14, v19  }
0x2c1: {  	[tilespmem:s24+$0x20] =	vst v16;
	v18 =	vsel vm0, v21, v18;
	v21 =	vperm.xlane v15, v19;
	v16 =	vand.u32 $0xF, v17  }
0x2c2: {  	s26 =	simm.s32 $0x400;
	s25 =	simm.s32 $0x2700;
	[tilespmem:s24+$0xA0] =	vst v18;
	v22 =	vsel vm0, v22, v23;
	v18 =	vperm.xlane v14, v16;
	v19 =	vperm.xlane v15, v16  }
.LBB2_8:
0x2c3: {  	p0 =	sne.s32 s26, $0x3E00;
	[tilespmem:s24+$0x120] =	vst v22;
	v20 =	vsel vm0, v20, v21;
	vm0 =	vlt.s32 v17, $0x10;
	v17 =	vperm.xlane v12, v16  }
0x2c4: {  	v21 =	vperm.xlane v11, v16;
	[tilespmem:s24+$0x1A0] =	vst v20;
	v20 =	vperm.xlane v13, v16;
	v18 =	vsel vm0, v18, v19  }
0x2c5: {  	s2 =	sshra.s32 s26, $0x2;
	v23 =	vperm.xlane v10, v16;
	v19 =	vperm.xlane v9, v16;
	v22 =	vld [tilespmem:s23+$0x130];
	[tilespmem:s22+$0x1F0] =	vst v18  }
0x2c6: {  	v18 =	vperm.xlane v6, v16;
	v24 =	vld [tilespmem:s2+$0x100];
	v17 =	vsel vm0, v17, v20;
	v20 =	vperm.xlane v7, v16  }
0x2c7: {  	[tilespmem:s22+$0xFFFFFE70] =	vst v17;
	v17 =	vsel vm0, v21, v19;
	v19 =	vperm.xlane v3, v16;
	v21 =	vperm.xlane v8, v16  }
0x2c8: {  	[tilespmem:s22+$0xFFFFFEF0] =	vst v17;
	v17 =	vsel vm0, v23, v18;
	v23 =	vperm.xlane v4, v16;
	v18 =	vperm.xlane v5, v16  }
0x2c9: {  	[tilespmem:s22+$0xFFFFFF70] =	vst v17;
	v20 =	vsel vm0, v20, v19;
	v19 =	vperm.xlane v1, v16;
	v17 =	vperm.xlane v2, v16  }
0x2ca: {  	v16 =	vperm.xlane v0, v16;
	v25 =	vand.u32 $0xF, v22;
	[tilespmem:s22+$0xFFFFFFF0] =	vst v20;
	v20 =	vsel vm0, v21, v23  }
0x2cb: {  	v21 =	vand.u32 $0xF, v24;
	v23 =	vperm.xlane v12, v25;
	v26 =	vperm.xlane v13, v25;
	[tilespmem:s22+$0x70] =	vst v20  }
0x2cc: {  	vm1 =	vlt.s32 v22, $0x10;
	v20 =	vperm.xlane v11, v25;
	v22 =	vperm.xlane v9, v25  }
0x2cd: {  	v27 =	vperm.xlane v6, v25;
	v23 =	vsel vm1, v23, v26;
	v26 =	vperm.xlane v10, v25  }
0x2ce: {  	v20 =	vsel vm1, v20, v22;
	v22 =	vperm.xlane v7, v25;
	[tilespmem:s24+$0xFFFFFE30] =	vst v23;
	v23 =	vperm.xlane v3, v25  }
0x2cf: {  	[tilespmem:s24+$0xFFFFFEB0] =	vst v20;
	v20 =	vsel vm1, v26, v27;
	v26 =	vperm.xlane v8, v25;
	v27 =	vperm.xlane v4, v25  }
0x2d0: {  	[tilespmem:s24+$0xFFFFFF30] =	vst v20;
	v20 =	vsel vm1, v22, v23;
	v22 =	vperm.xlane v5, v25;
	v23 =	vperm.xlane v1, v25  }
0x2d1: {  	[tilespmem:s24+$0xFFFFFFB0] =	vst v20;
	v20 =	vsel vm1, v26, v27;
	v26 =	vperm.xlane v2, v25;
	v27 =	vperm.xlane v0, v25  }
0x2d2: {  	[tilespmem:s24+$0x30] =	vst v20;
	v20 =	vsel vm1, v22, v23;
	v22 =	vperm.xlane v14, v25;
	v23 =	vperm.xlane v15, v25  }
0x2d3: {  	v28 =	vperm.xlane v13, v21;
	v25 =	vperm.xlane v12, v21;
	[tilespmem:s24+$0xB0] =	vst v20;
	v20 =	vsel vm1, v26, v27  }
0x2d4: {  	v26 =	vperm.xlane v11, v21;
	v27 =	vperm.xlane v9, v21;
	[tilespmem:s24+$0x130] =	vst v20;
	v20 =	vsel vm1, v22, v23  }
0x2d5: {  	vm1 =	vlt.s32 v24, $0x10;
	v22 =	vperm.xlane v10, v21;
	v23 =	vperm.xlane v6, v21;
	[tilespmem:s24+$0x1B0] =	vst v20  }
0x2d6: {  	v24 =	vperm.xlane v7, v21;
	v20 =	vsel vm1, v25, v28;
	v25 =	vperm.xlane v3, v21;
	s24 =	sadd.s32 $0x400, s24;
	v28 =	vld [tilespmem:s23+$0x140]  }
0x2d7: {  	[tilespmem:s24+$0xFFFFFE00] =	vst v20;
	v20 =	vsel vm1, v26, v27;
	v26 =	vperm.xlane v8, v21;
	v27 =	vperm.xlane v4, v21  }
0x2d8: {  	[tilespmem:s24+$0xFFFFFE80] =	vst v20;
	v20 =	vsel vm1, v22, v23;
	v22 =	vperm.xlane v5, v21;
	v23 =	vperm.xlane v1, v21  }
0x2d9: {  	[tilespmem:s24+$0xFFFFFF00] =	vst v20;
	v20 =	vsel vm1, v24, v25;
	v24 =	vperm.xlane v2, v21;
	v25 =	vperm.xlane v0, v21  }
0x2da: {  	[tilespmem:s24+$0xFFFFFF80] =	vst v20;
	v20 =	vsel vm1, v26, v27;
	v26 =	vperm.xlane v14, v21;
	v21 =	vperm.xlane v15, v21  }
0x2db: {  	[tilespmem:s24+$0x0] =	vst v20;
	v20 =	vsel vm1, v22, v23;
	v22 =	vsel vm1, v24, v25;
	v23 =	vand.u32 $0xF, v28  }
0x2dc: {  	[tilespmem:s24+$0x80] =	vst v20;
	v20 =	vsel vm1, v26, v21;
	v21 =	vperm.xlane v12, v23;
	v24 =	vperm.xlane v13, v23  }
0x2dd: {  	vm1 =	vlt.s32 v28, $0x10;
	v25 =	vperm.xlane v9, v23;
	[tilespmem:s24+$0x100] =	vst v22;
	v22 =	vperm.xlane v11, v23  }
0x2de: {  	[tilespmem:s24+$0x180] =	vst v20;
	v20 =	vsel vm1, v21, v24;
	v21 =	vperm.xlane v10, v23;
	v24 =	vperm.xlane v6, v23  }
0x2df: {  	v26 =	vld [tilespmem:s2+$0x110];
	[tilespmem:s25+$0xFFFFFE40] =	vst v20;
	v20 =	vsel vm1, v22, v25;
	v22 =	vperm.xlane v7, v23;
	v25 =	vperm.xlane v3, v23  }
0x2e0: {  	[tilespmem:s25+$0xFFFFFEC0] =	vst v20;
	v20 =	vsel vm1, v21, v24;
	v21 =	vperm.xlane v8, v23;
	v24 =	vperm.xlane v4, v23  }
0x2e1: {  	[tilespmem:s25+$0xFFFFFF40] =	vst v20;
	v20 =	vsel vm1, v22, v25;
	v22 =	vperm.xlane v5, v23;
	v25 =	vperm.xlane v1, v23  }
0x2e2: {  	[tilespmem:s25+$0xFFFFFFC0] =	vst v20;
	v20 =	vsel vm1, v21, v24;
	v21 =	vperm.xlane v2, v23;
	v24 =	vperm.xlane v0, v23  }
0x2e3: {  	[tilespmem:s25+$0x40] =	vst v20;
	v20 =	vsel vm1, v22, v25;
	v22 =	vperm.xlane v14, v23;
	v23 =	vperm.xlane v15, v23  }
0x2e4: {  	v18 =	vsel vm0, v18, v19;
	v25 =	vand.u32 $0xF, v26;
	[tilespmem:s25+$0xC0] =	vst v20;
	v20 =	vsel vm1, v21, v24  }
0x2e5: {  	v19 =	vperm.xlane v12, v25;
	v21 =	vperm.xlane v13, v25;
	[tilespmem:s25+$0x140] =	vst v20;
	v20 =	vsel vm1, v22, v23  }
0x2e6: {  	v16 =	vsel vm0, v17, v16;
	v22 =	vperm.xlane v11, v25;
	v23 =	vperm.xlane v9, v25;
	[tilespmem:s25+$0x1C0] =	vst v20  }
0x2e7: {  	vm0 =	vlt.s32 v26, $0x10;
	v17 =	vperm.xlane v10, v25;
	v20 =	vperm.xlane v6, v25;
	v24 =	vld [tilespmem:s23+$0x150];
	[tilespmem:s22+$0xF0] =	vst v18  }
0x2e8: {  	v18 =	vsel vm0, v19, v21;
	v19 =	vperm.xlane v7, v25;
	v21 =	vperm.xlane v3, v25;
	[tilespmem:s22+$0x170] =	vst v16;
	s22 =	smov.u32 s25;
	s25 =	smov.u32 s24  }
0x2e9: {  	v16 =	vsel vm0, v22, v23;
	v22 =	vperm.xlane v4, v25;
	[tilespmem:s24+$0xFFFFFE10] =	vst v18;
	v18 =	vperm.xlane v8, v25  }
0x2ea: {  	[tilespmem:s24+$0xFFFFFE90] =	vst v16;
	v16 =	vsel vm0, v17, v20;
	v17 =	vperm.xlane v5, v25;
	v20 =	vperm.xlane v1, v25  }
0x2eb: {  	[tilespmem:s24+$0xFFFFFF10] =	vst v16;
	v16 =	vsel vm0, v19, v21;
	v19 =	vperm.xlane v2, v25;
	v21 =	vperm.xlane v0, v25  }
0x2ec: {  	[tilespmem:s24+$0xFFFFFF90] =	vst v16;
	v16 =	vsel vm0, v18, v22;
	v17 =	vsel vm0, v17, v20;
	v18 =	vand.u32 $0xF, v24  }
0x2ed: {  	[tilespmem:s24+$0x10] =	vst v16;
	v16 =	vsel vm0, v19, v21;
	v19 =	vperm.xlane v12, v18;
	v20 =	vperm.xlane v13, v18  }
0x2ee: {  	vm1 =	vlt.s32 v24, $0x10;
	v21 =	vperm.xlane v9, v18;
	[tilespmem:s24+$0x90] =	vst v17;
	v17 =	vperm.xlane v11, v18  }
0x2ef: {  	[tilespmem:s24+$0x110] =	vst v16;
	v16 =	vsel vm1, v19, v20;
	v19 =	vperm.xlane v10, v18;
	v20 =	vperm.xlane v6, v18  }
0x2f0: {  	[tilespmem:s22+$0xFFFFFE50] =	vst v16;
	v16 =	vsel vm1, v17, v21;
	v17 =	vperm.xlane v7, v18;
	v21 =	vperm.xlane v3, v18  }
0x2f1: {  	[tilespmem:s22+$0xFFFFFED0] =	vst v16;
	v16 =	vsel vm1, v19, v20;
	v19 =	vperm.xlane v8, v18;
	v20 =	vperm.xlane v4, v18  }
0x2f2: {  	[tilespmem:s22+$0xFFFFFF50] =	vst v16;
	v16 =	vsel vm1, v17, v21;
	v17 =	vperm.xlane v5, v18;
	v21 =	vperm.xlane v1, v18  }
0x2f3: {  	[tilespmem:s22+$0xFFFFFFD0] =	vst v16;
	v16 =	vsel vm1, v19, v20;
	v19 =	vperm.xlane v2, v18;
	v20 =	vperm.xlane v0, v18  }
0x2f4: {  	[tilespmem:s22+$0x50] =	vst v16;
	v16 =	vsel vm1, v17, v21;
	v17 =	vperm.xlane v14, v18;
	v18 =	vperm.xlane v15, v18  }
0x2f5: {  	v22 =	vperm.xlane v15, v25;
	v21 =	vperm.xlane v14, v25;
	[tilespmem:s22+$0xD0] =	vst v16;
	v16 =	vsel vm1, v19, v20  }
0x2f6: {  	[tilespmem:s22+$0x150] =	vst v16;
	v16 =	vsel vm1, v17, v18  }
0x2f7: {  	v17 =	vsel vm0, v21, v22;
	[tilespmem:s22+$0x1D0] =	vst v16  }
0x2f8: {  	[tilespmem:s24+$0x190] =	vst v17;
	v16 =	vld [tilespmem:s23+$0x160]  }
0x2f9: {  	v17 =	vld [tilespmem:s2+$0x120];
	_ =	sdelay $0x3  }
0x2fa: {  	v18 =	vand.u32 $0xF, v16  }
0x2fb: {  	v19 =	vand.u32 $0xF, v17;
	v20 =	vperm.xlane v12, v18;
	v21 =	vperm.xlane v13, v18  }
0x2fc: {  	vm0 =	vlt.s32 v16, $0x10;
	v16 =	vperm.xlane v11, v18;
	v22 =	vperm.xlane v9, v18  }
0x2fd: {  	v23 =	vperm.xlane v6, v18;
	v20 =	vsel vm0, v20, v21;
	v21 =	vperm.xlane v10, v18  }
0x2fe: {  	v16 =	vsel vm0, v16, v22;
	v22 =	vperm.xlane v3, v18;
	[tilespmem:s22+$0xFFFFFE60] =	vst v20;
	v20 =	vperm.xlane v7, v18  }
0x2ff: {  	[tilespmem:s22+$0xFFFFFEE0] =	vst v16;
	v16 =	vsel vm0, v21, v23;
	v21 =	vperm.xlane v8, v18;
	v23 =	vperm.xlane v4, v18  }
0x300: {  	[tilespmem:s22+$0xFFFFFF60] =	vst v16;
	v16 =	vsel vm0, v20, v22;
	v20 =	vperm.xlane v5, v18;
	v22 =	vperm.xlane v1, v18  }
0x301: {  	[tilespmem:s22+$0xFFFFFFE0] =	vst v16;
	v16 =	vsel vm0, v21, v23;
	v21 =	vperm.xlane v2, v18;
	v23 =	vperm.xlane v0, v18  }
0x302: {  	[tilespmem:s22+$0x60] =	vst v16;
	v16 =	vsel vm0, v20, v22;
	v20 =	vperm.xlane v14, v18;
	v18 =	vperm.xlane v15, v18  }
0x303: {  	v22 =	vperm.xlane v12, v19;
	[tilespmem:s22+$0xE0] =	vst v16;
	v16 =	vsel vm0, v21, v23  }
0x304: {  	v21 =	vperm.xlane v13, v19;
	v23 =	vperm.xlane v11, v19;
	[tilespmem:s22+$0x160] =	vst v16;
	v16 =	vsel vm0, v20, v18  }
0x305: {  	vm0 =	vlt.s32 v17, $0x10;
	v18 =	vperm.xlane v9, v19;
	v20 =	vperm.xlane v10, v19;
	[tilespmem:s22+$0x1E0] =	vst v16  }
0x306: {  	v16 =	vsel vm0, v22, v21;
	v21 =	vperm.xlane v6, v19;
	v22 =	vperm.xlane v7, v19;
	v17 =	vld [tilespmem:s23+$0x170];
	s23 =	smov.u32 s2  }
0x307: {  	[tilespmem:s24+$0xFFFFFE20] =	vst v16;
	v16 =	vsel vm0, v23, v18;
	v18 =	vperm.xlane v3, v19;
	v23 =	vperm.xlane v8, v19  }
.Ltmp3:
0x308: {  	[tilespmem:s24+$0xFFFFFEA0] =	vst v16;
	v16 =	vsel vm0, v20, v21;
	v20 =	vperm.xlane v4, v19;
	v21 =	vperm.xlane v5, v19;
	(pc) =	sbr.rel @p0 .LBB2_8-.Ltmp3, $4  }
0x309: {  	[tilespmem:s24+$0xFFFFFF20] =	vst v16;
	v16 =	vsel vm0, v22, v18;
	v18 =	vperm.xlane v1, v19;
	v22 =	vperm.xlane v2, v19  }
0x30a: {  	[tilespmem:s24+$0xFFFFFFA0] =	vst v16;
	v16 =	vsel vm0, v23, v20;
	v23 =	vperm.xlane v0, v19;
	v20 =	vperm.xlane v14, v19  }
0x30b: {  	[tilespmem:s24+$0x20] =	vst v16;
	v18 =	vsel vm0, v21, v18;
	v21 =	vperm.xlane v15, v19;
	v16 =	vand.u32 $0xF, v17  }
0x30c: {  	s26 =	sadd.s32 $0x200, s26;
	[tilespmem:s24+$0xA0] =	vst v18;
	v22 =	vsel vm0, v22, v23;
	v18 =	vperm.xlane v14, v16;
	v19 =	vperm.xlane v15, v16  }
0x30d: {  	[tilespmem:s24+$0x120] =	vst v22;
	v20 =	vsel vm0, v20, v21  }
0x30e: {  	[tilespmem:s24+$0x1A0] =	vst v20  }
0x30f: {  	v20 =	vld [tilespmem:s23+$0x130];
	_ =	sdelay $0x4  }
0x310: {  	v50 =	vand.u32 $0xF, v20  }
0x311: {  	v51 =	vperm.xlane v12, v50;
	v23 =	vperm.xlane v13, v50  }
0x312: {  	vm10 =	vlt.s32 v20, $0x10;
	v52 =	vperm.xlane v11, v50;
	v24 =	vperm.xlane v9, v50  }
0x313: {  	v53 =	vperm.xlane v10, v50;
	v25 =	vperm.xlane v6, v50;
	v22 =	vsel vm10, v51, v23  }
0x314: {  	v54 =	vperm.xlane v7, v50;
	v55 =	vperm.xlane v3, v50;
	v20 =	vsel vm10, v52, v24;
	[tilespmem:s24+$0xFFFFFE30] =	vst v22  }
0x315: {  	v57 =	vperm.xlane v8, v50;
	v58 =	vperm.xlane v4, v50;
	v56 =	vsel vm10, v53, v25;
	[tilespmem:s24+$0xFFFFFEB0] =	vst v20  }
0x316: {  	v60 =	vperm.xlane v5, v50;
	v61 =	vperm.xlane v1, v50;
	v59 =	vsel vm10, v54, v55;
	[tilespmem:s24+$0xFFFFFF30] =	vst v56  }
0x317: {  	v63 =	vperm.xlane v2, v50;
	v28 =	vperm.xlane v0, v50;
	v62 =	vsel vm10, v57, v58;
	[tilespmem:s24+$0xFFFFFFB0] =	vst v59  }
0x318: {  	v30 =	vperm.xlane v14, v50;
	v21 =	vperm.xlane v15, v50;
	v29 =	vsel vm10, v60, v61;
	[tilespmem:s24+$0x30] =	vst v62  }
0x319: {  	v31 =	vsel vm10, v63, v28;
	[tilespmem:s24+$0xB0] =	vst v29  }
0x31a: {  	v32 =	vsel vm10, v30, v21;
	[tilespmem:s24+$0x130] =	vst v31  }
0x31b: {  	[tilespmem:s24+$0x1B0] =	vst v32  }
0x31c: {  	v20 =	vld [tilespmem:s23+$0x140];
	_ =	sdelay $0x4  }
0x31d: {  	v33 =	vand.u32 $0xF, v20  }
0x31e: {  	v34 =	vperm.xlane v12, v33;
	v35 =	vperm.xlane v13, v33  }
0x31f: {  	vm11 =	vlt.s32 v20, $0x10;
	v36 =	vperm.xlane v11, v33;
	v37 =	vperm.xlane v9, v33  }
0x320: {  	v38 =	vperm.xlane v10, v33;
	v39 =	vperm.xlane v6, v33;
	v22 =	vsel vm11, v34, v35  }
0x321: {  	v40 =	vperm.xlane v7, v33;
	v41 =	vperm.xlane v3, v33;
	v20 =	vsel vm11, v36, v37;
	[tilespmem:s25+$0xFFFFFE40] =	vst v22  }
0x322: {  	v43 =	vperm.xlane v8, v33;
	v44 =	vperm.xlane v4, v33;
	v42 =	vsel vm11, v38, v39;
	[tilespmem:s25+$0xFFFFFEC0] =	vst v20  }
0x323: {  	v46 =	vperm.xlane v5, v33;
	v47 =	vperm.xlane v1, v33;
	v45 =	vsel vm11, v40, v41;
	[tilespmem:s25+$0xFFFFFF40] =	vst v42  }
0x324: {  	v49 =	vperm.xlane v2, v33;
	v50 =	vperm.xlane v0, v33;
	v48 =	vsel vm11, v43, v44;
	[tilespmem:s25+$0xFFFFFFC0] =	vst v45  }
0x325: {  	v52 =	vperm.xlane v14, v33;
	v21 =	vperm.xlane v15, v33;
	v51 =	vsel vm11, v46, v47;
	[tilespmem:s25+$0x40] =	vst v48  }
0x326: {  	v53 =	vsel vm11, v49, v50;
	[tilespmem:s25+$0xC0] =	vst v51  }
0x327: {  	v54 =	vsel vm11, v52, v21;
	[tilespmem:s25+$0x140] =	vst v53  }
0x328: {  	[tilespmem:s25+$0x1C0] =	vst v54  }
0x329: {  	v20 =	vld [tilespmem:s23+$0x150];
	_ =	sdelay $0x4  }
0x32a: {  	v55 =	vand.u32 $0xF, v20  }
0x32b: {  	v56 =	vperm.xlane v12, v55;
	v57 =	vperm.xlane v13, v55  }
0x32c: {  	vm12 =	vlt.s32 v20, $0x10;
	v58 =	vperm.xlane v11, v55;
	v59 =	vperm.xlane v9, v55  }
0x32d: {  	v60 =	vperm.xlane v10, v55;
	v61 =	vperm.xlane v6, v55;
	v22 =	vsel vm12, v56, v57  }
0x32e: {  	v62 =	vperm.xlane v7, v55;
	v63 =	vperm.xlane v3, v55;
	v20 =	vsel vm12, v58, v59;
	[tilespmem:s25+$0xFFFFFE50] =	vst v22  }
0x32f: {  	v29 =	vperm.xlane v8, v55;
	v30 =	vperm.xlane v4, v55;
	v28 =	vsel vm12, v60, v61;
	[tilespmem:s25+$0xFFFFFED0] =	vst v20  }
0x330: {  	v32 =	vperm.xlane v5, v55;
	v33 =	vperm.xlane v1, v55;
	v31 =	vsel vm12, v62, v63;
	[tilespmem:s25+$0xFFFFFF50] =	vst v28  }
0x331: {  	v35 =	vperm.xlane v2, v55;
	v36 =	vperm.xlane v0, v55;
	v34 =	vsel vm12, v29, v30;
	[tilespmem:s25+$0xFFFFFFD0] =	vst v31  }
0x332: {  	v38 =	vperm.xlane v14, v55;
	v21 =	vperm.xlane v15, v55;
	v37 =	vsel vm12, v32, v33;
	[tilespmem:s25+$0x50] =	vst v34  }
0x333: {  	v39 =	vsel vm12, v35, v36;
	[tilespmem:s25+$0xD0] =	vst v37  }
0x334: {  	v40 =	vsel vm12, v38, v21;
	[tilespmem:s25+$0x150] =	vst v39  }
0x335: {  	[tilespmem:s25+$0x1D0] =	vst v40  }
0x336: {  	v20 =	vld [tilespmem:s23+$0x160];
	_ =	sdelay $0x4  }
0x337: {  	v41 =	vand.u32 $0xF, v20  }
0x338: {  	v42 =	vperm.xlane v12, v41;
	v43 =	vperm.xlane v13, v41  }
0x339: {  	vm13 =	vlt.s32 v20, $0x10;
	v44 =	vperm.xlane v11, v41;
	v45 =	vperm.xlane v9, v41  }
0x33a: {  	v46 =	vperm.xlane v10, v41;
	v47 =	vperm.xlane v6, v41;
	v22 =	vsel vm13, v42, v43  }
0x33b: {  	v48 =	vperm.xlane v7, v41;
	v49 =	vperm.xlane v3, v41;
	v20 =	vsel vm13, v44, v45;
	[tilespmem:s25+$0xFFFFFE60] =	vst v22  }
0x33c: {  	v51 =	vperm.xlane v8, v41;
	v52 =	vperm.xlane v4, v41;
	v50 =	vsel vm13, v46, v47;
	[tilespmem:s25+$0xFFFFFEE0] =	vst v20  }
0x33d: {  	v54 =	vperm.xlane v5, v41;
	v55 =	vperm.xlane v1, v41;
	v53 =	vsel vm13, v48, v49;
	[tilespmem:s25+$0xFFFFFF60] =	vst v50  }
0x33e: {  	v57 =	vperm.xlane v2, v41;
	v58 =	vperm.xlane v0, v41;
	v56 =	vsel vm13, v51, v52;
	[tilespmem:s25+$0xFFFFFFE0] =	vst v53  }
0x33f: {  	v60 =	vperm.xlane v14, v41;
	v21 =	vperm.xlane v15, v41;
	v59 =	vsel vm13, v54, v55;
	[tilespmem:s25+$0x60] =	vst v56  }
0x340: {  	v61 =	vsel vm13, v57, v58;
	[tilespmem:s25+$0xE0] =	vst v59  }
0x341: {  	v62 =	vperm.xlane v12, v16;
	v63 =	vperm.xlane v13, v16;
	v27 =	vsel vm13, v60, v21;
	[tilespmem:s25+$0x160] =	vst v61  }
0x342: {  	vm14 =	vlt.s32 v17, $0x10;
	v29 =	vperm.xlane v9, v16;
	v30 =	vperm.xlane v10, v16;
	[tilespmem:s25+$0x1E0] =	vst v27  }
0x343: {  	v18 =	vsel vm14, v18, v19;
	v35 =	vperm.xlane v3, v16;
	v28 =	vperm.xlane v11, v16;
	v32 =	vld [tilespmem:s23+$0x170]  }
0x344: {  	[tilespmem:s22+$0x1F0] =	vst v18;
	v36 =	vperm.xlane v8, v16;
	v31 =	vperm.xlane v6, v16;
	v33 =	vsel vm14, v62, v63  }
0x345: {  	v34 =	vperm.xlane v7, v16;
	v37 =	vperm.xlane v4, v16;
	[tilespmem:s22+$0xFFFFFE70] =	vst v33;
	v17 =	vsel vm14, v28, v29  }
0x346: {  	v39 =	vperm.xlane v5, v16;
	v40 =	vperm.xlane v1, v16;
	v38 =	vsel vm14, v30, v31;
	[tilespmem:s22+$0xFFFFFEF0] =	vst v17  }
0x347: {  	[tilespmem:s22+$0xFFFFFF70] =	vst v38;
	v41 =	vsel vm14, v34, v35;
	v42 =	vperm.xlane v2, v16;
	v43 =	vperm.xlane v0, v16  }
0x348: {  	[tilespmem:s22+$0xFFFFFFF0] =	vst v41;
	v44 =	vsel vm14, v36, v37;
	v45 =	vsel vm14, v39, v40;
	v46 =	vand.u32 $0xF, v32  }
0x349: {  	[tilespmem:s22+$0x70] =	vst v44;
	v16 =	vsel vm14, v42, v43;
	v47 =	vperm.xlane v14, v46;
	v48 =	vperm.xlane v15, v46  }
0x34a: {  	[tilespmem:s22+$0xF0] =	vst v45;
	vm15 =	vlt.s32 v32, $0x10;
	v49 =	vperm.xlane v12, v46;
	v50 =	vperm.xlane v13, v46  }
0x34b: {  	[tilespmem:s22+$0x170] =	vst v16;
	v51 =	vperm.xlane v11, v46;
	v52 =	vperm.xlane v9, v46;
	v14 =	vsel vm15, v47, v48  }
0x34c: {  	v53 =	vperm.xlane v10, v46;
	v54 =	vperm.xlane v6, v46;
	v12 =	vsel vm15, v49, v50;
	[tilespmem:s25+$0x1F0] =	vst v14  }
0x34d: {  	v55 =	vperm.xlane v7, v46;
	v56 =	vperm.xlane v3, v46;
	v9 =	vsel vm15, v51, v52;
	[tilespmem:s25+$0xFFFFFE70] =	vst v12  }
0x34e: {  	v57 =	vperm.xlane v8, v46;
	v58 =	vperm.xlane v4, v46;
	v6 =	vsel vm15, v53, v54;
	[tilespmem:s25+$0xFFFFFEF0] =	vst v9  }
0x34f: {  	v59 =	vperm.xlane v5, v46;
	v60 =	vperm.xlane v1, v46;
	v3 =	vsel vm15, v55, v56;
	[tilespmem:s25+$0xFFFFFF70] =	vst v6  }
0x350: {  	v61 =	vperm.xlane v2, v46;
	v63 =	vperm.xlane v0, v46;
	v62 =	vsel vm15, v57, v58;
	[tilespmem:s25+$0xFFFFFFF0] =	vst v3  }
0x351: {  	v1 =	vsel vm15, v59, v60;
	[tilespmem:s25+$0x70] =	vst v62  }
0x352: {  	v0 =	vsel vm15, v61, v63;
	[tilespmem:s25+$0xF0] =	vst v1  }
0x353: {  	s21 =	sadd.s32 $0x1, s21;
	[tilespmem:s25+$0x170] =	vst v0  }
0x354: {  	[hbm4b:s8+s4] =	stream.linear.scatter [tilespmem:s16], [sflag:$0x3], $0x8000, $0x38;
	[tilespmem:$0x12100] =	vst v63  }
0x355: {  	p0 =	sne.s32 s21, s9;
	_ =	swait.ge [sflag:s20], $0x8000  }
.Ltmp4:
0x356: {  	[sflag:s20] =	ssyncset.done $0x0;
	(pc) =	sbr.rel @p0 .LBB2_1-.Ltmp4, $4  }
0x357: {  	[sflag:s20] =	ssyncadd.s32 $0xFFFF8000  }
0x358: {  	_ =	swait.ge [sflag:s19], $0x8000  }
0x359: {  	[sflag:s19] =	ssyncset.done $0x0  }
0x35a: {  	[sflag:s19] =	ssyncadd.s32 $0xFFFF8000  }
0x35b: {  	_ =	sfence.sel $0x180000  }
0x35c: {  	[bflag:$0x0] =	sbarrier.arrive $0xFFFF  }
0x35d: {  	_ =	strace $0x90000047  }
0x35e: {  	[bflag:$0x2] =	sbarrier.arrive $0xFFFF  }
0x35f: {  	p0 =	sne.s32 s0, $0x0;
	s0 =	rddreg [dreg:$0x3]  }
0x360: {  	s0 =	sadd.s32 @!p0 $0x100000, s0  }
0x361: {  	[sflag:s0] =	ssyncadd.tile.s32 @!p0 $0x1;
	_ =	shalt  }
.Lfunc_end2:
_tile_overlayer_lowered:
.L_overlay_start_2:
0x362: {  	(tag) =	ssettag $0x2  }
0x363: {  	s0 =	rddreg [dreg:$0x0];
	s2 =	stileid.u32  }
0x364: {  	s1 =	rddreg [dreg:$0x1];
	p0 =	sne.s32 s2, $0x0  }
0x365: {  	s3 =	rddreg [dreg:$0x2];
	[bflag:$0x3] =	sbarrier.arrive $0xFFFF;
	s2 =	simm.s32 @!p0 $0x1C05  }
0x366: {  	[timem:s3], [sflag:s2] =	dma.local @!p0 [hbm:s0], s1  }
0x367: {  	s0 =	simm.s32 @!p0 $0x5  }
0x368: {  	_ =	swait.ge @!p0 [sflag:s0], s1  }
0x369: {  	s1 =	ssub.s32 @!p0 $0x0, s1;
	[sflag:s0] =	ssyncset.done @!p0 $0x0  }
0x36a: {  	[sflag:s0] =	ssyncadd.s32 @!p0 s1  }
0x36b: {  	[bflag:$0x3] =	sbarrier.arrive $0xFFFF  }
0x36c: {  	_ =	shalt  }

</sc_bundles>
